<compile_context>
chip_gen: v7x
topology: tpu7x:2x2x1
jax: 0.10.2.dev20260603
libtpu: 0.0.44.dev20260713+nightly
codegen_flags: <defaults>
</compile_context>

<pallas_src>
import functools

import jax
import jax.numpy as jnp
from jax import lax
from jax.experimental import pallas as pl
from jax.experimental.pallas import tpu as pltpu
from jax.experimental.pallas import tpu_sc as plsc

BATCH = 4096
HIST_LEN = 200
EMBEDDING_DIM = 64
B_TOTAL = BATCH * HIST_LEN

NUM_CORES = 2
NUM_SUBCORES = 16
NUM_WORKERS = NUM_CORES * NUM_SUBCORES
BW = BATCH // NUM_WORKERS
LANES = 16

_mesh = plsc.VectorSubcoreMesh(core_axis_name="c", subcore_axis_name="s")


@functools.partial(
    pl.kernel,
    out_type=jax.ShapeDtypeStruct(
        (HIST_LEN, EMBEDDING_DIM // 8, NUM_WORKERS, 8, BW), jnp.float32
    ),
    mesh=_mesh,
    compiler_params=pltpu.CompilerParams(
        use_tc_tiling_on_sc=False,
        disable_bounds_checks=True,
        needs_layout_passes=False,
    ),
    scratch_types=[
        pltpu.VMEM((HIST_LEN, BW), jnp.int32),
        [pltpu.VMEM((BW, EMBEDDING_DIM), jnp.float32) for _ in range(4)],
        [pltpu.VMEM((EMBEDDING_DIM // 8, 8, BW + 1), jnp.float32) for _ in range(2)],
        [pltpu.SemaphoreType.DMA for _ in range(4)],
        [pltpu.SemaphoreType.DMA for _ in range(2)],
    ],
)
def _sc_embed(idx_hbm, table_hbm, out_hbm, idx_v, rows, blks, gsem, wsem):
    wid = lax.axis_index("s") * NUM_CORES + lax.axis_index("c")
    pltpu.sync_copy(idx_hbm.at[:, pl.ds(wid * BW, BW)], idx_v)

    def gather_copy(t, b):
        return pltpu.make_async_copy(
            table_hbm.at[idx_v.at[t]], rows[b], gsem[b]
        )

    def write_copy(t, b):
        return pltpu.make_async_copy(
            blks[b].at[:, :, pl.ds(0, BW)], out_hbm.at[t, :, wid], wsem[b]
        )

    _iota = lax.iota(jnp.int32, LANES)
    RUNROLL = 8

    def transpose(br, bb):
        def rbody(r0, carry):
            for ru in range(RUNROLL):
                c = r0 * RUNROLL + ru
                cvec = jnp.full((LANES,), c, jnp.int32)
                for d0 in range(EMBEDDING_DIM // LANES):
                    v = rows[br][c, pl.ds(d0 * LANES, LANES)]
                    d = d0 * LANES + _iota
                    plsc.store_scatter(
                        blks[bb],
                        [d >> 3, d & 7, cvec],
                        v,
                    )
            return carry

        lax.fori_loop(0, BW // RUNROLL, rbody, 0)

    gather_copy(0, 0).start()
    gather_copy(1, 1).start()

    def tbody(g, carry):
        for bs in range(4):
            t = g * 4 + bs
            b2 = bs % 2
            gather_copy(t, bs).wait()

            @pl.when(t + 2 < HIST_LEN)
            def _():
                gather_copy(t + 2, (bs + 2) % 4).start()

            @pl.when(t >= 2)
            def _():
                write_copy(t - 2, b2).wait()

            transpose(bs, b2)
            write_copy(t, b2).start()

        return carry

    lax.fori_loop(0, HIST_LEN // 4, tbody, 0)
    write_copy(HIST_LEN - 2, 0).wait()
    write_copy(HIST_LEN - 1, 1).wait()


def kernel(token_ids, weights):
    idx_t = token_ids.T
    out5 = _sc_embed(idx_t, weights)
    return out5.transpose(2, 4, 0, 1, 3).reshape(BATCH, HIST_LEN, EMBEDDING_DIM)

# --- scband reference (transcript-rebuilt; emitter-appended) ---
"""Pipeline reference for scband-embedding-5626407158142 (READ-ONLY COPY).

The authoritative reference and input builder live on the scoring server;
editing this copy changes nothing except your own understanding.
"""

import jax, jax.numpy as jnp
import numpy as np

NUM_EMBEDDINGS = 1000000
EMBEDDING_DIM = 64
BATCH = 4096
HIST_LEN = 200


def setup_inputs(seed: int = 0) -> dict:
    key = jax.random.key(seed)
    k_idx, k_w = jax.random.split(key)
    token_ids = jax.random.randint(k_idx, (BATCH, HIST_LEN), 0, NUM_EMBEDDINGS, dtype=jnp.int64 if jax.config.read('jax_enable_x64') else jnp.int32)
    # trunc_normal_(mean=0, std=1, a=-3, b=3) equivalent
    weights = jax.random.truncated_normal(k_w, -3.0, 3.0, (NUM_EMBEDDINGS, EMBEDDING_DIM), dtype=jnp.float32)
    return {"token_ids": token_ids, "weights": weights}


def reference(token_ids, weights):
    # Faithful translation of: return self.weights[token_ids]
    return jnp.take(weights, token_ids, axis=0)

if __name__ == "__main__":
    import jax
    _d = setup_inputs()
    print(jax.jit(kernel)(*tuple(_d.values())))

</pallas_src>

<mosaic_0001>
#map = affine_map<(d0, d1) -> (0, 0)>
#map1 = affine_map<(d0, d1) -> (0, 0, 0, 0, 0)>
module attributes {stable_mosaic.version = 14 : i64} {
  func.func @_sc_embed(%arg0: i32, %arg1: i32, %arg2: memref<200x4096xi32, #tpu.memory_space<hbm>>, %arg3: memref<1000000x64xf32, #tpu.memory_space<hbm>>, %arg4: memref<200x8x32x8x128xf32, #tpu.memory_space<hbm>>, %arg5: memref<200x128xi32, #tpu.memory_space<vmem>>, %arg6: memref<128x64xf32, #tpu.memory_space<vmem>>, %arg7: memref<128x64xf32, #tpu.memory_space<vmem>>, %arg8: memref<128x64xf32, #tpu.memory_space<vmem>>, %arg9: memref<128x64xf32, #tpu.memory_space<vmem>>, %arg10: memref<8x8x129xf32, #tpu.memory_space<vmem>>, %arg11: memref<8x8x129xf32, #tpu.memory_space<vmem>>, %arg12: memref<!tpu.dma_semaphore, #tpu.memory_space<semaphore_mem>>, %arg13: memref<!tpu.dma_semaphore, #tpu.memory_space<semaphore_mem>>, %arg14: memref<!tpu.dma_semaphore, #tpu.memory_space<semaphore_mem>>, %arg15: memref<!tpu.dma_semaphore, #tpu.memory_space<semaphore_mem>>, %arg16: memref<!tpu.dma_semaphore, #tpu.memory_space<semaphore_mem>>, %arg17: memref<!tpu.dma_semaphore, #tpu.memory_space<semaphore_mem>>) attributes {dimension_semantics = [#tpu.dimension_semantics<core_parallel>, #tpu.dimension_semantics<subcore_parallel>], iteration_bounds = array<i64: 2, 16>, scalar_prefetch = 0 : i64, scratch_operands = 13 : i64, tpu.core_type = #tpu.core_type<sc_vector_subcore>, window_params = [{transform_indices = #map}, {transform_indices = #map}, {transform_indices = #map1}]} {
    %mul3A = arith.constant 2 : i32
    %mul3A_0 = arith.muli %arg1, %mul3A : i32
    %add3A = arith.addi %mul3A_0, %arg0 : i32
    %mul3A_1 = arith.constant 128 : i32
    %mul3A_2 = arith.muli %add3A, %mul3A_1 : i32
    "tpu.region"() ({
      %run_scoped3A = tpu.sem_alloc : memref<!tpu.dma_semaphore, #tpu.memory_space<semaphore_mem>>
      %dma_start3A_58 = arith.constant 0 : i32
      %dma_start3A_59 = tpu.memref_slice %arg2[%dma_start3A_58, %mul3A_2] : memref<200x4096xi32, #tpu.memory_space<hbm>> -> memref<200x128xi32, #tpu.memory_space<hbm>>
      %dma_start3A_60 = arith.constant 0 : i32
      %dma_start3A_61 = tpu.memref_slice %arg2[%dma_start3A_60, %mul3A_2] : memref<200x4096xi32, #tpu.memory_space<hbm>> -> memref<200x128xi32, #tpu.memory_space<hbm>>
      tpu.enqueue_dma source(%dma_start3A_61 : memref<200x128xi32, #tpu.memory_space<hbm>>) target(%arg5 : memref<200x128xi32, #tpu.memory_space<vmem>>) target_semaphore(%run_scoped3A : memref<!tpu.dma_semaphore, #tpu.memory_space<semaphore_mem>>)
      %dma_wait3A_62 = arith.constant 0 : i32
      %dma_wait3A_63 = tpu.memref_slice %arg2[%dma_wait3A_62, %mul3A_2] : memref<200x4096xi32, #tpu.memory_space<hbm>> -> memref<200x128xi32, #tpu.memory_space<hbm>>
      %dma_wait3A_64 = arith.constant 0 : i32
      %dma_wait3A_65 = tpu.memref_slice %arg2[%dma_wait3A_64, %mul3A_2] : memref<200x4096xi32, #tpu.memory_space<hbm>> -> memref<200x128xi32, #tpu.memory_space<hbm>>
      tpu.wait_dma2 semaphore(%run_scoped3A : memref<!tpu.dma_semaphore, #tpu.memory_space<semaphore_mem>>) src(%dma_wait3A_65 : memref<200x128xi32, #tpu.memory_space<hbm>>) dst(%arg5 : memref<200x128xi32, #tpu.memory_space<vmem>>)
      tpu.yield
    }) : () -> ()
    %iota3A = tpu.iota {dimensions = array<i32: 0>} : vector<16xi32>
    %dma_start3A = arith.constant 0 : i32
    %dma_start3A_3 = arith.constant 0 : i32
    %dma_start3A_4 = tpu.memref_slice %arg5[%dma_start3A, %dma_start3A_3] : memref<200x128xi32, #tpu.memory_space<vmem>> -> memref<1x128xi32, #tpu.memory_space<vmem>>
    %dma_start3A_5 = tpu.memref_squeeze %dma_start3A_4 : memref<1x128xi32, #tpu.memory_space<vmem>> -> memref<128xi32, #tpu.memory_space<vmem>>
    %dma_start3A_6 = arith.constant 0 : i32
    %dma_start3A_7 = arith.constant 0 : i32
    %dma_start3A_8 = tpu.memref_slice %arg3[%dma_start3A_6, %dma_start3A_7] : memref<1000000x64xf32, #tpu.memory_space<hbm>> -> memref<1000000x64xf32, #tpu.memory_space<hbm>>
    tpu.enqueue_indirect_dma source(%dma_start3A_8 : memref<1000000x64xf32, #tpu.memory_space<hbm>>) target(%arg6 : memref<128x64xf32, #tpu.memory_space<vmem>>) offsets(%dma_start3A_5 : memref<128xi32, #tpu.memory_space<vmem>>) semaphore(%arg12 : memref<!tpu.dma_semaphore, #tpu.memory_space<semaphore_mem>>)
    %dma_start3A_9 = arith.constant 1 : i32
    %dma_start3A_10 = arith.constant 0 : i32
    %dma_start3A_11 = tpu.memref_slice %arg5[%dma_start3A_9, %dma_start3A_10] : memref<200x128xi32, #tpu.memory_space<vmem>> -> memref<1x128xi32, #tpu.memory_space<vmem>>
    %dma_start3A_12 = tpu.memref_squeeze %dma_start3A_11 : memref<1x128xi32, #tpu.memory_space<vmem>> -> memref<128xi32, #tpu.memory_space<vmem>>
    %dma_start3A_13 = arith.constant 0 : i32
    %dma_start3A_14 = arith.constant 0 : i32
    %dma_start3A_15 = tpu.memref_slice %arg3[%dma_start3A_13, %dma_start3A_14] : memref<1000000x64xf32, #tpu.memory_space<hbm>> -> memref<1000000x64xf32, #tpu.memory_space<hbm>>
    tpu.enqueue_indirect_dma source(%dma_start3A_15 : memref<1000000x64xf32, #tpu.memory_space<hbm>>) target(%arg7 : memref<128x64xf32, #tpu.memory_space<vmem>>) offsets(%dma_start3A_12 : memref<128xi32, #tpu.memory_space<vmem>>) semaphore(%arg13 : memref<!tpu.dma_semaphore, #tpu.memory_space<semaphore_mem>>)
    %scan3A = arith.constant 0 : i32
    %scan3A_16 = arith.constant 0 : i32
    %scan3A_17 = arith.constant 50 : i32
    %scan3A_18 = arith.addi %scan3A_16, %scan3A_17 : i32
    %scan3A_19 = arith.constant 1 : i32
    scf.for %scan3A_58 = %scan3A_16 to %scan3A_18 step %scan3A_19  : i32 {
      %mul3A_59 = arith.constant 4 : i32
      %mul3A_60 = arith.muli %scan3A_58, %mul3A_59 : i32
      %add3A_61 = arith.constant 0 : i32
      %add3A_62 = arith.addi %mul3A_60, %add3A_61 : i32
      %dma_wait3A_63 = arith.constant 0 : i32
      %dma_wait3A_64 = tpu.memref_slice %arg5[%add3A_62, %dma_wait3A_63] : memref<200x128xi32, #tpu.memory_space<vmem>> -> memref<1x128xi32, #tpu.memory_space<vmem>>
      %dma_wait3A_65 = tpu.memref_squeeze %dma_wait3A_64 : memref<1x128xi32, #tpu.memory_space<vmem>> -> memref<128xi32, #tpu.memory_space<vmem>>
      %dma_wait3A_66 = arith.constant 0 : i32
      %dma_wait3A_67 = arith.constant 0 : i32
      %dma_wait3A_68 = tpu.memref_slice %arg3[%dma_wait3A_66, %dma_wait3A_67] : memref<1000000x64xf32, #tpu.memory_space<hbm>> -> memref<1000000x64xf32, #tpu.memory_space<hbm>>
      tpu.wait_indirect_dma semaphore(%arg12 : memref<!tpu.dma_semaphore, #tpu.memory_space<semaphore_mem>>) src(%dma_wait3A_68 : memref<1000000x64xf32, #tpu.memory_space<hbm>>) dst(%arg6 : memref<128x64xf32, #tpu.memory_space<vmem>>)
      %add3A_69 = arith.constant 2 : i32
      %add3A_70 = arith.addi %add3A_62, %add3A_69 : i32
      %lt3A = arith.constant 200 : i32
      %lt3A_71 = arith.cmpi slt, %add3A_70, %lt3A : i32
      %convert_element_type3A = arith.extui %lt3A_71 : i1 to i32
      %cond3A = arith.constant 0 : i32
      %cond3A_72 = arith.cmpi ne, %convert_element_type3A, %cond3A : i32
      scf.if %cond3A_72 {
        %add3A_239 = arith.constant 2 : i32
        %add3A_240 = arith.addi %add3A_62, %add3A_239 : i32
        %dma_start3A_241 = arith.constant 0 : i32
        %dma_start3A_242 = tpu.memref_slice %arg5[%add3A_240, %dma_start3A_241] : memref<200x128xi32, #tpu.memory_space<vmem>> -> memref<1x128xi32, #tpu.memory_space<vmem>>
        %dma_start3A_243 = tpu.memref_squeeze %dma_start3A_242 : memref<1x128xi32, #tpu.memory_space<vmem>> -> memref<128xi32, #tpu.memory_space<vmem>>
        %dma_start3A_244 = arith.constant 0 : i32
        %dma_start3A_245 = arith.constant 0 : i32
        %dma_start3A_246 = tpu.memref_slice %arg3[%dma_start3A_244, %dma_start3A_245] : memref<1000000x64xf32, #tpu.memory_space<hbm>> -> memref<1000000x64xf32, #tpu.memory_space<hbm>>
        tpu.enqueue_indirect_dma source(%dma_start3A_246 : memref<1000000x64xf32, #tpu.memory_space<hbm>>) target(%arg8 : memref<128x64xf32, #tpu.memory_space<vmem>>) offsets(%dma_start3A_243 : memref<128xi32, #tpu.memory_space<vmem>>) semaphore(%arg14 : memref<!tpu.dma_semaphore, #tpu.memory_space<semaphore_mem>>)
      } else {
      }
      %ge3A = arith.constant 2 : i32
      %ge3A_73 = arith.cmpi sge, %add3A_62, %ge3A : i32
      %convert_element_type3A_74 = arith.extui %ge3A_73 : i1 to i32
      %cond3A_75 = arith.constant 0 : i32
      %cond3A_76 = arith.cmpi ne, %convert_element_type3A_74, %cond3A_75 : i32
      scf.if %cond3A_76 {
        %sub3A = arith.constant 2 : i32
        %sub3A_239 = arith.subi %add3A_62, %sub3A : i32
        %dma_wait3A_240 = arith.constant 0 : i32
        %dma_wait3A_241 = arith.constant 0 : i32
        %dma_wait3A_242 = arith.constant 0 : i32
        %dma_wait3A_243 = tpu.memref_slice %arg10[%dma_wait3A_240, %dma_wait3A_241, %dma_wait3A_242] : memref<8x8x129xf32, #tpu.memory_space<vmem>> -> memref<8x8x128xf32, #tpu.memory_space<vmem>>
        %dma_wait3A_244 = arith.constant 0 : i32
        %dma_wait3A_245 = arith.constant 0 : i32
        %dma_wait3A_246 = arith.constant 0 : i32
        %dma_wait3A_247 = tpu.memref_slice %arg4[%sub3A_239, %dma_wait3A_244, %add3A, %dma_wait3A_245, %dma_wait3A_246] : memref<200x8x32x8x128xf32, #tpu.memory_space<hbm>> -> memref<1x8x1x8x128xf32, #tpu.memory_space<hbm>>
        %dma_wait3A_248 = tpu.memref_squeeze %dma_wait3A_247 : memref<1x8x1x8x128xf32, #tpu.memory_space<hbm>> -> memref<8x8x128xf32, #tpu.memory_space<hbm>>
        %dma_wait3A_249 = arith.constant 0 : i32
        %dma_wait3A_250 = arith.constant 0 : i32
        %dma_wait3A_251 = arith.constant 0 : i32
        %dma_wait3A_252 = tpu.memref_slice %arg4[%sub3A_239, %dma_wait3A_249, %add3A, %dma_wait3A_250, %dma_wait3A_251] : memref<200x8x32x8x128xf32, #tpu.memory_space<hbm>> -> memref<1x8x1x8x128xf32, #tpu.memory_space<hbm>>
        %dma_wait3A_253 = tpu.memref_squeeze %dma_wait3A_252 : memref<1x8x1x8x128xf32, #tpu.memory_space<hbm>> -> memref<8x8x128xf32, #tpu.memory_space<hbm>>
        %dma_wait3A_254 = arith.constant 0 : i32
        %dma_wait3A_255 = arith.constant 0 : i32
        %dma_wait3A_256 = arith.constant 0 : i32
        %dma_wait3A_257 = tpu.memref_slice %arg10[%dma_wait3A_254, %dma_wait3A_255, %dma_wait3A_256] : memref<8x8x129xf32, #tpu.memory_space<vmem>> -> memref<8x8x128xf32, #tpu.memory_space<vmem>>
        tpu.wait_dma2 semaphore(%arg16 : memref<!tpu.dma_semaphore, #tpu.memory_space<semaphore_mem>>) src(%dma_wait3A_257 : memref<8x8x128xf32, #tpu.memory_space<vmem>>) dst(%dma_wait3A_253 : memref<8x8x128xf32, #tpu.memory_space<hbm>>)
      } else {
      }
      %scan3A_77 = arith.constant 0 : i32
      %scan3A_78 = arith.constant 0 : i32
      %scan3A_79 = arith.constant 16 : i32
      %scan3A_80 = arith.addi %scan3A_78, %scan3A_79 : i32
      %scan3A_81 = arith.constant 1 : i32
      scf.for %scan3A_239 = %scan3A_78 to %scan3A_80 step %scan3A_81  : i32 {
        %mul3A_240 = arith.constant 8 : i32
        %mul3A_241 = arith.muli %scan3A_239, %mul3A_240 : i32
        %add3A_242 = arith.constant 0 : i32
        %add3A_243 = arith.addi %mul3A_241, %add3A_242 : i32
        %broadcast_in_dim3A = vector.broadcast %add3A_243 : i32 to vector<16xi32>
        %get3A = arith.index_cast %add3A_243 : i32 to index
        %get3A_244 = arith.constant 0 : index
        %get3A_245 = tpu.vector_load %arg6[%get3A, %get3A_244] {strides = array<i32>} : memref<128x64xf32, #tpu.memory_space<vmem>>, vector<16xf32>,
        %add3A_246 = arith.constant 0 : i32
        %add3A_247 = vector.broadcast %add3A_246 : i32 to vector<16xi32>
        %add3A_248 = arith.addi %add3A_247, %iota3A : vector<16xi32>
        %shift_right_arithmetic3A = arith.constant 3 : i32
        %shift_right_arithmetic3A_249 = vector.broadcast %shift_right_arithmetic3A : i32 to vector<16xi32>
        %shift_right_arithmetic3A_250 = arith.shrsi %add3A_248, %shift_right_arithmetic3A_249 : vector<16xi32>
        %and3A = arith.constant 7 : i32
        %and3A_251 = vector.broadcast %and3A : i32 to vector<16xi32>
        %and3A_252 = arith.andi %add3A_248, %and3A_251 : vector<16xi32>
        tpu.vector_store_idx %arg10[%shift_right_arithmetic3A_250, %and3A_252, %broadcast_in_dim3A], %get3A_245 : memref<8x8x129xf32, #tpu.memory_space<vmem>>[vector<16xi32>, vector<16xi32>, vector<16xi32>], vector<16xf32>,
        %get3A_253 = arith.index_cast %add3A_243 : i32 to index
        %get3A_254 = arith.constant 16 : index
        %get3A_255 = tpu.vector_load %arg6[%get3A_253, %get3A_254] {strides = array<i32>} : memref<128x64xf32, #tpu.memory_space<vmem>>, vector<16xf32>,
        %add3A_256 = arith.constant 16 : i32
        %add3A_257 = vector.broadcast %add3A_256 : i32 to vector<16xi32>
        %add3A_258 = arith.addi %add3A_257, %iota3A : vector<16xi32>
        %shift_right_arithmetic3A_259 = arith.constant 3 : i32
        %shift_right_arithmetic3A_260 = vector.broadcast %shift_right_arithmetic3A_259 : i32 to vector<16xi32>
        %shift_right_arithmetic3A_261 = arith.shrsi %add3A_258, %shift_right_arithmetic3A_260 : vector<16xi32>
        %and3A_262 = arith.constant 7 : i32
        %and3A_263 = vector.broadcast %and3A_262 : i32 to vector<16xi32>
        %and3A_264 = arith.andi %add3A_258, %and3A_263 : vector<16xi32>
        tpu.vector_store_idx %arg10[%shift_right_arithmetic3A_261, %and3A_264, %broadcast_in_dim3A], %get3A_255 : memref<8x8x129xf32, #tpu.memory_space<vmem>>[vector<16xi32>, vector<16xi32>, vector<16xi32>], vector<16xf32>,
        %get3A_265 = arith.index_cast %add3A_243 : i32 to index
        %get3A_266 = arith.constant 32 : index
        %get3A_267 = tpu.vector_load %arg6[%get3A_265, %get3A_266] {strides = array<i32>} : memref<128x64xf32, #tpu.memory_space<vmem>>, vector<16xf32>,
        %add3A_268 = arith.constant 32 : i32
        %add3A_269 = vector.broadcast %add3A_268 : i32 to vector<16xi32>
        %add3A_270 = arith.addi %add3A_269, %iota3A : vector<16xi32>
        %shift_right_arithmetic3A_271 = arith.constant 3 : i32
        %shift_right_arithmetic3A_272 = vector.broadcast %shift_right_arithmetic3A_271 : i32 to vector<16xi32>
        %shift_right_arithmetic3A_273 = arith.shrsi %add3A_270, %shift_right_arithmetic3A_272 : vector<16xi32>
        %and3A_274 = arith.constant 7 : i32
        %and3A_275 = vector.broadcast %and3A_274 : i32 to vector<16xi32>
        %and3A_276 = arith.andi %add3A_270, %and3A_275 : vector<16xi32>
        tpu.vector_store_idx %arg10[%shift_right_arithmetic3A_273, %and3A_276, %broadcast_in_dim3A], %get3A_267 : memref<8x8x129xf32, #tpu.memory_space<vmem>>[vector<16xi32>, vector<16xi32>, vector<16xi32>], vector<16xf32>,
        %get3A_277 = arith.index_cast %add3A_243 : i32 to index
        %get3A_278 = arith.constant 48 : index
        %get3A_279 = tpu.vector_load %arg6[%get3A_277, %get3A_278] {strides = array<i32>} : memref<128x64xf32, #tpu.memory_space<vmem>>, vector<16xf32>,
        %add3A_280 = arith.constant 48 : i32
        %add3A_281 = vector.broadcast %add3A_280 : i32 to vector<16xi32>
        %add3A_282 = arith.addi %add3A_281, %iota3A : vector<16xi32>
        %shift_right_arithmetic3A_283 = arith.constant 3 : i32
        %shift_right_arithmetic3A_284 = vector.broadcast %shift_right_arithmetic3A_283 : i32 to vector<16xi32>
        %shift_right_arithmetic3A_285 = arith.shrsi %add3A_282, %shift_right_arithmetic3A_284 : vector<16xi32>
        %and3A_286 = arith.constant 7 : i32
        %and3A_287 = vector.broadcast %and3A_286 : i32 to vector<16xi32>
        %and3A_288 = arith.andi %add3A_282, %and3A_287 : vector<16xi32>
        tpu.vector_store_idx %arg10[%shift_right_arithmetic3A_285, %and3A_288, %broadcast_in_dim3A], %get3A_279 : memref<8x8x129xf32, #tpu.memory_space<vmem>>[vector<16xi32>, vector<16xi32>, vector<16xi32>], vector<16xf32>,
        %mul3A_289 = arith.constant 8 : i32
        %mul3A_290 = arith.muli %scan3A_239, %mul3A_289 : i32
        %add3A_291 = arith.constant 1 : i32
        %add3A_292 = arith.addi %mul3A_290, %add3A_291 : i32
        %broadcast_in_dim3A_293 = vector.broadcast %add3A_292 : i32 to vector<16xi32>
        %get3A_294 = arith.index_cast %add3A_292 : i32 to index
        %get3A_295 = arith.constant 0 : index
        %get3A_296 = tpu.vector_load %arg6[%get3A_294, %get3A_295] {strides = array<i32>} : memref<128x64xf32, #tpu.memory_space<vmem>>, vector<16xf32>,
        %add3A_297 = arith.constant 0 : i32
        %add3A_298 = vector.broadcast %add3A_297 : i32 to vector<16xi32>
        %add3A_299 = arith.addi %add3A_298, %iota3A : vector<16xi32>
        %shift_right_arithmetic3A_300 = arith.constant 3 : i32
        %shift_right_arithmetic3A_301 = vector.broadcast %shift_right_arithmetic3A_300 : i32 to vector<16xi32>
        %shift_right_arithmetic3A_302 = arith.shrsi %add3A_299, %shift_right_arithmetic3A_301 : vector<16xi32>
        %and3A_303 = arith.constant 7 : i32
        %and3A_304 = vector.broadcast %and3A_303 : i32 to vector<16xi32>
        %and3A_305 = arith.andi %add3A_299, %and3A_304 : vector<16xi32>
        tpu.vector_store_idx %arg10[%shift_right_arithmetic3A_302, %and3A_305, %broadcast_in_dim3A_293], %get3A_296 : memref<8x8x129xf32, #tpu.memory_space<vmem>>[vector<16xi32>, vector<16xi32>, vector<16xi32>], vector<16xf32>,
        %get3A_306 = arith.index_cast %add3A_292 : i32 to index
        %get3A_307 = arith.constant 16 : index
        %get3A_308 = tpu.vector_load %arg6[%get3A_306, %get3A_307] {strides = array<i32>} : memref<128x64xf32, #tpu.memory_space<vmem>>, vector<16xf32>,
        %add3A_309 = arith.constant 16 : i32
        %add3A_310 = vector.broadcast %add3A_309 : i32 to vector<16xi32>
        %add3A_311 = arith.addi %add3A_310, %iota3A : vector<16xi32>
        %shift_right_arithmetic3A_312 = arith.constant 3 : i32
        %shift_right_arithmetic3A_313 = vector.broadcast %shift_right_arithmetic3A_312 : i32 to vector<16xi32>
        %shift_right_arithmetic3A_314 = arith.shrsi %add3A_311, %shift_right_arithmetic3A_313 : vector<16xi32>
        %and3A_315 = arith.constant 7 : i32
        %and3A_316 = vector.broadcast %and3A_315 : i32 to vector<16xi32>
        %and3A_317 = arith.andi %add3A_311, %and3A_316 : vector<16xi32>
        tpu.vector_store_idx %arg10[%shift_right_arithmetic3A_314, %and3A_317, %broadcast_in_dim3A_293], %get3A_308 : memref<8x8x129xf32, #tpu.memory_space<vmem>>[vector<16xi32>, vector<16xi32>, vector<16xi32>], vector<16xf32>,
        %get3A_318 = arith.index_cast %add3A_292 : i32 to index
        %get3A_319 = arith.constant 32 : index
        %get3A_320 = tpu.vector_load %arg6[%get3A_318, %get3A_319] {strides = array<i32>} : memref<128x64xf32, #tpu.memory_space<vmem>>, vector<16xf32>,
        %add3A_321 = arith.constant 32 : i32
        %add3A_322 = vector.broadcast %add3A_321 : i32 to vector<16xi32>
        %add3A_323 = arith.addi %add3A_322, %iota3A : vector<16xi32>
        %shift_right_arithmetic3A_324 = arith.constant 3 : i32
        %shift_right_arithmetic3A_325 = vector.broadcast %shift_right_arithmetic3A_324 : i32 to vector<16xi32>
        %shift_right_arithmetic3A_326 = arith.shrsi %add3A_323, %shift_right_arithmetic3A_325 : vector<16xi32>
        %and3A_327 = arith.constant 7 : i32
        %and3A_328 = vector.broadcast %and3A_327 : i32 to vector<16xi32>
        %and3A_329 = arith.andi %add3A_323, %and3A_328 : vector<16xi32>
        tpu.vector_store_idx %arg10[%shift_right_arithmetic3A_326, %and3A_329, %broadcast_in_dim3A_293], %get3A_320 : memref<8x8x129xf32, #tpu.memory_space<vmem>>[vector<16xi32>, vector<16xi32>, vector<16xi32>], vector<16xf32>,
        %get3A_330 = arith.index_cast %add3A_292 : i32 to index
        %get3A_331 = arith.constant 48 : index
        %get3A_332 = tpu.vector_load %arg6[%get3A_330, %get3A_331] {strides = array<i32>} : memref<128x64xf32, #tpu.memory_space<vmem>>, vector<16xf32>,
        %add3A_333 = arith.constant 48 : i32
        %add3A_334 = vector.broadcast %add3A_333 : i32 to vector<16xi32>
        %add3A_335 = arith.addi %add3A_334, %iota3A : vector<16xi32>
        %shift_right_arithmetic3A_336 = arith.constant 3 : i32
        %shift_right_arithmetic3A_337 = vector.broadcast %shift_right_arithmetic3A_336 : i32 to vector<16xi32>
        %shift_right_arithmetic3A_338 = arith.shrsi %add3A_335, %shift_right_arithmetic3A_337 : vector<16xi32>
        %and3A_339 = arith.constant 7 : i32
        %and3A_340 = vector.broadcast %and3A_339 : i32 to vector<16xi32>
        %and3A_341 = arith.andi %add3A_335, %and3A_340 : vector<16xi32>
        tpu.vector_store_idx %arg10[%shift_right_arithmetic3A_338, %and3A_341, %broadcast_in_dim3A_293], %get3A_332 : memref<8x8x129xf32, #tpu.memory_space<vmem>>[vector<16xi32>, vector<16xi32>, vector<16xi32>], vector<16xf32>,
        %mul3A_342 = arith.constant 8 : i32
        %mul3A_343 = arith.muli %scan3A_239, %mul3A_342 : i32
        %add3A_344 = arith.constant 2 : i32
        %add3A_345 = arith.addi %mul3A_343, %add3A_344 : i32
        %broadcast_in_dim3A_346 = vector.broadcast %add3A_345 : i32 to vector<16xi32>
        %get3A_347 = arith.index_cast %add3A_345 : i32 to index
        %get3A_348 = arith.constant 0 : index
        %get3A_349 = tpu.vector_load %arg6[%get3A_347, %get3A_348] {strides = array<i32>} : memref<128x64xf32, #tpu.memory_space<vmem>>, vector<16xf32>,
        %add3A_350 = arith.constant 0 : i32
        %add3A_351 = vector.broadcast %add3A_350 : i32 to vector<16xi32>
        %add3A_352 = arith.addi %add3A_351, %iota3A : vector<16xi32>
        %shift_right_arithmetic3A_353 = arith.constant 3 : i32
        %shift_right_arithmetic3A_354 = vector.broadcast %shift_right_arithmetic3A_353 : i32 to vector<16xi32>
        %shift_right_arithmetic3A_355 = arith.shrsi %add3A_352, %shift_right_arithmetic3A_354 : vector<16xi32>
        %and3A_356 = arith.constant 7 : i32
        %and3A_357 = vector.broadcast %and3A_356 : i32 to vector<16xi32>
        %and3A_358 = arith.andi %add3A_352, %and3A_357 : vector<16xi32>
        tpu.vector_store_idx %arg10[%shift_right_arithmetic3A_355, %and3A_358, %broadcast_in_dim3A_346], %get3A_349 : memref<8x8x129xf32, #tpu.memory_space<vmem>>[vector<16xi32>, vector<16xi32>, vector<16xi32>], vector<16xf32>,
        %get3A_359 = arith.index_cast %add3A_345 : i32 to index
        %get3A_360 = arith.constant 16 : index
        %get3A_361 = tpu.vector_load %arg6[%get3A_359, %get3A_360] {strides = array<i32>} : memref<128x64xf32, #tpu.memory_space<vmem>>, vector<16xf32>,
        %add3A_362 = arith.constant 16 : i32
        %add3A_363 = vector.broadcast %add3A_362 : i32 to vector<16xi32>
        %add3A_364 = arith.addi %add3A_363, %iota3A : vector<16xi32>
        %shift_right_arithmetic3A_365 = arith.constant 3 : i32
        %shift_right_arithmetic3A_366 = vector.broadcast %shift_right_arithmetic3A_365 : i32 to vector<16xi32>
        %shift_right_arithmetic3A_367 = arith.shrsi %add3A_364, %shift_right_arithmetic3A_366 : vector<16xi32>
        %and3A_368 = arith.constant 7 : i32
        %and3A_369 = vector.broadcast %and3A_368 : i32 to vector<16xi32>
        %and3A_370 = arith.andi %add3A_364, %and3A_369 : vector<16xi32>
        tpu.vector_store_idx %arg10[%shift_right_arithmetic3A_367, %and3A_370, %broadcast_in_dim3A_346], %get3A_361 : memref<8x8x129xf32, #tpu.memory_space<vmem>>[vector<16xi32>, vector<16xi32>, vector<16xi32>], vector<16xf32>,
        %get3A_371 = arith.index_cast %add3A_345 : i32 to index
        %get3A_372 = arith.constant 32 : index
        %get3A_373 = tpu.vector_load %arg6[%get3A_371, %get3A_372] {strides = array<i32>} : memref<128x64xf32, #tpu.memory_space<vmem>>, vector<16xf32>,
        %add3A_374 = arith.constant 32 : i32
        %add3A_375 = vector.broadcast %add3A_374 : i32 to vector<16xi32>
        %add3A_376 = arith.addi %add3A_375, %iota3A : vector<16xi32>
        %shift_right_arithmetic3A_377 = arith.constant 3 : i32
        %shift_right_arithmetic3A_378 = vector.broadcast %shift_right_arithmetic3A_377 : i32 to vector<16xi32>
        %shift_right_arithmetic3A_379 = arith.shrsi %add3A_376, %shift_right_arithmetic3A_378 : vector<16xi32>
        %and3A_380 = arith.constant 7 : i32
        %and3A_381 = vector.broadcast %and3A_380 : i32 to vector<16xi32>
        %and3A_382 = arith.andi %add3A_376, %and3A_381 : vector<16xi32>
        tpu.vector_store_idx %arg10[%shift_right_arithmetic3A_379, %and3A_382, %broadcast_in_dim3A_346], %get3A_373 : memref<8x8x129xf32, #tpu.memory_space<vmem>>[vector<16xi32>, vector<16xi32>, vector<16xi32>], vector<16xf32>,
        %get3A_383 = arith.index_cast %add3A_345 : i32 to index
        %get3A_384 = arith.constant 48 : index
        %get3A_385 = tpu.vector_load %arg6[%get3A_383, %get3A_384] {strides = array<i32>} : memref<128x64xf32, #tpu.memory_space<vmem>>, vector<16xf32>,
        %add3A_386 = arith.constant 48 : i32
        %add3A_387 = vector.broadcast %add3A_386 : i32 to vector<16xi32>
        %add3A_388 = arith.addi %add3A_387, %iota3A : vector<16xi32>
        %shift_right_arithmetic3A_389 = arith.constant 3 : i32
        %shift_right_arithmetic3A_390 = vector.broadcast %shift_right_arithmetic3A_389 : i32 to vector<16xi32>
        %shift_right_arithmetic3A_391 = arith.shrsi %add3A_388, %shift_right_arithmetic3A_390 : vector<16xi32>
        %and3A_392 = arith.constant 7 : i32
        %and3A_393 = vector.broadcast %and3A_392 : i32 to vector<16xi32>
        %and3A_394 = arith.andi %add3A_388, %and3A_393 : vector<16xi32>
        tpu.vector_store_idx %arg10[%shift_right_arithmetic3A_391, %and3A_394, %broadcast_in_dim3A_346], %get3A_385 : memref<8x8x129xf32, #tpu.memory_space<vmem>>[vector<16xi32>, vector<16xi32>, vector<16xi32>], vector<16xf32>,
        %mul3A_395 = arith.constant 8 : i32
        %mul3A_396 = arith.muli %scan3A_239, %mul3A_395 : i32
        %add3A_397 = arith.constant 3 : i32
        %add3A_398 = arith.addi %mul3A_396, %add3A_397 : i32
        %broadcast_in_dim3A_399 = vector.broadcast %add3A_398 : i32 to vector<16xi32>
        %get3A_400 = arith.index_cast %add3A_398 : i32 to index
        %get3A_401 = arith.constant 0 : index
        %get3A_402 = tpu.vector_load %arg6[%get3A_400, %get3A_401] {strides = array<i32>} : memref<128x64xf32, #tpu.memory_space<vmem>>, vector<16xf32>,
        %add3A_403 = arith.constant 0 : i32
        %add3A_404 = vector.broadcast %add3A_403 : i32 to vector<16xi32>
        %add3A_405 = arith.addi %add3A_404, %iota3A : vector<16xi32>
        %shift_right_arithmetic3A_406 = arith.constant 3 : i32
        %shift_right_arithmetic3A_407 = vector.broadcast %shift_right_arithmetic3A_406 : i32 to vector<16xi32>
        %shift_right_arithmetic3A_408 = arith.shrsi %add3A_405, %shift_right_arithmetic3A_407 : vector<16xi32>
        %and3A_409 = arith.constant 7 : i32
        %and3A_410 = vector.broadcast %and3A_409 : i32 to vector<16xi32>
        %and3A_411 = arith.andi %add3A_405, %and3A_410 : vector<16xi32>
        tpu.vector_store_idx %arg10[%shift_right_arithmetic3A_408, %and3A_411, %broadcast_in_dim3A_399], %get3A_402 : memref<8x8x129xf32, #tpu.memory_space<vmem>>[vector<16xi32>, vector<16xi32>, vector<16xi32>], vector<16xf32>,
        %get3A_412 = arith.index_cast %add3A_398 : i32 to index
        %get3A_413 = arith.constant 16 : index
        %get3A_414 = tpu.vector_load %arg6[%get3A_412, %get3A_413] {strides = array<i32>} : memref<128x64xf32, #tpu.memory_space<vmem>>, vector<16xf32>,
        %add3A_415 = arith.constant 16 : i32
        %add3A_416 = vector.broadcast %add3A_415 : i32 to vector<16xi32>
        %add3A_417 = arith.addi %add3A_416, %iota3A : vector<16xi32>
        %shift_right_arithmetic3A_418 = arith.constant 3 : i32
        %shift_right_arithmetic3A_419 = vector.broadcast %shift_right_arithmetic3A_418 : i32 to vector<16xi32>
        %shift_right_arithmetic3A_420 = arith.shrsi %add3A_417, %shift_right_arithmetic3A_419 : vector<16xi32>
        %and3A_421 = arith.constant 7 : i32
        %and3A_422 = vector.broadcast %and3A_421 : i32 to vector<16xi32>
        %and3A_423 = arith.andi %add3A_417, %and3A_422 : vector<16xi32>
        tpu.vector_store_idx %arg10[%shift_right_arithmetic3A_420, %and3A_423, %broadcast_in_dim3A_399], %get3A_414 : memref<8x8x129xf32, #tpu.memory_space<vmem>>[vector<16xi32>, vector<16xi32>, vector<16xi32>], vector<16xf32>,
        %get3A_424 = arith.index_cast %add3A_398 : i32 to index
        %get3A_425 = arith.constant 32 : index
        %get3A_426 = tpu.vector_load %arg6[%get3A_424, %get3A_425] {strides = array<i32>} : memref<128x64xf32, #tpu.memory_space<vmem>>, vector<16xf32>,
        %add3A_427 = arith.constant 32 : i32
        %add3A_428 = vector.broadcast %add3A_427 : i32 to vector<16xi32>
        %add3A_429 = arith.addi %add3A_428, %iota3A : vector<16xi32>
        %shift_right_arithmetic3A_430 = arith.constant 3 : i32
        %shift_right_arithmetic3A_431 = vector.broadcast %shift_right_arithmetic3A_430 : i32 to vector<16xi32>
        %shift_right_arithmetic3A_432 = arith.shrsi %add3A_429, %shift_right_arithmetic3A_431 : vector<16xi32>
        %and3A_433 = arith.constant 7 : i32
        %and3A_434 = vector.broadcast %and3A_433 : i32 to vector<16xi32>
        %and3A_435 = arith.andi %add3A_429, %and3A_434 : vector<16xi32>
        tpu.vector_store_idx %arg10[%shift_right_arithmetic3A_432, %and3A_435, %broadcast_in_dim3A_399], %get3A_426 : memref<8x8x129xf32, #tpu.memory_space<vmem>>[vector<16xi32>, vector<16xi32>, vector<16xi32>], vector<16xf32>,
        %get3A_436 = arith.index_cast %add3A_398 : i32 to index
        %get3A_437 = arith.constant 48 : index
        %get3A_438 = tpu.vector_load %arg6[%get3A_436, %get3A_437] {strides = array<i32>} : memref<128x64xf32, #tpu.memory_space<vmem>>, vector<16xf32>,
        %add3A_439 = arith.constant 48 : i32
        %add3A_440 = vector.broadcast %add3A_439 : i32 to vector<16xi32>
        %add3A_441 = arith.addi %add3A_440, %iota3A : vector<16xi32>
        %shift_right_arithmetic3A_442 = arith.constant 3 : i32
        %shift_right_arithmetic3A_443 = vector.broadcast %shift_right_arithmetic3A_442 : i32 to vector<16xi32>
        %shift_right_arithmetic3A_444 = arith.shrsi %add3A_441, %shift_right_arithmetic3A_443 : vector<16xi32>
        %and3A_445 = arith.constant 7 : i32
        %and3A_446 = vector.broadcast %and3A_445 : i32 to vector<16xi32>
        %and3A_447 = arith.andi %add3A_441, %and3A_446 : vector<16xi32>
        tpu.vector_store_idx %arg10[%shift_right_arithmetic3A_444, %and3A_447, %broadcast_in_dim3A_399], %get3A_438 : memref<8x8x129xf32, #tpu.memory_space<vmem>>[vector<16xi32>, vector<16xi32>, vector<16xi32>], vector<16xf32>,
        %mul3A_448 = arith.constant 8 : i32
        %mul3A_449 = arith.muli %scan3A_239, %mul3A_448 : i32
        %add3A_450 = arith.constant 4 : i32
        %add3A_451 = arith.addi %mul3A_449, %add3A_450 : i32
        %broadcast_in_dim3A_452 = vector.broadcast %add3A_451 : i32 to vector<16xi32>
        %get3A_453 = arith.index_cast %add3A_451 : i32 to index
        %get3A_454 = arith.constant 0 : index
        %get3A_455 = tpu.vector_load %arg6[%get3A_453, %get3A_454] {strides = array<i32>} : memref<128x64xf32, #tpu.memory_space<vmem>>, vector<16xf32>,
        %add3A_456 = arith.constant 0 : i32
        %add3A_457 = vector.broadcast %add3A_456 : i32 to vector<16xi32>
        %add3A_458 = arith.addi %add3A_457, %iota3A : vector<16xi32>
        %shift_right_arithmetic3A_459 = arith.constant 3 : i32
        %shift_right_arithmetic3A_460 = vector.broadcast %shift_right_arithmetic3A_459 : i32 to vector<16xi32>
        %shift_right_arithmetic3A_461 = arith.shrsi %add3A_458, %shift_right_arithmetic3A_460 : vector<16xi32>
        %and3A_462 = arith.constant 7 : i32
        %and3A_463 = vector.broadcast %and3A_462 : i32 to vector<16xi32>
        %and3A_464 = arith.andi %add3A_458, %and3A_463 : vector<16xi32>
        tpu.vector_store_idx %arg10[%shift_right_arithmetic3A_461, %and3A_464, %broadcast_in_dim3A_452], %get3A_455 : memref<8x8x129xf32, #tpu.memory_space<vmem>>[vector<16xi32>, vector<16xi32>, vector<16xi32>], vector<16xf32>,
        %get3A_465 = arith.index_cast %add3A_451 : i32 to index
        %get3A_466 = arith.constant 16 : index
        %get3A_467 = tpu.vector_load %arg6[%get3A_465, %get3A_466] {strides = array<i32>} : memref<128x64xf32, #tpu.memory_space<vmem>>, vector<16xf32>,
        %add3A_468 = arith.constant 16 : i32
        %add3A_469 = vector.broadcast %add3A_468 : i32 to vector<16xi32>
        %add3A_470 = arith.addi %add3A_469, %iota3A : vector<16xi32>
        %shift_right_arithmetic3A_471 = arith.constant 3 : i32
        %shift_right_arithmetic3A_472 = vector.broadcast %shift_right_arithmetic3A_471 : i32 to vector<16xi32>
        %shift_right_arithmetic3A_473 = arith.shrsi %add3A_470, %shift_right_arithmetic3A_472 : vector<16xi32>
        %and3A_474 = arith.constant 7 : i32
        %and3A_475 = vector.broadcast %and3A_474 : i32 to vector<16xi32>
        %and3A_476 = arith.andi %add3A_470, %and3A_475 : vector<16xi32>
        tpu.vector_store_idx %arg10[%shift_right_arithmetic3A_473, %and3A_476, %broadcast_in_dim3A_452], %get3A_467 : memref<8x8x129xf32, #tpu.memory_space<vmem>>[vector<16xi32>, vector<16xi32>, vector<16xi32>], vector<16xf32>,
        %get3A_477 = arith.index_cast %add3A_451 : i32 to index
        %get3A_478 = arith.constant 32 : index
        %get3A_479 = tpu.vector_load %arg6[%get3A_477, %get3A_478] {strides = array<i32>} : memref<128x64xf32, #tpu.memory_space<vmem>>, vector<16xf32>,
        %add3A_480 = arith.constant 32 : i32
        %add3A_481 = vector.broadcast %add3A_480 : i32 to vector<16xi32>
        %add3A_482 = arith.addi %add3A_481, %iota3A : vector<16xi32>
        %shift_right_arithmetic3A_483 = arith.constant 3 : i32
        %shift_right_arithmetic3A_484 = vector.broadcast %shift_right_arithmetic3A_483 : i32 to vector<16xi32>
        %shift_right_arithmetic3A_485 = arith.shrsi %add3A_482, %shift_right_arithmetic3A_484 : vector<16xi32>
        %and3A_486 = arith.constant 7 : i32
        %and3A_487 = vector.broadcast %and3A_486 : i32 to vector<16xi32>
        %and3A_488 = arith.andi %add3A_482, %and3A_487 : vector<16xi32>
        tpu.vector_store_idx %arg10[%shift_right_arithmetic3A_485, %and3A_488, %broadcast_in_dim3A_452], %get3A_479 : memref<8x8x129xf32, #tpu.memory_space<vmem>>[vector<16xi32>, vector<16xi32>, vector<16xi32>], vector<16xf32>,
        %get3A_489 = arith.index_cast %add3A_451 : i32 to index
        %get3A_490 = arith.constant 48 : index
        %get3A_491 = tpu.vector_load %arg6[%get3A_489, %get3A_490] {strides = array<i32>} : memref<128x64xf32, #tpu.memory_space<vmem>>, vector<16xf32>,
        %add3A_492 = arith.constant 48 : i32
        %add3A_493 = vector.broadcast %add3A_492 : i32 to vector<16xi32>
        %add3A_494 = arith.addi %add3A_493, %iota3A : vector<16xi32>
        %shift_right_arithmetic3A_495 = arith.constant 3 : i32
        %shift_right_arithmetic3A_496 = vector.broadcast %shift_right_arithmetic3A_495 : i32 to vector<16xi32>
        %shift_right_arithmetic3A_497 = arith.shrsi %add3A_494, %shift_right_arithmetic3A_496 : vector<16xi32>
        %and3A_498 = arith.constant 7 : i32
        %and3A_499 = vector.broadcast %and3A_498 : i32 to vector<16xi32>
        %and3A_500 = arith.andi %add3A_494, %and3A_499 : vector<16xi32>
        tpu.vector_store_idx %arg10[%shift_right_arithmetic3A_497, %and3A_500, %broadcast_in_dim3A_452], %get3A_491 : memref<8x8x129xf32, #tpu.memory_space<vmem>>[vector<16xi32>, vector<16xi32>, vector<16xi32>], vector<16xf32>,
        %mul3A_501 = arith.constant 8 : i32
        %mul3A_502 = arith.muli %scan3A_239, %mul3A_501 : i32
        %add3A_503 = arith.constant 5 : i32
        %add3A_504 = arith.addi %mul3A_502, %add3A_503 : i32
        %broadcast_in_dim3A_505 = vector.broadcast %add3A_504 : i32 to vector<16xi32>
        %get3A_506 = arith.index_cast %add3A_504 : i32 to index
        %get3A_507 = arith.constant 0 : index
        %get3A_508 = tpu.vector_load %arg6[%get3A_506, %get3A_507] {strides = array<i32>} : memref<128x64xf32, #tpu.memory_space<vmem>>, vector<16xf32>,
        %add3A_509 = arith.constant 0 : i32
        %add3A_510 = vector.broadcast %add3A_509 : i32 to vector<16xi32>
        %add3A_511 = arith.addi %add3A_510, %iota3A : vector<16xi32>
        %shift_right_arithmetic3A_512 = arith.constant 3 : i32
        %shift_right_arithmetic3A_513 = vector.broadcast %shift_right_arithmetic3A_512 : i32 to vector<16xi32>
        %shift_right_arithmetic3A_514 = arith.shrsi %add3A_511, %shift_right_arithmetic3A_513 : vector<16xi32>
        %and3A_515 = arith.constant 7 : i32
        %and3A_516 = vector.broadcast %and3A_515 : i32 to vector<16xi32>
        %and3A_517 = arith.andi %add3A_511, %and3A_516 : vector<16xi32>
        tpu.vector_store_idx %arg10[%shift_right_arithmetic3A_514, %and3A_517, %broadcast_in_dim3A_505], %get3A_508 : memref<8x8x129xf32, #tpu.memory_space<vmem>>[vector<16xi32>, vector<16xi32>, vector<16xi32>], vector<16xf32>,
        %get3A_518 = arith.index_cast %add3A_504 : i32 to index
        %get3A_519 = arith.constant 16 : index
        %get3A_520 = tpu.vector_load %arg6[%get3A_518, %get3A_519] {strides = array<i32>} : memref<128x64xf32, #tpu.memory_space<vmem>>, vector<16xf32>,
        %add3A_521 = arith.constant 16 : i32
        %add3A_522 = vector.broadcast %add3A_521 : i32 to vector<16xi32>
        %add3A_523 = arith.addi %add3A_522, %iota3A : vector<16xi32>
        %shift_right_arithmetic3A_524 = arith.constant 3 : i32
        %shift_right_arithmetic3A_525 = vector.broadcast %shift_right_arithmetic3A_524 : i32 to vector<16xi32>
        %shift_right_arithmetic3A_526 = arith.shrsi %add3A_523, %shift_right_arithmetic3A_525 : vector<16xi32>
        %and3A_527 = arith.constant 7 : i32
        %and3A_528 = vector.broadcast %and3A_527 : i32 to vector<16xi32>
        %and3A_529 = arith.andi %add3A_523, %and3A_528 : vector<16xi32>
        tpu.vector_store_idx %arg10[%shift_right_arithmetic3A_526, %and3A_529, %broadcast_in_dim3A_505], %get3A_520 : memref<8x8x129xf32, #tpu.memory_space<vmem>>[vector<16xi32>, vector<16xi32>, vector<16xi32>], vector<16xf32>,
        %get3A_530 = arith.index_cast %add3A_504 : i32 to index
        %get3A_531 = arith.constant 32 : index
        %get3A_532 = tpu.vector_load %arg6[%get3A_530, %get3A_531] {strides = array<i32>} : memref<128x64xf32, #tpu.memory_space<vmem>>, vector<16xf32>,
        %add3A_533 = arith.constant 32 : i32
        %add3A_534 = vector.broadcast %add3A_533 : i32 to vector<16xi32>
        %add3A_535 = arith.addi %add3A_534, %iota3A : vector<16xi32>
        %shift_right_arithmetic3A_536 = arith.constant 3 : i32
        %shift_right_arithmetic3A_537 = vector.broadcast %shift_right_arithmetic3A_536 : i32 to vector<16xi32>
        %shift_right_arithmetic3A_538 = arith.shrsi %add3A_535, %shift_right_arithmetic3A_537 : vector<16xi32>
        %and3A_539 = arith.constant 7 : i32
        %and3A_540 = vector.broadcast %and3A_539 : i32 to vector<16xi32>
        %and3A_541 = arith.andi %add3A_535, %and3A_540 : vector<16xi32>
        tpu.vector_store_idx %arg10[%shift_right_arithmetic3A_538, %and3A_541, %broadcast_in_dim3A_505], %get3A_532 : memref<8x8x129xf32, #tpu.memory_space<vmem>>[vector<16xi32>, vector<16xi32>, vector<16xi32>], vector<16xf32>,
        %get3A_542 = arith.index_cast %add3A_504 : i32 to index
        %get3A_543 = arith.constant 48 : index
        %get3A_544 = tpu.vector_load %arg6[%get3A_542, %get3A_543] {strides = array<i32>} : memref<128x64xf32, #tpu.memory_space<vmem>>, vector<16xf32>,
        %add3A_545 = arith.constant 48 : i32
        %add3A_546 = vector.broadcast %add3A_545 : i32 to vector<16xi32>
        %add3A_547 = arith.addi %add3A_546, %iota3A : vector<16xi32>
        %shift_right_arithmetic3A_548 = arith.constant 3 : i32
        %shift_right_arithmetic3A_549 = vector.broadcast %shift_right_arithmetic3A_548 : i32 to vector<16xi32>
        %shift_right_arithmetic3A_550 = arith.shrsi %add3A_547, %shift_right_arithmetic3A_549 : vector<16xi32>
        %and3A_551 = arith.constant 7 : i32
        %and3A_552 = vector.broadcast %and3A_551 : i32 to vector<16xi32>
        %and3A_553 = arith.andi %add3A_547, %and3A_552 : vector<16xi32>
        tpu.vector_store_idx %arg10[%shift_right_arithmetic3A_550, %and3A_553, %broadcast_in_dim3A_505], %get3A_544 : memref<8x8x129xf32, #tpu.memory_space<vmem>>[vector<16xi32>, vector<16xi32>, vector<16xi32>], vector<16xf32>,
        %mul3A_554 = arith.constant 8 : i32
        %mul3A_555 = arith.muli %scan3A_239, %mul3A_554 : i32
        %add3A_556 = arith.constant 6 : i32
        %add3A_557 = arith.addi %mul3A_555, %add3A_556 : i32
        %broadcast_in_dim3A_558 = vector.broadcast %add3A_557 : i32 to vector<16xi32>
        %get3A_559 = arith.index_cast %add3A_557 : i32 to index
        %get3A_560 = arith.constant 0 : index
        %get3A_561 = tpu.vector_load %arg6[%get3A_559, %get3A_560] {strides = array<i32>} : memref<128x64xf32, #tpu.memory_space<vmem>>, vector<16xf32>,
        %add3A_562 = arith.constant 0 : i32
        %add3A_563 = vector.broadcast %add3A_562 : i32 to vector<16xi32>
        %add3A_564 = arith.addi %add3A_563, %iota3A : vector<16xi32>
        %shift_right_arithmetic3A_565 = arith.constant 3 : i32
        %shift_right_arithmetic3A_566 = vector.broadcast %shift_right_arithmetic3A_565 : i32 to vector<16xi32>
        %shift_right_arithmetic3A_567 = arith.shrsi %add3A_564, %shift_right_arithmetic3A_566 : vector<16xi32>
        %and3A_568 = arith.constant 7 : i32
        %and3A_569 = vector.broadcast %and3A_568 : i32 to vector<16xi32>
        %and3A_570 = arith.andi %add3A_564, %and3A_569 : vector<16xi32>
        tpu.vector_store_idx %arg10[%shift_right_arithmetic3A_567, %and3A_570, %broadcast_in_dim3A_558], %get3A_561 : memref<8x8x129xf32, #tpu.memory_space<vmem>>[vector<16xi32>, vector<16xi32>, vector<16xi32>], vector<16xf32>,
        %get3A_571 = arith.index_cast %add3A_557 : i32 to index
        %get3A_572 = arith.constant 16 : index
        %get3A_573 = tpu.vector_load %arg6[%get3A_571, %get3A_572] {strides = array<i32>} : memref<128x64xf32, #tpu.memory_space<vmem>>, vector<16xf32>,
        %add3A_574 = arith.constant 16 : i32
        %add3A_575 = vector.broadcast %add3A_574 : i32 to vector<16xi32>
        %add3A_576 = arith.addi %add3A_575, %iota3A : vector<16xi32>
        %shift_right_arithmetic3A_577 = arith.constant 3 : i32
        %shift_right_arithmetic3A_578 = vector.broadcast %shift_right_arithmetic3A_577 : i32 to vector<16xi32>
        %shift_right_arithmetic3A_579 = arith.shrsi %add3A_576, %shift_right_arithmetic3A_578 : vector<16xi32>
        %and3A_580 = arith.constant 7 : i32
        %and3A_581 = vector.broadcast %and3A_580 : i32 to vector<16xi32>
        %and3A_582 = arith.andi %add3A_576, %and3A_581 : vector<16xi32>
        tpu.vector_store_idx %arg10[%shift_right_arithmetic3A_579, %and3A_582, %broadcast_in_dim3A_558], %get3A_573 : memref<8x8x129xf32, #tpu.memory_space<vmem>>[vector<16xi32>, vector<16xi32>, vector<16xi32>], vector<16xf32>,
        %get3A_583 = arith.index_cast %add3A_557 : i32 to index
        %get3A_584 = arith.constant 32 : index
        %get3A_585 = tpu.vector_load %arg6[%get3A_583, %get3A_584] {strides = array<i32>} : memref<128x64xf32, #tpu.memory_space<vmem>>, vector<16xf32>,
        %add3A_586 = arith.constant 32 : i32
        %add3A_587 = vector.broadcast %add3A_586 : i32 to vector<16xi32>
        %add3A_588 = arith.addi %add3A_587, %iota3A : vector<16xi32>
        %shift_right_arithmetic3A_589 = arith.constant 3 : i32
        %shift_right_arithmetic3A_590 = vector.broadcast %shift_right_arithmetic3A_589 : i32 to vector<16xi32>
        %shift_right_arithmetic3A_591 = arith.shrsi %add3A_588, %shift_right_arithmetic3A_590 : vector<16xi32>
        %and3A_592 = arith.constant 7 : i32
        %and3A_593 = vector.broadcast %and3A_592 : i32 to vector<16xi32>
        %and3A_594 = arith.andi %add3A_588, %and3A_593 : vector<16xi32>
        tpu.vector_store_idx %arg10[%shift_right_arithmetic3A_591, %and3A_594, %broadcast_in_dim3A_558], %get3A_585 : memref<8x8x129xf32, #tpu.memory_space<vmem>>[vector<16xi32>, vector<16xi32>, vector<16xi32>], vector<16xf32>,
        %get3A_595 = arith.index_cast %add3A_557 : i32 to index
        %get3A_596 = arith.constant 48 : index
        %get3A_597 = tpu.vector_load %arg6[%get3A_595, %get3A_596] {strides = array<i32>} : memref<128x64xf32, #tpu.memory_space<vmem>>, vector<16xf32>,
        %add3A_598 = arith.constant 48 : i32
        %add3A_599 = vector.broadcast %add3A_598 : i32 to vector<16xi32>
        %add3A_600 = arith.addi %add3A_599, %iota3A : vector<16xi32>
        %shift_right_arithmetic3A_601 = arith.constant 3 : i32
        %shift_right_arithmetic3A_602 = vector.broadcast %shift_right_arithmetic3A_601 : i32 to vector<16xi32>
        %shift_right_arithmetic3A_603 = arith.shrsi %add3A_600, %shift_right_arithmetic3A_602 : vector<16xi32>
        %and3A_604 = arith.constant 7 : i32
        %and3A_605 = vector.broadcast %and3A_604 : i32 to vector<16xi32>
        %and3A_606 = arith.andi %add3A_600, %and3A_605 : vector<16xi32>
        tpu.vector_store_idx %arg10[%shift_right_arithmetic3A_603, %and3A_606, %broadcast_in_dim3A_558], %get3A_597 : memref<8x8x129xf32, #tpu.memory_space<vmem>>[vector<16xi32>, vector<16xi32>, vector<16xi32>], vector<16xf32>,
        %mul3A_607 = arith.constant 8 : i32
        %mul3A_608 = arith.muli %scan3A_239, %mul3A_607 : i32
        %add3A_609 = arith.constant 7 : i32
        %add3A_610 = arith.addi %mul3A_608, %add3A_609 : i32
        %broadcast_in_dim3A_611 = vector.broadcast %add3A_610 : i32 to vector<16xi32>
        %get3A_612 = arith.index_cast %add3A_610 : i32 to index
        %get3A_613 = arith.constant 0 : index
        %get3A_614 = tpu.vector_load %arg6[%get3A_612, %get3A_613] {strides = array<i32>} : memref<128x64xf32, #tpu.memory_space<vmem>>, vector<16xf32>,
        %add3A_615 = arith.constant 0 : i32
        %add3A_616 = vector.broadcast %add3A_615 : i32 to vector<16xi32>
        %add3A_617 = arith.addi %add3A_616, %iota3A : vector<16xi32>
        %shift_right_arithmetic3A_618 = arith.constant 3 : i32
        %shift_right_arithmetic3A_619 = vector.broadcast %shift_right_arithmetic3A_618 : i32 to vector<16xi32>
        %shift_right_arithmetic3A_620 = arith.shrsi %add3A_617, %shift_right_arithmetic3A_619 : vector<16xi32>
        %and3A_621 = arith.constant 7 : i32
        %and3A_622 = vector.broadcast %and3A_621 : i32 to vector<16xi32>
        %and3A_623 = arith.andi %add3A_617, %and3A_622 : vector<16xi32>
        tpu.vector_store_idx %arg10[%shift_right_arithmetic3A_620, %and3A_623, %broadcast_in_dim3A_611], %get3A_614 : memref<8x8x129xf32, #tpu.memory_space<vmem>>[vector<16xi32>, vector<16xi32>, vector<16xi32>], vector<16xf32>,
        %get3A_624 = arith.index_cast %add3A_610 : i32 to index
        %get3A_625 = arith.constant 16 : index
        %get3A_626 = tpu.vector_load %arg6[%get3A_624, %get3A_625] {strides = array<i32>} : memref<128x64xf32, #tpu.memory_space<vmem>>, vector<16xf32>,
        %add3A_627 = arith.constant 16 : i32
        %add3A_628 = vector.broadcast %add3A_627 : i32 to vector<16xi32>
        %add3A_629 = arith.addi %add3A_628, %iota3A : vector<16xi32>
        %shift_right_arithmetic3A_630 = arith.constant 3 : i32
        %shift_right_arithmetic3A_631 = vector.broadcast %shift_right_arithmetic3A_630 : i32 to vector<16xi32>
        %shift_right_arithmetic3A_632 = arith.shrsi %add3A_629, %shift_right_arithmetic3A_631 : vector<16xi32>
        %and3A_633 = arith.constant 7 : i32
        %and3A_634 = vector.broadcast %and3A_633 : i32 to vector<16xi32>
        %and3A_635 = arith.andi %add3A_629, %and3A_634 : vector<16xi32>
        tpu.vector_store_idx %arg10[%shift_right_arithmetic3A_632, %and3A_635, %broadcast_in_dim3A_611], %get3A_626 : memref<8x8x129xf32, #tpu.memory_space<vmem>>[vector<16xi32>, vector<16xi32>, vector<16xi32>], vector<16xf32>,
        %get3A_636 = arith.index_cast %add3A_610 : i32 to index
        %get3A_637 = arith.constant 32 : index
        %get3A_638 = tpu.vector_load %arg6[%get3A_636, %get3A_637] {strides = array<i32>} : memref<128x64xf32, #tpu.memory_space<vmem>>, vector<16xf32>,
        %add3A_639 = arith.constant 32 : i32
        %add3A_640 = vector.broadcast %add3A_639 : i32 to vector<16xi32>
        %add3A_641 = arith.addi %add3A_640, %iota3A : vector<16xi32>
        %shift_right_arithmetic3A_642 = arith.constant 3 : i32
        %shift_right_arithmetic3A_643 = vector.broadcast %shift_right_arithmetic3A_642 : i32 to vector<16xi32>
        %shift_right_arithmetic3A_644 = arith.shrsi %add3A_641, %shift_right_arithmetic3A_643 : vector<16xi32>
        %and3A_645 = arith.constant 7 : i32
        %and3A_646 = vector.broadcast %and3A_645 : i32 to vector<16xi32>
        %and3A_647 = arith.andi %add3A_641, %and3A_646 : vector<16xi32>
        tpu.vector_store_idx %arg10[%shift_right_arithmetic3A_644, %and3A_647, %broadcast_in_dim3A_611], %get3A_638 : memref<8x8x129xf32, #tpu.memory_space<vmem>>[vector<16xi32>, vector<16xi32>, vector<16xi32>], vector<16xf32>,
        %get3A_648 = arith.index_cast %add3A_610 : i32 to index
        %get3A_649 = arith.constant 48 : index
        %get3A_650 = tpu.vector_load %arg6[%get3A_648, %get3A_649] {strides = array<i32>} : memref<128x64xf32, #tpu.memory_space<vmem>>, vector<16xf32>,
        %add3A_651 = arith.constant 48 : i32
        %add3A_652 = vector.broadcast %add3A_651 : i32 to vector<16xi32>
        %add3A_653 = arith.addi %add3A_652, %iota3A : vector<16xi32>
        %shift_right_arithmetic3A_654 = arith.constant 3 : i32
        %shift_right_arithmetic3A_655 = vector.broadcast %shift_right_arithmetic3A_654 : i32 to vector<16xi32>
        %shift_right_arithmetic3A_656 = arith.shrsi %add3A_653, %shift_right_arithmetic3A_655 : vector<16xi32>
        %and3A_657 = arith.constant 7 : i32
        %and3A_658 = vector.broadcast %and3A_657 : i32 to vector<16xi32>
        %and3A_659 = arith.andi %add3A_653, %and3A_658 : vector<16xi32>
        tpu.vector_store_idx %arg10[%shift_right_arithmetic3A_656, %and3A_659, %broadcast_in_dim3A_611], %get3A_650 : memref<8x8x129xf32, #tpu.memory_space<vmem>>[vector<16xi32>, vector<16xi32>, vector<16xi32>], vector<16xf32>,
      }
      %scan3A_82 = arith.constant 16 : i32
      %dma_start3A_83 = arith.constant 0 : i32
      %dma_start3A_84 = arith.constant 0 : i32
      %dma_start3A_85 = arith.constant 0 : i32
      %dma_start3A_86 = tpu.memref_slice %arg10[%dma_start3A_83, %dma_start3A_84, %dma_start3A_85] : memref<8x8x129xf32, #tpu.memory_space<vmem>> -> memref<8x8x128xf32, #tpu.memory_space<vmem>>
      %dma_start3A_87 = arith.constant 0 : i32
      %dma_start3A_88 = arith.constant 0 : i32
      %dma_start3A_89 = arith.constant 0 : i32
      %dma_start3A_90 = tpu.memref_slice %arg4[%add3A_62, %dma_start3A_87, %add3A, %dma_start3A_88, %dma_start3A_89] : memref<200x8x32x8x128xf32, #tpu.memory_space<hbm>> -> memref<1x8x1x8x128xf32, #tpu.memory_space<hbm>>
      %dma_start3A_91 = tpu.memref_squeeze %dma_start3A_90 : memref<1x8x1x8x128xf32, #tpu.memory_space<hbm>> -> memref<8x8x128xf32, #tpu.memory_space<hbm>>
      %dma_start3A_92 = arith.constant 0 : i32
      %dma_start3A_93 = arith.constant 0 : i32
      %dma_start3A_94 = arith.constant 0 : i32
      %dma_start3A_95 = tpu.memref_slice %arg4[%add3A_62, %dma_start3A_92, %add3A, %dma_start3A_93, %dma_start3A_94] : memref<200x8x32x8x128xf32, #tpu.memory_space<hbm>> -> memref<1x8x1x8x128xf32, #tpu.memory_space<hbm>>
      %dma_start3A_96 = tpu.memref_squeeze %dma_start3A_95 : memref<1x8x1x8x128xf32, #tpu.memory_space<hbm>> -> memref<8x8x128xf32, #tpu.memory_space<hbm>>
      %dma_start3A_97 = arith.constant 0 : i32
      %dma_start3A_98 = arith.constant 0 : i32
      %dma_start3A_99 = arith.constant 0 : i32
      %dma_start3A_100 = tpu.memref_slice %arg10[%dma_start3A_97, %dma_start3A_98, %dma_start3A_99] : memref<8x8x129xf32, #tpu.memory_space<vmem>> -> memref<8x8x128xf32, #tpu.memory_space<vmem>>
      tpu.enqueue_dma source(%dma_start3A_100 : memref<8x8x128xf32, #tpu.memory_space<vmem>>) target(%dma_start3A_96 : memref<8x8x128xf32, #tpu.memory_space<hbm>>) target_semaphore(%arg16 : memref<!tpu.dma_semaphore, #tpu.memory_space<semaphore_mem>>)
      %mul3A_101 = arith.constant 4 : i32
      %mul3A_102 = arith.muli %scan3A_58, %mul3A_101 : i32
      %add3A_103 = arith.constant 1 : i32
      %add3A_104 = arith.addi %mul3A_102, %add3A_103 : i32
      %dma_wait3A_105 = arith.constant 0 : i32
      %dma_wait3A_106 = tpu.memref_slice %arg5[%add3A_104, %dma_wait3A_105] : memref<200x128xi32, #tpu.memory_space<vmem>> -> memref<1x128xi32, #tpu.memory_space<vmem>>
      %dma_wait3A_107 = tpu.memref_squeeze %dma_wait3A_106 : memref<1x128xi32, #tpu.memory_space<vmem>> -> memref<128xi32, #tpu.memory_space<vmem>>
      %dma_wait3A_108 = arith.constant 0 : i32
      %dma_wait3A_109 = arith.constant 0 : i32
      %dma_wait3A_110 = tpu.memref_slice %arg3[%dma_wait3A_108, %dma_wait3A_109] : memref<1000000x64xf32, #tpu.memory_space<hbm>> -> memref<1000000x64xf32, #tpu.memory_space<hbm>>
      tpu.wait_indirect_dma semaphore(%arg13 : memref<!tpu.dma_semaphore, #tpu.memory_space<semaphore_mem>>) src(%dma_wait3A_110 : memref<1000000x64xf32, #tpu.memory_space<hbm>>) dst(%arg7 : memref<128x64xf32, #tpu.memory_space<vmem>>)
      %add3A_111 = arith.constant 2 : i32
      %add3A_112 = arith.addi %add3A_104, %add3A_111 : i32
      %lt3A_113 = arith.constant 200 : i32
      %lt3A_114 = arith.cmpi slt, %add3A_112, %lt3A_113 : i32
      %convert_element_type3A_115 = arith.extui %lt3A_114 : i1 to i32
      %cond3A_116 = arith.constant 0 : i32
      %cond3A_117 = arith.cmpi ne, %convert_element_type3A_115, %cond3A_116 : i32
      scf.if %cond3A_117 {
        %add3A_239 = arith.constant 2 : i32
        %add3A_240 = arith.addi %add3A_104, %add3A_239 : i32
        %dma_start3A_241 = arith.constant 0 : i32
        %dma_start3A_242 = tpu.memref_slice %arg5[%add3A_240, %dma_start3A_241] : memref<200x128xi32, #tpu.memory_space<vmem>> -> memref<1x128xi32, #tpu.memory_space<vmem>>
        %dma_start3A_243 = tpu.memref_squeeze %dma_start3A_242 : memref<1x128xi32, #tpu.memory_space<vmem>> -> memref<128xi32, #tpu.memory_space<vmem>>
        %dma_start3A_244 = arith.constant 0 : i32
        %dma_start3A_245 = arith.constant 0 : i32
        %dma_start3A_246 = tpu.memref_slice %arg3[%dma_start3A_244, %dma_start3A_245] : memref<1000000x64xf32, #tpu.memory_space<hbm>> -> memref<1000000x64xf32, #tpu.memory_space<hbm>>
        tpu.enqueue_indirect_dma source(%dma_start3A_246 : memref<1000000x64xf32, #tpu.memory_space<hbm>>) target(%arg9 : memref<128x64xf32, #tpu.memory_space<vmem>>) offsets(%dma_start3A_243 : memref<128xi32, #tpu.memory_space<vmem>>) semaphore(%arg15 : memref<!tpu.dma_semaphore, #tpu.memory_space<semaphore_mem>>)
      } else {
      }
      %ge3A_118 = arith.constant 2 : i32
      %ge3A_119 = arith.cmpi sge, %add3A_104, %ge3A_118 : i32
      %convert_element_type3A_120 = arith.extui %ge3A_119 : i1 to i32
      %cond3A_121 = arith.constant 0 : i32
      %cond3A_122 = arith.cmpi ne, %convert_element_type3A_120, %cond3A_121 : i32
      scf.if %cond3A_122 {
        %sub3A = arith.constant 2 : i32
        %sub3A_239 = arith.subi %add3A_104, %sub3A : i32
        %dma_wait3A_240 = arith.constant 0 : i32
        %dma_wait3A_241 = arith.constant 0 : i32
        %dma_wait3A_242 = arith.constant 0 : i32
        %dma_wait3A_243 = tpu.memref_slice %arg11[%dma_wait3A_240, %dma_wait3A_241, %dma_wait3A_242] : memref<8x8x129xf32, #tpu.memory_space<vmem>> -> memref<8x8x128xf32, #tpu.memory_space<vmem>>
        %dma_wait3A_244 = arith.constant 0 : i32
        %dma_wait3A_245 = arith.constant 0 : i32
        %dma_wait3A_246 = arith.constant 0 : i32
        %dma_wait3A_247 = tpu.memref_slice %arg4[%sub3A_239, %dma_wait3A_244, %add3A, %dma_wait3A_245, %dma_wait3A_246] : memref<200x8x32x8x128xf32, #tpu.memory_space<hbm>> -> memref<1x8x1x8x128xf32, #tpu.memory_space<hbm>>
        %dma_wait3A_248 = tpu.memref_squeeze %dma_wait3A_247 : memref<1x8x1x8x128xf32, #tpu.memory_space<hbm>> -> memref<8x8x128xf32, #tpu.memory_space<hbm>>
        %dma_wait3A_249 = arith.constant 0 : i32
        %dma_wait3A_250 = arith.constant 0 : i32
        %dma_wait3A_251 = arith.constant 0 : i32
        %dma_wait3A_252 = tpu.memref_slice %arg4[%sub3A_239, %dma_wait3A_249, %add3A, %dma_wait3A_250, %dma_wait3A_251] : memref<200x8x32x8x128xf32, #tpu.memory_space<hbm>> -> memref<1x8x1x8x128xf32, #tpu.memory_space<hbm>>
        %dma_wait3A_253 = tpu.memref_squeeze %dma_wait3A_252 : memref<1x8x1x8x128xf32, #tpu.memory_space<hbm>> -> memref<8x8x128xf32, #tpu.memory_space<hbm>>
        %dma_wait3A_254 = arith.constant 0 : i32
        %dma_wait3A_255 = arith.constant 0 : i32
        %dma_wait3A_256 = arith.constant 0 : i32
        %dma_wait3A_257 = tpu.memref_slice %arg11[%dma_wait3A_254, %dma_wait3A_255, %dma_wait3A_256] : memref<8x8x129xf32, #tpu.memory_space<vmem>> -> memref<8x8x128xf32, #tpu.memory_space<vmem>>
        tpu.wait_dma2 semaphore(%arg17 : memref<!tpu.dma_semaphore, #tpu.memory_space<semaphore_mem>>) src(%dma_wait3A_257 : memref<8x8x128xf32, #tpu.memory_space<vmem>>) dst(%dma_wait3A_253 : memref<8x8x128xf32, #tpu.memory_space<hbm>>)
      } else {
      }
      %scan3A_123 = arith.constant 0 : i32
      %scan3A_124 = arith.constant 0 : i32
      %scan3A_125 = arith.constant 16 : i32
      %scan3A_126 = arith.addi %scan3A_124, %scan3A_125 : i32
      %scan3A_127 = arith.constant 1 : i32
      scf.for %scan3A_239 = %scan3A_124 to %scan3A_126 step %scan3A_127  : i32 {
        %mul3A_240 = arith.constant 8 : i32
        %mul3A_241 = arith.muli %scan3A_239, %mul3A_240 : i32
        %add3A_242 = arith.constant 0 : i32
        %add3A_243 = arith.addi %mul3A_241, %add3A_242 : i32
        %broadcast_in_dim3A = vector.broadcast %add3A_243 : i32 to vector<16xi32>
        %get3A = arith.index_cast %add3A_243 : i32 to index
        %get3A_244 = arith.constant 0 : index
        %get3A_245 = tpu.vector_load %arg7[%get3A, %get3A_244] {strides = array<i32>} : memref<128x64xf32, #tpu.memory_space<vmem>>, vector<16xf32>,
        %add3A_246 = arith.constant 0 : i32
        %add3A_247 = vector.broadcast %add3A_246 : i32 to vector<16xi32>
        %add3A_248 = arith.addi %add3A_247, %iota3A : vector<16xi32>
        %shift_right_arithmetic3A = arith.constant 3 : i32
        %shift_right_arithmetic3A_249 = vector.broadcast %shift_right_arithmetic3A : i32 to vector<16xi32>
        %shift_right_arithmetic3A_250 = arith.shrsi %add3A_248, %shift_right_arithmetic3A_249 : vector<16xi32>
        %and3A = arith.constant 7 : i32
        %and3A_251 = vector.broadcast %and3A : i32 to vector<16xi32>
        %and3A_252 = arith.andi %add3A_248, %and3A_251 : vector<16xi32>
        tpu.vector_store_idx %arg11[%shift_right_arithmetic3A_250, %and3A_252, %broadcast_in_dim3A], %get3A_245 : memref<8x8x129xf32, #tpu.memory_space<vmem>>[vector<16xi32>, vector<16xi32>, vector<16xi32>], vector<16xf32>,
        %get3A_253 = arith.index_cast %add3A_243 : i32 to index
        %get3A_254 = arith.constant 16 : index
        %get3A_255 = tpu.vector_load %arg7[%get3A_253, %get3A_254] {strides = array<i32>} : memref<128x64xf32, #tpu.memory_space<vmem>>, vector<16xf32>,
        %add3A_256 = arith.constant 16 : i32
        %add3A_257 = vector.broadcast %add3A_256 : i32 to vector<16xi32>
        %add3A_258 = arith.addi %add3A_257, %iota3A : vector<16xi32>
        %shift_right_arithmetic3A_259 = arith.constant 3 : i32
        %shift_right_arithmetic3A_260 = vector.broadcast %shift_right_arithmetic3A_259 : i32 to vector<16xi32>
        %shift_right_arithmetic3A_261 = arith.shrsi %add3A_258, %shift_right_arithmetic3A_260 : vector<16xi32>
        %and3A_262 = arith.constant 7 : i32
        %and3A_263 = vector.broadcast %and3A_262 : i32 to vector<16xi32>
        %and3A_264 = arith.andi %add3A_258, %and3A_263 : vector<16xi32>
        tpu.vector_store_idx %arg11[%shift_right_arithmetic3A_261, %and3A_264, %broadcast_in_dim3A], %get3A_255 : memref<8x8x129xf32, #tpu.memory_space<vmem>>[vector<16xi32>, vector<16xi32>, vector<16xi32>], vector<16xf32>,
        %get3A_265 = arith.index_cast %add3A_243 : i32 to index
        %get3A_266 = arith.constant 32 : index
        %get3A_267 = tpu.vector_load %arg7[%get3A_265, %get3A_266] {strides = array<i32>} : memref<128x64xf32, #tpu.memory_space<vmem>>, vector<16xf32>,
        %add3A_268 = arith.constant 32 : i32
        %add3A_269 = vector.broadcast %add3A_268 : i32 to vector<16xi32>
        %add3A_270 = arith.addi %add3A_269, %iota3A : vector<16xi32>
        %shift_right_arithmetic3A_271 = arith.constant 3 : i32
        %shift_right_arithmetic3A_272 = vector.broadcast %shift_right_arithmetic3A_271 : i32 to vector<16xi32>
        %shift_right_arithmetic3A_273 = arith.shrsi %add3A_270, %shift_right_arithmetic3A_272 : vector<16xi32>
        %and3A_274 = arith.constant 7 : i32
        %and3A_275 = vector.broadcast %and3A_274 : i32 to vector<16xi32>
        %and3A_276 = arith.andi %add3A_270, %and3A_275 : vector<16xi32>
        tpu.vector_store_idx %arg11[%shift_right_arithmetic3A_273, %and3A_276, %broadcast_in_dim3A], %get3A_267 : memref<8x8x129xf32, #tpu.memory_space<vmem>>[vector<16xi32>, vector<16xi32>, vector<16xi32>], vector<16xf32>,
        %get3A_277 = arith.index_cast %add3A_243 : i32 to index
        %get3A_278 = arith.constant 48 : index
        %get3A_279 = tpu.vector_load %arg7[%get3A_277, %get3A_278] {strides = array<i32>} : memref<128x64xf32, #tpu.memory_space<vmem>>, vector<16xf32>,
        %add3A_280 = arith.constant 48 : i32
        %add3A_281 = vector.broadcast %add3A_280 : i32 to vector<16xi32>
        %add3A_282 = arith.addi %add3A_281, %iota3A : vector<16xi32>
        %shift_right_arithmetic3A_283 = arith.constant 3 : i32
        %shift_right_arithmetic3A_284 = vector.broadcast %shift_right_arithmetic3A_283 : i32 to vector<16xi32>
        %shift_right_arithmetic3A_285 = arith.shrsi %add3A_282, %shift_right_arithmetic3A_284 : vector<16xi32>
        %and3A_286 = arith.constant 7 : i32
        %and3A_287 = vector.broadcast %and3A_286 : i32 to vector<16xi32>
        %and3A_288 = arith.andi %add3A_282, %and3A_287 : vector<16xi32>
        tpu.vector_store_idx %arg11[%shift_right_arithmetic3A_285, %and3A_288, %broadcast_in_dim3A], %get3A_279 : memref<8x8x129xf32, #tpu.memory_space<vmem>>[vector<16xi32>, vector<16xi32>, vector<16xi32>], vector<16xf32>,
        %mul3A_289 = arith.constant 8 : i32
        %mul3A_290 = arith.muli %scan3A_239, %mul3A_289 : i32
        %add3A_291 = arith.constant 1 : i32
        %add3A_292 = arith.addi %mul3A_290, %add3A_291 : i32
        %broadcast_in_dim3A_293 = vector.broadcast %add3A_292 : i32 to vector<16xi32>
        %get3A_294 = arith.index_cast %add3A_292 : i32 to index
        %get3A_295 = arith.constant 0 : index
        %get3A_296 = tpu.vector_load %arg7[%get3A_294, %get3A_295] {strides = array<i32>} : memref<128x64xf32, #tpu.memory_space<vmem>>, vector<16xf32>,
        %add3A_297 = arith.constant 0 : i32
        %add3A_298 = vector.broadcast %add3A_297 : i32 to vector<16xi32>
        %add3A_299 = arith.addi %add3A_298, %iota3A : vector<16xi32>
        %shift_right_arithmetic3A_300 = arith.constant 3 : i32
        %shift_right_arithmetic3A_301 = vector.broadcast %shift_right_arithmetic3A_300 : i32 to vector<16xi32>
        %shift_right_arithmetic3A_302 = arith.shrsi %add3A_299, %shift_right_arithmetic3A_301 : vector<16xi32>
        %and3A_303 = arith.constant 7 : i32
        %and3A_304 = vector.broadcast %and3A_303 : i32 to vector<16xi32>
        %and3A_305 = arith.andi %add3A_299, %and3A_304 : vector<16xi32>
        tpu.vector_store_idx %arg11[%shift_right_arithmetic3A_302, %and3A_305, %broadcast_in_dim3A_293], %get3A_296 : memref<8x8x129xf32, #tpu.memory_space<vmem>>[vector<16xi32>, vector<16xi32>, vector<16xi32>], vector<16xf32>,
        %get3A_306 = arith.index_cast %add3A_292 : i32 to index
        %get3A_307 = arith.constant 16 : index
        %get3A_308 = tpu.vector_load %arg7[%get3A_306, %get3A_307] {strides = array<i32>} : memref<128x64xf32, #tpu.memory_space<vmem>>, vector<16xf32>,
        %add3A_309 = arith.constant 16 : i32
        %add3A_310 = vector.broadcast %add3A_309 : i32 to vector<16xi32>
        %add3A_311 = arith.addi %add3A_310, %iota3A : vector<16xi32>
        %shift_right_arithmetic3A_312 = arith.constant 3 : i32
        %shift_right_arithmetic3A_313 = vector.broadcast %shift_right_arithmetic3A_312 : i32 to vector<16xi32>
        %shift_right_arithmetic3A_314 = arith.shrsi %add3A_311, %shift_right_arithmetic3A_313 : vector<16xi32>
        %and3A_315 = arith.constant 7 : i32
        %and3A_316 = vector.broadcast %and3A_315 : i32 to vector<16xi32>
        %and3A_317 = arith.andi %add3A_311, %and3A_316 : vector<16xi32>
        tpu.vector_store_idx %arg11[%shift_right_arithmetic3A_314, %and3A_317, %broadcast_in_dim3A_293], %get3A_308 : memref<8x8x129xf32, #tpu.memory_space<vmem>>[vector<16xi32>, vector<16xi32>, vector<16xi32>], vector<16xf32>,
        %get3A_318 = arith.index_cast %add3A_292 : i32 to index
        %get3A_319 = arith.constant 32 : index
        %get3A_320 = tpu.vector_load %arg7[%get3A_318, %get3A_319] {strides = array<i32>} : memref<128x64xf32, #tpu.memory_space<vmem>>, vector<16xf32>,
        %add3A_321 = arith.constant 32 : i32
        %add3A_322 = vector.broadcast %add3A_321 : i32 to vector<16xi32>
        %add3A_323 = arith.addi %add3A_322, %iota3A : vector<16xi32>
        %shift_right_arithmetic3A_324 = arith.constant 3 : i32
        %shift_right_arithmetic3A_325 = vector.broadcast %shift_right_arithmetic3A_324 : i32 to vector<16xi32>
        %shift_right_arithmetic3A_326 = arith.shrsi %add3A_323, %shift_right_arithmetic3A_325 : vector<16xi32>
        %and3A_327 = arith.constant 7 : i32
        %and3A_328 = vector.broadcast %and3A_327 : i32 to vector<16xi32>
        %and3A_329 = arith.andi %add3A_323, %and3A_328 : vector<16xi32>
        tpu.vector_store_idx %arg11[%shift_right_arithmetic3A_326, %and3A_329, %broadcast_in_dim3A_293], %get3A_320 : memref<8x8x129xf32, #tpu.memory_space<vmem>>[vector<16xi32>, vector<16xi32>, vector<16xi32>], vector<16xf32>,
        %get3A_330 = arith.index_cast %add3A_292 : i32 to index
        %get3A_331 = arith.constant 48 : index
        %get3A_332 = tpu.vector_load %arg7[%get3A_330, %get3A_331] {strides = array<i32>} : memref<128x64xf32, #tpu.memory_space<vmem>>, vector<16xf32>,
        %add3A_333 = arith.constant 48 : i32
        %add3A_334 = vector.broadcast %add3A_333 : i32 to vector<16xi32>
        %add3A_335 = arith.addi %add3A_334, %iota3A : vector<16xi32>
        %shift_right_arithmetic3A_336 = arith.constant 3 : i32
        %shift_right_arithmetic3A_337 = vector.broadcast %shift_right_arithmetic3A_336 : i32 to vector<16xi32>
        %shift_right_arithmetic3A_338 = arith.shrsi %add3A_335, %shift_right_arithmetic3A_337 : vector<16xi32>
        %and3A_339 = arith.constant 7 : i32
        %and3A_340 = vector.broadcast %and3A_339 : i32 to vector<16xi32>
        %and3A_341 = arith.andi %add3A_335, %and3A_340 : vector<16xi32>
        tpu.vector_store_idx %arg11[%shift_right_arithmetic3A_338, %and3A_341, %broadcast_in_dim3A_293], %get3A_332 : memref<8x8x129xf32, #tpu.memory_space<vmem>>[vector<16xi32>, vector<16xi32>, vector<16xi32>], vector<16xf32>,
        %mul3A_342 = arith.constant 8 : i32
        %mul3A_343 = arith.muli %scan3A_239, %mul3A_342 : i32
        %add3A_344 = arith.constant 2 : i32
        %add3A_345 = arith.addi %mul3A_343, %add3A_344 : i32
        %broadcast_in_dim3A_346 = vector.broadcast %add3A_345 : i32 to vector<16xi32>
        %get3A_347 = arith.index_cast %add3A_345 : i32 to index
        %get3A_348 = arith.constant 0 : index
        %get3A_349 = tpu.vector_load %arg7[%get3A_347, %get3A_348] {strides = array<i32>} : memref<128x64xf32, #tpu.memory_space<vmem>>, vector<16xf32>,
        %add3A_350 = arith.constant 0 : i32
        %add3A_351 = vector.broadcast %add3A_350 : i32 to vector<16xi32>
        %add3A_352 = arith.addi %add3A_351, %iota3A : vector<16xi32>
        %shift_right_arithmetic3A_353 = arith.constant 3 : i32
        %shift_right_arithmetic3A_354 = vector.broadcast %shift_right_arithmetic3A_353 : i32 to vector<16xi32>
        %shift_right_arithmetic3A_355 = arith.shrsi %add3A_352, %shift_right_arithmetic3A_354 : vector<16xi32>
        %and3A_356 = arith.constant 7 : i32
        %and3A_357 = vector.broadcast %and3A_356 : i32 to vector<16xi32>
        %and3A_358 = arith.andi %add3A_352, %and3A_357 : vector<16xi32>
        tpu.vector_store_idx %arg11[%shift_right_arithmetic3A_355, %and3A_358, %broadcast_in_dim3A_346], %get3A_349 : memref<8x8x129xf32, #tpu.memory_space<vmem>>[vector<16xi32>, vector<16xi32>, vector<16xi32>], vector<16xf32>,
        %get3A_359 = arith.index_cast %add3A_345 : i32 to index
        %get3A_360 = arith.constant 16 : index
        %get3A_361 = tpu.vector_load %arg7[%get3A_359, %get3A_360] {strides = array<i32>} : memref<128x64xf32, #tpu.memory_space<vmem>>, vector<16xf32>,
        %add3A_362 = arith.constant 16 : i32
        %add3A_363 = vector.broadcast %add3A_362 : i32 to vector<16xi32>
        %add3A_364 = arith.addi %add3A_363, %iota3A : vector<16xi32>
        %shift_right_arithmetic3A_365 = arith.constant 3 : i32
        %shift_right_arithmetic3A_366 = vector.broadcast %shift_right_arithmetic3A_365 : i32 to vector<16xi32>
        %shift_right_arithmetic3A_367 = arith.shrsi %add3A_364, %shift_right_arithmetic3A_366 : vector<16xi32>
        %and3A_368 = arith.constant 7 : i32
        %and3A_369 = vector.broadcast %and3A_368 : i32 to vector<16xi32>
        %and3A_370 = arith.andi %add3A_364, %and3A_369 : vector<16xi32>
        tpu.vector_store_idx %arg11[%shift_right_arithmetic3A_367, %and3A_370, %broadcast_in_dim3A_346], %get3A_361 : memref<8x8x129xf32, #tpu.memory_space<vmem>>[vector<16xi32>, vector<16xi32>, vector<16xi32>], vector<16xf32>,
        %get3A_371 = arith.index_cast %add3A_345 : i32 to index
        %get3A_372 = arith.constant 32 : index
        %get3A_373 = tpu.vector_load %arg7[%get3A_371, %get3A_372] {strides = array<i32>} : memref<128x64xf32, #tpu.memory_space<vmem>>, vector<16xf32>,
        %add3A_374 = arith.constant 32 : i32
        %add3A_375 = vector.broadcast %add3A_374 : i32 to vector<16xi32>
        %add3A_376 = arith.addi %add3A_375, %iota3A : vector<16xi32>
        %shift_right_arithmetic3A_377 = arith.constant 3 : i32
        %shift_right_arithmetic3A_378 = vector.broadcast %shift_right_arithmetic3A_377 : i32 to vector<16xi32>
        %shift_right_arithmetic3A_379 = arith.shrsi %add3A_376, %shift_right_arithmetic3A_378 : vector<16xi32>
        %and3A_380 = arith.constant 7 : i32
        %and3A_381 = vector.broadcast %and3A_380 : i32 to vector<16xi32>
        %and3A_382 = arith.andi %add3A_376, %and3A_381 : vector<16xi32>
        tpu.vector_store_idx %arg11[%shift_right_arithmetic3A_379, %and3A_382, %broadcast_in_dim3A_346], %get3A_373 : memref<8x8x129xf32, #tpu.memory_space<vmem>>[vector<16xi32>, vector<16xi32>, vector<16xi32>], vector<16xf32>,
        %get3A_383 = arith.index_cast %add3A_345 : i32 to index
        %get3A_384 = arith.constant 48 : index
        %get3A_385 = tpu.vector_load %arg7[%get3A_383, %get3A_384] {strides = array<i32>} : memref<128x64xf32, #tpu.memory_space<vmem>>, vector<16xf32>,
        %add3A_386 = arith.constant 48 : i32
        %add3A_387 = vector.broadcast %add3A_386 : i32 to vector<16xi32>
        %add3A_388 = arith.addi %add3A_387, %iota3A : vector<16xi32>
        %shift_right_arithmetic3A_389 = arith.constant 3 : i32
        %shift_right_arithmetic3A_390 = vector.broadcast %shift_right_arithmetic3A_389 : i32 to vector<16xi32>
        %shift_right_arithmetic3A_391 = arith.shrsi %add3A_388, %shift_right_arithmetic3A_390 : vector<16xi32>
        %and3A_392 = arith.constant 7 : i32
        %and3A_393 = vector.broadcast %and3A_392 : i32 to vector<16xi32>
        %and3A_394 = arith.andi %add3A_388, %and3A_393 : vector<16xi32>
        tpu.vector_store_idx %arg11[%shift_right_arithmetic3A_391, %and3A_394, %broadcast_in_dim3A_346], %get3A_385 : memref<8x8x129xf32, #tpu.memory_space<vmem>>[vector<16xi32>, vector<16xi32>, vector<16xi32>], vector<16xf32>,
        %mul3A_395 = arith.constant 8 : i32
        %mul3A_396 = arith.muli %scan3A_239, %mul3A_395 : i32
        %add3A_397 = arith.constant 3 : i32
        %add3A_398 = arith.addi %mul3A_396, %add3A_397 : i32
        %broadcast_in_dim3A_399 = vector.broadcast %add3A_398 : i32 to vector<16xi32>
        %get3A_400 = arith.index_cast %add3A_398 : i32 to index
        %get3A_401 = arith.constant 0 : index
        %get3A_402 = tpu.vector_load %arg7[%get3A_400, %get3A_401] {strides = array<i32>} : memref<128x64xf32, #tpu.memory_space<vmem>>, vector<16xf32>,
        %add3A_403 = arith.constant 0 : i32
        %add3A_404 = vector.broadcast %add3A_403 : i32 to vector<16xi32>
        %add3A_405 = arith.addi %add3A_404, %iota3A : vector<16xi32>
        %shift_right_arithmetic3A_406 = arith.constant 3 : i32
        %shift_right_arithmetic3A_407 = vector.broadcast %shift_right_arithmetic3A_406 : i32 to vector<16xi32>
        %shift_right_arithmetic3A_408 = arith.shrsi %add3A_405, %shift_right_arithmetic3A_407 : vector<16xi32>
        %and3A_409 = arith.constant 7 : i32
        %and3A_410 = vector.broadcast %and3A_409 : i32 to vector<16xi32>
        %and3A_411 = arith.andi %add3A_405, %and3A_410 : vector<16xi32>
        tpu.vector_store_idx %arg11[%shift_right_arithmetic3A_408, %and3A_411, %broadcast_in_dim3A_399], %get3A_402 : memref<8x8x129xf32, #tpu.memory_space<vmem>>[vector<16xi32>, vector<16xi32>, vector<16xi32>], vector<16xf32>,
        %get3A_412 = arith.index_cast %add3A_398 : i32 to index
        %get3A_413 = arith.constant 16 : index
        %get3A_414 = tpu.vector_load %arg7[%get3A_412, %get3A_413] {strides = array<i32>} : memref<128x64xf32, #tpu.memory_space<vmem>>, vector<16xf32>,
        %add3A_415 = arith.constant 16 : i32
        %add3A_416 = vector.broadcast %add3A_415 : i32 to vector<16xi32>
        %add3A_417 = arith.addi %add3A_416, %iota3A : vector<16xi32>
        %shift_right_arithmetic3A_418 = arith.constant 3 : i32
        %shift_right_arithmetic3A_419 = vector.broadcast %shift_right_arithmetic3A_418 : i32 to vector<16xi32>
        %shift_right_arithmetic3A_420 = arith.shrsi %add3A_417, %shift_right_arithmetic3A_419 : vector<16xi32>
        %and3A_421 = arith.constant 7 : i32
        %and3A_422 = vector.broadcast %and3A_421 : i32 to vector<16xi32>
        %and3A_423 = arith.andi %add3A_417, %and3A_422 : vector<16xi32>
        tpu.vector_store_idx %arg11[%shift_right_arithmetic3A_420, %and3A_423, %broadcast_in_dim3A_399], %get3A_414 : memref<8x8x129xf32, #tpu.memory_space<vmem>>[vector<16xi32>, vector<16xi32>, vector<16xi32>], vector<16xf32>,
        %get3A_424 = arith.index_cast %add3A_398 : i32 to index
        %get3A_425 = arith.constant 32 : index
        %get3A_426 = tpu.vector_load %arg7[%get3A_424, %get3A_425] {strides = array<i32>} : memref<128x64xf32, #tpu.memory_space<vmem>>, vector<16xf32>,
        %add3A_427 = arith.constant 32 : i32
        %add3A_428 = vector.broadcast %add3A_427 : i32 to vector<16xi32>
        %add3A_429 = arith.addi %add3A_428, %iota3A : vector<16xi32>
        %shift_right_arithmetic3A_430 = arith.constant 3 : i32
        %shift_right_arithmetic3A_431 = vector.broadcast %shift_right_arithmetic3A_430 : i32 to vector<16xi32>
        %shift_right_arithmetic3A_432 = arith.shrsi %add3A_429, %shift_right_arithmetic3A_431 : vector<16xi32>
        %and3A_433 = arith.constant 7 : i32
        %and3A_434 = vector.broadcast %and3A_433 : i32 to vector<16xi32>
        %and3A_435 = arith.andi %add3A_429, %and3A_434 : vector<16xi32>
        tpu.vector_store_idx %arg11[%shift_right_arithmetic3A_432, %and3A_435, %broadcast_in_dim3A_399], %get3A_426 : memref<8x8x129xf32, #tpu.memory_space<vmem>>[vector<16xi32>, vector<16xi32>, vector<16xi32>], vector<16xf32>,
        %get3A_436 = arith.index_cast %add3A_398 : i32 to index
        %get3A_437 = arith.constant 48 : index
        %get3A_438 = tpu.vector_load %arg7[%get3A_436, %get3A_437] {strides = array<i32>} : memref<128x64xf32, #tpu.memory_space<vmem>>, vector<16xf32>,
        %add3A_439 = arith.constant 48 : i32
        %add3A_440 = vector.broadcast %add3A_439 : i32 to vector<16xi32>
        %add3A_441 = arith.addi %add3A_440, %iota3A : vector<16xi32>
        %shift_right_arithmetic3A_442 = arith.constant 3 : i32
        %shift_right_arithmetic3A_443 = vector.broadcast %shift_right_arithmetic3A_442 : i32 to vector<16xi32>
        %shift_right_arithmetic3A_444 = arith.shrsi %add3A_441, %shift_right_arithmetic3A_443 : vector<16xi32>
        %and3A_445 = arith.constant 7 : i32
        %and3A_446 = vector.broadcast %and3A_445 : i32 to vector<16xi32>
        %and3A_447 = arith.andi %add3A_441, %and3A_446 : vector<16xi32>
        tpu.vector_store_idx %arg11[%shift_right_arithmetic3A_444, %and3A_447, %broadcast_in_dim3A_399], %get3A_438 : memref<8x8x129xf32, #tpu.memory_space<vmem>>[vector<16xi32>, vector<16xi32>, vector<16xi32>], vector<16xf32>,
        %mul3A_448 = arith.constant 8 : i32
        %mul3A_449 = arith.muli %scan3A_239, %mul3A_448 : i32
        %add3A_450 = arith.constant 4 : i32
        %add3A_451 = arith.addi %mul3A_449, %add3A_450 : i32
        %broadcast_in_dim3A_452 = vector.broadcast %add3A_451 : i32 to vector<16xi32>
        %get3A_453 = arith.index_cast %add3A_451 : i32 to index
        %get3A_454 = arith.constant 0 : index
        %get3A_455 = tpu.vector_load %arg7[%get3A_453, %get3A_454] {strides = array<i32>} : memref<128x64xf32, #tpu.memory_space<vmem>>, vector<16xf32>,
        %add3A_456 = arith.constant 0 : i32
        %add3A_457 = vector.broadcast %add3A_456 : i32 to vector<16xi32>
        %add3A_458 = arith.addi %add3A_457, %iota3A : vector<16xi32>
        %shift_right_arithmetic3A_459 = arith.constant 3 : i32
        %shift_right_arithmetic3A_460 = vector.broadcast %shift_right_arithmetic3A_459 : i32 to vector<16xi32>
        %shift_right_arithmetic3A_461 = arith.shrsi %add3A_458, %shift_right_arithmetic3A_460 : vector<16xi32>
        %and3A_462 = arith.constant 7 : i32
        %and3A_463 = vector.broadcast %and3A_462 : i32 to vector<16xi32>
        %and3A_464 = arith.andi %add3A_458, %and3A_463 : vector<16xi32>
        tpu.vector_store_idx %arg11[%shift_right_arithmetic3A_461, %and3A_464, %broadcast_in_dim3A_452], %get3A_455 : memref<8x8x129xf32, #tpu.memory_space<vmem>>[vector<16xi32>, vector<16xi32>, vector<16xi32>], vector<16xf32>,
        %get3A_465 = arith.index_cast %add3A_451 : i32 to index
        %get3A_466 = arith.constant 16 : index
        %get3A_467 = tpu.vector_load %arg7[%get3A_465, %get3A_466] {strides = array<i32>} : memref<128x64xf32, #tpu.memory_space<vmem>>, vector<16xf32>,
        %add3A_468 = arith.constant 16 : i32
        %add3A_469 = vector.broadcast %add3A_468 : i32 to vector<16xi32>
        %add3A_470 = arith.addi %add3A_469, %iota3A : vector<16xi32>
        %shift_right_arithmetic3A_471 = arith.constant 3 : i32
        %shift_right_arithmetic3A_472 = vector.broadcast %shift_right_arithmetic3A_471 : i32 to vector<16xi32>
        %shift_right_arithmetic3A_473 = arith.shrsi %add3A_470, %shift_right_arithmetic3A_472 : vector<16xi32>
        %and3A_474 = arith.constant 7 : i32
        %and3A_475 = vector.broadcast %and3A_474 : i32 to vector<16xi32>
        %and3A_476 = arith.andi %add3A_470, %and3A_475 : vector<16xi32>
        tpu.vector_store_idx %arg11[%shift_right_arithmetic3A_473, %and3A_476, %broadcast_in_dim3A_452], %get3A_467 : memref<8x8x129xf32, #tpu.memory_space<vmem>>[vector<16xi32>, vector<16xi32>, vector<16xi32>], vector<16xf32>,
        %get3A_477 = arith.index_cast %add3A_451 : i32 to index
        %get3A_478 = arith.constant 32 : index
        %get3A_479 = tpu.vector_load %arg7[%get3A_477, %get3A_478] {strides = array<i32>} : memref<128x64xf32, #tpu.memory_space<vmem>>, vector<16xf32>,
        %add3A_480 = arith.constant 32 : i32
        %add3A_481 = vector.broadcast %add3A_480 : i32 to vector<16xi32>
        %add3A_482 = arith.addi %add3A_481, %iota3A : vector<16xi32>
        %shift_right_arithmetic3A_483 = arith.constant 3 : i32
        %shift_right_arithmetic3A_484 = vector.broadcast %shift_right_arithmetic3A_483 : i32 to vector<16xi32>
        %shift_right_arithmetic3A_485 = arith.shrsi %add3A_482, %shift_right_arithmetic3A_484 : vector<16xi32>
        %and3A_486 = arith.constant 7 : i32
        %and3A_487 = vector.broadcast %and3A_486 : i32 to vector<16xi32>
        %and3A_488 = arith.andi %add3A_482, %and3A_487 : vector<16xi32>
        tpu.vector_store_idx %arg11[%shift_right_arithmetic3A_485, %and3A_488, %broadcast_in_dim3A_452], %get3A_479 : memref<8x8x129xf32, #tpu.memory_space<vmem>>[vector<16xi32>, vector<16xi32>, vector<16xi32>], vector<16xf32>,
        %get3A_489 = arith.index_cast %add3A_451 : i32 to index
        %get3A_490 = arith.constant 48 : index
        %get3A_491 = tpu.vector_load %arg7[%get3A_489, %get3A_490] {strides = array<i32>} : memref<128x64xf32, #tpu.memory_space<vmem>>, vector<16xf32>,
        %add3A_492 = arith.constant 48 : i32
        %add3A_493 = vector.broadcast %add3A_492 : i32 to vector<16xi32>
        %add3A_494 = arith.addi %add3A_493, %iota3A : vector<16xi32>
        %shift_right_arithmetic3A_495 = arith.constant 3 : i32
        %shift_right_arithmetic3A_496 = vector.broadcast %shift_right_arithmetic3A_495 : i32 to vector<16xi32>
        %shift_right_arithmetic3A_497 = arith.shrsi %add3A_494, %shift_right_arithmetic3A_496 : vector<16xi32>
        %and3A_498 = arith.constant 7 : i32
        %and3A_499 = vector.broadcast %and3A_498 : i32 to vector<16xi32>
        %and3A_500 = arith.andi %add3A_494, %and3A_499 : vector<16xi32>
        tpu.vector_store_idx %arg11[%shift_right_arithmetic3A_497, %and3A_500, %broadcast_in_dim3A_452], %get3A_491 : memref<8x8x129xf32, #tpu.memory_space<vmem>>[vector<16xi32>, vector<16xi32>, vector<16xi32>], vector<16xf32>,
        %mul3A_501 = arith.constant 8 : i32
        %mul3A_502 = arith.muli %scan3A_239, %mul3A_501 : i32
        %add3A_503 = arith.constant 5 : i32
        %add3A_504 = arith.addi %mul3A_502, %add3A_503 : i32
        %broadcast_in_dim3A_505 = vector.broadcast %add3A_504 : i32 to vector<16xi32>
        %get3A_506 = arith.index_cast %add3A_504 : i32 to index
        %get3A_507 = arith.constant 0 : index
        %get3A_508 = tpu.vector_load %arg7[%get3A_506, %get3A_507] {strides = array<i32>} : memref<128x64xf32, #tpu.memory_space<vmem>>, vector<16xf32>,
        %add3A_509 = arith.constant 0 : i32
        %add3A_510 = vector.broadcast %add3A_509 : i32 to vector<16xi32>
        %add3A_511 = arith.addi %add3A_510, %iota3A : vector<16xi32>
        %shift_right_arithmetic3A_512 = arith.constant 3 : i32
        %shift_right_arithmetic3A_513 = vector.broadcast %shift_right_arithmetic3A_512 : i32 to vector<16xi32>
        %shift_right_arithmetic3A_514 = arith.shrsi %add3A_511, %shift_right_arithmetic3A_513 : vector<16xi32>
        %and3A_515 = arith.constant 7 : i32
        %and3A_516 = vector.broadcast %and3A_515 : i32 to vector<16xi32>
        %and3A_517 = arith.andi %add3A_511, %and3A_516 : vector<16xi32>
        tpu.vector_store_idx %arg11[%shift_right_arithmetic3A_514, %and3A_517, %broadcast_in_dim3A_505], %get3A_508 : memref<8x8x129xf32, #tpu.memory_space<vmem>>[vector<16xi32>, vector<16xi32>, vector<16xi32>], vector<16xf32>,
        %get3A_518 = arith.index_cast %add3A_504 : i32 to index
        %get3A_519 = arith.constant 16 : index
        %get3A_520 = tpu.vector_load %arg7[%get3A_518, %get3A_519] {strides = array<i32>} : memref<128x64xf32, #tpu.memory_space<vmem>>, vector<16xf32>,
        %add3A_521 = arith.constant 16 : i32
        %add3A_522 = vector.broadcast %add3A_521 : i32 to vector<16xi32>
        %add3A_523 = arith.addi %add3A_522, %iota3A : vector<16xi32>
        %shift_right_arithmetic3A_524 = arith.constant 3 : i32
        %shift_right_arithmetic3A_525 = vector.broadcast %shift_right_arithmetic3A_524 : i32 to vector<16xi32>
        %shift_right_arithmetic3A_526 = arith.shrsi %add3A_523, %shift_right_arithmetic3A_525 : vector<16xi32>
        %and3A_527 = arith.constant 7 : i32
        %and3A_528 = vector.broadcast %and3A_527 : i32 to vector<16xi32>
        %and3A_529 = arith.andi %add3A_523, %and3A_528 : vector<16xi32>
        tpu.vector_store_idx %arg11[%shift_right_arithmetic3A_526, %and3A_529, %broadcast_in_dim3A_505], %get3A_520 : memref<8x8x129xf32, #tpu.memory_space<vmem>>[vector<16xi32>, vector<16xi32>, vector<16xi32>], vector<16xf32>,
        %get3A_530 = arith.index_cast %add3A_504 : i32 to index
        %get3A_531 = arith.constant 32 : index
        %get3A_532 = tpu.vector_load %arg7[%get3A_530, %get3A_531] {strides = array<i32>} : memref<128x64xf32, #tpu.memory_space<vmem>>, vector<16xf32>,
        %add3A_533 = arith.constant 32 : i32
        %add3A_534 = vector.broadcast %add3A_533 : i32 to vector<16xi32>
        %add3A_535 = arith.addi %add3A_534, %iota3A : vector<16xi32>
        %shift_right_arithmetic3A_536 = arith.constant 3 : i32
        %shift_right_arithmetic3A_537 = vector.broadcast %shift_right_arithmetic3A_536 : i32 to vector<16xi32>
        %shift_right_arithmetic3A_538 = arith.shrsi %add3A_535, %shift_right_arithmetic3A_537 : vector<16xi32>
        %and3A_539 = arith.constant 7 : i32
        %and3A_540 = vector.broadcast %and3A_539 : i32 to vector<16xi32>
        %and3A_541 = arith.andi %add3A_535, %and3A_540 : vector<16xi32>
        tpu.vector_store_idx %arg11[%shift_right_arithmetic3A_538, %and3A_541, %broadcast_in_dim3A_505], %get3A_532 : memref<8x8x129xf32, #tpu.memory_space<vmem>>[vector<16xi32>, vector<16xi32>, vector<16xi32>], vector<16xf32>,
        %get3A_542 = arith.index_cast %add3A_504 : i32 to index
        %get3A_543 = arith.constant 48 : index
        %get3A_544 = tpu.vector_load %arg7[%get3A_542, %get3A_543] {strides = array<i32>} : memref<128x64xf32, #tpu.memory_space<vmem>>, vector<16xf32>,
        %add3A_545 = arith.constant 48 : i32
        %add3A_546 = vector.broadcast %add3A_545 : i32 to vector<16xi32>
        %add3A_547 = arith.addi %add3A_546, %iota3A : vector<16xi32>
        %shift_right_arithmetic3A_548 = arith.constant 3 : i32
        %shift_right_arithmetic3A_549 = vector.broadcast %shift_right_arithmetic3A_548 : i32 to vector<16xi32>
        %shift_right_arithmetic3A_550 = arith.shrsi %add3A_547, %shift_right_arithmetic3A_549 : vector<16xi32>
        %and3A_551 = arith.constant 7 : i32
        %and3A_552 = vector.broadcast %and3A_551 : i32 to vector<16xi32>
        %and3A_553 = arith.andi %add3A_547, %and3A_552 : vector<16xi32>
        tpu.vector_store_idx %arg11[%shift_right_arithmetic3A_550, %and3A_553, %broadcast_in_dim3A_505], %get3A_544 : memref<8x8x129xf32, #tpu.memory_space<vmem>>[vector<16xi32>, vector<16xi32>, vector<16xi32>], vector<16xf32>,
        %mul3A_554 = arith.constant 8 : i32
        %mul3A_555 = arith.muli %scan3A_239, %mul3A_554 : i32
        %add3A_556 = arith.constant 6 : i32
        %add3A_557 = arith.addi %mul3A_555, %add3A_556 : i32
        %broadcast_in_dim3A_558 = vector.broadcast %add3A_557 : i32 to vector<16xi32>
        %get3A_559 = arith.index_cast %add3A_557 : i32 to index
        %get3A_560 = arith.constant 0 : index
        %get3A_561 = tpu.vector_load %arg7[%get3A_559, %get3A_560] {strides = array<i32>} : memref<128x64xf32, #tpu.memory_space<vmem>>, vector<16xf32>,
        %add3A_562 = arith.constant 0 : i32
        %add3A_563 = vector.broadcast %add3A_562 : i32 to vector<16xi32>
        %add3A_564 = arith.addi %add3A_563, %iota3A : vector<16xi32>
        %shift_right_arithmetic3A_565 = arith.constant 3 : i32
        %shift_right_arithmetic3A_566 = vector.broadcast %shift_right_arithmetic3A_565 : i32 to vector<16xi32>
        %shift_right_arithmetic3A_567 = arith.shrsi %add3A_564, %shift_right_arithmetic3A_566 : vector<16xi32>
        %and3A_568 = arith.constant 7 : i32
        %and3A_569 = vector.broadcast %and3A_568 : i32 to vector<16xi32>
        %and3A_570 = arith.andi %add3A_564, %and3A_569 : vector<16xi32>
        tpu.vector_store_idx %arg11[%shift_right_arithmetic3A_567, %and3A_570, %broadcast_in_dim3A_558], %get3A_561 : memref<8x8x129xf32, #tpu.memory_space<vmem>>[vector<16xi32>, vector<16xi32>, vector<16xi32>], vector<16xf32>,
        %get3A_571 = arith.index_cast %add3A_557 : i32 to index
        %get3A_572 = arith.constant 16 : index
        %get3A_573 = tpu.vector_load %arg7[%get3A_571, %get3A_572] {strides = array<i32>} : memref<128x64xf32, #tpu.memory_space<vmem>>, vector<16xf32>,
        %add3A_574 = arith.constant 16 : i32
        %add3A_575 = vector.broadcast %add3A_574 : i32 to vector<16xi32>
        %add3A_576 = arith.addi %add3A_575, %iota3A : vector<16xi32>
        %shift_right_arithmetic3A_577 = arith.constant 3 : i32
        %shift_right_arithmetic3A_578 = vector.broadcast %shift_right_arithmetic3A_577 : i32 to vector<16xi32>
        %shift_right_arithmetic3A_579 = arith.shrsi %add3A_576, %shift_right_arithmetic3A_578 : vector<16xi32>
        %and3A_580 = arith.constant 7 : i32
        %and3A_581 = vector.broadcast %and3A_580 : i32 to vector<16xi32>
        %and3A_582 = arith.andi %add3A_576, %and3A_581 : vector<16xi32>
        tpu.vector_store_idx %arg11[%shift_right_arithmetic3A_579, %and3A_582, %broadcast_in_dim3A_558], %get3A_573 : memref<8x8x129xf32, #tpu.memory_space<vmem>>[vector<16xi32>, vector<16xi32>, vector<16xi32>], vector<16xf32>,
        %get3A_583 = arith.index_cast %add3A_557 : i32 to index
        %get3A_584 = arith.constant 32 : index
        %get3A_585 = tpu.vector_load %arg7[%get3A_583, %get3A_584] {strides = array<i32>} : memref<128x64xf32, #tpu.memory_space<vmem>>, vector<16xf32>,
        %add3A_586 = arith.constant 32 : i32
        %add3A_587 = vector.broadcast %add3A_586 : i32 to vector<16xi32>
        %add3A_588 = arith.addi %add3A_587, %iota3A : vector<16xi32>
        %shift_right_arithmetic3A_589 = arith.constant 3 : i32
        %shift_right_arithmetic3A_590 = vector.broadcast %shift_right_arithmetic3A_589 : i32 to vector<16xi32>
        %shift_right_arithmetic3A_591 = arith.shrsi %add3A_588, %shift_right_arithmetic3A_590 : vector<16xi32>
        %and3A_592 = arith.constant 7 : i32
        %and3A_593 = vector.broadcast %and3A_592 : i32 to vector<16xi32>
        %and3A_594 = arith.andi %add3A_588, %and3A_593 : vector<16xi32>
        tpu.vector_store_idx %arg11[%shift_right_arithmetic3A_591, %and3A_594, %broadcast_in_dim3A_558], %get3A_585 : memref<8x8x129xf32, #tpu.memory_space<vmem>>[vector<16xi32>, vector<16xi32>, vector<16xi32>], vector<16xf32>,
        %get3A_595 = arith.index_cast %add3A_557 : i32 to index
        %get3A_596 = arith.constant 48 : index
        %get3A_597 = tpu.vector_load %arg7[%get3A_595, %get3A_596] {strides = array<i32>} : memref<128x64xf32, #tpu.memory_space<vmem>>, vector<16xf32>,
        %add3A_598 = arith.constant 48 : i32
        %add3A_599 = vector.broadcast %add3A_598 : i32 to vector<16xi32>
        %add3A_600 = arith.addi %add3A_599, %iota3A : vector<16xi32>
        %shift_right_arithmetic3A_601 = arith.constant 3 : i32
        %shift_right_arithmetic3A_602 = vector.broadcast %shift_right_arithmetic3A_601 : i32 to vector<16xi32>
        %shift_right_arithmetic3A_603 = arith.shrsi %add3A_600, %shift_right_arithmetic3A_602 : vector<16xi32>
        %and3A_604 = arith.constant 7 : i32
        %and3A_605 = vector.broadcast %and3A_604 : i32 to vector<16xi32>
        %and3A_606 = arith.andi %add3A_600, %and3A_605 : vector<16xi32>
        tpu.vector_store_idx %arg11[%shift_right_arithmetic3A_603, %and3A_606, %broadcast_in_dim3A_558], %get3A_597 : memref<8x8x129xf32, #tpu.memory_space<vmem>>[vector<16xi32>, vector<16xi32>, vector<16xi32>], vector<16xf32>,
        %mul3A_607 = arith.constant 8 : i32
        %mul3A_608 = arith.muli %scan3A_239, %mul3A_607 : i32
        %add3A_609 = arith.constant 7 : i32
        %add3A_610 = arith.addi %mul3A_608, %add3A_609 : i32
        %broadcast_in_dim3A_611 = vector.broadcast %add3A_610 : i32 to vector<16xi32>
        %get3A_612 = arith.index_cast %add3A_610 : i32 to index
        %get3A_613 = arith.constant 0 : index
        %get3A_614 = tpu.vector_load %arg7[%get3A_612, %get3A_613] {strides = array<i32>} : memref<128x64xf32, #tpu.memory_space<vmem>>, vector<16xf32>,
        %add3A_615 = arith.constant 0 : i32
        %add3A_616 = vector.broadcast %add3A_615 : i32 to vector<16xi32>
        %add3A_617 = arith.addi %add3A_616, %iota3A : vector<16xi32>
        %shift_right_arithmetic3A_618 = arith.constant 3 : i32
        %shift_right_arithmetic3A_619 = vector.broadcast %shift_right_arithmetic3A_618 : i32 to vector<16xi32>
        %shift_right_arithmetic3A_620 = arith.shrsi %add3A_617, %shift_right_arithmetic3A_619 : vector<16xi32>
        %and3A_621 = arith.constant 7 : i32
        %and3A_622 = vector.broadcast %and3A_621 : i32 to vector<16xi32>
        %and3A_623 = arith.andi %add3A_617, %and3A_622 : vector<16xi32>
        tpu.vector_store_idx %arg11[%shift_right_arithmetic3A_620, %and3A_623, %broadcast_in_dim3A_611], %get3A_614 : memref<8x8x129xf32, #tpu.memory_space<vmem>>[vector<16xi32>, vector<16xi32>, vector<16xi32>], vector<16xf32>,
        %get3A_624 = arith.index_cast %add3A_610 : i32 to index
        %get3A_625 = arith.constant 16 : index
        %get3A_626 = tpu.vector_load %arg7[%get3A_624, %get3A_625] {strides = array<i32>} : memref<128x64xf32, #tpu.memory_space<vmem>>, vector<16xf32>,
        %add3A_627 = arith.constant 16 : i32
        %add3A_628 = vector.broadcast %add3A_627 : i32 to vector<16xi32>
        %add3A_629 = arith.addi %add3A_628, %iota3A : vector<16xi32>
        %shift_right_arithmetic3A_630 = arith.constant 3 : i32
        %shift_right_arithmetic3A_631 = vector.broadcast %shift_right_arithmetic3A_630 : i32 to vector<16xi32>
        %shift_right_arithmetic3A_632 = arith.shrsi %add3A_629, %shift_right_arithmetic3A_631 : vector<16xi32>
        %and3A_633 = arith.constant 7 : i32
        %and3A_634 = vector.broadcast %and3A_633 : i32 to vector<16xi32>
        %and3A_635 = arith.andi %add3A_629, %and3A_634 : vector<16xi32>
        tpu.vector_store_idx %arg11[%shift_right_arithmetic3A_632, %and3A_635, %broadcast_in_dim3A_611], %get3A_626 : memref<8x8x129xf32, #tpu.memory_space<vmem>>[vector<16xi32>, vector<16xi32>, vector<16xi32>], vector<16xf32>,
        %get3A_636 = arith.index_cast %add3A_610 : i32 to index
        %get3A_637 = arith.constant 32 : index
        %get3A_638 = tpu.vector_load %arg7[%get3A_636, %get3A_637] {strides = array<i32>} : memref<128x64xf32, #tpu.memory_space<vmem>>, vector<16xf32>,
        %add3A_639 = arith.constant 32 : i32
        %add3A_640 = vector.broadcast %add3A_639 : i32 to vector<16xi32>
        %add3A_641 = arith.addi %add3A_640, %iota3A : vector<16xi32>
        %shift_right_arithmetic3A_642 = arith.constant 3 : i32
        %shift_right_arithmetic3A_643 = vector.broadcast %shift_right_arithmetic3A_642 : i32 to vector<16xi32>
        %shift_right_arithmetic3A_644 = arith.shrsi %add3A_641, %shift_right_arithmetic3A_643 : vector<16xi32>
        %and3A_645 = arith.constant 7 : i32
        %and3A_646 = vector.broadcast %and3A_645 : i32 to vector<16xi32>
        %and3A_647 = arith.andi %add3A_641, %and3A_646 : vector<16xi32>
        tpu.vector_store_idx %arg11[%shift_right_arithmetic3A_644, %and3A_647, %broadcast_in_dim3A_611], %get3A_638 : memref<8x8x129xf32, #tpu.memory_space<vmem>>[vector<16xi32>, vector<16xi32>, vector<16xi32>], vector<16xf32>,
        %get3A_648 = arith.index_cast %add3A_610 : i32 to index
        %get3A_649 = arith.constant 48 : index
        %get3A_650 = tpu.vector_load %arg7[%get3A_648, %get3A_649] {strides = array<i32>} : memref<128x64xf32, #tpu.memory_space<vmem>>, vector<16xf32>,
        %add3A_651 = arith.constant 48 : i32
        %add3A_652 = vector.broadcast %add3A_651 : i32 to vector<16xi32>
        %add3A_653 = arith.addi %add3A_652, %iota3A : vector<16xi32>
        %shift_right_arithmetic3A_654 = arith.constant 3 : i32
        %shift_right_arithmetic3A_655 = vector.broadcast %shift_right_arithmetic3A_654 : i32 to vector<16xi32>
        %shift_right_arithmetic3A_656 = arith.shrsi %add3A_653, %shift_right_arithmetic3A_655 : vector<16xi32>
        %and3A_657 = arith.constant 7 : i32
        %and3A_658 = vector.broadcast %and3A_657 : i32 to vector<16xi32>
        %and3A_659 = arith.andi %add3A_653, %and3A_658 : vector<16xi32>
        tpu.vector_store_idx %arg11[%shift_right_arithmetic3A_656, %and3A_659, %broadcast_in_dim3A_611], %get3A_650 : memref<8x8x129xf32, #tpu.memory_space<vmem>>[vector<16xi32>, vector<16xi32>, vector<16xi32>], vector<16xf32>,
      }
      %scan3A_128 = arith.constant 16 : i32
      %dma_start3A_129 = arith.constant 0 : i32
      %dma_start3A_130 = arith.constant 0 : i32
      %dma_start3A_131 = arith.constant 0 : i32
      %dma_start3A_132 = tpu.memref_slice %arg11[%dma_start3A_129, %dma_start3A_130, %dma_start3A_131] : memref<8x8x129xf32, #tpu.memory_space<vmem>> -> memref<8x8x128xf32, #tpu.memory_space<vmem>>
      %dma_start3A_133 = arith.constant 0 : i32
      %dma_start3A_134 = arith.constant 0 : i32
      %dma_start3A_135 = arith.constant 0 : i32
      %dma_start3A_136 = tpu.memref_slice %arg4[%add3A_104, %dma_start3A_133, %add3A, %dma_start3A_134, %dma_start3A_135] : memref<200x8x32x8x128xf32, #tpu.memory_space<hbm>> -> memref<1x8x1x8x128xf32, #tpu.memory_space<hbm>>
      %dma_start3A_137 = tpu.memref_squeeze %dma_start3A_136 : memref<1x8x1x8x128xf32, #tpu.memory_space<hbm>> -> memref<8x8x128xf32, #tpu.memory_space<hbm>>
      %dma_start3A_138 = arith.constant 0 : i32
      %dma_start3A_139 = arith.constant 0 : i32
      %dma_start3A_140 = arith.constant 0 : i32
      %dma_start3A_141 = tpu.memref_slice %arg4[%add3A_104, %dma_start3A_138, %add3A, %dma_start3A_139, %dma_start3A_140] : memref<200x8x32x8x128xf32, #tpu.memory_space<hbm>> -> memref<1x8x1x8x128xf32, #tpu.memory_space<hbm>>
      %dma_start3A_142 = tpu.memref_squeeze %dma_start3A_141 : memref<1x8x1x8x128xf32, #tpu.memory_space<hbm>> -> memref<8x8x128xf32, #tpu.memory_space<hbm>>
      %dma_start3A_143 = arith.constant 0 : i32
      %dma_start3A_144 = arith.constant 0 : i32
      %dma_start3A_145 = arith.constant 0 : i32
      %dma_start3A_146 = tpu.memref_slice %arg11[%dma_start3A_143, %dma_start3A_144, %dma_start3A_145] : memref<8x8x129xf32, #tpu.memory_space<vmem>> -> memref<8x8x128xf32, #tpu.memory_space<vmem>>
      tpu.enqueue_dma source(%dma_start3A_146 : memref<8x8x128xf32, #tpu.memory_space<vmem>>) target(%dma_start3A_142 : memref<8x8x128xf32, #tpu.memory_space<hbm>>) target_semaphore(%arg17 : memref<!tpu.dma_semaphore, #tpu.memory_space<semaphore_mem>>)
      %mul3A_147 = arith.constant 4 : i32
      %mul3A_148 = arith.muli %scan3A_58, %mul3A_147 : i32
      %add3A_149 = arith.constant 2 : i32
      %add3A_150 = arith.addi %mul3A_148, %add3A_149 : i32
      %dma_wait3A_151 = arith.constant 0 : i32
      %dma_wait3A_152 = tpu.memref_slice %arg5[%add3A_150, %dma_wait3A_151] : memref<200x128xi32, #tpu.memory_space<vmem>> -> memref<1x128xi32, #tpu.memory_space<vmem>>
      %dma_wait3A_153 = tpu.memref_squeeze %dma_wait3A_152 : memref<1x128xi32, #tpu.memory_space<vmem>> -> memref<128xi32, #tpu.memory_space<vmem>>
      %dma_wait3A_154 = arith.constant 0 : i32
      %dma_wait3A_155 = arith.constant 0 : i32
      %dma_wait3A_156 = tpu.memref_slice %arg3[%dma_wait3A_154, %dma_wait3A_155] : memref<1000000x64xf32, #tpu.memory_space<hbm>> -> memref<1000000x64xf32, #tpu.memory_space<hbm>>
      tpu.wait_indirect_dma semaphore(%arg14 : memref<!tpu.dma_semaphore, #tpu.memory_space<semaphore_mem>>) src(%dma_wait3A_156 : memref<1000000x64xf32, #tpu.memory_space<hbm>>) dst(%arg8 : memref<128x64xf32, #tpu.memory_space<vmem>>)
      %add3A_157 = arith.constant 2 : i32
      %add3A_158 = arith.addi %add3A_150, %add3A_157 : i32
      %lt3A_159 = arith.constant 200 : i32
      %lt3A_160 = arith.cmpi slt, %add3A_158, %lt3A_159 : i32
      %convert_element_type3A_161 = arith.extui %lt3A_160 : i1 to i32
      %cond3A_162 = arith.constant 0 : i32
      %cond3A_163 = arith.cmpi ne, %convert_element_type3A_161, %cond3A_162 : i32
      scf.if %cond3A_163 {
        %add3A_239 = arith.constant 2 : i32
        %add3A_240 = arith.addi %add3A_150, %add3A_239 : i32
        %dma_start3A_241 = arith.constant 0 : i32
        %dma_start3A_242 = tpu.memref_slice %arg5[%add3A_240, %dma_start3A_241] : memref<200x128xi32, #tpu.memory_space<vmem>> -> memref<1x128xi32, #tpu.memory_space<vmem>>
        %dma_start3A_243 = tpu.memref_squeeze %dma_start3A_242 : memref<1x128xi32, #tpu.memory_space<vmem>> -> memref<128xi32, #tpu.memory_space<vmem>>
        %dma_start3A_244 = arith.constant 0 : i32
        %dma_start3A_245 = arith.constant 0 : i32
        %dma_start3A_246 = tpu.memref_slice %arg3[%dma_start3A_244, %dma_start3A_245] : memref<1000000x64xf32, #tpu.memory_space<hbm>> -> memref<1000000x64xf32, #tpu.memory_space<hbm>>
        tpu.enqueue_indirect_dma source(%dma_start3A_246 : memref<1000000x64xf32, #tpu.memory_space<hbm>>) target(%arg6 : memref<128x64xf32, #tpu.memory_space<vmem>>) offsets(%dma_start3A_243 : memref<128xi32, #tpu.memory_space<vmem>>) semaphore(%arg12 : memref<!tpu.dma_semaphore, #tpu.memory_space<semaphore_mem>>)
      } else {
      }
      %ge3A_164 = arith.constant 2 : i32
      %ge3A_165 = arith.cmpi sge, %add3A_150, %ge3A_164 : i32
      %convert_element_type3A_166 = arith.extui %ge3A_165 : i1 to i32
      %cond3A_167 = arith.constant 0 : i32
      %cond3A_168 = arith.cmpi ne, %convert_element_type3A_166, %cond3A_167 : i32
      scf.if %cond3A_168 {
        %sub3A = arith.constant 2 : i32
        %sub3A_239 = arith.subi %add3A_150, %sub3A : i32
        %dma_wait3A_240 = arith.constant 0 : i32
        %dma_wait3A_241 = arith.constant 0 : i32
        %dma_wait3A_242 = arith.constant 0 : i32
        %dma_wait3A_243 = tpu.memref_slice %arg10[%dma_wait3A_240, %dma_wait3A_241, %dma_wait3A_242] : memref<8x8x129xf32, #tpu.memory_space<vmem>> -> memref<8x8x128xf32, #tpu.memory_space<vmem>>
        %dma_wait3A_244 = arith.constant 0 : i32
        %dma_wait3A_245 = arith.constant 0 : i32
        %dma_wait3A_246 = arith.constant 0 : i32
        %dma_wait3A_247 = tpu.memref_slice %arg4[%sub3A_239, %dma_wait3A_244, %add3A, %dma_wait3A_245, %dma_wait3A_246] : memref<200x8x32x8x128xf32, #tpu.memory_space<hbm>> -> memref<1x8x1x8x128xf32, #tpu.memory_space<hbm>>
        %dma_wait3A_248 = tpu.memref_squeeze %dma_wait3A_247 : memref<1x8x1x8x128xf32, #tpu.memory_space<hbm>> -> memref<8x8x128xf32, #tpu.memory_space<hbm>>
        %dma_wait3A_249 = arith.constant 0 : i32
        %dma_wait3A_250 = arith.constant 0 : i32
        %dma_wait3A_251 = arith.constant 0 : i32
        %dma_wait3A_252 = tpu.memref_slice %arg4[%sub3A_239, %dma_wait3A_249, %add3A, %dma_wait3A_250, %dma_wait3A_251] : memref<200x8x32x8x128xf32, #tpu.memory_space<hbm>> -> memref<1x8x1x8x128xf32, #tpu.memory_space<hbm>>
        %dma_wait3A_253 = tpu.memref_squeeze %dma_wait3A_252 : memref<1x8x1x8x128xf32, #tpu.memory_space<hbm>> -> memref<8x8x128xf32, #tpu.memory_space<hbm>>
        %dma_wait3A_254 = arith.constant 0 : i32
        %dma_wait3A_255 = arith.constant 0 : i32
        %dma_wait3A_256 = arith.constant 0 : i32
        %dma_wait3A_257 = tpu.memref_slice %arg10[%dma_wait3A_254, %dma_wait3A_255, %dma_wait3A_256] : memref<8x8x129xf32, #tpu.memory_space<vmem>> -> memref<8x8x128xf32, #tpu.memory_space<vmem>>
        tpu.wait_dma2 semaphore(%arg16 : memref<!tpu.dma_semaphore, #tpu.memory_space<semaphore_mem>>) src(%dma_wait3A_257 : memref<8x8x128xf32, #tpu.memory_space<vmem>>) dst(%dma_wait3A_253 : memref<8x8x128xf32, #tpu.memory_space<hbm>>)
      } else {
      }
      %scan3A_169 = arith.constant 0 : i32
      %scan3A_170 = arith.constant 0 : i32
      %scan3A_171 = arith.constant 16 : i32
      %scan3A_172 = arith.addi %scan3A_170, %scan3A_171 : i32
      %scan3A_173 = arith.constant 1 : i32
      scf.for %scan3A_239 = %scan3A_170 to %scan3A_172 step %scan3A_173  : i32 {
        %mul3A_240 = arith.constant 8 : i32
        %mul3A_241 = arith.muli %scan3A_239, %mul3A_240 : i32
        %add3A_242 = arith.constant 0 : i32
        %add3A_243 = arith.addi %mul3A_241, %add3A_242 : i32
        %broadcast_in_dim3A = vector.broadcast %add3A_243 : i32 to vector<16xi32>
        %get3A = arith.index_cast %add3A_243 : i32 to index
        %get3A_244 = arith.constant 0 : index
        %get3A_245 = tpu.vector_load %arg8[%get3A, %get3A_244] {strides = array<i32>} : memref<128x64xf32, #tpu.memory_space<vmem>>, vector<16xf32>,
        %add3A_246 = arith.constant 0 : i32
        %add3A_247 = vector.broadcast %add3A_246 : i32 to vector<16xi32>
        %add3A_248 = arith.addi %add3A_247, %iota3A : vector<16xi32>
        %shift_right_arithmetic3A = arith.constant 3 : i32
        %shift_right_arithmetic3A_249 = vector.broadcast %shift_right_arithmetic3A : i32 to vector<16xi32>
        %shift_right_arithmetic3A_250 = arith.shrsi %add3A_248, %shift_right_arithmetic3A_249 : vector<16xi32>
        %and3A = arith.constant 7 : i32
        %and3A_251 = vector.broadcast %and3A : i32 to vector<16xi32>
        %and3A_252 = arith.andi %add3A_248, %and3A_251 : vector<16xi32>
        tpu.vector_store_idx %arg10[%shift_right_arithmetic3A_250, %and3A_252, %broadcast_in_dim3A], %get3A_245 : memref<8x8x129xf32, #tpu.memory_space<vmem>>[vector<16xi32>, vector<16xi32>, vector<16xi32>], vector<16xf32>,
        %get3A_253 = arith.index_cast %add3A_243 : i32 to index
        %get3A_254 = arith.constant 16 : index
        %get3A_255 = tpu.vector_load %arg8[%get3A_253, %get3A_254] {strides = array<i32>} : memref<128x64xf32, #tpu.memory_space<vmem>>, vector<16xf32>,
        %add3A_256 = arith.constant 16 : i32
        %add3A_257 = vector.broadcast %add3A_256 : i32 to vector<16xi32>
        %add3A_258 = arith.addi %add3A_257, %iota3A : vector<16xi32>
        %shift_right_arithmetic3A_259 = arith.constant 3 : i32
        %shift_right_arithmetic3A_260 = vector.broadcast %shift_right_arithmetic3A_259 : i32 to vector<16xi32>
        %shift_right_arithmetic3A_261 = arith.shrsi %add3A_258, %shift_right_arithmetic3A_260 : vector<16xi32>
        %and3A_262 = arith.constant 7 : i32
        %and3A_263 = vector.broadcast %and3A_262 : i32 to vector<16xi32>
        %and3A_264 = arith.andi %add3A_258, %and3A_263 : vector<16xi32>
        tpu.vector_store_idx %arg10[%shift_right_arithmetic3A_261, %and3A_264, %broadcast_in_dim3A], %get3A_255 : memref<8x8x129xf32, #tpu.memory_space<vmem>>[vector<16xi32>, vector<16xi32>, vector<16xi32>], vector<16xf32>,
        %get3A_265 = arith.index_cast %add3A_243 : i32 to index
        %get3A_266 = arith.constant 32 : index
        %get3A_267 = tpu.vector_load %arg8[%get3A_265, %get3A_266] {strides = array<i32>} : memref<128x64xf32, #tpu.memory_space<vmem>>, vector<16xf32>,
        %add3A_268 = arith.constant 32 : i32
        %add3A_269 = vector.broadcast %add3A_268 : i32 to vector<16xi32>
        %add3A_270 = arith.addi %add3A_269, %iota3A : vector<16xi32>
        %shift_right_arithmetic3A_271 = arith.constant 3 : i32
        %shift_right_arithmetic3A_272 = vector.broadcast %shift_right_arithmetic3A_271 : i32 to vector<16xi32>
        %shift_right_arithmetic3A_273 = arith.shrsi %add3A_270, %shift_right_arithmetic3A_272 : vector<16xi32>
        %and3A_274 = arith.constant 7 : i32
        %and3A_275 = vector.broadcast %and3A_274 : i32 to vector<16xi32>
        %and3A_276 = arith.andi %add3A_270, %and3A_275 : vector<16xi32>
        tpu.vector_store_idx %arg10[%shift_right_arithmetic3A_273, %and3A_276, %broadcast_in_dim3A], %get3A_267 : memref<8x8x129xf32, #tpu.memory_space<vmem>>[vector<16xi32>, vector<16xi32>, vector<16xi32>], vector<16xf32>,
        %get3A_277 = arith.index_cast %add3A_243 : i32 to index
        %get3A_278 = arith.constant 48 : index
        %get3A_279 = tpu.vector_load %arg8[%get3A_277, %get3A_278] {strides = array<i32>} : memref<128x64xf32, #tpu.memory_space<vmem>>, vector<16xf32>,
        %add3A_280 = arith.constant 48 : i32
        %add3A_281 = vector.broadcast %add3A_280 : i32 to vector<16xi32>
        %add3A_282 = arith.addi %add3A_281, %iota3A : vector<16xi32>
        %shift_right_arithmetic3A_283 = arith.constant 3 : i32
        %shift_right_arithmetic3A_284 = vector.broadcast %shift_right_arithmetic3A_283 : i32 to vector<16xi32>
        %shift_right_arithmetic3A_285 = arith.shrsi %add3A_282, %shift_right_arithmetic3A_284 : vector<16xi32>
        %and3A_286 = arith.constant 7 : i32
        %and3A_287 = vector.broadcast %and3A_286 : i32 to vector<16xi32>
        %and3A_288 = arith.andi %add3A_282, %and3A_287 : vector<16xi32>
        tpu.vector_store_idx %arg10[%shift_right_arithmetic3A_285, %and3A_288, %broadcast_in_dim3A], %get3A_279 : memref<8x8x129xf32, #tpu.memory_space<vmem>>[vector<16xi32>, vector<16xi32>, vector<16xi32>], vector<16xf32>,
        %mul3A_289 = arith.constant 8 : i32
        %mul3A_290 = arith.muli %scan3A_239, %mul3A_289 : i32
        %add3A_291 = arith.constant 1 : i32
        %add3A_292 = arith.addi %mul3A_290, %add3A_291 : i32
        %broadcast_in_dim3A_293 = vector.broadcast %add3A_292 : i32 to vector<16xi32>
        %get3A_294 = arith.index_cast %add3A_292 : i32 to index
        %get3A_295 = arith.constant 0 : index
        %get3A_296 = tpu.vector_load %arg8[%get3A_294, %get3A_295] {strides = array<i32>} : memref<128x64xf32, #tpu.memory_space<vmem>>, vector<16xf32>,
        %add3A_297 = arith.constant 0 : i32
        %add3A_298 = vector.broadcast %add3A_297 : i32 to vector<16xi32>
        %add3A_299 = arith.addi %add3A_298, %iota3A : vector<16xi32>
        %shift_right_arithmetic3A_300 = arith.constant 3 : i32
        %shift_right_arithmetic3A_301 = vector.broadcast %shift_right_arithmetic3A_300 : i32 to vector<16xi32>
        %shift_right_arithmetic3A_302 = arith.shrsi %add3A_299, %shift_right_arithmetic3A_301 : vector<16xi32>
        %and3A_303 = arith.constant 7 : i32
        %and3A_304 = vector.broadcast %and3A_303 : i32 to vector<16xi32>
        %and3A_305 = arith.andi %add3A_299, %and3A_304 : vector<16xi32>
        tpu.vector_store_idx %arg10[%shift_right_arithmetic3A_302, %and3A_305, %broadcast_in_dim3A_293], %get3A_296 : memref<8x8x129xf32, #tpu.memory_space<vmem>>[vector<16xi32>, vector<16xi32>, vector<16xi32>], vector<16xf32>,
        %get3A_306 = arith.index_cast %add3A_292 : i32 to index
        %get3A_307 = arith.constant 16 : index
        %get3A_308 = tpu.vector_load %arg8[%get3A_306, %get3A_307] {strides = array<i32>} : memref<128x64xf32, #tpu.memory_space<vmem>>, vector<16xf32>,
        %add3A_309 = arith.constant 16 : i32
        %add3A_310 = vector.broadcast %add3A_309 : i32 to vector<16xi32>
        %add3A_311 = arith.addi %add3A_310, %iota3A : vector<16xi32>
        %shift_right_arithmetic3A_312 = arith.constant 3 : i32
        %shift_right_arithmetic3A_313 = vector.broadcast %shift_right_arithmetic3A_312 : i32 to vector<16xi32>
        %shift_right_arithmetic3A_314 = arith.shrsi %add3A_311, %shift_right_arithmetic3A_313 : vector<16xi32>
        %and3A_315 = arith.constant 7 : i32
        %and3A_316 = vector.broadcast %and3A_315 : i32 to vector<16xi32>
        %and3A_317 = arith.andi %add3A_311, %and3A_316 : vector<16xi32>
        tpu.vector_store_idx %arg10[%shift_right_arithmetic3A_314, %and3A_317, %broadcast_in_dim3A_293], %get3A_308 : memref<8x8x129xf32, #tpu.memory_space<vmem>>[vector<16xi32>, vector<16xi32>, vector<16xi32>], vector<16xf32>,
        %get3A_318 = arith.index_cast %add3A_292 : i32 to index
        %get3A_319 = arith.constant 32 : index
        %get3A_320 = tpu.vector_load %arg8[%get3A_318, %get3A_319] {strides = array<i32>} : memref<128x64xf32, #tpu.memory_space<vmem>>, vector<16xf32>,
        %add3A_321 = arith.constant 32 : i32
        %add3A_322 = vector.broadcast %add3A_321 : i32 to vector<16xi32>
        %add3A_323 = arith.addi %add3A_322, %iota3A : vector<16xi32>
        %shift_right_arithmetic3A_324 = arith.constant 3 : i32
        %shift_right_arithmetic3A_325 = vector.broadcast %shift_right_arithmetic3A_324 : i32 to vector<16xi32>
        %shift_right_arithmetic3A_326 = arith.shrsi %add3A_323, %shift_right_arithmetic3A_325 : vector<16xi32>
        %and3A_327 = arith.constant 7 : i32
        %and3A_328 = vector.broadcast %and3A_327 : i32 to vector<16xi32>
        %and3A_329 = arith.andi %add3A_323, %and3A_328 : vector<16xi32>
        tpu.vector_store_idx %arg10[%shift_right_arithmetic3A_326, %and3A_329, %broadcast_in_dim3A_293], %get3A_320 : memref<8x8x129xf32, #tpu.memory_space<vmem>>[vector<16xi32>, vector<16xi32>, vector<16xi32>], vector<16xf32>,
        %get3A_330 = arith.index_cast %add3A_292 : i32 to index
        %get3A_331 = arith.constant 48 : index
        %get3A_332 = tpu.vector_load %arg8[%get3A_330, %get3A_331] {strides = array<i32>} : memref<128x64xf32, #tpu.memory_space<vmem>>, vector<16xf32>,
        %add3A_333 = arith.constant 48 : i32
        %add3A_334 = vector.broadcast %add3A_333 : i32 to vector<16xi32>
        %add3A_335 = arith.addi %add3A_334, %iota3A : vector<16xi32>
        %shift_right_arithmetic3A_336 = arith.constant 3 : i32
        %shift_right_arithmetic3A_337 = vector.broadcast %shift_right_arithmetic3A_336 : i32 to vector<16xi32>
        %shift_right_arithmetic3A_338 = arith.shrsi %add3A_335, %shift_right_arithmetic3A_337 : vector<16xi32>
        %and3A_339 = arith.constant 7 : i32
        %and3A_340 = vector.broadcast %and3A_339 : i32 to vector<16xi32>
        %and3A_341 = arith.andi %add3A_335, %and3A_340 : vector<16xi32>
        tpu.vector_store_idx %arg10[%shift_right_arithmetic3A_338, %and3A_341, %broadcast_in_dim3A_293], %get3A_332 : memref<8x8x129xf32, #tpu.memory_space<vmem>>[vector<16xi32>, vector<16xi32>, vector<16xi32>], vector<16xf32>,
        %mul3A_342 = arith.constant 8 : i32
        %mul3A_343 = arith.muli %scan3A_239, %mul3A_342 : i32
        %add3A_344 = arith.constant 2 : i32
        %add3A_345 = arith.addi %mul3A_343, %add3A_344 : i32
        %broadcast_in_dim3A_346 = vector.broadcast %add3A_345 : i32 to vector<16xi32>
        %get3A_347 = arith.index_cast %add3A_345 : i32 to index
        %get3A_348 = arith.constant 0 : index
        %get3A_349 = tpu.vector_load %arg8[%get3A_347, %get3A_348] {strides = array<i32>} : memref<128x64xf32, #tpu.memory_space<vmem>>, vector<16xf32>,
        %add3A_350 = arith.constant 0 : i32
        %add3A_351 = vector.broadcast %add3A_350 : i32 to vector<16xi32>
        %add3A_352 = arith.addi %add3A_351, %iota3A : vector<16xi32>
        %shift_right_arithmetic3A_353 = arith.constant 3 : i32
        %shift_right_arithmetic3A_354 = vector.broadcast %shift_right_arithmetic3A_353 : i32 to vector<16xi32>
        %shift_right_arithmetic3A_355 = arith.shrsi %add3A_352, %shift_right_arithmetic3A_354 : vector<16xi32>
        %and3A_356 = arith.constant 7 : i32
        %and3A_357 = vector.broadcast %and3A_356 : i32 to vector<16xi32>
        %and3A_358 = arith.andi %add3A_352, %and3A_357 : vector<16xi32>
        tpu.vector_store_idx %arg10[%shift_right_arithmetic3A_355, %and3A_358, %broadcast_in_dim3A_346], %get3A_349 : memref<8x8x129xf32, #tpu.memory_space<vmem>>[vector<16xi32>, vector<16xi32>, vector<16xi32>], vector<16xf32>,
        %get3A_359 = arith.index_cast %add3A_345 : i32 to index
        %get3A_360 = arith.constant 16 : index
        %get3A_361 = tpu.vector_load %arg8[%get3A_359, %get3A_360] {strides = array<i32>} : memref<128x64xf32, #tpu.memory_space<vmem>>, vector<16xf32>,
        %add3A_362 = arith.constant 16 : i32
        %add3A_363 = vector.broadcast %add3A_362 : i32 to vector<16xi32>
        %add3A_364 = arith.addi %add3A_363, %iota3A : vector<16xi32>
        %shift_right_arithmetic3A_365 = arith.constant 3 : i32
        %shift_right_arithmetic3A_366 = vector.broadcast %shift_right_arithmetic3A_365 : i32 to vector<16xi32>
        %shift_right_arithmetic3A_367 = arith.shrsi %add3A_364, %shift_right_arithmetic3A_366 : vector<16xi32>
        %and3A_368 = arith.constant 7 : i32
        %and3A_369 = vector.broadcast %and3A_368 : i32 to vector<16xi32>
        %and3A_370 = arith.andi %add3A_364, %and3A_369 : vector<16xi32>
        tpu.vector_store_idx %arg10[%shift_right_arithmetic3A_367, %and3A_370, %broadcast_in_dim3A_346], %get3A_361 : memref<8x8x129xf32, #tpu.memory_space<vmem>>[vector<16xi32>, vector<16xi32>, vector<16xi32>], vector<16xf32>,
        %get3A_371 = arith.index_cast %add3A_345 : i32 to index
        %get3A_372 = arith.constant 32 : index
        %get3A_373 = tpu.vector_load %arg8[%get3A_371, %get3A_372] {strides = array<i32>} : memref<128x64xf32, #tpu.memory_space<vmem>>, vector<16xf32>,
        %add3A_374 = arith.constant 32 : i32
        %add3A_375 = vector.broadcast %add3A_374 : i32 to vector<16xi32>
        %add3A_376 = arith.addi %add3A_375, %iota3A : vector<16xi32>
        %shift_right_arithmetic3A_377 = arith.constant 3 : i32
        %shift_right_arithmetic3A_378 = vector.broadcast %shift_right_arithmetic3A_377 : i32 to vector<16xi32>
        %shift_right_arithmetic3A_379 = arith.shrsi %add3A_376, %shift_right_arithmetic3A_378 : vector<16xi32>
        %and3A_380 = arith.constant 7 : i32
        %and3A_381 = vector.broadcast %and3A_380 : i32 to vector<16xi32>
        %and3A_382 = arith.andi %add3A_376, %and3A_381 : vector<16xi32>
        tpu.vector_store_idx %arg10[%shift_right_arithmetic3A_379, %and3A_382, %broadcast_in_dim3A_346], %get3A_373 : memref<8x8x129xf32, #tpu.memory_space<vmem>>[vector<16xi32>, vector<16xi32>, vector<16xi32>], vector<16xf32>,
        %get3A_383 = arith.index_cast %add3A_345 : i32 to index
        %get3A_384 = arith.constant 48 : index
        %get3A_385 = tpu.vector_load %arg8[%get3A_383, %get3A_384] {strides = array<i32>} : memref<128x64xf32, #tpu.memory_space<vmem>>, vector<16xf32>,
        %add3A_386 = arith.constant 48 : i32
        %add3A_387 = vector.broadcast %add3A_386 : i32 to vector<16xi32>
        %add3A_388 = arith.addi %add3A_387, %iota3A : vector<16xi32>
        %shift_right_arithmetic3A_389 = arith.constant 3 : i32
        %shift_right_arithmetic3A_390 = vector.broadcast %shift_right_arithmetic3A_389 : i32 to vector<16xi32>
        %shift_right_arithmetic3A_391 = arith.shrsi %add3A_388, %shift_right_arithmetic3A_390 : vector<16xi32>
        %and3A_392 = arith.constant 7 : i32
        %and3A_393 = vector.broadcast %and3A_392 : i32 to vector<16xi32>
        %and3A_394 = arith.andi %add3A_388, %and3A_393 : vector<16xi32>
        tpu.vector_store_idx %arg10[%shift_right_arithmetic3A_391, %and3A_394, %broadcast_in_dim3A_346], %get3A_385 : memref<8x8x129xf32, #tpu.memory_space<vmem>>[vector<16xi32>, vector<16xi32>, vector<16xi32>], vector<16xf32>,
        %mul3A_395 = arith.constant 8 : i32
        %mul3A_396 = arith.muli %scan3A_239, %mul3A_395 : i32
        %add3A_397 = arith.constant 3 : i32
        %add3A_398 = arith.addi %mul3A_396, %add3A_397 : i32
        %broadcast_in_dim3A_399 = vector.broadcast %add3A_398 : i32 to vector<16xi32>
        %get3A_400 = arith.index_cast %add3A_398 : i32 to index
        %get3A_401 = arith.constant 0 : index
        %get3A_402 = tpu.vector_load %arg8[%get3A_400, %get3A_401] {strides = array<i32>} : memref<128x64xf32, #tpu.memory_space<vmem>>, vector<16xf32>,
        %add3A_403 = arith.constant 0 : i32
        %add3A_404 = vector.broadcast %add3A_403 : i32 to vector<16xi32>
        %add3A_405 = arith.addi %add3A_404, %iota3A : vector<16xi32>
        %shift_right_arithmetic3A_406 = arith.constant 3 : i32
        %shift_right_arithmetic3A_407 = vector.broadcast %shift_right_arithmetic3A_406 : i32 to vector<16xi32>
        %shift_right_arithmetic3A_408 = arith.shrsi %add3A_405, %shift_right_arithmetic3A_407 : vector<16xi32>
        %and3A_409 = arith.constant 7 : i32
        %and3A_410 = vector.broadcast %and3A_409 : i32 to vector<16xi32>
        %and3A_411 = arith.andi %add3A_405, %and3A_410 : vector<16xi32>
        tpu.vector_store_idx %arg10[%shift_right_arithmetic3A_408, %and3A_411, %broadcast_in_dim3A_399], %get3A_402 : memref<8x8x129xf32, #tpu.memory_space<vmem>>[vector<16xi32>, vector<16xi32>, vector<16xi32>], vector<16xf32>,
        %get3A_412 = arith.index_cast %add3A_398 : i32 to index
        %get3A_413 = arith.constant 16 : index
        %get3A_414 = tpu.vector_load %arg8[%get3A_412, %get3A_413] {strides = array<i32>} : memref<128x64xf32, #tpu.memory_space<vmem>>, vector<16xf32>,
        %add3A_415 = arith.constant 16 : i32
        %add3A_416 = vector.broadcast %add3A_415 : i32 to vector<16xi32>
        %add3A_417 = arith.addi %add3A_416, %iota3A : vector<16xi32>
        %shift_right_arithmetic3A_418 = arith.constant 3 : i32
        %shift_right_arithmetic3A_419 = vector.broadcast %shift_right_arithmetic3A_418 : i32 to vector<16xi32>
        %shift_right_arithmetic3A_420 = arith.shrsi %add3A_417, %shift_right_arithmetic3A_419 : vector<16xi32>
        %and3A_421 = arith.constant 7 : i32
        %and3A_422 = vector.broadcast %and3A_421 : i32 to vector<16xi32>
        %and3A_423 = arith.andi %add3A_417, %and3A_422 : vector<16xi32>
        tpu.vector_store_idx %arg10[%shift_right_arithmetic3A_420, %and3A_423, %broadcast_in_dim3A_399], %get3A_414 : memref<8x8x129xf32, #tpu.memory_space<vmem>>[vector<16xi32>, vector<16xi32>, vector<16xi32>], vector<16xf32>,
        %get3A_424 = arith.index_cast %add3A_398 : i32 to index
        %get3A_425 = arith.constant 32 : index
        %get3A_426 = tpu.vector_load %arg8[%get3A_424, %get3A_425] {strides = array<i32>} : memref<128x64xf32, #tpu.memory_space<vmem>>, vector<16xf32>,
        %add3A_427 = arith.constant 32 : i32
        %add3A_428 = vector.broadcast %add3A_427 : i32 to vector<16xi32>
        %add3A_429 = arith.addi %add3A_428, %iota3A : vector<16xi32>
        %shift_right_arithmetic3A_430 = arith.constant 3 : i32
        %shift_right_arithmetic3A_431 = vector.broadcast %shift_right_arithmetic3A_430 : i32 to vector<16xi32>
        %shift_right_arithmetic3A_432 = arith.shrsi %add3A_429, %shift_right_arithmetic3A_431 : vector<16xi32>
        %and3A_433 = arith.constant 7 : i32
        %and3A_434 = vector.broadcast %and3A_433 : i32 to vector<16xi32>
        %and3A_435 = arith.andi %add3A_429, %and3A_434 : vector<16xi32>
        tpu.vector_store_idx %arg10[%shift_right_arithmetic3A_432, %and3A_435, %broadcast_in_dim3A_399], %get3A_426 : memref<8x8x129xf32, #tpu.memory_space<vmem>>[vector<16xi32>, vector<16xi32>, vector<16xi32>], vector<16xf32>,
        %get3A_436 = arith.index_cast %add3A_398 : i32 to index
        %get3A_437 = arith.constant 48 : index
        %get3A_438 = tpu.vector_load %arg8[%get3A_436, %get3A_437] {strides = array<i32>} : memref<128x64xf32, #tpu.memory_space<vmem>>, vector<16xf32>,
        %add3A_439 = arith.constant 48 : i32
        %add3A_440 = vector.broadcast %add3A_439 : i32 to vector<16xi32>
        %add3A_441 = arith.addi %add3A_440, %iota3A : vector<16xi32>
        %shift_right_arithmetic3A_442 = arith.constant 3 : i32
        %shift_right_arithmetic3A_443 = vector.broadcast %shift_right_arithmetic3A_442 : i32 to vector<16xi32>
        %shift_right_arithmetic3A_444 = arith.shrsi %add3A_441, %shift_right_arithmetic3A_443 : vector<16xi32>
        %and3A_445 = arith.constant 7 : i32
        %and3A_446 = vector.broadcast %and3A_445 : i32 to vector<16xi32>
        %and3A_447 = arith.andi %add3A_441, %and3A_446 : vector<16xi32>
        tpu.vector_store_idx %arg10[%shift_right_arithmetic3A_444, %and3A_447, %broadcast_in_dim3A_399], %get3A_438 : memref<8x8x129xf32, #tpu.memory_space<vmem>>[vector<16xi32>, vector<16xi32>, vector<16xi32>], vector<16xf32>,
        %mul3A_448 = arith.constant 8 : i32
        %mul3A_449 = arith.muli %scan3A_239, %mul3A_448 : i32
        %add3A_450 = arith.constant 4 : i32
        %add3A_451 = arith.addi %mul3A_449, %add3A_450 : i32
        %broadcast_in_dim3A_452 = vector.broadcast %add3A_451 : i32 to vector<16xi32>
        %get3A_453 = arith.index_cast %add3A_451 : i32 to index
        %get3A_454 = arith.constant 0 : index
        %get3A_455 = tpu.vector_load %arg8[%get3A_453, %get3A_454] {strides = array<i32>} : memref<128x64xf32, #tpu.memory_space<vmem>>, vector<16xf32>,
        %add3A_456 = arith.constant 0 : i32
        %add3A_457 = vector.broadcast %add3A_456 : i32 to vector<16xi32>
        %add3A_458 = arith.addi %add3A_457, %iota3A : vector<16xi32>
        %shift_right_arithmetic3A_459 = arith.constant 3 : i32
        %shift_right_arithmetic3A_460 = vector.broadcast %shift_right_arithmetic3A_459 : i32 to vector<16xi32>
        %shift_right_arithmetic3A_461 = arith.shrsi %add3A_458, %shift_right_arithmetic3A_460 : vector<16xi32>
        %and3A_462 = arith.constant 7 : i32
        %and3A_463 = vector.broadcast %and3A_462 : i32 to vector<16xi32>
        %and3A_464 = arith.andi %add3A_458, %and3A_463 : vector<16xi32>
        tpu.vector_store_idx %arg10[%shift_right_arithmetic3A_461, %and3A_464, %broadcast_in_dim3A_452], %get3A_455 : memref<8x8x129xf32, #tpu.memory_space<vmem>>[vector<16xi32>, vector<16xi32>, vector<16xi32>], vector<16xf32>,
        %get3A_465 = arith.index_cast %add3A_451 : i32 to index
        %get3A_466 = arith.constant 16 : index
        %get3A_467 = tpu.vector_load %arg8[%get3A_465, %get3A_466] {strides = array<i32>} : memref<128x64xf32, #tpu.memory_space<vmem>>, vector<16xf32>,
        %add3A_468 = arith.constant 16 : i32
        %add3A_469 = vector.broadcast %add3A_468 : i32 to vector<16xi32>
        %add3A_470 = arith.addi %add3A_469, %iota3A : vector<16xi32>
        %shift_right_arithmetic3A_471 = arith.constant 3 : i32
        %shift_right_arithmetic3A_472 = vector.broadcast %shift_right_arithmetic3A_471 : i32 to vector<16xi32>
        %shift_right_arithmetic3A_473 = arith.shrsi %add3A_470, %shift_right_arithmetic3A_472 : vector<16xi32>
        %and3A_474 = arith.constant 7 : i32
        %and3A_475 = vector.broadcast %and3A_474 : i32 to vector<16xi32>
        %and3A_476 = arith.andi %add3A_470, %and3A_475 : vector<16xi32>
        tpu.vector_store_idx %arg10[%shift_right_arithmetic3A_473, %and3A_476, %broadcast_in_dim3A_452], %get3A_467 : memref<8x8x129xf32, #tpu.memory_space<vmem>>[vector<16xi32>, vector<16xi32>, vector<16xi32>], vector<16xf32>,
        %get3A_477 = arith.index_cast %add3A_451 : i32 to index
        %get3A_478 = arith.constant 32 : index
        %get3A_479 = tpu.vector_load %arg8[%get3A_477, %get3A_478] {strides = array<i32>} : memref<128x64xf32, #tpu.memory_space<vmem>>, vector<16xf32>,
        %add3A_480 = arith.constant 32 : i32
        %add3A_481 = vector.broadcast %add3A_480 : i32 to vector<16xi32>
        %add3A_482 = arith.addi %add3A_481, %iota3A : vector<16xi32>
        %shift_right_arithmetic3A_483 = arith.constant 3 : i32
        %shift_right_arithmetic3A_484 = vector.broadcast %shift_right_arithmetic3A_483 : i32 to vector<16xi32>
        %shift_right_arithmetic3A_485 = arith.shrsi %add3A_482, %shift_right_arithmetic3A_484 : vector<16xi32>
        %and3A_486 = arith.constant 7 : i32
        %and3A_487 = vector.broadcast %and3A_486 : i32 to vector<16xi32>
        %and3A_488 = arith.andi %add3A_482, %and3A_487 : vector<16xi32>
        tpu.vector_store_idx %arg10[%shift_right_arithmetic3A_485, %and3A_488, %broadcast_in_dim3A_452], %get3A_479 : memref<8x8x129xf32, #tpu.memory_space<vmem>>[vector<16xi32>, vector<16xi32>, vector<16xi32>], vector<16xf32>,
        %get3A_489 = arith.index_cast %add3A_451 : i32 to index
        %get3A_490 = arith.constant 48 : index
        %get3A_491 = tpu.vector_load %arg8[%get3A_489, %get3A_490] {strides = array<i32>} : memref<128x64xf32, #tpu.memory_space<vmem>>, vector<16xf32>,
        %add3A_492 = arith.constant 48 : i32
        %add3A_493 = vector.broadcast %add3A_492 : i32 to vector<16xi32>
        %add3A_494 = arith.addi %add3A_493, %iota3A : vector<16xi32>
        %shift_right_arithmetic3A_495 = arith.constant 3 : i32
        %shift_right_arithmetic3A_496 = vector.broadcast %shift_right_arithmetic3A_495 : i32 to vector<16xi32>
        %shift_right_arithmetic3A_497 = arith.shrsi %add3A_494, %shift_right_arithmetic3A_496 : vector<16xi32>
        %and3A_498 = arith.constant 7 : i32
        %and3A_499 = vector.broadcast %and3A_498 : i32 to vector<16xi32>
        %and3A_500 = arith.andi %add3A_494, %and3A_499 : vector<16xi32>
        tpu.vector_store_idx %arg10[%shift_right_arithmetic3A_497, %and3A_500, %broadcast_in_dim3A_452], %get3A_491 : memref<8x8x129xf32, #tpu.memory_space<vmem>>[vector<16xi32>, vector<16xi32>, vector<16xi32>], vector<16xf32>,
        %mul3A_501 = arith.constant 8 : i32
        %mul3A_502 = arith.muli %scan3A_239, %mul3A_501 : i32
        %add3A_503 = arith.constant 5 : i32
        %add3A_504 = arith.addi %mul3A_502, %add3A_503 : i32
        %broadcast_in_dim3A_505 = vector.broadcast %add3A_504 : i32 to vector<16xi32>
        %get3A_506 = arith.index_cast %add3A_504 : i32 to index
        %get3A_507 = arith.constant 0 : index
        %get3A_508 = tpu.vector_load %arg8[%get3A_506, %get3A_507] {strides = array<i32>} : memref<128x64xf32, #tpu.memory_space<vmem>>, vector<16xf32>,
        %add3A_509 = arith.constant 0 : i32
        %add3A_510 = vector.broadcast %add3A_509 : i32 to vector<16xi32>
        %add3A_511 = arith.addi %add3A_510, %iota3A : vector<16xi32>
        %shift_right_arithmetic3A_512 = arith.constant 3 : i32
        %shift_right_arithmetic3A_513 = vector.broadcast %shift_right_arithmetic3A_512 : i32 to vector<16xi32>
        %shift_right_arithmetic3A_514 = arith.shrsi %add3A_511, %shift_right_arithmetic3A_513 : vector<16xi32>
        %and3A_515 = arith.constant 7 : i32
        %and3A_516 = vector.broadcast %and3A_515 : i32 to vector<16xi32>
        %and3A_517 = arith.andi %add3A_511, %and3A_516 : vector<16xi32>
        tpu.vector_store_idx %arg10[%shift_right_arithmetic3A_514, %and3A_517, %broadcast_in_dim3A_505], %get3A_508 : memref<8x8x129xf32, #tpu.memory_space<vmem>>[vector<16xi32>, vector<16xi32>, vector<16xi32>], vector<16xf32>,
        %get3A_518 = arith.index_cast %add3A_504 : i32 to index
        %get3A_519 = arith.constant 16 : index
        %get3A_520 = tpu.vector_load %arg8[%get3A_518, %get3A_519] {strides = array<i32>} : memref<128x64xf32, #tpu.memory_space<vmem>>, vector<16xf32>,
        %add3A_521 = arith.constant 16 : i32
        %add3A_522 = vector.broadcast %add3A_521 : i32 to vector<16xi32>
        %add3A_523 = arith.addi %add3A_522, %iota3A : vector<16xi32>
        %shift_right_arithmetic3A_524 = arith.constant 3 : i32
        %shift_right_arithmetic3A_525 = vector.broadcast %shift_right_arithmetic3A_524 : i32 to vector<16xi32>
        %shift_right_arithmetic3A_526 = arith.shrsi %add3A_523, %shift_right_arithmetic3A_525 : vector<16xi32>
        %and3A_527 = arith.constant 7 : i32
        %and3A_528 = vector.broadcast %and3A_527 : i32 to vector<16xi32>
        %and3A_529 = arith.andi %add3A_523, %and3A_528 : vector<16xi32>
        tpu.vector_store_idx %arg10[%shift_right_arithmetic3A_526, %and3A_529, %broadcast_in_dim3A_505], %get3A_520 : memref<8x8x129xf32, #tpu.memory_space<vmem>>[vector<16xi32>, vector<16xi32>, vector<16xi32>], vector<16xf32>,
        %get3A_530 = arith.index_cast %add3A_504 : i32 to index
        %get3A_531 = arith.constant 32 : index
        %get3A_532 = tpu.vector_load %arg8[%get3A_530, %get3A_531] {strides = array<i32>} : memref<128x64xf32, #tpu.memory_space<vmem>>, vector<16xf32>,
        %add3A_533 = arith.constant 32 : i32
        %add3A_534 = vector.broadcast %add3A_533 : i32 to vector<16xi32>
        %add3A_535 = arith.addi %add3A_534, %iota3A : vector<16xi32>
        %shift_right_arithmetic3A_536 = arith.constant 3 : i32
        %shift_right_arithmetic3A_537 = vector.broadcast %shift_right_arithmetic3A_536 : i32 to vector<16xi32>
        %shift_right_arithmetic3A_538 = arith.shrsi %add3A_535, %shift_right_arithmetic3A_537 : vector<16xi32>
        %and3A_539 = arith.constant 7 : i32
        %and3A_540 = vector.broadcast %and3A_539 : i32 to vector<16xi32>
        %and3A_541 = arith.andi %add3A_535, %and3A_540 : vector<16xi32>
        tpu.vector_store_idx %arg10[%shift_right_arithmetic3A_538, %and3A_541, %broadcast_in_dim3A_505], %get3A_532 : memref<8x8x129xf32, #tpu.memory_space<vmem>>[vector<16xi32>, vector<16xi32>, vector<16xi32>], vector<16xf32>,
        %get3A_542 = arith.index_cast %add3A_504 : i32 to index
        %get3A_543 = arith.constant 48 : index
        %get3A_544 = tpu.vector_load %arg8[%get3A_542, %get3A_543] {strides = array<i32>} : memref<128x64xf32, #tpu.memory_space<vmem>>, vector<16xf32>,
        %add3A_545 = arith.constant 48 : i32
        %add3A_546 = vector.broadcast %add3A_545 : i32 to vector<16xi32>
        %add3A_547 = arith.addi %add3A_546, %iota3A : vector<16xi32>
        %shift_right_arithmetic3A_548 = arith.constant 3 : i32
        %shift_right_arithmetic3A_549 = vector.broadcast %shift_right_arithmetic3A_548 : i32 to vector<16xi32>
        %shift_right_arithmetic3A_550 = arith.shrsi %add3A_547, %shift_right_arithmetic3A_549 : vector<16xi32>
        %and3A_551 = arith.constant 7 : i32
        %and3A_552 = vector.broadcast %and3A_551 : i32 to vector<16xi32>
        %and3A_553 = arith.andi %add3A_547, %and3A_552 : vector<16xi32>
        tpu.vector_store_idx %arg10[%shift_right_arithmetic3A_550, %and3A_553, %broadcast_in_dim3A_505], %get3A_544 : memref<8x8x129xf32, #tpu.memory_space<vmem>>[vector<16xi32>, vector<16xi32>, vector<16xi32>], vector<16xf32>,
        %mul3A_554 = arith.constant 8 : i32
        %mul3A_555 = arith.muli %scan3A_239, %mul3A_554 : i32
        %add3A_556 = arith.constant 6 : i32
        %add3A_557 = arith.addi %mul3A_555, %add3A_556 : i32
        %broadcast_in_dim3A_558 = vector.broadcast %add3A_557 : i32 to vector<16xi32>
        %get3A_559 = arith.index_cast %add3A_557 : i32 to index
        %get3A_560 = arith.constant 0 : index
        %get3A_561 = tpu.vector_load %arg8[%get3A_559, %get3A_560] {strides = array<i32>} : memref<128x64xf32, #tpu.memory_space<vmem>>, vector<16xf32>,
        %add3A_562 = arith.constant 0 : i32
        %add3A_563 = vector.broadcast %add3A_562 : i32 to vector<16xi32>
        %add3A_564 = arith.addi %add3A_563, %iota3A : vector<16xi32>
        %shift_right_arithmetic3A_565 = arith.constant 3 : i32
        %shift_right_arithmetic3A_566 = vector.broadcast %shift_right_arithmetic3A_565 : i32 to vector<16xi32>
        %shift_right_arithmetic3A_567 = arith.shrsi %add3A_564, %shift_right_arithmetic3A_566 : vector<16xi32>
        %and3A_568 = arith.constant 7 : i32
        %and3A_569 = vector.broadcast %and3A_568 : i32 to vector<16xi32>
        %and3A_570 = arith.andi %add3A_564, %and3A_569 : vector<16xi32>
        tpu.vector_store_idx %arg10[%shift_right_arithmetic3A_567, %and3A_570, %broadcast_in_dim3A_558], %get3A_561 : memref<8x8x129xf32, #tpu.memory_space<vmem>>[vector<16xi32>, vector<16xi32>, vector<16xi32>], vector<16xf32>,
        %get3A_571 = arith.index_cast %add3A_557 : i32 to index
        %get3A_572 = arith.constant 16 : index
        %get3A_573 = tpu.vector_load %arg8[%get3A_571, %get3A_572] {strides = array<i32>} : memref<128x64xf32, #tpu.memory_space<vmem>>, vector<16xf32>,
        %add3A_574 = arith.constant 16 : i32
        %add3A_575 = vector.broadcast %add3A_574 : i32 to vector<16xi32>
        %add3A_576 = arith.addi %add3A_575, %iota3A : vector<16xi32>
        %shift_right_arithmetic3A_577 = arith.constant 3 : i32
        %shift_right_arithmetic3A_578 = vector.broadcast %shift_right_arithmetic3A_577 : i32 to vector<16xi32>
        %shift_right_arithmetic3A_579 = arith.shrsi %add3A_576, %shift_right_arithmetic3A_578 : vector<16xi32>
        %and3A_580 = arith.constant 7 : i32
        %and3A_581 = vector.broadcast %and3A_580 : i32 to vector<16xi32>
        %and3A_582 = arith.andi %add3A_576, %and3A_581 : vector<16xi32>
        tpu.vector_store_idx %arg10[%shift_right_arithmetic3A_579, %and3A_582, %broadcast_in_dim3A_558], %get3A_573 : memref<8x8x129xf32, #tpu.memory_space<vmem>>[vector<16xi32>, vector<16xi32>, vector<16xi32>], vector<16xf32>,
        %get3A_583 = arith.index_cast %add3A_557 : i32 to index
        %get3A_584 = arith.constant 32 : index
        %get3A_585 = tpu.vector_load %arg8[%get3A_583, %get3A_584] {strides = array<i32>} : memref<128x64xf32, #tpu.memory_space<vmem>>, vector<16xf32>,
        %add3A_586 = arith.constant 32 : i32
        %add3A_587 = vector.broadcast %add3A_586 : i32 to vector<16xi32>
        %add3A_588 = arith.addi %add3A_587, %iota3A : vector<16xi32>
        %shift_right_arithmetic3A_589 = arith.constant 3 : i32
        %shift_right_arithmetic3A_590 = vector.broadcast %shift_right_arithmetic3A_589 : i32 to vector<16xi32>
        %shift_right_arithmetic3A_591 = arith.shrsi %add3A_588, %shift_right_arithmetic3A_590 : vector<16xi32>
        %and3A_592 = arith.constant 7 : i32
        %and3A_593 = vector.broadcast %and3A_592 : i32 to vector<16xi32>
        %and3A_594 = arith.andi %add3A_588, %and3A_593 : vector<16xi32>
        tpu.vector_store_idx %arg10[%shift_right_arithmetic3A_591, %and3A_594, %broadcast_in_dim3A_558], %get3A_585 : memref<8x8x129xf32, #tpu.memory_space<vmem>>[vector<16xi32>, vector<16xi32>, vector<16xi32>], vector<16xf32>,
        %get3A_595 = arith.index_cast %add3A_557 : i32 to index
        %get3A_596 = arith.constant 48 : index
        %get3A_597 = tpu.vector_load %arg8[%get3A_595, %get3A_596] {strides = array<i32>} : memref<128x64xf32, #tpu.memory_space<vmem>>, vector<16xf32>,
        %add3A_598 = arith.constant 48 : i32
        %add3A_599 = vector.broadcast %add3A_598 : i32 to vector<16xi32>
        %add3A_600 = arith.addi %add3A_599, %iota3A : vector<16xi32>
        %shift_right_arithmetic3A_601 = arith.constant 3 : i32
        %shift_right_arithmetic3A_602 = vector.broadcast %shift_right_arithmetic3A_601 : i32 to vector<16xi32>
        %shift_right_arithmetic3A_603 = arith.shrsi %add3A_600, %shift_right_arithmetic3A_602 : vector<16xi32>
        %and3A_604 = arith.constant 7 : i32
        %and3A_605 = vector.broadcast %and3A_604 : i32 to vector<16xi32>
        %and3A_606 = arith.andi %add3A_600, %and3A_605 : vector<16xi32>
        tpu.vector_store_idx %arg10[%shift_right_arithmetic3A_603, %and3A_606, %broadcast_in_dim3A_558], %get3A_597 : memref<8x8x129xf32, #tpu.memory_space<vmem>>[vector<16xi32>, vector<16xi32>, vector<16xi32>], vector<16xf32>,
        %mul3A_607 = arith.constant 8 : i32
        %mul3A_608 = arith.muli %scan3A_239, %mul3A_607 : i32
        %add3A_609 = arith.constant 7 : i32
        %add3A_610 = arith.addi %mul3A_608, %add3A_609 : i32
        %broadcast_in_dim3A_611 = vector.broadcast %add3A_610 : i32 to vector<16xi32>
        %get3A_612 = arith.index_cast %add3A_610 : i32 to index
        %get3A_613 = arith.constant 0 : index
        %get3A_614 = tpu.vector_load %arg8[%get3A_612, %get3A_613] {strides = array<i32>} : memref<128x64xf32, #tpu.memory_space<vmem>>, vector<16xf32>,
        %add3A_615 = arith.constant 0 : i32
        %add3A_616 = vector.broadcast %add3A_615 : i32 to vector<16xi32>
        %add3A_617 = arith.addi %add3A_616, %iota3A : vector<16xi32>
        %shift_right_arithmetic3A_618 = arith.constant 3 : i32
        %shift_right_arithmetic3A_619 = vector.broadcast %shift_right_arithmetic3A_618 : i32 to vector<16xi32>
        %shift_right_arithmetic3A_620 = arith.shrsi %add3A_617, %shift_right_arithmetic3A_619 : vector<16xi32>
        %and3A_621 = arith.constant 7 : i32
        %and3A_622 = vector.broadcast %and3A_621 : i32 to vector<16xi32>
        %and3A_623 = arith.andi %add3A_617, %and3A_622 : vector<16xi32>
        tpu.vector_store_idx %arg10[%shift_right_arithmetic3A_620, %and3A_623, %broadcast_in_dim3A_611], %get3A_614 : memref<8x8x129xf32, #tpu.memory_space<vmem>>[vector<16xi32>, vector<16xi32>, vector<16xi32>], vector<16xf32>,
        %get3A_624 = arith.index_cast %add3A_610 : i32 to index
        %get3A_625 = arith.constant 16 : index
        %get3A_626 = tpu.vector_load %arg8[%get3A_624, %get3A_625] {strides = array<i32>} : memref<128x64xf32, #tpu.memory_space<vmem>>, vector<16xf32>,
        %add3A_627 = arith.constant 16 : i32
        %add3A_628 = vector.broadcast %add3A_627 : i32 to vector<16xi32>
        %add3A_629 = arith.addi %add3A_628, %iota3A : vector<16xi32>
        %shift_right_arithmetic3A_630 = arith.constant 3 : i32
        %shift_right_arithmetic3A_631 = vector.broadcast %shift_right_arithmetic3A_630 : i32 to vector<16xi32>
        %shift_right_arithmetic3A_632 = arith.shrsi %add3A_629, %shift_right_arithmetic3A_631 : vector<16xi32>
        %and3A_633 = arith.constant 7 : i32
        %and3A_634 = vector.broadcast %and3A_633 : i32 to vector<16xi32>
        %and3A_635 = arith.andi %add3A_629, %and3A_634 : vector<16xi32>
        tpu.vector_store_idx %arg10[%shift_right_arithmetic3A_632, %and3A_635, %broadcast_in_dim3A_611], %get3A_626 : memref<8x8x129xf32, #tpu.memory_space<vmem>>[vector<16xi32>, vector<16xi32>, vector<16xi32>], vector<16xf32>,
        %get3A_636 = arith.index_cast %add3A_610 : i32 to index
        %get3A_637 = arith.constant 32 : index
        %get3A_638 = tpu.vector_load %arg8[%get3A_636, %get3A_637] {strides = array<i32>} : memref<128x64xf32, #tpu.memory_space<vmem>>, vector<16xf32>,
        %add3A_639 = arith.constant 32 : i32
        %add3A_640 = vector.broadcast %add3A_639 : i32 to vector<16xi32>
        %add3A_641 = arith.addi %add3A_640, %iota3A : vector<16xi32>
        %shift_right_arithmetic3A_642 = arith.constant 3 : i32
        %shift_right_arithmetic3A_643 = vector.broadcast %shift_right_arithmetic3A_642 : i32 to vector<16xi32>
        %shift_right_arithmetic3A_644 = arith.shrsi %add3A_641, %shift_right_arithmetic3A_643 : vector<16xi32>
        %and3A_645 = arith.constant 7 : i32
        %and3A_646 = vector.broadcast %and3A_645 : i32 to vector<16xi32>
        %and3A_647 = arith.andi %add3A_641, %and3A_646 : vector<16xi32>
        tpu.vector_store_idx %arg10[%shift_right_arithmetic3A_644, %and3A_647, %broadcast_in_dim3A_611], %get3A_638 : memref<8x8x129xf32, #tpu.memory_space<vmem>>[vector<16xi32>, vector<16xi32>, vector<16xi32>], vector<16xf32>,
        %get3A_648 = arith.index_cast %add3A_610 : i32 to index
        %get3A_649 = arith.constant 48 : index
        %get3A_650 = tpu.vector_load %arg8[%get3A_648, %get3A_649] {strides = array<i32>} : memref<128x64xf32, #tpu.memory_space<vmem>>, vector<16xf32>,
        %add3A_651 = arith.constant 48 : i32
        %add3A_652 = vector.broadcast %add3A_651 : i32 to vector<16xi32>
        %add3A_653 = arith.addi %add3A_652, %iota3A : vector<16xi32>
        %shift_right_arithmetic3A_654 = arith.constant 3 : i32
        %shift_right_arithmetic3A_655 = vector.broadcast %shift_right_arithmetic3A_654 : i32 to vector<16xi32>
        %shift_right_arithmetic3A_656 = arith.shrsi %add3A_653, %shift_right_arithmetic3A_655 : vector<16xi32>
        %and3A_657 = arith.constant 7 : i32
        %and3A_658 = vector.broadcast %and3A_657 : i32 to vector<16xi32>
        %and3A_659 = arith.andi %add3A_653, %and3A_658 : vector<16xi32>
        tpu.vector_store_idx %arg10[%shift_right_arithmetic3A_656, %and3A_659, %broadcast_in_dim3A_611], %get3A_650 : memref<8x8x129xf32, #tpu.memory_space<vmem>>[vector<16xi32>, vector<16xi32>, vector<16xi32>], vector<16xf32>,
      }
      %scan3A_174 = arith.constant 16 : i32
      %dma_start3A_175 = arith.constant 0 : i32
      %dma_start3A_176 = arith.constant 0 : i32
      %dma_start3A_177 = arith.constant 0 : i32
      %dma_start3A_178 = tpu.memref_slice %arg10[%dma_start3A_175, %dma_start3A_176, %dma_start3A_177] : memref<8x8x129xf32, #tpu.memory_space<vmem>> -> memref<8x8x128xf32, #tpu.memory_space<vmem>>
      %dma_start3A_179 = arith.constant 0 : i32
      %dma_start3A_180 = arith.constant 0 : i32
      %dma_start3A_181 = arith.constant 0 : i32
      %dma_start3A_182 = tpu.memref_slice %arg4[%add3A_150, %dma_start3A_179, %add3A, %dma_start3A_180, %dma_start3A_181] : memref<200x8x32x8x128xf32, #tpu.memory_space<hbm>> -> memref<1x8x1x8x128xf32, #tpu.memory_space<hbm>>
      %dma_start3A_183 = tpu.memref_squeeze %dma_start3A_182 : memref<1x8x1x8x128xf32, #tpu.memory_space<hbm>> -> memref<8x8x128xf32, #tpu.memory_space<hbm>>
      %dma_start3A_184 = arith.constant 0 : i32
      %dma_start3A_185 = arith.constant 0 : i32
      %dma_start3A_186 = arith.constant 0 : i32
      %dma_start3A_187 = tpu.memref_slice %arg4[%add3A_150, %dma_start3A_184, %add3A, %dma_start3A_185, %dma_start3A_186] : memref<200x8x32x8x128xf32, #tpu.memory_space<hbm>> -> memref<1x8x1x8x128xf32, #tpu.memory_space<hbm>>
      %dma_start3A_188 = tpu.memref_squeeze %dma_start3A_187 : memref<1x8x1x8x128xf32, #tpu.memory_space<hbm>> -> memref<8x8x128xf32, #tpu.memory_space<hbm>>
      %dma_start3A_189 = arith.constant 0 : i32
      %dma_start3A_190 = arith.constant 0 : i32
      %dma_start3A_191 = arith.constant 0 : i32
      %dma_start3A_192 = tpu.memref_slice %arg10[%dma_start3A_189, %dma_start3A_190, %dma_start3A_191] : memref<8x8x129xf32, #tpu.memory_space<vmem>> -> memref<8x8x128xf32, #tpu.memory_space<vmem>>
      tpu.enqueue_dma source(%dma_start3A_192 : memref<8x8x128xf32, #tpu.memory_space<vmem>>) target(%dma_start3A_188 : memref<8x8x128xf32, #tpu.memory_space<hbm>>) target_semaphore(%arg16 : memref<!tpu.dma_semaphore, #tpu.memory_space<semaphore_mem>>)
      %mul3A_193 = arith.constant 4 : i32
      %mul3A_194 = arith.muli %scan3A_58, %mul3A_193 : i32
      %add3A_195 = arith.constant 3 : i32
      %add3A_196 = arith.addi %mul3A_194, %add3A_195 : i32
      %dma_wait3A_197 = arith.constant 0 : i32
      %dma_wait3A_198 = tpu.memref_slice %arg5[%add3A_196, %dma_wait3A_197] : memref<200x128xi32, #tpu.memory_space<vmem>> -> memref<1x128xi32, #tpu.memory_space<vmem>>
      %dma_wait3A_199 = tpu.memref_squeeze %dma_wait3A_198 : memref<1x128xi32, #tpu.memory_space<vmem>> -> memref<128xi32, #tpu.memory_space<vmem>>
      %dma_wait3A_200 = arith.constant 0 : i32
      %dma_wait3A_201 = arith.constant 0 : i32
      %dma_wait3A_202 = tpu.memref_slice %arg3[%dma_wait3A_200, %dma_wait3A_201] : memref<1000000x64xf32, #tpu.memory_space<hbm>> -> memref<1000000x64xf32, #tpu.memory_space<hbm>>
      tpu.wait_indirect_dma semaphore(%arg15 : memref<!tpu.dma_semaphore, #tpu.memory_space<semaphore_mem>>) src(%dma_wait3A_202 : memref<1000000x64xf32, #tpu.memory_space<hbm>>) dst(%arg9 : memref<128x64xf32, #tpu.memory_space<vmem>>)
      %add3A_203 = arith.constant 2 : i32
      %add3A_204 = arith.addi %add3A_196, %add3A_203 : i32
      %lt3A_205 = arith.constant 200 : i32
      %lt3A_206 = arith.cmpi slt, %add3A_204, %lt3A_205 : i32
      %convert_element_type3A_207 = arith.extui %lt3A_206 : i1 to i32
      %cond3A_208 = arith.constant 0 : i32
      %cond3A_209 = arith.cmpi ne, %convert_element_type3A_207, %cond3A_208 : i32
      scf.if %cond3A_209 {
        %add3A_239 = arith.constant 2 : i32
        %add3A_240 = arith.addi %add3A_196, %add3A_239 : i32
        %dma_start3A_241 = arith.constant 0 : i32
        %dma_start3A_242 = tpu.memref_slice %arg5[%add3A_240, %dma_start3A_241] : memref<200x128xi32, #tpu.memory_space<vmem>> -> memref<1x128xi32, #tpu.memory_space<vmem>>
        %dma_start3A_243 = tpu.memref_squeeze %dma_start3A_242 : memref<1x128xi32, #tpu.memory_space<vmem>> -> memref<128xi32, #tpu.memory_space<vmem>>
        %dma_start3A_244 = arith.constant 0 : i32
        %dma_start3A_245 = arith.constant 0 : i32
        %dma_start3A_246 = tpu.memref_slice %arg3[%dma_start3A_244, %dma_start3A_245] : memref<1000000x64xf32, #tpu.memory_space<hbm>> -> memref<1000000x64xf32, #tpu.memory_space<hbm>>
        tpu.enqueue_indirect_dma source(%dma_start3A_246 : memref<1000000x64xf32, #tpu.memory_space<hbm>>) target(%arg7 : memref<128x64xf32, #tpu.memory_space<vmem>>) offsets(%dma_start3A_243 : memref<128xi32, #tpu.memory_space<vmem>>) semaphore(%arg13 : memref<!tpu.dma_semaphore, #tpu.memory_space<semaphore_mem>>)
      } else {
      }
      %ge3A_210 = arith.constant 2 : i32
      %ge3A_211 = arith.cmpi sge, %add3A_196, %ge3A_210 : i32
      %convert_element_type3A_212 = arith.extui %ge3A_211 : i1 to i32
      %cond3A_213 = arith.constant 0 : i32
      %cond3A_214 = arith.cmpi ne, %convert_element_type3A_212, %cond3A_213 : i32
      scf.if %cond3A_214 {
        %sub3A = arith.constant 2 : i32
        %sub3A_239 = arith.subi %add3A_196, %sub3A : i32
        %dma_wait3A_240 = arith.constant 0 : i32
        %dma_wait3A_241 = arith.constant 0 : i32
        %dma_wait3A_242 = arith.constant 0 : i32
        %dma_wait3A_243 = tpu.memref_slice %arg11[%dma_wait3A_240, %dma_wait3A_241, %dma_wait3A_242] : memref<8x8x129xf32, #tpu.memory_space<vmem>> -> memref<8x8x128xf32, #tpu.memory_space<vmem>>
        %dma_wait3A_244 = arith.constant 0 : i32
        %dma_wait3A_245 = arith.constant 0 : i32
        %dma_wait3A_246 = arith.constant 0 : i32
        %dma_wait3A_247 = tpu.memref_slice %arg4[%sub3A_239, %dma_wait3A_244, %add3A, %dma_wait3A_245, %dma_wait3A_246] : memref<200x8x32x8x128xf32, #tpu.memory_space<hbm>> -> memref<1x8x1x8x128xf32, #tpu.memory_space<hbm>>
        %dma_wait3A_248 = tpu.memref_squeeze %dma_wait3A_247 : memref<1x8x1x8x128xf32, #tpu.memory_space<hbm>> -> memref<8x8x128xf32, #tpu.memory_space<hbm>>
        %dma_wait3A_249 = arith.constant 0 : i32
        %dma_wait3A_250 = arith.constant 0 : i32
        %dma_wait3A_251 = arith.constant 0 : i32
        %dma_wait3A_252 = tpu.memref_slice %arg4[%sub3A_239, %dma_wait3A_249, %add3A, %dma_wait3A_250, %dma_wait3A_251] : memref<200x8x32x8x128xf32, #tpu.memory_space<hbm>> -> memref<1x8x1x8x128xf32, #tpu.memory_space<hbm>>
        %dma_wait3A_253 = tpu.memref_squeeze %dma_wait3A_252 : memref<1x8x1x8x128xf32, #tpu.memory_space<hbm>> -> memref<8x8x128xf32, #tpu.memory_space<hbm>>
        %dma_wait3A_254 = arith.constant 0 : i32
        %dma_wait3A_255 = arith.constant 0 : i32
        %dma_wait3A_256 = arith.constant 0 : i32
        %dma_wait3A_257 = tpu.memref_slice %arg11[%dma_wait3A_254, %dma_wait3A_255, %dma_wait3A_256] : memref<8x8x129xf32, #tpu.memory_space<vmem>> -> memref<8x8x128xf32, #tpu.memory_space<vmem>>
        tpu.wait_dma2 semaphore(%arg17 : memref<!tpu.dma_semaphore, #tpu.memory_space<semaphore_mem>>) src(%dma_wait3A_257 : memref<8x8x128xf32, #tpu.memory_space<vmem>>) dst(%dma_wait3A_253 : memref<8x8x128xf32, #tpu.memory_space<hbm>>)
      } else {
      }
      %scan3A_215 = arith.constant 0 : i32
      %scan3A_216 = arith.constant 0 : i32
      %scan3A_217 = arith.constant 16 : i32
      %scan3A_218 = arith.addi %scan3A_216, %scan3A_217 : i32
      %scan3A_219 = arith.constant 1 : i32
      scf.for %scan3A_239 = %scan3A_216 to %scan3A_218 step %scan3A_219  : i32 {
        %mul3A_240 = arith.constant 8 : i32
        %mul3A_241 = arith.muli %scan3A_239, %mul3A_240 : i32
        %add3A_242 = arith.constant 0 : i32
        %add3A_243 = arith.addi %mul3A_241, %add3A_242 : i32
        %broadcast_in_dim3A = vector.broadcast %add3A_243 : i32 to vector<16xi32>
        %get3A = arith.index_cast %add3A_243 : i32 to index
        %get3A_244 = arith.constant 0 : index
        %get3A_245 = tpu.vector_load %arg9[%get3A, %get3A_244] {strides = array<i32>} : memref<128x64xf32, #tpu.memory_space<vmem>>, vector<16xf32>,
        %add3A_246 = arith.constant 0 : i32
        %add3A_247 = vector.broadcast %add3A_246 : i32 to vector<16xi32>
        %add3A_248 = arith.addi %add3A_247, %iota3A : vector<16xi32>
        %shift_right_arithmetic3A = arith.constant 3 : i32
        %shift_right_arithmetic3A_249 = vector.broadcast %shift_right_arithmetic3A : i32 to vector<16xi32>
        %shift_right_arithmetic3A_250 = arith.shrsi %add3A_248, %shift_right_arithmetic3A_249 : vector<16xi32>
        %and3A = arith.constant 7 : i32
        %and3A_251 = vector.broadcast %and3A : i32 to vector<16xi32>
        %and3A_252 = arith.andi %add3A_248, %and3A_251 : vector<16xi32>
        tpu.vector_store_idx %arg11[%shift_right_arithmetic3A_250, %and3A_252, %broadcast_in_dim3A], %get3A_245 : memref<8x8x129xf32, #tpu.memory_space<vmem>>[vector<16xi32>, vector<16xi32>, vector<16xi32>], vector<16xf32>,
        %get3A_253 = arith.index_cast %add3A_243 : i32 to index
        %get3A_254 = arith.constant 16 : index
        %get3A_255 = tpu.vector_load %arg9[%get3A_253, %get3A_254] {strides = array<i32>} : memref<128x64xf32, #tpu.memory_space<vmem>>, vector<16xf32>,
        %add3A_256 = arith.constant 16 : i32
        %add3A_257 = vector.broadcast %add3A_256 : i32 to vector<16xi32>
        %add3A_258 = arith.addi %add3A_257, %iota3A : vector<16xi32>
        %shift_right_arithmetic3A_259 = arith.constant 3 : i32
        %shift_right_arithmetic3A_260 = vector.broadcast %shift_right_arithmetic3A_259 : i32 to vector<16xi32>
        %shift_right_arithmetic3A_261 = arith.shrsi %add3A_258, %shift_right_arithmetic3A_260 : vector<16xi32>
        %and3A_262 = arith.constant 7 : i32
        %and3A_263 = vector.broadcast %and3A_262 : i32 to vector<16xi32>
        %and3A_264 = arith.andi %add3A_258, %and3A_263 : vector<16xi32>
        tpu.vector_store_idx %arg11[%shift_right_arithmetic3A_261, %and3A_264, %broadcast_in_dim3A], %get3A_255 : memref<8x8x129xf32, #tpu.memory_space<vmem>>[vector<16xi32>, vector<16xi32>, vector<16xi32>], vector<16xf32>,
        %get3A_265 = arith.index_cast %add3A_243 : i32 to index
        %get3A_266 = arith.constant 32 : index
        %get3A_267 = tpu.vector_load %arg9[%get3A_265, %get3A_266] {strides = array<i32>} : memref<128x64xf32, #tpu.memory_space<vmem>>, vector<16xf32>,
        %add3A_268 = arith.constant 32 : i32
        %add3A_269 = vector.broadcast %add3A_268 : i32 to vector<16xi32>
        %add3A_270 = arith.addi %add3A_269, %iota3A : vector<16xi32>
        %shift_right_arithmetic3A_271 = arith.constant 3 : i32
        %shift_right_arithmetic3A_272 = vector.broadcast %shift_right_arithmetic3A_271 : i32 to vector<16xi32>
        %shift_right_arithmetic3A_273 = arith.shrsi %add3A_270, %shift_right_arithmetic3A_272 : vector<16xi32>
        %and3A_274 = arith.constant 7 : i32
        %and3A_275 = vector.broadcast %and3A_274 : i32 to vector<16xi32>
        %and3A_276 = arith.andi %add3A_270, %and3A_275 : vector<16xi32>
        tpu.vector_store_idx %arg11[%shift_right_arithmetic3A_273, %and3A_276, %broadcast_in_dim3A], %get3A_267 : memref<8x8x129xf32, #tpu.memory_space<vmem>>[vector<16xi32>, vector<16xi32>, vector<16xi32>], vector<16xf32>,
        %get3A_277 = arith.index_cast %add3A_243 : i32 to index
        %get3A_278 = arith.constant 48 : index
        %get3A_279 = tpu.vector_load %arg9[%get3A_277, %get3A_278] {strides = array<i32>} : memref<128x64xf32, #tpu.memory_space<vmem>>, vector<16xf32>,
        %add3A_280 = arith.constant 48 : i32
        %add3A_281 = vector.broadcast %add3A_280 : i32 to vector<16xi32>
        %add3A_282 = arith.addi %add3A_281, %iota3A : vector<16xi32>
        %shift_right_arithmetic3A_283 = arith.constant 3 : i32
        %shift_right_arithmetic3A_284 = vector.broadcast %shift_right_arithmetic3A_283 : i32 to vector<16xi32>
        %shift_right_arithmetic3A_285 = arith.shrsi %add3A_282, %shift_right_arithmetic3A_284 : vector<16xi32>
        %and3A_286 = arith.constant 7 : i32
        %and3A_287 = vector.broadcast %and3A_286 : i32 to vector<16xi32>
        %and3A_288 = arith.andi %add3A_282, %and3A_287 : vector<16xi32>
        tpu.vector_store_idx %arg11[%shift_right_arithmetic3A_285, %and3A_288, %broadcast_in_dim3A], %get3A_279 : memref<8x8x129xf32, #tpu.memory_space<vmem>>[vector<16xi32>, vector<16xi32>, vector<16xi32>], vector<16xf32>,
        %mul3A_289 = arith.constant 8 : i32
        %mul3A_290 = arith.muli %scan3A_239, %mul3A_289 : i32
        %add3A_291 = arith.constant 1 : i32
        %add3A_292 = arith.addi %mul3A_290, %add3A_291 : i32
        %broadcast_in_dim3A_293 = vector.broadcast %add3A_292 : i32 to vector<16xi32>
        %get3A_294 = arith.index_cast %add3A_292 : i32 to index
        %get3A_295 = arith.constant 0 : index
        %get3A_296 = tpu.vector_load %arg9[%get3A_294, %get3A_295] {strides = array<i32>} : memref<128x64xf32, #tpu.memory_space<vmem>>, vector<16xf32>,
        %add3A_297 = arith.constant 0 : i32
        %add3A_298 = vector.broadcast %add3A_297 : i32 to vector<16xi32>
        %add3A_299 = arith.addi %add3A_298, %iota3A : vector<16xi32>
        %shift_right_arithmetic3A_300 = arith.constant 3 : i32
        %shift_right_arithmetic3A_301 = vector.broadcast %shift_right_arithmetic3A_300 : i32 to vector<16xi32>
        %shift_right_arithmetic3A_302 = arith.shrsi %add3A_299, %shift_right_arithmetic3A_301 : vector<16xi32>
        %and3A_303 = arith.constant 7 : i32
        %and3A_304 = vector.broadcast %and3A_303 : i32 to vector<16xi32>
        %and3A_305 = arith.andi %add3A_299, %and3A_304 : vector<16xi32>
        tpu.vector_store_idx %arg11[%shift_right_arithmetic3A_302, %and3A_305, %broadcast_in_dim3A_293], %get3A_296 : memref<8x8x129xf32, #tpu.memory_space<vmem>>[vector<16xi32>, vector<16xi32>, vector<16xi32>], vector<16xf32>,
        %get3A_306 = arith.index_cast %add3A_292 : i32 to index
        %get3A_307 = arith.constant 16 : index
        %get3A_308 = tpu.vector_load %arg9[%get3A_306, %get3A_307] {strides = array<i32>} : memref<128x64xf32, #tpu.memory_space<vmem>>, vector<16xf32>,
        %add3A_309 = arith.constant 16 : i32
        %add3A_310 = vector.broadcast %add3A_309 : i32 to vector<16xi32>
        %add3A_311 = arith.addi %add3A_310, %iota3A : vector<16xi32>
        %shift_right_arithmetic3A_312 = arith.constant 3 : i32
        %shift_right_arithmetic3A_313 = vector.broadcast %shift_right_arithmetic3A_312 : i32 to vector<16xi32>
        %shift_right_arithmetic3A_314 = arith.shrsi %add3A_311, %shift_right_arithmetic3A_313 : vector<16xi32>
        %and3A_315 = arith.constant 7 : i32
        %and3A_316 = vector.broadcast %and3A_315 : i32 to vector<16xi32>
        %and3A_317 = arith.andi %add3A_311, %and3A_316 : vector<16xi32>
        tpu.vector_store_idx %arg11[%shift_right_arithmetic3A_314, %and3A_317, %broadcast_in_dim3A_293], %get3A_308 : memref<8x8x129xf32, #tpu.memory_space<vmem>>[vector<16xi32>, vector<16xi32>, vector<16xi32>], vector<16xf32>,
        %get3A_318 = arith.index_cast %add3A_292 : i32 to index
        %get3A_319 = arith.constant 32 : index
        %get3A_320 = tpu.vector_load %arg9[%get3A_318, %get3A_319] {strides = array<i32>} : memref<128x64xf32, #tpu.memory_space<vmem>>, vector<16xf32>,
        %add3A_321 = arith.constant 32 : i32
        %add3A_322 = vector.broadcast %add3A_321 : i32 to vector<16xi32>
        %add3A_323 = arith.addi %add3A_322, %iota3A : vector<16xi32>
        %shift_right_arithmetic3A_324 = arith.constant 3 : i32
        %shift_right_arithmetic3A_325 = vector.broadcast %shift_right_arithmetic3A_324 : i32 to vector<16xi32>
        %shift_right_arithmetic3A_326 = arith.shrsi %add3A_323, %shift_right_arithmetic3A_325 : vector<16xi32>
        %and3A_327 = arith.constant 7 : i32
        %and3A_328 = vector.broadcast %and3A_327 : i32 to vector<16xi32>
        %and3A_329 = arith.andi %add3A_323, %and3A_328 : vector<16xi32>
        tpu.vector_store_idx %arg11[%shift_right_arithmetic3A_326, %and3A_329, %broadcast_in_dim3A_293], %get3A_320 : memref<8x8x129xf32, #tpu.memory_space<vmem>>[vector<16xi32>, vector<16xi32>, vector<16xi32>], vector<16xf32>,
        %get3A_330 = arith.index_cast %add3A_292 : i32 to index
        %get3A_331 = arith.constant 48 : index
        %get3A_332 = tpu.vector_load %arg9[%get3A_330, %get3A_331] {strides = array<i32>} : memref<128x64xf32, #tpu.memory_space<vmem>>, vector<16xf32>,
        %add3A_333 = arith.constant 48 : i32
        %add3A_334 = vector.broadcast %add3A_333 : i32 to vector<16xi32>
        %add3A_335 = arith.addi %add3A_334, %iota3A : vector<16xi32>
        %shift_right_arithmetic3A_336 = arith.constant 3 : i32
        %shift_right_arithmetic3A_337 = vector.broadcast %shift_right_arithmetic3A_336 : i32 to vector<16xi32>
        %shift_right_arithmetic3A_338 = arith.shrsi %add3A_335, %shift_right_arithmetic3A_337 : vector<16xi32>
        %and3A_339 = arith.constant 7 : i32
        %and3A_340 = vector.broadcast %and3A_339 : i32 to vector<16xi32>
        %and3A_341 = arith.andi %add3A_335, %and3A_340 : vector<16xi32>
        tpu.vector_store_idx %arg11[%shift_right_arithmetic3A_338, %and3A_341, %broadcast_in_dim3A_293], %get3A_332 : memref<8x8x129xf32, #tpu.memory_space<vmem>>[vector<16xi32>, vector<16xi32>, vector<16xi32>], vector<16xf32>,
        %mul3A_342 = arith.constant 8 : i32
        %mul3A_343 = arith.muli %scan3A_239, %mul3A_342 : i32
        %add3A_344 = arith.constant 2 : i32
        %add3A_345 = arith.addi %mul3A_343, %add3A_344 : i32
        %broadcast_in_dim3A_346 = vector.broadcast %add3A_345 : i32 to vector<16xi32>
        %get3A_347 = arith.index_cast %add3A_345 : i32 to index
        %get3A_348 = arith.constant 0 : index
        %get3A_349 = tpu.vector_load %arg9[%get3A_347, %get3A_348] {strides = array<i32>} : memref<128x64xf32, #tpu.memory_space<vmem>>, vector<16xf32>,
        %add3A_350 = arith.constant 0 : i32
        %add3A_351 = vector.broadcast %add3A_350 : i32 to vector<16xi32>
        %add3A_352 = arith.addi %add3A_351, %iota3A : vector<16xi32>
        %shift_right_arithmetic3A_353 = arith.constant 3 : i32
        %shift_right_arithmetic3A_354 = vector.broadcast %shift_right_arithmetic3A_353 : i32 to vector<16xi32>
        %shift_right_arithmetic3A_355 = arith.shrsi %add3A_352, %shift_right_arithmetic3A_354 : vector<16xi32>
        %and3A_356 = arith.constant 7 : i32
        %and3A_357 = vector.broadcast %and3A_356 : i32 to vector<16xi32>
        %and3A_358 = arith.andi %add3A_352, %and3A_357 : vector<16xi32>
        tpu.vector_store_idx %arg11[%shift_right_arithmetic3A_355, %and3A_358, %broadcast_in_dim3A_346], %get3A_349 : memref<8x8x129xf32, #tpu.memory_space<vmem>>[vector<16xi32>, vector<16xi32>, vector<16xi32>], vector<16xf32>,
        %get3A_359 = arith.index_cast %add3A_345 : i32 to index
        %get3A_360 = arith.constant 16 : index
        %get3A_361 = tpu.vector_load %arg9[%get3A_359, %get3A_360] {strides = array<i32>} : memref<128x64xf32, #tpu.memory_space<vmem>>, vector<16xf32>,
        %add3A_362 = arith.constant 16 : i32
        %add3A_363 = vector.broadcast %add3A_362 : i32 to vector<16xi32>
        %add3A_364 = arith.addi %add3A_363, %iota3A : vector<16xi32>
        %shift_right_arithmetic3A_365 = arith.constant 3 : i32
        %shift_right_arithmetic3A_366 = vector.broadcast %shift_right_arithmetic3A_365 : i32 to vector<16xi32>
        %shift_right_arithmetic3A_367 = arith.shrsi %add3A_364, %shift_right_arithmetic3A_366 : vector<16xi32>
        %and3A_368 = arith.constant 7 : i32
        %and3A_369 = vector.broadcast %and3A_368 : i32 to vector<16xi32>
        %and3A_370 = arith.andi %add3A_364, %and3A_369 : vector<16xi32>
        tpu.vector_store_idx %arg11[%shift_right_arithmetic3A_367, %and3A_370, %broadcast_in_dim3A_346], %get3A_361 : memref<8x8x129xf32, #tpu.memory_space<vmem>>[vector<16xi32>, vector<16xi32>, vector<16xi32>], vector<16xf32>,
        %get3A_371 = arith.index_cast %add3A_345 : i32 to index
        %get3A_372 = arith.constant 32 : index
        %get3A_373 = tpu.vector_load %arg9[%get3A_371, %get3A_372] {strides = array<i32>} : memref<128x64xf32, #tpu.memory_space<vmem>>, vector<16xf32>,
        %add3A_374 = arith.constant 32 : i32
        %add3A_375 = vector.broadcast %add3A_374 : i32 to vector<16xi32>
        %add3A_376 = arith.addi %add3A_375, %iota3A : vector<16xi32>
        %shift_right_arithmetic3A_377 = arith.constant 3 : i32
        %shift_right_arithmetic3A_378 = vector.broadcast %shift_right_arithmetic3A_377 : i32 to vector<16xi32>
        %shift_right_arithmetic3A_379 = arith.shrsi %add3A_376, %shift_right_arithmetic3A_378 : vector<16xi32>
        %and3A_380 = arith.constant 7 : i32
        %and3A_381 = vector.broadcast %and3A_380 : i32 to vector<16xi32>
        %and3A_382 = arith.andi %add3A_376, %and3A_381 : vector<16xi32>
        tpu.vector_store_idx %arg11[%shift_right_arithmetic3A_379, %and3A_382, %broadcast_in_dim3A_346], %get3A_373 : memref<8x8x129xf32, #tpu.memory_space<vmem>>[vector<16xi32>, vector<16xi32>, vector<16xi32>], vector<16xf32>,
        %get3A_383 = arith.index_cast %add3A_345 : i32 to index
        %get3A_384 = arith.constant 48 : index
        %get3A_385 = tpu.vector_load %arg9[%get3A_383, %get3A_384] {strides = array<i32>} : memref<128x64xf32, #tpu.memory_space<vmem>>, vector<16xf32>,
        %add3A_386 = arith.constant 48 : i32
        %add3A_387 = vector.broadcast %add3A_386 : i32 to vector<16xi32>
        %add3A_388 = arith.addi %add3A_387, %iota3A : vector<16xi32>
        %shift_right_arithmetic3A_389 = arith.constant 3 : i32
        %shift_right_arithmetic3A_390 = vector.broadcast %shift_right_arithmetic3A_389 : i32 to vector<16xi32>
        %shift_right_arithmetic3A_391 = arith.shrsi %add3A_388, %shift_right_arithmetic3A_390 : vector<16xi32>
        %and3A_392 = arith.constant 7 : i32
        %and3A_393 = vector.broadcast %and3A_392 : i32 to vector<16xi32>
        %and3A_394 = arith.andi %add3A_388, %and3A_393 : vector<16xi32>
        tpu.vector_store_idx %arg11[%shift_right_arithmetic3A_391, %and3A_394, %broadcast_in_dim3A_346], %get3A_385 : memref<8x8x129xf32, #tpu.memory_space<vmem>>[vector<16xi32>, vector<16xi32>, vector<16xi32>], vector<16xf32>,
        %mul3A_395 = arith.constant 8 : i32
        %mul3A_396 = arith.muli %scan3A_239, %mul3A_395 : i32
        %add3A_397 = arith.constant 3 : i32
        %add3A_398 = arith.addi %mul3A_396, %add3A_397 : i32
        %broadcast_in_dim3A_399 = vector.broadcast %add3A_398 : i32 to vector<16xi32>
        %get3A_400 = arith.index_cast %add3A_398 : i32 to index
        %get3A_401 = arith.constant 0 : index
        %get3A_402 = tpu.vector_load %arg9[%get3A_400, %get3A_401] {strides = array<i32>} : memref<128x64xf32, #tpu.memory_space<vmem>>, vector<16xf32>,
        %add3A_403 = arith.constant 0 : i32
        %add3A_404 = vector.broadcast %add3A_403 : i32 to vector<16xi32>
        %add3A_405 = arith.addi %add3A_404, %iota3A : vector<16xi32>
        %shift_right_arithmetic3A_406 = arith.constant 3 : i32
        %shift_right_arithmetic3A_407 = vector.broadcast %shift_right_arithmetic3A_406 : i32 to vector<16xi32>
        %shift_right_arithmetic3A_408 = arith.shrsi %add3A_405, %shift_right_arithmetic3A_407 : vector<16xi32>
        %and3A_409 = arith.constant 7 : i32
        %and3A_410 = vector.broadcast %and3A_409 : i32 to vector<16xi32>
        %and3A_411 = arith.andi %add3A_405, %and3A_410 : vector<16xi32>
        tpu.vector_store_idx %arg11[%shift_right_arithmetic3A_408, %and3A_411, %broadcast_in_dim3A_399], %get3A_402 : memref<8x8x129xf32, #tpu.memory_space<vmem>>[vector<16xi32>, vector<16xi32>, vector<16xi32>], vector<16xf32>,
        %get3A_412 = arith.index_cast %add3A_398 : i32 to index
        %get3A_413 = arith.constant 16 : index
        %get3A_414 = tpu.vector_load %arg9[%get3A_412, %get3A_413] {strides = array<i32>} : memref<128x64xf32, #tpu.memory_space<vmem>>, vector<16xf32>,
        %add3A_415 = arith.constant 16 : i32
        %add3A_416 = vector.broadcast %add3A_415 : i32 to vector<16xi32>
        %add3A_417 = arith.addi %add3A_416, %iota3A : vector<16xi32>
        %shift_right_arithmetic3A_418 = arith.constant 3 : i32
        %shift_right_arithmetic3A_419 = vector.broadcast %shift_right_arithmetic3A_418 : i32 to vector<16xi32>
        %shift_right_arithmetic3A_420 = arith.shrsi %add3A_417, %shift_right_arithmetic3A_419 : vector<16xi32>
        %and3A_421 = arith.constant 7 : i32
        %and3A_422 = vector.broadcast %and3A_421 : i32 to vector<16xi32>
        %and3A_423 = arith.andi %add3A_417, %and3A_422 : vector<16xi32>
        tpu.vector_store_idx %arg11[%shift_right_arithmetic3A_420, %and3A_423, %broadcast_in_dim3A_399], %get3A_414 : memref<8x8x129xf32, #tpu.memory_space<vmem>>[vector<16xi32>, vector<16xi32>, vector<16xi32>], vector<16xf32>,
        %get3A_424 = arith.index_cast %add3A_398 : i32 to index
        %get3A_425 = arith.constant 32 : index
        %get3A_426 = tpu.vector_load %arg9[%get3A_424, %get3A_425] {strides = array<i32>} : memref<128x64xf32, #tpu.memory_space<vmem>>, vector<16xf32>,
        %add3A_427 = arith.constant 32 : i32
        %add3A_428 = vector.broadcast %add3A_427 : i32 to vector<16xi32>
        %add3A_429 = arith.addi %add3A_428, %iota3A : vector<16xi32>
        %shift_right_arithmetic3A_430 = arith.constant 3 : i32
        %shift_right_arithmetic3A_431 = vector.broadcast %shift_right_arithmetic3A_430 : i32 to vector<16xi32>
        %shift_right_arithmetic3A_432 = arith.shrsi %add3A_429, %shift_right_arithmetic3A_431 : vector<16xi32>
        %and3A_433 = arith.constant 7 : i32
        %and3A_434 = vector.broadcast %and3A_433 : i32 to vector<16xi32>
        %and3A_435 = arith.andi %add3A_429, %and3A_434 : vector<16xi32>
        tpu.vector_store_idx %arg11[%shift_right_arithmetic3A_432, %and3A_435, %broadcast_in_dim3A_399], %get3A_426 : memref<8x8x129xf32, #tpu.memory_space<vmem>>[vector<16xi32>, vector<16xi32>, vector<16xi32>], vector<16xf32>,
        %get3A_436 = arith.index_cast %add3A_398 : i32 to index
        %get3A_437 = arith.constant 48 : index
        %get3A_438 = tpu.vector_load %arg9[%get3A_436, %get3A_437] {strides = array<i32>} : memref<128x64xf32, #tpu.memory_space<vmem>>, vector<16xf32>,
        %add3A_439 = arith.constant 48 : i32
        %add3A_440 = vector.broadcast %add3A_439 : i32 to vector<16xi32>
        %add3A_441 = arith.addi %add3A_440, %iota3A : vector<16xi32>
        %shift_right_arithmetic3A_442 = arith.constant 3 : i32
        %shift_right_arithmetic3A_443 = vector.broadcast %shift_right_arithmetic3A_442 : i32 to vector<16xi32>
        %shift_right_arithmetic3A_444 = arith.shrsi %add3A_441, %shift_right_arithmetic3A_443 : vector<16xi32>
        %and3A_445 = arith.constant 7 : i32
        %and3A_446 = vector.broadcast %and3A_445 : i32 to vector<16xi32>
        %and3A_447 = arith.andi %add3A_441, %and3A_446 : vector<16xi32>
        tpu.vector_store_idx %arg11[%shift_right_arithmetic3A_444, %and3A_447, %broadcast_in_dim3A_399], %get3A_438 : memref<8x8x129xf32, #tpu.memory_space<vmem>>[vector<16xi32>, vector<16xi32>, vector<16xi32>], vector<16xf32>,
        %mul3A_448 = arith.constant 8 : i32
        %mul3A_449 = arith.muli %scan3A_239, %mul3A_448 : i32
        %add3A_450 = arith.constant 4 : i32
        %add3A_451 = arith.addi %mul3A_449, %add3A_450 : i32
        %broadcast_in_dim3A_452 = vector.broadcast %add3A_451 : i32 to vector<16xi32>
        %get3A_453 = arith.index_cast %add3A_451 : i32 to index
        %get3A_454 = arith.constant 0 : index
        %get3A_455 = tpu.vector_load %arg9[%get3A_453, %get3A_454] {strides = array<i32>} : memref<128x64xf32, #tpu.memory_space<vmem>>, vector<16xf32>,
        %add3A_456 = arith.constant 0 : i32
        %add3A_457 = vector.broadcast %add3A_456 : i32 to vector<16xi32>
        %add3A_458 = arith.addi %add3A_457, %iota3A : vector<16xi32>
        %shift_right_arithmetic3A_459 = arith.constant 3 : i32
        %shift_right_arithmetic3A_460 = vector.broadcast %shift_right_arithmetic3A_459 : i32 to vector<16xi32>
        %shift_right_arithmetic3A_461 = arith.shrsi %add3A_458, %shift_right_arithmetic3A_460 : vector<16xi32>
        %and3A_462 = arith.constant 7 : i32
        %and3A_463 = vector.broadcast %and3A_462 : i32 to vector<16xi32>
        %and3A_464 = arith.andi %add3A_458, %and3A_463 : vector<16xi32>
        tpu.vector_store_idx %arg11[%shift_right_arithmetic3A_461, %and3A_464, %broadcast_in_dim3A_452], %get3A_455 : memref<8x8x129xf32, #tpu.memory_space<vmem>>[vector<16xi32>, vector<16xi32>, vector<16xi32>], vector<16xf32>,
        %get3A_465 = arith.index_cast %add3A_451 : i32 to index
        %get3A_466 = arith.constant 16 : index
        %get3A_467 = tpu.vector_load %arg9[%get3A_465, %get3A_466] {strides = array<i32>} : memref<128x64xf32, #tpu.memory_space<vmem>>, vector<16xf32>,
        %add3A_468 = arith.constant 16 : i32
        %add3A_469 = vector.broadcast %add3A_468 : i32 to vector<16xi32>
        %add3A_470 = arith.addi %add3A_469, %iota3A : vector<16xi32>
        %shift_right_arithmetic3A_471 = arith.constant 3 : i32
        %shift_right_arithmetic3A_472 = vector.broadcast %shift_right_arithmetic3A_471 : i32 to vector<16xi32>
        %shift_right_arithmetic3A_473 = arith.shrsi %add3A_470, %shift_right_arithmetic3A_472 : vector<16xi32>
        %and3A_474 = arith.constant 7 : i32
        %and3A_475 = vector.broadcast %and3A_474 : i32 to vector<16xi32>
        %and3A_476 = arith.andi %add3A_470, %and3A_475 : vector<16xi32>
        tpu.vector_store_idx %arg11[%shift_right_arithmetic3A_473, %and3A_476, %broadcast_in_dim3A_452], %get3A_467 : memref<8x8x129xf32, #tpu.memory_space<vmem>>[vector<16xi32>, vector<16xi32>, vector<16xi32>], vector<16xf32>,
        %get3A_477 = arith.index_cast %add3A_451 : i32 to index
        %get3A_478 = arith.constant 32 : index
        %get3A_479 = tpu.vector_load %arg9[%get3A_477, %get3A_478] {strides = array<i32>} : memref<128x64xf32, #tpu.memory_space<vmem>>, vector<16xf32>,
        %add3A_480 = arith.constant 32 : i32
        %add3A_481 = vector.broadcast %add3A_480 : i32 to vector<16xi32>
        %add3A_482 = arith.addi %add3A_481, %iota3A : vector<16xi32>
        %shift_right_arithmetic3A_483 = arith.constant 3 : i32
        %shift_right_arithmetic3A_484 = vector.broadcast %shift_right_arithmetic3A_483 : i32 to vector<16xi32>
        %shift_right_arithmetic3A_485 = arith.shrsi %add3A_482, %shift_right_arithmetic3A_484 : vector<16xi32>
        %and3A_486 = arith.constant 7 : i32
        %and3A_487 = vector.broadcast %and3A_486 : i32 to vector<16xi32>
        %and3A_488 = arith.andi %add3A_482, %and3A_487 : vector<16xi32>
        tpu.vector_store_idx %arg11[%shift_right_arithmetic3A_485, %and3A_488, %broadcast_in_dim3A_452], %get3A_479 : memref<8x8x129xf32, #tpu.memory_space<vmem>>[vector<16xi32>, vector<16xi32>, vector<16xi32>], vector<16xf32>,
        %get3A_489 = arith.index_cast %add3A_451 : i32 to index
        %get3A_490 = arith.constant 48 : index
        %get3A_491 = tpu.vector_load %arg9[%get3A_489, %get3A_490] {strides = array<i32>} : memref<128x64xf32, #tpu.memory_space<vmem>>, vector<16xf32>,
        %add3A_492 = arith.constant 48 : i32
        %add3A_493 = vector.broadcast %add3A_492 : i32 to vector<16xi32>
        %add3A_494 = arith.addi %add3A_493, %iota3A : vector<16xi32>
        %shift_right_arithmetic3A_495 = arith.constant 3 : i32
        %shift_right_arithmetic3A_496 = vector.broadcast %shift_right_arithmetic3A_495 : i32 to vector<16xi32>
        %shift_right_arithmetic3A_497 = arith.shrsi %add3A_494, %shift_right_arithmetic3A_496 : vector<16xi32>
        %and3A_498 = arith.constant 7 : i32
        %and3A_499 = vector.broadcast %and3A_498 : i32 to vector<16xi32>
        %and3A_500 = arith.andi %add3A_494, %and3A_499 : vector<16xi32>
        tpu.vector_store_idx %arg11[%shift_right_arithmetic3A_497, %and3A_500, %broadcast_in_dim3A_452], %get3A_491 : memref<8x8x129xf32, #tpu.memory_space<vmem>>[vector<16xi32>, vector<16xi32>, vector<16xi32>], vector<16xf32>,
        %mul3A_501 = arith.constant 8 : i32
        %mul3A_502 = arith.muli %scan3A_239, %mul3A_501 : i32
        %add3A_503 = arith.constant 5 : i32
        %add3A_504 = arith.addi %mul3A_502, %add3A_503 : i32
        %broadcast_in_dim3A_505 = vector.broadcast %add3A_504 : i32 to vector<16xi32>
        %get3A_506 = arith.index_cast %add3A_504 : i32 to index
        %get3A_507 = arith.constant 0 : index
        %get3A_508 = tpu.vector_load %arg9[%get3A_506, %get3A_507] {strides = array<i32>} : memref<128x64xf32, #tpu.memory_space<vmem>>, vector<16xf32>,
        %add3A_509 = arith.constant 0 : i32
        %add3A_510 = vector.broadcast %add3A_509 : i32 to vector<16xi32>
        %add3A_511 = arith.addi %add3A_510, %iota3A : vector<16xi32>
        %shift_right_arithmetic3A_512 = arith.constant 3 : i32
        %shift_right_arithmetic3A_513 = vector.broadcast %shift_right_arithmetic3A_512 : i32 to vector<16xi32>
        %shift_right_arithmetic3A_514 = arith.shrsi %add3A_511, %shift_right_arithmetic3A_513 : vector<16xi32>
        %and3A_515 = arith.constant 7 : i32
        %and3A_516 = vector.broadcast %and3A_515 : i32 to vector<16xi32>
        %and3A_517 = arith.andi %add3A_511, %and3A_516 : vector<16xi32>
        tpu.vector_store_idx %arg11[%shift_right_arithmetic3A_514, %and3A_517, %broadcast_in_dim3A_505], %get3A_508 : memref<8x8x129xf32, #tpu.memory_space<vmem>>[vector<16xi32>, vector<16xi32>, vector<16xi32>], vector<16xf32>,
        %get3A_518 = arith.index_cast %add3A_504 : i32 to index
        %get3A_519 = arith.constant 16 : index
        %get3A_520 = tpu.vector_load %arg9[%get3A_518, %get3A_519] {strides = array<i32>} : memref<128x64xf32, #tpu.memory_space<vmem>>, vector<16xf32>,
        %add3A_521 = arith.constant 16 : i32
        %add3A_522 = vector.broadcast %add3A_521 : i32 to vector<16xi32>
        %add3A_523 = arith.addi %add3A_522, %iota3A : vector<16xi32>
        %shift_right_arithmetic3A_524 = arith.constant 3 : i32
        %shift_right_arithmetic3A_525 = vector.broadcast %shift_right_arithmetic3A_524 : i32 to vector<16xi32>
        %shift_right_arithmetic3A_526 = arith.shrsi %add3A_523, %shift_right_arithmetic3A_525 : vector<16xi32>
        %and3A_527 = arith.constant 7 : i32
        %and3A_528 = vector.broadcast %and3A_527 : i32 to vector<16xi32>
        %and3A_529 = arith.andi %add3A_523, %and3A_528 : vector<16xi32>
        tpu.vector_store_idx %arg11[%shift_right_arithmetic3A_526, %and3A_529, %broadcast_in_dim3A_505], %get3A_520 : memref<8x8x129xf32, #tpu.memory_space<vmem>>[vector<16xi32>, vector<16xi32>, vector<16xi32>], vector<16xf32>,
        %get3A_530 = arith.index_cast %add3A_504 : i32 to index
        %get3A_531 = arith.constant 32 : index
        %get3A_532 = tpu.vector_load %arg9[%get3A_530, %get3A_531] {strides = array<i32>} : memref<128x64xf32, #tpu.memory_space<vmem>>, vector<16xf32>,
        %add3A_533 = arith.constant 32 : i32
        %add3A_534 = vector.broadcast %add3A_533 : i32 to vector<16xi32>
        %add3A_535 = arith.addi %add3A_534, %iota3A : vector<16xi32>
        %shift_right_arithmetic3A_536 = arith.constant 3 : i32
        %shift_right_arithmetic3A_537 = vector.broadcast %shift_right_arithmetic3A_536 : i32 to vector<16xi32>
        %shift_right_arithmetic3A_538 = arith.shrsi %add3A_535, %shift_right_arithmetic3A_537 : vector<16xi32>
        %and3A_539 = arith.constant 7 : i32
        %and3A_540 = vector.broadcast %and3A_539 : i32 to vector<16xi32>
        %and3A_541 = arith.andi %add3A_535, %and3A_540 : vector<16xi32>
        tpu.vector_store_idx %arg11[%shift_right_arithmetic3A_538, %and3A_541, %broadcast_in_dim3A_505], %get3A_532 : memref<8x8x129xf32, #tpu.memory_space<vmem>>[vector<16xi32>, vector<16xi32>, vector<16xi32>], vector<16xf32>,
        %get3A_542 = arith.index_cast %add3A_504 : i32 to index
        %get3A_543 = arith.constant 48 : index
        %get3A_544 = tpu.vector_load %arg9[%get3A_542, %get3A_543] {strides = array<i32>} : memref<128x64xf32, #tpu.memory_space<vmem>>, vector<16xf32>,
        %add3A_545 = arith.constant 48 : i32
        %add3A_546 = vector.broadcast %add3A_545 : i32 to vector<16xi32>
        %add3A_547 = arith.addi %add3A_546, %iota3A : vector<16xi32>
        %shift_right_arithmetic3A_548 = arith.constant 3 : i32
        %shift_right_arithmetic3A_549 = vector.broadcast %shift_right_arithmetic3A_548 : i32 to vector<16xi32>
        %shift_right_arithmetic3A_550 = arith.shrsi %add3A_547, %shift_right_arithmetic3A_549 : vector<16xi32>
        %and3A_551 = arith.constant 7 : i32
        %and3A_552 = vector.broadcast %and3A_551 : i32 to vector<16xi32>
        %and3A_553 = arith.andi %add3A_547, %and3A_552 : vector<16xi32>
        tpu.vector_store_idx %arg11[%shift_right_arithmetic3A_550, %and3A_553, %broadcast_in_dim3A_505], %get3A_544 : memref<8x8x129xf32, #tpu.memory_space<vmem>>[vector<16xi32>, vector<16xi32>, vector<16xi32>], vector<16xf32>,
        %mul3A_554 = arith.constant 8 : i32
        %mul3A_555 = arith.muli %scan3A_239, %mul3A_554 : i32
        %add3A_556 = arith.constant 6 : i32
        %add3A_557 = arith.addi %mul3A_555, %add3A_556 : i32
        %broadcast_in_dim3A_558 = vector.broadcast %add3A_557 : i32 to vector<16xi32>
        %get3A_559 = arith.index_cast %add3A_557 : i32 to index
        %get3A_560 = arith.constant 0 : index
        %get3A_561 = tpu.vector_load %arg9[%get3A_559, %get3A_560] {strides = array<i32>} : memref<128x64xf32, #tpu.memory_space<vmem>>, vector<16xf32>,
        %add3A_562 = arith.constant 0 : i32
        %add3A_563 = vector.broadcast %add3A_562 : i32 to vector<16xi32>
        %add3A_564 = arith.addi %add3A_563, %iota3A : vector<16xi32>
        %shift_right_arithmetic3A_565 = arith.constant 3 : i32
        %shift_right_arithmetic3A_566 = vector.broadcast %shift_right_arithmetic3A_565 : i32 to vector<16xi32>
        %shift_right_arithmetic3A_567 = arith.shrsi %add3A_564, %shift_right_arithmetic3A_566 : vector<16xi32>
        %and3A_568 = arith.constant 7 : i32
        %and3A_569 = vector.broadcast %and3A_568 : i32 to vector<16xi32>
        %and3A_570 = arith.andi %add3A_564, %and3A_569 : vector<16xi32>
        tpu.vector_store_idx %arg11[%shift_right_arithmetic3A_567, %and3A_570, %broadcast_in_dim3A_558], %get3A_561 : memref<8x8x129xf32, #tpu.memory_space<vmem>>[vector<16xi32>, vector<16xi32>, vector<16xi32>], vector<16xf32>,
        %get3A_571 = arith.index_cast %add3A_557 : i32 to index
        %get3A_572 = arith.constant 16 : index
        %get3A_573 = tpu.vector_load %arg9[%get3A_571, %get3A_572] {strides = array<i32>} : memref<128x64xf32, #tpu.memory_space<vmem>>, vector<16xf32>,
        %add3A_574 = arith.constant 16 : i32
        %add3A_575 = vector.broadcast %add3A_574 : i32 to vector<16xi32>
        %add3A_576 = arith.addi %add3A_575, %iota3A : vector<16xi32>
        %shift_right_arithmetic3A_577 = arith.constant 3 : i32
        %shift_right_arithmetic3A_578 = vector.broadcast %shift_right_arithmetic3A_577 : i32 to vector<16xi32>
        %shift_right_arithmetic3A_579 = arith.shrsi %add3A_576, %shift_right_arithmetic3A_578 : vector<16xi32>
        %and3A_580 = arith.constant 7 : i32
        %and3A_581 = vector.broadcast %and3A_580 : i32 to vector<16xi32>
        %and3A_582 = arith.andi %add3A_576, %and3A_581 : vector<16xi32>
        tpu.vector_store_idx %arg11[%shift_right_arithmetic3A_579, %and3A_582, %broadcast_in_dim3A_558], %get3A_573 : memref<8x8x129xf32, #tpu.memory_space<vmem>>[vector<16xi32>, vector<16xi32>, vector<16xi32>], vector<16xf32>,
        %get3A_583 = arith.index_cast %add3A_557 : i32 to index
        %get3A_584 = arith.constant 32 : index
        %get3A_585 = tpu.vector_load %arg9[%get3A_583, %get3A_584] {strides = array<i32>} : memref<128x64xf32, #tpu.memory_space<vmem>>, vector<16xf32>,
        %add3A_586 = arith.constant 32 : i32
        %add3A_587 = vector.broadcast %add3A_586 : i32 to vector<16xi32>
        %add3A_588 = arith.addi %add3A_587, %iota3A : vector<16xi32>
        %shift_right_arithmetic3A_589 = arith.constant 3 : i32
        %shift_right_arithmetic3A_590 = vector.broadcast %shift_right_arithmetic3A_589 : i32 to vector<16xi32>
        %shift_right_arithmetic3A_591 = arith.shrsi %add3A_588, %shift_right_arithmetic3A_590 : vector<16xi32>
        %and3A_592 = arith.constant 7 : i32
        %and3A_593 = vector.broadcast %and3A_592 : i32 to vector<16xi32>
        %and3A_594 = arith.andi %add3A_588, %and3A_593 : vector<16xi32>
        tpu.vector_store_idx %arg11[%shift_right_arithmetic3A_591, %and3A_594, %broadcast_in_dim3A_558], %get3A_585 : memref<8x8x129xf32, #tpu.memory_space<vmem>>[vector<16xi32>, vector<16xi32>, vector<16xi32>], vector<16xf32>,
        %get3A_595 = arith.index_cast %add3A_557 : i32 to index
        %get3A_596 = arith.constant 48 : index
        %get3A_597 = tpu.vector_load %arg9[%get3A_595, %get3A_596] {strides = array<i32>} : memref<128x64xf32, #tpu.memory_space<vmem>>, vector<16xf32>,
        %add3A_598 = arith.constant 48 : i32
        %add3A_599 = vector.broadcast %add3A_598 : i32 to vector<16xi32>
        %add3A_600 = arith.addi %add3A_599, %iota3A : vector<16xi32>
        %shift_right_arithmetic3A_601 = arith.constant 3 : i32
        %shift_right_arithmetic3A_602 = vector.broadcast %shift_right_arithmetic3A_601 : i32 to vector<16xi32>
        %shift_right_arithmetic3A_603 = arith.shrsi %add3A_600, %shift_right_arithmetic3A_602 : vector<16xi32>
        %and3A_604 = arith.constant 7 : i32
        %and3A_605 = vector.broadcast %and3A_604 : i32 to vector<16xi32>
        %and3A_606 = arith.andi %add3A_600, %and3A_605 : vector<16xi32>
        tpu.vector_store_idx %arg11[%shift_right_arithmetic3A_603, %and3A_606, %broadcast_in_dim3A_558], %get3A_597 : memref<8x8x129xf32, #tpu.memory_space<vmem>>[vector<16xi32>, vector<16xi32>, vector<16xi32>], vector<16xf32>,
        %mul3A_607 = arith.constant 8 : i32
        %mul3A_608 = arith.muli %scan3A_239, %mul3A_607 : i32
        %add3A_609 = arith.constant 7 : i32
        %add3A_610 = arith.addi %mul3A_608, %add3A_609 : i32
        %broadcast_in_dim3A_611 = vector.broadcast %add3A_610 : i32 to vector<16xi32>
        %get3A_612 = arith.index_cast %add3A_610 : i32 to index
        %get3A_613 = arith.constant 0 : index
        %get3A_614 = tpu.vector_load %arg9[%get3A_612, %get3A_613] {strides = array<i32>} : memref<128x64xf32, #tpu.memory_space<vmem>>, vector<16xf32>,
        %add3A_615 = arith.constant 0 : i32
        %add3A_616 = vector.broadcast %add3A_615 : i32 to vector<16xi32>
        %add3A_617 = arith.addi %add3A_616, %iota3A : vector<16xi32>
        %shift_right_arithmetic3A_618 = arith.constant 3 : i32
        %shift_right_arithmetic3A_619 = vector.broadcast %shift_right_arithmetic3A_618 : i32 to vector<16xi32>
        %shift_right_arithmetic3A_620 = arith.shrsi %add3A_617, %shift_right_arithmetic3A_619 : vector<16xi32>
        %and3A_621 = arith.constant 7 : i32
        %and3A_622 = vector.broadcast %and3A_621 : i32 to vector<16xi32>
        %and3A_623 = arith.andi %add3A_617, %and3A_622 : vector<16xi32>
        tpu.vector_store_idx %arg11[%shift_right_arithmetic3A_620, %and3A_623, %broadcast_in_dim3A_611], %get3A_614 : memref<8x8x129xf32, #tpu.memory_space<vmem>>[vector<16xi32>, vector<16xi32>, vector<16xi32>], vector<16xf32>,
        %get3A_624 = arith.index_cast %add3A_610 : i32 to index
        %get3A_625 = arith.constant 16 : index
        %get3A_626 = tpu.vector_load %arg9[%get3A_624, %get3A_625] {strides = array<i32>} : memref<128x64xf32, #tpu.memory_space<vmem>>, vector<16xf32>,
        %add3A_627 = arith.constant 16 : i32
        %add3A_628 = vector.broadcast %add3A_627 : i32 to vector<16xi32>
        %add3A_629 = arith.addi %add3A_628, %iota3A : vector<16xi32>
        %shift_right_arithmetic3A_630 = arith.constant 3 : i32
        %shift_right_arithmetic3A_631 = vector.broadcast %shift_right_arithmetic3A_630 : i32 to vector<16xi32>
        %shift_right_arithmetic3A_632 = arith.shrsi %add3A_629, %shift_right_arithmetic3A_631 : vector<16xi32>
        %and3A_633 = arith.constant 7 : i32
        %and3A_634 = vector.broadcast %and3A_633 : i32 to vector<16xi32>
        %and3A_635 = arith.andi %add3A_629, %and3A_634 : vector<16xi32>
        tpu.vector_store_idx %arg11[%shift_right_arithmetic3A_632, %and3A_635, %broadcast_in_dim3A_611], %get3A_626 : memref<8x8x129xf32, #tpu.memory_space<vmem>>[vector<16xi32>, vector<16xi32>, vector<16xi32>], vector<16xf32>,
        %get3A_636 = arith.index_cast %add3A_610 : i32 to index
        %get3A_637 = arith.constant 32 : index
        %get3A_638 = tpu.vector_load %arg9[%get3A_636, %get3A_637] {strides = array<i32>} : memref<128x64xf32, #tpu.memory_space<vmem>>, vector<16xf32>,
        %add3A_639 = arith.constant 32 : i32
        %add3A_640 = vector.broadcast %add3A_639 : i32 to vector<16xi32>
        %add3A_641 = arith.addi %add3A_640, %iota3A : vector<16xi32>
        %shift_right_arithmetic3A_642 = arith.constant 3 : i32
        %shift_right_arithmetic3A_643 = vector.broadcast %shift_right_arithmetic3A_642 : i32 to vector<16xi32>
        %shift_right_arithmetic3A_644 = arith.shrsi %add3A_641, %shift_right_arithmetic3A_643 : vector<16xi32>
        %and3A_645 = arith.constant 7 : i32
        %and3A_646 = vector.broadcast %and3A_645 : i32 to vector<16xi32>
        %and3A_647 = arith.andi %add3A_641, %and3A_646 : vector<16xi32>
        tpu.vector_store_idx %arg11[%shift_right_arithmetic3A_644, %and3A_647, %broadcast_in_dim3A_611], %get3A_638 : memref<8x8x129xf32, #tpu.memory_space<vmem>>[vector<16xi32>, vector<16xi32>, vector<16xi32>], vector<16xf32>,
        %get3A_648 = arith.index_cast %add3A_610 : i32 to index
        %get3A_649 = arith.constant 48 : index
        %get3A_650 = tpu.vector_load %arg9[%get3A_648, %get3A_649] {strides = array<i32>} : memref<128x64xf32, #tpu.memory_space<vmem>>, vector<16xf32>,
        %add3A_651 = arith.constant 48 : i32
        %add3A_652 = vector.broadcast %add3A_651 : i32 to vector<16xi32>
        %add3A_653 = arith.addi %add3A_652, %iota3A : vector<16xi32>
        %shift_right_arithmetic3A_654 = arith.constant 3 : i32
        %shift_right_arithmetic3A_655 = vector.broadcast %shift_right_arithmetic3A_654 : i32 to vector<16xi32>
        %shift_right_arithmetic3A_656 = arith.shrsi %add3A_653, %shift_right_arithmetic3A_655 : vector<16xi32>
        %and3A_657 = arith.constant 7 : i32
        %and3A_658 = vector.broadcast %and3A_657 : i32 to vector<16xi32>
        %and3A_659 = arith.andi %add3A_653, %and3A_658 : vector<16xi32>
        tpu.vector_store_idx %arg11[%shift_right_arithmetic3A_656, %and3A_659, %broadcast_in_dim3A_611], %get3A_650 : memref<8x8x129xf32, #tpu.memory_space<vmem>>[vector<16xi32>, vector<16xi32>, vector<16xi32>], vector<16xf32>,
      }
      %scan3A_220 = arith.constant 16 : i32
      %dma_start3A_221 = arith.constant 0 : i32
      %dma_start3A_222 = arith.constant 0 : i32
      %dma_start3A_223 = arith.constant 0 : i32
      %dma_start3A_224 = tpu.memref_slice %arg11[%dma_start3A_221, %dma_start3A_222, %dma_start3A_223] : memref<8x8x129xf32, #tpu.memory_space<vmem>> -> memref<8x8x128xf32, #tpu.memory_space<vmem>>
      %dma_start3A_225 = arith.constant 0 : i32
      %dma_start3A_226 = arith.constant 0 : i32
      %dma_start3A_227 = arith.constant 0 : i32
      %dma_start3A_228 = tpu.memref_slice %arg4[%add3A_196, %dma_start3A_225, %add3A, %dma_start3A_226, %dma_start3A_227] : memref<200x8x32x8x128xf32, #tpu.memory_space<hbm>> -> memref<1x8x1x8x128xf32, #tpu.memory_space<hbm>>
      %dma_start3A_229 = tpu.memref_squeeze %dma_start3A_228 : memref<1x8x1x8x128xf32, #tpu.memory_space<hbm>> -> memref<8x8x128xf32, #tpu.memory_space<hbm>>
      %dma_start3A_230 = arith.constant 0 : i32
      %dma_start3A_231 = arith.constant 0 : i32
      %dma_start3A_232 = arith.constant 0 : i32
      %dma_start3A_233 = tpu.memref_slice %arg4[%add3A_196, %dma_start3A_230, %add3A, %dma_start3A_231, %dma_start3A_232] : memref<200x8x32x8x128xf32, #tpu.memory_space<hbm>> -> memref<1x8x1x8x128xf32, #tpu.memory_space<hbm>>
      %dma_start3A_234 = tpu.memref_squeeze %dma_start3A_233 : memref<1x8x1x8x128xf32, #tpu.memory_space<hbm>> -> memref<8x8x128xf32, #tpu.memory_space<hbm>>
      %dma_start3A_235 = arith.constant 0 : i32
      %dma_start3A_236 = arith.constant 0 : i32
      %dma_start3A_237 = arith.constant 0 : i32
      %dma_start3A_238 = tpu.memref_slice %arg11[%dma_start3A_235, %dma_start3A_236, %dma_start3A_237] : memref<8x8x129xf32, #tpu.memory_space<vmem>> -> memref<8x8x128xf32, #tpu.memory_space<vmem>>
      tpu.enqueue_dma source(%dma_start3A_238 : memref<8x8x128xf32, #tpu.memory_space<vmem>>) target(%dma_start3A_234 : memref<8x8x128xf32, #tpu.memory_space<hbm>>) target_semaphore(%arg17 : memref<!tpu.dma_semaphore, #tpu.memory_space<semaphore_mem>>)
    }
    %scan3A_20 = arith.constant 50 : i32
    %dma_wait3A = arith.constant 198 : i32
    %dma_wait3A_21 = arith.constant 0 : i32
    %dma_wait3A_22 = arith.constant 0 : i32
    %dma_wait3A_23 = arith.constant 0 : i32
    %dma_wait3A_24 = tpu.memref_slice %arg10[%dma_wait3A_21, %dma_wait3A_22, %dma_wait3A_23] : memref<8x8x129xf32, #tpu.memory_space<vmem>> -> memref<8x8x128xf32, #tpu.memory_space<vmem>>
    %dma_wait3A_25 = arith.constant 0 : i32
    %dma_wait3A_26 = arith.constant 0 : i32
    %dma_wait3A_27 = arith.constant 0 : i32
    %dma_wait3A_28 = tpu.memref_slice %arg4[%dma_wait3A, %dma_wait3A_25, %add3A, %dma_wait3A_26, %dma_wait3A_27] : memref<200x8x32x8x128xf32, #tpu.memory_space<hbm>> -> memref<1x8x1x8x128xf32, #tpu.memory_space<hbm>>
    %dma_wait3A_29 = tpu.memref_squeeze %dma_wait3A_28 : memref<1x8x1x8x128xf32, #tpu.memory_space<hbm>> -> memref<8x8x128xf32, #tpu.memory_space<hbm>>
    %dma_wait3A_30 = arith.constant 0 : i32
    %dma_wait3A_31 = arith.constant 0 : i32
    %dma_wait3A_32 = arith.constant 0 : i32
    %dma_wait3A_33 = tpu.memref_slice %arg4[%dma_wait3A, %dma_wait3A_30, %add3A, %dma_wait3A_31, %dma_wait3A_32] : memref<200x8x32x8x128xf32, #tpu.memory_space<hbm>> -> memref<1x8x1x8x128xf32, #tpu.memory_space<hbm>>
    %dma_wait3A_34 = tpu.memref_squeeze %dma_wait3A_33 : memref<1x8x1x8x128xf32, #tpu.memory_space<hbm>> -> memref<8x8x128xf32, #tpu.memory_space<hbm>>
    %dma_wait3A_35 = arith.constant 0 : i32
    %dma_wait3A_36 = arith.constant 0 : i32
    %dma_wait3A_37 = arith.constant 0 : i32
    %dma_wait3A_38 = tpu.memref_slice %arg10[%dma_wait3A_35, %dma_wait3A_36, %dma_wait3A_37] : memref<8x8x129xf32, #tpu.memory_space<vmem>> -> memref<8x8x128xf32, #tpu.memory_space<vmem>>
    tpu.wait_dma2 semaphore(%arg16 : memref<!tpu.dma_semaphore, #tpu.memory_space<semaphore_mem>>) src(%dma_wait3A_38 : memref<8x8x128xf32, #tpu.memory_space<vmem>>) dst(%dma_wait3A_34 : memref<8x8x128xf32, #tpu.memory_space<hbm>>)
    %dma_wait3A_39 = arith.constant 199 : i32
    %dma_wait3A_40 = arith.constant 0 : i32
    %dma_wait3A_41 = arith.constant 0 : i32
    %dma_wait3A_42 = arith.constant 0 : i32
    %dma_wait3A_43 = tpu.memref_slice %arg11[%dma_wait3A_40, %dma_wait3A_41, %dma_wait3A_42] : memref<8x8x129xf32, #tpu.memory_space<vmem>> -> memref<8x8x128xf32, #tpu.memory_space<vmem>>
    %dma_wait3A_44 = arith.constant 0 : i32
    %dma_wait3A_45 = arith.constant 0 : i32
    %dma_wait3A_46 = arith.constant 0 : i32
    %dma_wait3A_47 = tpu.memref_slice %arg4[%dma_wait3A_39, %dma_wait3A_44, %add3A, %dma_wait3A_45, %dma_wait3A_46] : memref<200x8x32x8x128xf32, #tpu.memory_space<hbm>> -> memref<1x8x1x8x128xf32, #tpu.memory_space<hbm>>
    %dma_wait3A_48 = tpu.memref_squeeze %dma_wait3A_47 : memref<1x8x1x8x128xf32, #tpu.memory_space<hbm>> -> memref<8x8x128xf32, #tpu.memory_space<hbm>>
    %dma_wait3A_49 = arith.constant 0 : i32
    %dma_wait3A_50 = arith.constant 0 : i32
    %dma_wait3A_51 = arith.constant 0 : i32
    %dma_wait3A_52 = tpu.memref_slice %arg4[%dma_wait3A_39, %dma_wait3A_49, %add3A, %dma_wait3A_50, %dma_wait3A_51] : memref<200x8x32x8x128xf32, #tpu.memory_space<hbm>> -> memref<1x8x1x8x128xf32, #tpu.memory_space<hbm>>
    %dma_wait3A_53 = tpu.memref_squeeze %dma_wait3A_52 : memref<1x8x1x8x128xf32, #tpu.memory_space<hbm>> -> memref<8x8x128xf32, #tpu.memory_space<hbm>>
    %dma_wait3A_54 = arith.constant 0 : i32
    %dma_wait3A_55 = arith.constant 0 : i32
    %dma_wait3A_56 = arith.constant 0 : i32
    %dma_wait3A_57 = tpu.memref_slice %arg11[%dma_wait3A_54, %dma_wait3A_55, %dma_wait3A_56] : memref<8x8x129xf32, #tpu.memory_space<vmem>> -> memref<8x8x128xf32, #tpu.memory_space<vmem>>
    tpu.wait_dma2 semaphore(%arg17 : memref<!tpu.dma_semaphore, #tpu.memory_space<semaphore_mem>>) src(%dma_wait3A_57 : memref<8x8x128xf32, #tpu.memory_space<vmem>>) dst(%dma_wait3A_53 : memref<8x8x128xf32, #tpu.memory_space<hbm>>)
    return
  }
}

</mosaic_0001>

<sc_bundles>
// kernel: kernel.3.cloned.1.call-start
scs
__scs_entry_jumppad:
0x0: {  	(pc) =	sbr.rel $0x88, $3  }
0x1: {  	(tag) =	ssettag $0x0;
	lr =	simm.s32 $0x1  }
0x2: {  	[smem:$0x3F9F] =	sst lr;
	_ =	strace $0xD0000000  }
0x3: {  	_ = 	snop  }
0x4: {  	_ = 	snop  }
0x5: {  	_ = 	snop  }
0x6: {  	_ = 	snop  }
0x7: {  	_ = 	snop  }
__scs_overlays_trampoline_lowered:
0x8: {  	[smem:$0x3FAE] =	sst s0  }
0x9: {  	[smem:$0x3FAF] =	sst s1  }
0xa: {  	[smem:$0x3FB0] =	sst s2  }
0xb: {  	[smem:$0x3FB1] =	sst s3  }
0xc: {  	[smem:$0x3FB2] =	sst s4  }
0xd: {  	[smem:$0x3FB3] =	sst s5  }
0xe: {  	[smem:$0x3FB4] =	sst s6  }
0xf: {  	[smem:$0x3FB5] =	sst s7  }
0x10: {  	[smem:$0x3FB6] =	sst s8  }
0x11: {  	[smem:$0x3FB7] =	sst s9;
	s0 =	simm.s32 @!p0 $0x0  }
0x12: {  	s1 =	sld [smem:$0x3F9D];
	s0 =	simm.s32 @p0 $0x1  }
0x13: {  	[smem:$0x3FB8] =	sst s0;
	s0 =	simm.s32 @!p1 $0x0  }
0x14: {  	s2 =	sld [smem:$0x3F9C];
	s0 =	simm.s32 @p1 $0x1  }
0x15: {  	[smem:$0x3FB9] =	sst s0;
	s0 =	simm.s32 @!p2 $0x0  }
0x16: {  	s3 =	sld [smem:$0x3FDB];
	s0 =	simm.s32 @p2 $0x1  }
0x17: {  	s4 =	simm.s32 $0x1BF5;
	[smem:$0x3FBB] =	sst s0  }
0x18: {  	s0 =	sld [smem:$0x3F9E];
	_ =	swait.ge [sflag:s4], $0x0  }
0x19: {  	s7 =	sld [smem:$0x3F9F]  }
0x1a: {  	s8 =	sadd.s32 $0xFFFFE003, lr  }
0x1b: {  	s9 =	sadd.s32 $0xFFFFFEF7, lr;
	s5 =	simm.s32 $0xFFFFFFFF;
	p2 =	slt.u32 s8, $0xFFFFF086  }
0x1c: {  	p1 =	slt.u32 s9, $0xF7A;
	s5 =	simm.s32 @!p2 $0x0  }
0x1d: {  	s5 =	simm.s32 @p1 $0x1;
	p0 =	seq.s32 s7, s2  }
0x1e: {  	s7 =	smul.u32 @!p0 $0xF7A, s2;
	p2 =	seq.s32 @!p0 s5, $0x0  }
0x1f: {  	s9 =	smul.u32 $0xF7A, s1;
	s8 =	simm.s32 @!p0 $0x1BF5;
	p2 =	por !p2, p0  }
0x20: {  	[sflag:s8] =	ssyncset.s32 @!p0 $0xFFFFF086;
	s6 =	sadd.s32 @!p0 s3, s7;
	s7 =	simm.s32 @!p0 $0x108  }
0x21: {  	s3 =	sadd.s32 s3, s9;
	s6 =	sadd.s32 @!p0 $0x88, s6;
	s7 =	simm.s32 @p2 $0x1082  }
0x22: {  	[simem:s7], [sflag:s8] =	dma.local @!p0 [hbm:s6], $0xF7A  }
0x23: {  	s9 =	sor.u32 $0xD0000000, s2;
	s6 =	simm.s32 $0x108;
	_ =	swait.ge @!p0 [sflag:s8], $0x0  }
0x24: {  	s3 =	sadd.s32 $0x88, s3;
	s6 =	simm.s32 @!p1 $0x1082;
	[sflag:s4] =	ssyncset.s32 $0xFFFFF086  }
0x25: {  	[simem:s6], [sflag:s4] =	dma.local [hbm:s3], $0xF7A  }
0x26: {  	[smem:$0x3F9F] =	sst s1;
	(tag) =	ssettag s2;
	_ =	strace s9  }
0x27: {  	s1 =	sld [smem:$0x3FAF]  }
0x28: {  	s2 =	sld [smem:$0x3FB0]  }
0x29: {  	s4 =	sld [smem:$0x3FB2]  }
0x2a: {  	p0 =	seq.s32 s5, $0x0;
	s5 =	sld [smem:$0x3FB3]  }
0x2b: {  	s6 =	sld [smem:$0x3FB4]  }
0x2c: {  	s7 =	sld [smem:$0x3FB5]  }
0x2d: {  	s3 =	simm.s32 $0x108;
	s8 =	sld [smem:$0x3FB6]  }
0x2e: {  	s3 =	simm.s32 @!p0 $0x1082;
	s9 =	sld [smem:$0x3FB7]  }
0x2f: {  	lr =	sadd.s32 s0, s3;
	s0 =	sld [smem:$0x3FAE]  }
0x30: {  	s3 =	sld [smem:$0x3FB1]  }
0x31: {  	[smem:$0x3FBA] =	sst s10  }
0x32: {  	s10 =	sld [smem:$0x3FB8];
	_ =	sdelay $0x3  }
0x33: {  	p0 =	seq.s32 s10, $0x1;
	s10 =	sld [smem:$0x3FBA];
	_ =	sdelay $0x3  }
0x34: {  	[smem:$0x3FBA] =	sst s10  }
0x35: {  	s10 =	sld [smem:$0x3FB9];
	_ =	sdelay $0x3  }
0x36: {  	p1 =	seq.s32 s10, $0x1;
	s10 =	sld [smem:$0x3FBA];
	_ =	sdelay $0x3  }
0x37: {  	[smem:$0x3FBA] =	sst s10  }
0x38: {  	s10 =	sld [smem:$0x3FBB]  }
0x39: {  	_ = 	snop;
	(pc) =	sbr.ind lr, $3  }
0x3a: {  	_ = 	snop  }
0x3b: {  	_ = 	snop  }
0x3c: {  	p2 =	seq.s32 s10, $0x1;
	s10 =	sld [smem:$0x3FBA]  }
0x3d: {  	_ =	shalt  }
0x3e: {  	_ =	shalt  }
0x3f: {  	_ =	shalt  }
0x40: {  	_ =	shalt  }
0x41: {  	_ =	shalt  }
0x42: {  	_ =	shalt  }
0x43: {  	_ =	shalt  }
0x44: {  	_ =	shalt  }
0x45: {  	_ =	shalt  }
0x46: {  	_ =	shalt  }
0x47: {  	_ =	shalt  }
0x48: {  	_ =	shalt  }
0x49: {  	_ =	shalt  }
0x4a: {  	_ =	shalt  }
0x4b: {  	_ =	shalt  }
0x4c: {  	_ =	shalt  }
0x4d: {  	_ =	shalt  }
0x4e: {  	_ =	shalt  }
0x4f: {  	_ =	shalt  }
0x50: {  	_ =	shalt  }
0x51: {  	_ =	shalt  }
0x52: {  	_ =	shalt  }
0x53: {  	_ =	shalt  }
0x54: {  	_ =	shalt  }
0x55: {  	_ =	shalt  }
0x56: {  	_ =	shalt  }
0x57: {  	_ =	shalt  }
0x58: {  	_ =	shalt  }
0x59: {  	_ =	shalt  }
0x5a: {  	_ =	shalt  }
0x5b: {  	_ =	shalt  }
0x5c: {  	_ =	shalt  }
0x5d: {  	_ =	shalt  }
0x5e: {  	_ =	shalt  }
0x5f: {  	_ =	shalt  }
0x60: {  	_ =	shalt  }
0x61: {  	_ =	shalt  }
0x62: {  	_ =	shalt  }
0x63: {  	_ =	shalt  }
0x64: {  	_ =	shalt  }
0x65: {  	_ =	shalt  }
0x66: {  	_ =	shalt  }
0x67: {  	_ =	shalt  }
0x68: {  	_ =	shalt  }
0x69: {  	_ =	shalt  }
0x6a: {  	_ =	shalt  }
0x6b: {  	_ =	shalt  }
0x6c: {  	_ =	shalt  }
0x6d: {  	_ =	shalt  }
0x6e: {  	_ =	shalt  }
0x6f: {  	_ =	shalt  }
0x70: {  	_ =	shalt  }
0x71: {  	_ =	shalt  }
0x72: {  	_ =	shalt  }
0x73: {  	_ =	shalt  }
0x74: {  	_ =	shalt  }
0x75: {  	_ =	shalt  }
0x76: {  	_ =	shalt  }
0x77: {  	_ =	shalt  }
0x78: {  	_ =	shalt  }
0x79: {  	_ =	shalt  }
0x7a: {  	_ =	shalt  }
0x7b: {  	_ =	shalt  }
0x7c: {  	_ =	shalt  }
0x7d: {  	_ =	shalt  }
0x7e: {  	_ =	shalt  }
0x7f: {  	_ =	shalt  }
0x80: {  	_ =	shalt  }
0x81: {  	_ =	shalt  }
0x82: {  	_ =	shalt  }
0x83: {  	_ =	shalt  }
0x84: {  	_ =	shalt  }
0x85: {  	_ =	shalt  }
0x86: {  	_ =	shalt  }
0x87: {  	_ =	shalt  }
.Lfunc_end0:
.L_simem_size_0:
called_computation_lowered:
.L_overlay_start_0:
0x88: {  	s2 =	sld [smem:$0x3FD9]  }
0x89: {  	s3 =	sld [smem:$0x3FFE];
	_ =	sdelay $0x1  }
0x8a: {  	s1 =	srdreg.scid  }
0x8b: {  	s0 =	sand.u32 $0x1, s1  }
0x8c: {  	s17 =	sshll.u32 s0, $0xA;
	s2 =	sadd.s32 s3, s2  }
0x8d: {  	s2 =	sadd.s32 s2, s17  }
0x8e: {  	[smem:$0x3FC6] =	sst s2  }
0x8f: {  	_ = 	snop  }
0x90: {  	s2 =	sld [smem:$0x3FD0];
	(tm) =	ssettm $0x1  }
0x91: {  	s18 =	sld [smem:$0x3FFB];
	_ =	sdelay $0x3  }
0x92: {  	_ =	strace s18  }
0x93: {  	s3 =	sld [smem:$0x3FFC];
	_ =	sdelay $0x3  }
0x94: {  	_ =	strace s3  }
0x95: {  	s3 =	sld [smem:$0x3FFD];
	_ =	sdelay $0x3  }
0x96: {  	_ =	strace s3  }
0x97: {  	_ =	strace $0x8FFFFFFF  }
0x98: {  	s19 =	sld [smem:$0x3FDB];
	_ =	sdelay $0x1  }
0x99: {  	s4 =	simm.s32 $_scs_section_size  }
0x9a: {  	s5 =	simm.s32 $_size__tile_overlayer_lowered;
	s6 =	simm.s32 $_tile_overlayer_lowered  }
0x9b: {  	s22 =	simm.s32 $0x1BFF;
	s21 =	sshll.u32 s6, $0x1;
	s3 =	sadd.s32 s4, s19  }
0x9c: {  	s7 =	simm.s32 $0x0;
	s20 =	sshll.u32 s5, $0x1;
	s5 =	sadd.s32 s21, s3  }
0x9d: {  	[timem:s7], [sflag:s22] =	dma.local [hbm:s5], s20  }
0x9e: {  	_ =	swait.ge [sflag:s22], s20  }
0x9f: {  	s4 =	ssub.s32 $0x0, s20;
	[sflag:s22] =	ssyncset.done $0x0  }
0xa0: {  	[sflag:s22] =	ssyncadd.s32 s4;
	_ =	sdelay $0x1  }
0xa1: {  	s23 =	simm.s32 $0x1B8B  }
0xa2: {  	_ =	swait.ge [sflag:s23], $0x1  }
0xa3: {  	[sflag:s23] =	ssyncset.done $0x0  }
0xa4: {  	s25 =	simm.s32 $0x1B8E;
	s24 =	sld [smem:$0x3FFE];
	[sflag:s23] =	ssyncadd.s32 $0xFFFFFFFF  }
0xa5: {  	s26 =	simm.s32 $execute0_lowered;
	[smem:$0x3FD2] =	sst s25  }
0xa6: {  	s5 =	sshll.u32 s26, $0x1;
	_ =	strace $0x80000046;
	[dreg:$0x1] =	wrdreg $0xFFFFFFFF  }
0xa7: {  	s28 =	simm.s32 $_size_execute0_lowered;
	s3 =	sadd.s32 s3, s5;
	[dreg:$0x0] =	wrdreg $0x0  }
0xa8: {  	s5 =	sshll.u32 s28, $0x1;
	[dreg:$0x2] =	wrdreg s3  }
0xa9: {  	[dreg:$0x3] =	wrdreg s5  }
0xaa: {  	[dreg:$0x4] =	wrdreg $0xC0  }
0xab: {  	_ =	task [dreg:s7], $0x5FFFF  }
0xac: {  	[dreg:$0x1] =	wrdreg $0xFFFFFFFF  }
0xad: {  	[dreg:$0x0] =	wrdreg $0x60  }
0xae: {  	[dreg:$0x2] =	wrdreg s24  }
0xaf: {  	[dreg:$0x3] =	wrdreg s2  }
0xb0: {  	[dreg:$0x4] =	wrdreg $0x9  }
0xb1: {  	_ =	task.clear_ibuf [dreg:s7], $0x5FFFF;
	_ =	strace $0x90000046  }
0xb2: {  	s29 =	simm.s32 $0x9;
	_ =	strace $0x80000048  }
0xb3: {  	_ =	swait.ge [sflag:s29], $0x1  }
0xb4: {  	[sflag:s29] =	ssyncadd.s32 $0xFFFFFFFF  }
0xb5: {  	_ =	strace $0x90000048  }
0xb6: {  	_ =	sfence  }
0xb7: {  	s30 =	sld [smem:$0x0];
	_ =	sdelay $0x2  }
0xb8: {  	s31 =	sshll.u32 s1, $0xD;
	s1 =	sshrl.u32 s1, $0x2  }
0xb9: {  	s3 =	sand.u32 $0x4000, s31;
	s1 =	sadd.s32 s1, s30  }
0xba: {  	s0 =	sor.u32 s3, s0;
	s1 =	sshll.u32 s1, $0x11  }
0xbb: {  	s0 =	sor.u32 s1, s0  }
0xbc: {  	s0 =	sadd.s32 $0x8F2B, s0  }
0xbd: {  	[sflag:s0] =	ssyncadd.remote.s32 $0x1  }
0xbe: {  	_ =	sfence.sel $0xFFFF  }
0xbf: {  	[dreg:$0x0] =	wrdreg $0xFFFFFFFF;
	(pc) =	sbr.abs _section_cstart, $3  }
0xc0: {  	[dreg:$0x1] =	wrdreg $0xFFFFFFFF  }
0xc1: {  	_ =	task.clear_ibuf [dreg:s7], $0x2FFFF;
	_ =	strace $0x9FFFFFFF  }
0xc2: {  	(tm) =	ssettm $0x7FFFFFFF  }
0xc3: {  	_ =	shalt  }
tec
execute0_lowered:
.L_overlay_start_1:
0x0: {  	(tag) =	ssettag $0x1  }
0x1: {  	v0 =	vlaneseq.u32  }
0x2: {  	s0 =	rddreg [dreg:$0x0];
	v0 =	vmul.u32 $0x88, v0  }
0x3: {  	s1 =	rddreg [dreg:$0x1];
	v1 =	vimm.s32 $0x0;
	vm0 =	vcmask $0x300  }
0x4: {  	s2 =	srdreg.scid;
	s4 =	stileid.u32;
	v1 =	vsel vm0, $0x3, v1;
	v2 =	vadd.s32 $0x880, v0  }
0x5: {  	s3 =	simm.s32 $0x0;
	s9 =	simm.s32 $0x80;
	s11 =	simm.s32 $0x7;
	v3 =	vadd.s32 $0x1100, v0;
	v4 =	vadd.s32 $0x1980, v0;
	v5 =	vor.u32 $0x1, v0  }
0x6: {  	s13 =	simm.s32 $0x8400;
	s14 =	simm.s32 $0x1;
	s15 =	simm.s32 $0xA400;
	v6 =	vadd.s32 $0x881, v0;
	v7 =	vadd.s32 $0x1101, v0;
	v8 =	vadd.s32 $0x1981, v0  }
0x7: {  	s16 =	simm.s32 $0xE400;
	s17 =	simm.s32 $0x2;
	s18 =	simm.s32 $0xC400;
	v9 =	vor.u32 $0x2, v0;
	v10 =	vadd.s32 $0x882, v0;
	v11 =	vadd.s32 $0x1102, v0  }
0x8: {  	s19 =	simm.s32 $0x10600;
	s20 =	simm.s32 $0x3;
	s21 =	simm.s32 $0x5;
	v12 =	vadd.s32 $0x1982, v0;
	v13 =	vor.u32 $0x3, v0;
	v14 =	vadd.s32 $0x883, v0  }
0x9: {  	s22 =	simm.s32 $0x4;
	s23 =	simm.s32 $0x6;
	s24 =	simm.s32 $0x0;
	v15 =	vadd.s32 $0x1103, v0;
	v16 =	vadd.s32 $0x1983, v0;
	v17 =	vor.u32 $0x4, v0  }
0xa: {  	s2 =	sand.u32 $0x1, s2;
	s4 =	sshll.u32 s4, $0x1;
	[smem:$0x7FF] =	sst s3;
	v18 =	vadd.s32 $0x884, v0;
	v19 =	vadd.s32 $0x1104, v0;
	v20 =	vadd.s32 $0x1984, v0  }
0xb: {  	s7 =	sadd.s32 $0x8000, s1;
	s6 =	sor.u32 s2, s4;
	s2 =	ssub.s32 $0x2, s2;
	v21 =	vor.u32 $0x5, v0;
	v22 =	vadd.s32 $0x885, v0;
	v23 =	vadd.s32 $0x1105, v0  }
0xc: {  	_ =	strace $0x80000047;
	s4 =	sshll.u32 s6, $0x4;
	s31 =	sshrl.u32 s2, $0x1;
	v24 =	vadd.s32 $0x1985, v0;
	v25 =	vor.u32 $0x6, v0;
	v26 =	vadd.s32 $0x886, v0  }
0xd: {  	v27 =	vadd.s32 $0x1106, v0;
	v28 =	vadd.s32 $0x1986, v0;
	v29 =	vor.u32 $0x7, v0;
	s5 =	sadd.s32 s4, s0;
	s4 =	sadd.s32 $0xF42A00, s0;
	s0 =	ssub.s32 s2, s31  }
0xe: {  	s6 =	sshll.u32 s6, $0xA;
	v30 =	vadd.s32 $0x887, v0;
	v31 =	vadd.s32 $0x1107, v0;
	v32 =	vadd.s32 $0x1987, v0;
	s5 =	sadd.s32 $0x600, s5;
	s8 =	smax.u32 s0, $0x1  }
.LBB2_1:
0xf: {  	s0 =	simm.s32 $0x1000  }
0x10: {  	[tilespmem:s3], [sflag:$0x7] =	stream.strided.gather [hbm4b:s5+s9], $0x6400, s0, s9, $0x38;
	[tilespmem:$0x12800] =	vst v63  }
0x11: {  	_ =	swait.ge [sflag:s11], $0x6400  }
0x12: {  	[sflag:s11] =	ssyncset.done $0x0  }
0x13: {  	s31 =	simm.s32 $0x6400;
	[sflag:s11] =	ssyncadd.s32 $0xFFFF9C00  }
0x14: {  	[tilespmem:s31], [sflag:$0x1] =	stream.indirect.gather [hbm4b:s4+s9], $0x40, s3, s9, $0xb8;
	[tilespmem:$0x12800] =	vst v63  }
0x15: {  	s25 =	simm.s32 $0x0  }
0x16: {  	[tilespmem:s13], [sflag:$0x2] =	stream.indirect.gather [hbm4b:s4+s9], $0x40, s9, s9, $0xb8;
	[tilespmem:$0x12800] =	vst v63  }
.LBB2_2:
0x17: {  	s28 =	sshll.u32 s25, $0x2  }
0x18: {  	_ =	swait.ge [sflag:s14], $0x2000;
	s26 =	sor.u32 $0x2, s28  }
0x19: {  	s10 =	simm.s32 $0x0;
	[sflag:s14] =	ssyncset.done $0x0;
	s0 =	sshll.u32 s26, $0x7  }
0x1a: {  	p0 =	seq.s32 s25, $0x0;
	[sflag:s14] =	ssyncadd.s32 $0xFFFFE000;
	s0 =	sand.u32 $0x3FFFFF00, s0  }
0x1b: {  	v33 =	vmov s10;
	[tilespmem:s15], [sflag:$0x3] =	stream.indirect.gather [hbm4b:s4+s9], $0x40, s0, s9, $0xb8;
	[tilespmem:$0x12800] =	vst v63  }
0x1c: {  	v33 =	vshrl.u32 v33, $0x3;
	s0 =	simm.s32 @!p0 $0x5  }
0x1d: {  	v33 =	vshll.u32 v33, v1;
	_ =	swait.ge @!p0 [sflag:s0], $0x2000  }
0x1e: {  	v33 =	vbroadcast v33, $0x0;
	[sflag:s0] =	ssyncset.done @!p0 $0x0  }
0x1f: {  	s29 =	simm.s32 $0x6500;
	[sflag:s0] =	ssyncadd.s32 @!p0 $0xFFFFE000  }
0x20: {  	v35 =	vadd.s32 v0, v33;
	v34 =	vld [tilespmem:s29+$0xFFFFFF00];
	_ =	sdelay $0x4  }
0x21: {  	[tilespmem:v35+s16+$0x0] =	vst.idx.msk $0xffff, v34  }
0x22: {  	v56 =	vadd.s32 v2, v33;
	v34 =	vld [tilespmem:s29+$0xFFFFFF10];
	_ =	sdelay $0x4  }
0x23: {  	[tilespmem:v56+s16+$0x0] =	vst.idx.msk $0xffff, v34  }
0x24: {  	v57 =	vadd.s32 v3, v33;
	v34 =	vld [tilespmem:s29+$0xFFFFFF20];
	_ =	sdelay $0x4  }
0x25: {  	[tilespmem:v57+s16+$0x0] =	vst.idx.msk $0xffff, v34  }
0x26: {  	s12 =	simm.s32 $0x1;
	v33 =	vadd.s32 v4, v33;
	v34 =	vld [tilespmem:s29+$0xFFFFFF30]  }
0x27: {  	v58 =	vmov s12  }
0x28: {  	v35 =	vshrl.u32 v58, $0x3  }
0x29: {  	v35 =	vshll.u32 v35, v1  }
0x2a: {  	v35 =	vbroadcast v35, $0x0  }
0x2b: {  	[tilespmem:v33+s16+$0x0] =	vst.idx.msk $0xffff, v34  }
0x2c: {  	v59 =	vadd.s32 v5, v35;
	v33 =	vld [tilespmem:s29+$0xFFFFFF40];
	_ =	sdelay $0x4  }
0x2d: {  	[tilespmem:v59+s16+$0x0] =	vst.idx.msk $0xffff, v33  }
0x2e: {  	v60 =	vadd.s32 v6, v35;
	v33 =	vld [tilespmem:s29+$0xFFFFFF50];
	_ =	sdelay $0x4  }
0x2f: {  	[tilespmem:v60+s16+$0x0] =	vst.idx.msk $0xffff, v33  }
0x30: {  	v61 =	vadd.s32 v7, v35;
	v33 =	vld [tilespmem:s29+$0xFFFFFF60];
	_ =	sdelay $0x4  }
0x31: {  	[tilespmem:v61+s16+$0x0] =	vst.idx.msk $0xffff, v33  }
0x32: {  	s2 =	simm.s32 $0x2;
	v62 =	vadd.s32 v8, v35;
	v33 =	vld [tilespmem:s29+$0xFFFFFF70]  }
0x33: {  	v63 =	vmov s2  }
0x34: {  	v35 =	vshrl.u32 v63, $0x3  }
0x35: {  	v35 =	vshll.u32 v35, v1  }
0x36: {  	v35 =	vbroadcast v35, $0x0  }
0x37: {  	[tilespmem:v62+s16+$0x0] =	vst.idx.msk $0xffff, v33  }
0x38: {  	v36 =	vadd.s32 v9, v35;
	v33 =	vld [tilespmem:s29+$0xFFFFFF80];
	_ =	sdelay $0x4  }
0x39: {  	[tilespmem:v36+s16+$0x0] =	vst.idx.msk $0xffff, v33  }
0x3a: {  	v37 =	vadd.s32 v10, v35;
	v33 =	vld [tilespmem:s29+$0xFFFFFF90];
	_ =	sdelay $0x4  }
0x3b: {  	[tilespmem:v37+s16+$0x0] =	vst.idx.msk $0xffff, v33  }
0x3c: {  	v38 =	vadd.s32 v11, v35;
	v33 =	vld [tilespmem:s29+$0xFFFFFFA0];
	_ =	sdelay $0x4  }
0x3d: {  	[tilespmem:v38+s16+$0x0] =	vst.idx.msk $0xffff, v33  }
0x3e: {  	s10 =	simm.s32 $0x3;
	v39 =	vadd.s32 v12, v35;
	v33 =	vld [tilespmem:s29+$0xFFFFFFB0]  }
0x3f: {  	v40 =	vmov s10  }
0x40: {  	v35 =	vshrl.u32 v40, $0x3  }
0x41: {  	v35 =	vshll.u32 v35, v1  }
0x42: {  	v35 =	vbroadcast v35, $0x0  }
0x43: {  	[tilespmem:v39+s16+$0x0] =	vst.idx.msk $0xffff, v33  }
0x44: {  	v41 =	vadd.s32 v13, v35;
	v33 =	vld [tilespmem:s29+$0xFFFFFFC0];
	_ =	sdelay $0x4  }
0x45: {  	[tilespmem:v41+s16+$0x0] =	vst.idx.msk $0xffff, v33  }
0x46: {  	v42 =	vadd.s32 v14, v35;
	v33 =	vld [tilespmem:s29+$0xFFFFFFD0];
	_ =	sdelay $0x4  }
0x47: {  	[tilespmem:v42+s16+$0x0] =	vst.idx.msk $0xffff, v33  }
0x48: {  	v43 =	vadd.s32 v15, v35;
	v33 =	vld [tilespmem:s29+$0xFFFFFFE0];
	_ =	sdelay $0x4  }
0x49: {  	[tilespmem:v43+s16+$0x0] =	vst.idx.msk $0xffff, v33  }
0x4a: {  	s12 =	simm.s32 $0x4;
	v44 =	vadd.s32 v16, v35;
	v33 =	vld [tilespmem:s29+$0xFFFFFFF0]  }
0x4b: {  	v45 =	vmov s12  }
0x4c: {  	v35 =	vshrl.u32 v45, $0x3  }
0x4d: {  	v35 =	vshll.u32 v35, v1  }
0x4e: {  	v35 =	vbroadcast v35, $0x0  }
0x4f: {  	[tilespmem:v44+s16+$0x0] =	vst.idx.msk $0xffff, v33  }
0x50: {  	v46 =	vadd.s32 v17, v35;
	v33 =	vld [tilespmem:s29+$0x0];
	_ =	sdelay $0x4  }
0x51: {  	[tilespmem:v46+s16+$0x0] =	vst.idx.msk $0xffff, v33  }
0x52: {  	v47 =	vadd.s32 v18, v35;
	v33 =	vld [tilespmem:s29+$0x10];
	_ =	sdelay $0x4  }
0x53: {  	[tilespmem:v47+s16+$0x0] =	vst.idx.msk $0xffff, v33  }
0x54: {  	v48 =	vadd.s32 v19, v35;
	v33 =	vld [tilespmem:s29+$0x20];
	_ =	sdelay $0x4  }
0x55: {  	[tilespmem:v48+s16+$0x0] =	vst.idx.msk $0xffff, v33  }
0x56: {  	s2 =	simm.s32 $0x5;
	v49 =	vadd.s32 v20, v35;
	v33 =	vld [tilespmem:s29+$0x30]  }
0x57: {  	v50 =	vmov s2  }
0x58: {  	v35 =	vshrl.u32 v50, $0x3  }
0x59: {  	v35 =	vshll.u32 v35, v1  }
0x5a: {  	v35 =	vbroadcast v35, $0x0  }
0x5b: {  	[tilespmem:v49+s16+$0x0] =	vst.idx.msk $0xffff, v33  }
0x5c: {  	v51 =	vadd.s32 v21, v35;
	v33 =	vld [tilespmem:s29+$0x40];
	_ =	sdelay $0x4  }
0x5d: {  	[tilespmem:v51+s16+$0x0] =	vst.idx.msk $0xffff, v33  }
0x5e: {  	v52 =	vadd.s32 v22, v35;
	v33 =	vld [tilespmem:s29+$0x50];
	_ =	sdelay $0x4  }
0x5f: {  	[tilespmem:v52+s16+$0x0] =	vst.idx.msk $0xffff, v33  }
0x60: {  	v53 =	vadd.s32 v23, v35;
	v33 =	vld [tilespmem:s29+$0x60];
	_ =	sdelay $0x4  }
0x61: {  	[tilespmem:v53+s16+$0x0] =	vst.idx.msk $0xffff, v33  }
0x62: {  	s10 =	simm.s32 $0x6;
	v54 =	vadd.s32 v24, v35;
	v33 =	vld [tilespmem:s29+$0x70]  }
0x63: {  	v55 =	vmov s10  }
0x64: {  	v35 =	vshrl.u32 v55, $0x3  }
0x65: {  	v35 =	vshll.u32 v35, v1  }
0x66: {  	v35 =	vbroadcast v35, $0x0  }
0x67: {  	[tilespmem:v54+s16+$0x0] =	vst.idx.msk $0xffff, v33  }
0x68: {  	v56 =	vadd.s32 v25, v35;
	v33 =	vld [tilespmem:s29+$0x80];
	_ =	sdelay $0x4  }
0x69: {  	[tilespmem:v56+s16+$0x0] =	vst.idx.msk $0xffff, v33  }
0x6a: {  	v57 =	vadd.s32 v26, v35;
	v33 =	vld [tilespmem:s29+$0x90];
	_ =	sdelay $0x4  }
0x6b: {  	[tilespmem:v57+s16+$0x0] =	vst.idx.msk $0xffff, v33  }
0x6c: {  	v58 =	vadd.s32 v27, v35;
	v33 =	vld [tilespmem:s29+$0xA0];
	_ =	sdelay $0x4  }
0x6d: {  	[tilespmem:v58+s16+$0x0] =	vst.idx.msk $0xffff, v33  }
0x6e: {  	s12 =	simm.s32 $0x7;
	v59 =	vadd.s32 v28, v35;
	v33 =	vld [tilespmem:s29+$0xB0]  }
0x6f: {  	v60 =	vmov s12  }
0x70: {  	v35 =	vshrl.u32 v60, $0x3  }
0x71: {  	v35 =	vshll.u32 v35, v1  }
0x72: {  	v35 =	vbroadcast v35, $0x0  }
0x73: {  	[tilespmem:v59+s16+$0x0] =	vst.idx.msk $0xffff, v33  }
0x74: {  	v61 =	vadd.s32 v29, v35;
	v33 =	vld [tilespmem:s29+$0xC0];
	_ =	sdelay $0x4  }
0x75: {  	[tilespmem:v61+s16+$0x0] =	vst.idx.msk $0xffff, v33  }
0x76: {  	v62 =	vadd.s32 v30, v35;
	v33 =	vld [tilespmem:s29+$0xD0];
	_ =	sdelay $0x4  }
0x77: {  	[tilespmem:v62+s16+$0x0] =	vst.idx.msk $0xffff, v33  }
0x78: {  	v63 =	vadd.s32 v31, v35;
	v33 =	vld [tilespmem:s29+$0xE0];
	_ =	sdelay $0x4  }
0x79: {  	[tilespmem:v63+s16+$0x0] =	vst.idx.msk $0xffff, v33  }
0x7a: {  	s30 =	simm.s32 $0xF;
	s31 =	simm.s32 $0x17;
	s0 =	simm.s32 $0x8;
	v34 =	vadd.s32 v32, v35;
	v33 =	vld [tilespmem:s29+$0xF0]  }
.LBB2_3:
0x7b: {  	p1 =	sne.s32 s31, $0x7F;
	v35 =	vmov s0  }
0x7c: {  	v35 =	vshrl.u32 v35, $0x3  }
0x7d: {  	v35 =	vshll.u32 v35, v1  }
0x7e: {  	v35 =	vbroadcast v35, $0x0  }
0x7f: {  	s29 =	sadd.s32 $0x200, s29;
	[tilespmem:v34+s16+$0x0] =	vst.idx.msk $0xffff, v33  }
0x80: {  	v33 =	vld [tilespmem:s29+$0xFFFFFF00];
	v34 =	vadd.s32 v0, v35;
	_ =	sdelay $0x4  }
0x81: {  	[tilespmem:v34+s16+$0x0] =	vst.idx.msk $0xffff, v33  }
0x82: {  	v34 =	vadd.s32 v2, v35;
	v33 =	vld [tilespmem:s29+$0xFFFFFF10];
	_ =	sdelay $0x4  }
0x83: {  	[tilespmem:v34+s16+$0x0] =	vst.idx.msk $0xffff, v33  }
0x84: {  	v34 =	vadd.s32 v3, v35;
	v33 =	vld [tilespmem:s29+$0xFFFFFF20];
	_ =	sdelay $0x4  }
0x85: {  	[tilespmem:v34+s16+$0x0] =	vst.idx.msk $0xffff, v33  }
0x86: {  	s0 =	sadd.s32 $0xFFFFFFFA, s30;
	v34 =	vadd.s32 v4, v35;
	v33 =	vld [tilespmem:s29+$0xFFFFFF30]  }
0x87: {  	v35 =	vmov s0  }
0x88: {  	v35 =	vshrl.u32 v35, $0x3  }
0x89: {  	v35 =	vshll.u32 v35, v1  }
0x8a: {  	v35 =	vbroadcast v35, $0x0  }
0x8b: {  	[tilespmem:v34+s16+$0x0] =	vst.idx.msk $0xffff, v33  }
0x8c: {  	v34 =	vadd.s32 v5, v35;
	v33 =	vld [tilespmem:s29+$0xFFFFFF40];
	_ =	sdelay $0x4  }
0x8d: {  	[tilespmem:v34+s16+$0x0] =	vst.idx.msk $0xffff, v33  }
0x8e: {  	v34 =	vadd.s32 v6, v35;
	v33 =	vld [tilespmem:s29+$0xFFFFFF50];
	_ =	sdelay $0x4  }
0x8f: {  	[tilespmem:v34+s16+$0x0] =	vst.idx.msk $0xffff, v33  }
0x90: {  	v34 =	vadd.s32 v7, v35;
	v33 =	vld [tilespmem:s29+$0xFFFFFF60];
	_ =	sdelay $0x4  }
0x91: {  	[tilespmem:v34+s16+$0x0] =	vst.idx.msk $0xffff, v33  }
0x92: {  	s0 =	sadd.s32 $0xFFFFFFFB, s30;
	v34 =	vadd.s32 v8, v35;
	v33 =	vld [tilespmem:s29+$0xFFFFFF70]  }
0x93: {  	v35 =	vmov s0  }
0x94: {  	v35 =	vshrl.u32 v35, $0x3  }
0x95: {  	v35 =	vshll.u32 v35, v1  }
0x96: {  	v35 =	vbroadcast v35, $0x0  }
0x97: {  	[tilespmem:v34+s16+$0x0] =	vst.idx.msk $0xffff, v33  }
0x98: {  	v34 =	vadd.s32 v9, v35;
	v33 =	vld [tilespmem:s29+$0xFFFFFF80];
	_ =	sdelay $0x4  }
0x99: {  	[tilespmem:v34+s16+$0x0] =	vst.idx.msk $0xffff, v33  }
0x9a: {  	v34 =	vadd.s32 v10, v35;
	v33 =	vld [tilespmem:s29+$0xFFFFFF90];
	_ =	sdelay $0x4  }
0x9b: {  	[tilespmem:v34+s16+$0x0] =	vst.idx.msk $0xffff, v33  }
0x9c: {  	v34 =	vadd.s32 v11, v35;
	v33 =	vld [tilespmem:s29+$0xFFFFFFA0];
	_ =	sdelay $0x4  }
0x9d: {  	[tilespmem:v34+s16+$0x0] =	vst.idx.msk $0xffff, v33  }
0x9e: {  	s0 =	sadd.s32 $0xFFFFFFFC, s30;
	v34 =	vadd.s32 v12, v35;
	v33 =	vld [tilespmem:s29+$0xFFFFFFB0]  }
0x9f: {  	v35 =	vmov s0  }
0xa0: {  	v35 =	vshrl.u32 v35, $0x3  }
0xa1: {  	v35 =	vshll.u32 v35, v1  }
0xa2: {  	v35 =	vbroadcast v35, $0x0  }
0xa3: {  	[tilespmem:v34+s16+$0x0] =	vst.idx.msk $0xffff, v33  }
0xa4: {  	v34 =	vadd.s32 v13, v35;
	v33 =	vld [tilespmem:s29+$0xFFFFFFC0];
	_ =	sdelay $0x4  }
0xa5: {  	[tilespmem:v34+s16+$0x0] =	vst.idx.msk $0xffff, v33  }
0xa6: {  	v34 =	vadd.s32 v14, v35;
	v33 =	vld [tilespmem:s29+$0xFFFFFFD0];
	_ =	sdelay $0x4  }
0xa7: {  	[tilespmem:v34+s16+$0x0] =	vst.idx.msk $0xffff, v33  }
0xa8: {  	v34 =	vadd.s32 v15, v35;
	v33 =	vld [tilespmem:s29+$0xFFFFFFE0];
	_ =	sdelay $0x4  }
0xa9: {  	[tilespmem:v34+s16+$0x0] =	vst.idx.msk $0xffff, v33  }
0xaa: {  	s0 =	sadd.s32 $0xFFFFFFFD, s30;
	v34 =	vadd.s32 v16, v35;
	v33 =	vld [tilespmem:s29+$0xFFFFFFF0]  }
0xab: {  	v35 =	vmov s0  }
0xac: {  	v35 =	vshrl.u32 v35, $0x3  }
0xad: {  	v35 =	vshll.u32 v35, v1  }
0xae: {  	v35 =	vbroadcast v35, $0x0  }
0xaf: {  	[tilespmem:v34+s16+$0x0] =	vst.idx.msk $0xffff, v33  }
0xb0: {  	v34 =	vadd.s32 v17, v35;
	v33 =	vld [tilespmem:s29+$0x0];
	_ =	sdelay $0x4  }
0xb1: {  	[tilespmem:v34+s16+$0x0] =	vst.idx.msk $0xffff, v33  }
0xb2: {  	v34 =	vadd.s32 v18, v35;
	v33 =	vld [tilespmem:s29+$0x10];
	_ =	sdelay $0x4  }
0xb3: {  	[tilespmem:v34+s16+$0x0] =	vst.idx.msk $0xffff, v33  }
0xb4: {  	v34 =	vadd.s32 v19, v35;
	v33 =	vld [tilespmem:s29+$0x20];
	_ =	sdelay $0x4  }
0xb5: {  	[tilespmem:v34+s16+$0x0] =	vst.idx.msk $0xffff, v33  }
0xb6: {  	s0 =	sadd.s32 $0xFFFFFFFE, s30;
	v34 =	vadd.s32 v20, v35;
	v33 =	vld [tilespmem:s29+$0x30]  }
0xb7: {  	v35 =	vmov s0  }
0xb8: {  	v35 =	vshrl.u32 v35, $0x3  }
0xb9: {  	v35 =	vshll.u32 v35, v1  }
0xba: {  	v35 =	vbroadcast v35, $0x0  }
0xbb: {  	[tilespmem:v34+s16+$0x0] =	vst.idx.msk $0xffff, v33  }
0xbc: {  	v34 =	vadd.s32 v21, v35;
	v33 =	vld [tilespmem:s29+$0x40];
	_ =	sdelay $0x4  }
0xbd: {  	[tilespmem:v34+s16+$0x0] =	vst.idx.msk $0xffff, v33  }
0xbe: {  	v34 =	vadd.s32 v22, v35;
	v33 =	vld [tilespmem:s29+$0x50];
	_ =	sdelay $0x4  }
0xbf: {  	[tilespmem:v34+s16+$0x0] =	vst.idx.msk $0xffff, v33  }
0xc0: {  	v34 =	vadd.s32 v23, v35;
	v33 =	vld [tilespmem:s29+$0x60];
	_ =	sdelay $0x4  }
0xc1: {  	[tilespmem:v34+s16+$0x0] =	vst.idx.msk $0xffff, v33  }
0xc2: {  	s0 =	sadd.s32 $0xFFFFFFFF, s30;
	v34 =	vadd.s32 v24, v35;
	v33 =	vld [tilespmem:s29+$0x70]  }
0xc3: {  	v35 =	vmov s0  }
0xc4: {  	v35 =	vshrl.u32 v35, $0x3  }
0xc5: {  	v35 =	vshll.u32 v35, v1  }
0xc6: {  	v35 =	vbroadcast v35, $0x0  }
0xc7: {  	[tilespmem:v34+s16+$0x0] =	vst.idx.msk $0xffff, v33  }
0xc8: {  	v34 =	vadd.s32 v25, v35;
	v33 =	vld [tilespmem:s29+$0x80];
	_ =	sdelay $0x4  }
0xc9: {  	[tilespmem:v34+s16+$0x0] =	vst.idx.msk $0xffff, v33  }
0xca: {  	v34 =	vadd.s32 v26, v35;
	v33 =	vld [tilespmem:s29+$0x90];
	_ =	sdelay $0x4  }
0xcb: {  	[tilespmem:v34+s16+$0x0] =	vst.idx.msk $0xffff, v33  }
0xcc: {  	v34 =	vadd.s32 v27, v35;
	v33 =	vld [tilespmem:s29+$0xA0];
	_ =	sdelay $0x4  }
0xcd: {  	[tilespmem:v34+s16+$0x0] =	vst.idx.msk $0xffff, v33  }
0xce: {  	v34 =	vadd.s32 v28, v35;
	v33 =	vld [tilespmem:s29+$0xB0]  }
0xcf: {  	v35 =	vmov s30;
	s30 =	smov.u32 s31  }
0xd0: {  	v35 =	vshrl.u32 v35, $0x3  }
0xd1: {  	v35 =	vshll.u32 v35, v1  }
0xd2: {  	v35 =	vbroadcast v35, $0x0  }
0xd3: {  	[tilespmem:v34+s16+$0x0] =	vst.idx.msk $0xffff, v33  }
0xd4: {  	v34 =	vadd.s32 v29, v35;
	v33 =	vld [tilespmem:s29+$0xC0];
	_ =	sdelay $0x4  }
0xd5: {  	[tilespmem:v34+s16+$0x0] =	vst.idx.msk $0xffff, v33  }
0xd6: {  	v34 =	vadd.s32 v30, v35;
	v33 =	vld [tilespmem:s29+$0xD0];
	_ =	sdelay $0x4  }
0xd7: {  	[tilespmem:v34+s16+$0x0] =	vst.idx.msk $0xffff, v33  }
0xd8: {  	v34 =	vadd.s32 v31, v35;
	v33 =	vld [tilespmem:s29+$0xE0];
	_ =	sdelay $0x1  }
.Ltmp0:
0xd9: {  	(pc) =	sbr.rel @p1 .LBB2_3-.Ltmp0, $3  }
0xda: {  	_ =	sdelay $0x1  }
0xdb: {  	[tilespmem:v34+s16+$0x0] =	vst.idx.msk $0xffff, v33  }
0xdc: {  	s31 =	sadd.s32 $0x8, s31;
	s0 =	sadd.s32 $0xFFFFFFF9, s30;
	v34 =	vadd.s32 v32, v35;
	v33 =	vld [tilespmem:s29+$0xF0]  }
0xdd: {  	v35 =	vmov s0  }
0xde: {  	v35 =	vshrl.u32 v35, $0x3  }
0xdf: {  	v35 =	vshll.u32 v35, v1  }
0xe0: {  	v35 =	vbroadcast v35, $0x0  }
0xe1: {  	s0 =	sadd.s32 $0x200, s29;
	[tilespmem:v34+s16+$0x0] =	vst.idx.msk $0xffff, v33  }
0xe2: {  	v33 =	vld [tilespmem:s0+$0xFFFFFF00];
	v53 =	vadd.s32 v0, v35;
	_ =	sdelay $0x4  }
0xe3: {  	[tilespmem:v53+s16+$0x0] =	vst.idx.msk $0xffff, v33  }
0xe4: {  	v54 =	vadd.s32 v2, v35;
	v33 =	vld [tilespmem:s0+$0xFFFFFF10];
	_ =	sdelay $0x4  }
0xe5: {  	[tilespmem:v54+s16+$0x0] =	vst.idx.msk $0xffff, v33  }
0xe6: {  	v55 =	vadd.s32 v3, v35;
	v33 =	vld [tilespmem:s0+$0xFFFFFF20];
	_ =	sdelay $0x4  }
0xe7: {  	[tilespmem:v55+s16+$0x0] =	vst.idx.msk $0xffff, v33  }
0xe8: {  	s2 =	sadd.s32 $0xFFFFFFFA, s30;
	v56 =	vadd.s32 v4, v35;
	v33 =	vld [tilespmem:s0+$0xFFFFFF30]  }
0xe9: {  	v57 =	vmov s2  }
0xea: {  	v35 =	vshrl.u32 v57, $0x3  }
0xeb: {  	v35 =	vshll.u32 v35, v1  }
0xec: {  	v35 =	vbroadcast v35, $0x0  }
0xed: {  	[tilespmem:v56+s16+$0x0] =	vst.idx.msk $0xffff, v33  }
0xee: {  	v58 =	vadd.s32 v5, v35;
	v33 =	vld [tilespmem:s0+$0xFFFFFF40];
	_ =	sdelay $0x4  }
0xef: {  	[tilespmem:v58+s16+$0x0] =	vst.idx.msk $0xffff, v33  }
0xf0: {  	v59 =	vadd.s32 v6, v35;
	v33 =	vld [tilespmem:s0+$0xFFFFFF50];
	_ =	sdelay $0x4  }
0xf1: {  	[tilespmem:v59+s16+$0x0] =	vst.idx.msk $0xffff, v33  }
0xf2: {  	v60 =	vadd.s32 v7, v35;
	v33 =	vld [tilespmem:s0+$0xFFFFFF60];
	_ =	sdelay $0x4  }
0xf3: {  	[tilespmem:v60+s16+$0x0] =	vst.idx.msk $0xffff, v33  }
0xf4: {  	s10 =	sadd.s32 $0xFFFFFFFB, s30;
	v61 =	vadd.s32 v8, v35;
	v33 =	vld [tilespmem:s0+$0xFFFFFF70]  }
0xf5: {  	v62 =	vmov s10  }
0xf6: {  	v35 =	vshrl.u32 v62, $0x3  }
0xf7: {  	v35 =	vshll.u32 v35, v1  }
0xf8: {  	v35 =	vbroadcast v35, $0x0  }
0xf9: {  	[tilespmem:v61+s16+$0x0] =	vst.idx.msk $0xffff, v33  }
0xfa: {  	v63 =	vadd.s32 v9, v35;
	v33 =	vld [tilespmem:s0+$0xFFFFFF80];
	_ =	sdelay $0x4  }
0xfb: {  	[tilespmem:v63+s16+$0x0] =	vst.idx.msk $0xffff, v33  }
0xfc: {  	v36 =	vadd.s32 v10, v35;
	v33 =	vld [tilespmem:s0+$0xFFFFFF90];
	_ =	sdelay $0x4  }
0xfd: {  	[tilespmem:v36+s16+$0x0] =	vst.idx.msk $0xffff, v33  }
0xfe: {  	v37 =	vadd.s32 v11, v35;
	v33 =	vld [tilespmem:s0+$0xFFFFFFA0];
	_ =	sdelay $0x4  }
0xff: {  	[tilespmem:v37+s16+$0x0] =	vst.idx.msk $0xffff, v33  }
0x100: {  	s12 =	sadd.s32 $0xFFFFFFFC, s30;
	v38 =	vadd.s32 v12, v35;
	v33 =	vld [tilespmem:s0+$0xFFFFFFB0]  }
0x101: {  	v39 =	vmov s12  }
0x102: {  	v35 =	vshrl.u32 v39, $0x3  }
0x103: {  	v35 =	vshll.u32 v35, v1  }
0x104: {  	v35 =	vbroadcast v35, $0x0  }
0x105: {  	[tilespmem:v38+s16+$0x0] =	vst.idx.msk $0xffff, v33  }
0x106: {  	v40 =	vadd.s32 v13, v35;
	v33 =	vld [tilespmem:s0+$0xFFFFFFC0];
	_ =	sdelay $0x4  }
0x107: {  	[tilespmem:v40+s16+$0x0] =	vst.idx.msk $0xffff, v33  }
0x108: {  	v41 =	vadd.s32 v14, v35;
	v33 =	vld [tilespmem:s0+$0xFFFFFFD0];
	_ =	sdelay $0x4  }
0x109: {  	[tilespmem:v41+s16+$0x0] =	vst.idx.msk $0xffff, v33  }
0x10a: {  	v42 =	vadd.s32 v15, v35;
	v33 =	vld [tilespmem:s0+$0xFFFFFFE0];
	_ =	sdelay $0x4  }
0x10b: {  	[tilespmem:v42+s16+$0x0] =	vst.idx.msk $0xffff, v33  }
0x10c: {  	s10 =	sadd.s32 $0xFFFFFFFD, s30;
	v43 =	vadd.s32 v16, v35;
	v33 =	vld [tilespmem:s0+$0xFFFFFFF0]  }
0x10d: {  	v44 =	vmov s10  }
0x10e: {  	v35 =	vshrl.u32 v44, $0x3  }
0x10f: {  	v35 =	vshll.u32 v35, v1  }
0x110: {  	v35 =	vbroadcast v35, $0x0  }
0x111: {  	[tilespmem:v43+s16+$0x0] =	vst.idx.msk $0xffff, v33  }
0x112: {  	v45 =	vadd.s32 v17, v35;
	v33 =	vld [tilespmem:s0+$0x0];
	_ =	sdelay $0x4  }
0x113: {  	[tilespmem:v45+s16+$0x0] =	vst.idx.msk $0xffff, v33  }
0x114: {  	v46 =	vadd.s32 v18, v35;
	v33 =	vld [tilespmem:s0+$0x10];
	_ =	sdelay $0x4  }
0x115: {  	[tilespmem:v46+s16+$0x0] =	vst.idx.msk $0xffff, v33  }
0x116: {  	v47 =	vadd.s32 v19, v35;
	v33 =	vld [tilespmem:s0+$0x20];
	_ =	sdelay $0x4  }
0x117: {  	[tilespmem:v47+s16+$0x0] =	vst.idx.msk $0xffff, v33  }
0x118: {  	s12 =	sadd.s32 $0xFFFFFFFE, s30;
	v48 =	vadd.s32 v20, v35;
	v33 =	vld [tilespmem:s0+$0x30]  }
0x119: {  	v49 =	vmov s12  }
0x11a: {  	v35 =	vshrl.u32 v49, $0x3  }
0x11b: {  	v35 =	vshll.u32 v35, v1  }
0x11c: {  	v35 =	vbroadcast v35, $0x0  }
0x11d: {  	[tilespmem:v48+s16+$0x0] =	vst.idx.msk $0xffff, v33  }
0x11e: {  	v50 =	vadd.s32 v21, v35;
	v33 =	vld [tilespmem:s0+$0x40];
	_ =	sdelay $0x4  }
0x11f: {  	[tilespmem:v50+s16+$0x0] =	vst.idx.msk $0xffff, v33  }
0x120: {  	v51 =	vadd.s32 v22, v35;
	v33 =	vld [tilespmem:s0+$0x50];
	_ =	sdelay $0x4  }
0x121: {  	[tilespmem:v51+s16+$0x0] =	vst.idx.msk $0xffff, v33  }
0x122: {  	v52 =	vadd.s32 v23, v35;
	v33 =	vld [tilespmem:s0+$0x60];
	_ =	sdelay $0x4  }
0x123: {  	[tilespmem:v52+s16+$0x0] =	vst.idx.msk $0xffff, v33  }
0x124: {  	s10 =	sadd.s32 $0xFFFFFFFF, s30;
	v53 =	vadd.s32 v24, v35;
	v33 =	vld [tilespmem:s0+$0x70]  }
0x125: {  	v54 =	vmov s10  }
0x126: {  	v35 =	vshrl.u32 v54, $0x3  }
0x127: {  	v35 =	vshll.u32 v35, v1  }
0x128: {  	v35 =	vbroadcast v35, $0x0  }
0x129: {  	[tilespmem:v53+s16+$0x0] =	vst.idx.msk $0xffff, v33  }
0x12a: {  	v55 =	vadd.s32 v25, v35;
	v33 =	vld [tilespmem:s0+$0x80];
	_ =	sdelay $0x4  }
0x12b: {  	[tilespmem:v55+s16+$0x0] =	vst.idx.msk $0xffff, v33  }
0x12c: {  	v56 =	vadd.s32 v26, v35;
	v33 =	vld [tilespmem:s0+$0x90];
	_ =	sdelay $0x4  }
0x12d: {  	[tilespmem:v56+s16+$0x0] =	vst.idx.msk $0xffff, v33  }
0x12e: {  	v57 =	vadd.s32 v27, v35;
	v33 =	vld [tilespmem:s0+$0xA0];
	_ =	sdelay $0x4  }
0x12f: {  	[tilespmem:v57+s16+$0x0] =	vst.idx.msk $0xffff, v33  }
0x130: {  	v58 =	vadd.s32 v28, v35;
	v33 =	vld [tilespmem:s0+$0xB0]  }
0x131: {  	v59 =	vmov s30  }
0x132: {  	v35 =	vshrl.u32 v59, $0x3  }
0x133: {  	v35 =	vshll.u32 v35, v1  }
0x134: {  	v35 =	vbroadcast v35, $0x0  }
0x135: {  	[tilespmem:v58+s16+$0x0] =	vst.idx.msk $0xffff, v33  }
0x136: {  	v60 =	vadd.s32 v29, v35;
	v33 =	vld [tilespmem:s0+$0xC0];
	_ =	sdelay $0x4  }
0x137: {  	[tilespmem:v60+s16+$0x0] =	vst.idx.msk $0xffff, v33  }
0x138: {  	v61 =	vadd.s32 v30, v35;
	v33 =	vld [tilespmem:s0+$0xD0];
	_ =	sdelay $0x4  }
0x139: {  	[tilespmem:v61+s16+$0x0] =	vst.idx.msk $0xffff, v33  }
0x13a: {  	v62 =	vadd.s32 v31, v35;
	v33 =	vld [tilespmem:s0+$0xE0];
	_ =	sdelay $0x4  }
0x13b: {  	[tilespmem:v62+s16+$0x0] =	vst.idx.msk $0xffff, v33  }
0x13c: {  	v63 =	vadd.s32 v32, v35;
	v33 =	vld [tilespmem:s0+$0xF0];
	_ =	sdelay $0x1  }
0x13d: {  	s12 =	sshll.u32 s25, $0x14  }
0x13e: {  	s0 =	sor.u32 s6, s12  }
0x13f: {  	s29 =	sshrl.u32 s0, $0x3  }
0x140: {  	s2 =	simm.s32 $0xE400;
	s30 =	sadd.s32 s1, s29;
	[tilespmem:v63+s16+$0x0] =	vst.idx.msk $0xffff, v33  }
0x141: {  	[hbm4b:s30+s3] =	stream.linear.scatter [tilespmem:s2], [sflag:$0x5], $0x80, $0x38;
	[tilespmem:$0x12800] =	vst v63  }
0x142: {  	s10 =	simm.s32 $0xE488;
	s12 =	sadd.s32 $0x10, s30  }
0x143: {  	[hbm4b:s12+s3] =	stream.linear.scatter [tilespmem:s10], [sflag:$0x5], $0x80, $0x38;
	[tilespmem:$0x12800] =	vst v63  }
0x144: {  	s10 =	simm.s32 $0xE510;
	s12 =	sadd.s32 $0x20, s30  }
0x145: {  	[hbm4b:s12+s3] =	stream.linear.scatter [tilespmem:s10], [sflag:$0x5], $0x80, $0x38;
	[tilespmem:$0x12800] =	vst v63  }
0x146: {  	s10 =	simm.s32 $0xE598;
	s12 =	sadd.s32 $0x30, s30  }
0x147: {  	[hbm4b:s12+s3] =	stream.linear.scatter [tilespmem:s10], [sflag:$0x5], $0x80, $0x38;
	[tilespmem:$0x12800] =	vst v63  }
0x148: {  	s10 =	simm.s32 $0xE620;
	s12 =	sadd.s32 $0x40, s30  }
0x149: {  	[hbm4b:s12+s3] =	stream.linear.scatter [tilespmem:s10], [sflag:$0x5], $0x80, $0x38;
	[tilespmem:$0x12800] =	vst v63  }
0x14a: {  	s31 =	simm.s32 $0x2200;
	s10 =	simm.s32 $0xE6A8;
	s12 =	sadd.s32 $0x50, s30  }
0x14b: {  	[hbm4b:s12+s3] =	stream.linear.scatter [tilespmem:s10], [sflag:$0x5], $0x80, $0x38;
	[tilespmem:$0x12800] =	vst v63  }
0x14c: {  	s0 =	simm.s32 $0x440;
	s10 =	simm.s32 $0xE730;
	s12 =	sadd.s32 $0x60, s30  }
0x14d: {  	[hbm4b:s12+s3] =	stream.linear.scatter [tilespmem:s10], [sflag:$0x5], $0x80, $0x38;
	[tilespmem:$0x12800] =	vst v63  }
0x14e: {  	s2 =	simm.s32 $0xE7B8;
	s10 =	sadd.s32 $0x70, s30;
	s30 =	sadd.s32 $0x1000, s30  }
.LBB2_5:
0x14f: {  	[hbm4b:s10+s3] =	stream.linear.scatter [tilespmem:s2], [sflag:$0x5], $0x80, $0x38;
	[tilespmem:$0x12800] =	vst v63  }
0x150: {  	s2 =	smov.u32 s0;
	s0 =	smov.u32 s31  }
0x151: {  	s12 =	sadd.s32 $0x1100, s31;
	s0 =	sshra.s32 s0, $0x2;
	s10 =	sadd.s32 $0xE400, s2  }
0x152: {  	[hbm4b:s30+s3] =	stream.linear.scatter [tilespmem:s10], [sflag:$0x5], $0x80, $0x38;
	[tilespmem:$0x12800] =	vst v63  }
0x153: {  	p1 =	sne.s32 s31, $0x7700;
	s31 =	sadd.s32 $0x10, s30;
	s10 =	sadd.s32 $0xE488, s2  }
0x154: {  	[hbm4b:s31+s3] =	stream.linear.scatter [tilespmem:s10], [sflag:$0x5], $0x80, $0x38;
	[tilespmem:$0x12800] =	vst v63  }
0x155: {  	s10 =	sadd.s32 $0xE510, s2;
	s31 =	sadd.s32 $0x20, s30  }
0x156: {  	[hbm4b:s31+s3] =	stream.linear.scatter [tilespmem:s10], [sflag:$0x5], $0x80, $0x38;
	[tilespmem:$0x12800] =	vst v63  }
0x157: {  	s10 =	sadd.s32 $0xE598, s2;
	s31 =	sadd.s32 $0x30, s30  }
0x158: {  	[hbm4b:s31+s3] =	stream.linear.scatter [tilespmem:s10], [sflag:$0x5], $0x80, $0x38;
	[tilespmem:$0x12800] =	vst v63  }
0x159: {  	s10 =	sadd.s32 $0xE620, s2;
	s31 =	sadd.s32 $0x40, s30  }
0x15a: {  	[hbm4b:s31+s3] =	stream.linear.scatter [tilespmem:s10], [sflag:$0x5], $0x80, $0x38;
	[tilespmem:$0x12800] =	vst v63  }
.Ltmp1:
0x15b: {  	s10 =	sadd.s32 $0xE6A8, s2;
	s31 =	sadd.s32 $0x50, s30;
	(pc) =	sbr.rel @p1 .LBB2_5-.Ltmp1, $4  }
0x15c: {  	[hbm4b:s31+s3] =	stream.linear.scatter [tilespmem:s10], [sflag:$0x5], $0x80, $0x38;
	[tilespmem:$0x12800] =	vst v63  }
0x15d: {  	s10 =	sadd.s32 $0xE730, s2;
	s31 =	sadd.s32 $0x60, s30;
	s2 =	sadd.s32 $0xE7B8, s2  }
0x15e: {  	[hbm4b:s31+s3] =	stream.linear.scatter [tilespmem:s10], [sflag:$0x5], $0x80, $0x38;
	[tilespmem:$0x12800] =	vst v63  }
0x15f: {  	s10 =	sadd.s32 $0x70, s30;
	s30 =	sadd.s32 $0x1000, s30;
	s31 =	smov.u32 s12  }
0x160: {  	[hbm4b:s10+s3] =	stream.linear.scatter [tilespmem:s2], [sflag:$0x5], $0x80, $0x38;
	[tilespmem:$0x12800] =	vst v63  }
0x161: {  	s12 =	sadd.s32 $0xE400, s0  }
0x162: {  	[hbm4b:s30+s3] =	stream.linear.scatter [tilespmem:s12], [sflag:$0x5], $0x80, $0x38;
	[tilespmem:$0x12800] =	vst v63  }
0x163: {  	s10 =	sadd.s32 $0xE488, s0;
	s12 =	sadd.s32 $0x10, s30  }
0x164: {  	[hbm4b:s12+s3] =	stream.linear.scatter [tilespmem:s10], [sflag:$0x5], $0x80, $0x38;
	[tilespmem:$0x12800] =	vst v63  }
0x165: {  	s10 =	sadd.s32 $0xE510, s0;
	s12 =	sadd.s32 $0x20, s30  }
0x166: {  	[hbm4b:s12+s3] =	stream.linear.scatter [tilespmem:s10], [sflag:$0x5], $0x80, $0x38;
	[tilespmem:$0x12800] =	vst v63  }
0x167: {  	s10 =	sadd.s32 $0xE598, s0;
	s12 =	sadd.s32 $0x30, s30  }
0x168: {  	[hbm4b:s12+s3] =	stream.linear.scatter [tilespmem:s10], [sflag:$0x5], $0x80, $0x38;
	[tilespmem:$0x12800] =	vst v63  }
0x169: {  	s10 =	sadd.s32 $0xE620, s0;
	s12 =	sadd.s32 $0x40, s30  }
0x16a: {  	[hbm4b:s12+s3] =	stream.linear.scatter [tilespmem:s10], [sflag:$0x5], $0x80, $0x38;
	[tilespmem:$0x12800] =	vst v63  }
0x16b: {  	s10 =	sadd.s32 $0xE6A8, s0;
	s12 =	sadd.s32 $0x50, s30  }
0x16c: {  	[hbm4b:s12+s3] =	stream.linear.scatter [tilespmem:s10], [sflag:$0x5], $0x80, $0x38;
	[tilespmem:$0x12800] =	vst v63  }
0x16d: {  	s10 =	sadd.s32 $0xE730, s0;
	s12 =	sadd.s32 $0x60, s30  }
0x16e: {  	[hbm4b:s12+s3] =	stream.linear.scatter [tilespmem:s10], [sflag:$0x5], $0x80, $0x38;
	[tilespmem:$0x12800] =	vst v63  }
0x16f: {  	s10 =	sadd.s32 $0xE7B8, s0;
	s12 =	sadd.s32 $0x70, s30  }
0x170: {  	[hbm4b:s12+s3] =	stream.linear.scatter [tilespmem:s10], [sflag:$0x5], $0x80, $0x38;
	[tilespmem:$0x12800] =	vst v63  }
0x171: {  	s28 =	sor.u32 $0x3, s28;
	_ =	swait.ge [sflag:s17], $0x2000  }
0x172: {  	s2 =	sshll.u32 s28, $0x7;
	[sflag:s17] =	ssyncset.done $0x0  }
0x173: {  	s0 =	sand.u32 $0x3FFFFF80, s2;
	s10 =	simm.s32 $0x0;
	[sflag:s17] =	ssyncadd.s32 $0xFFFFE000  }
0x174: {  	v33 =	vmov s10;
	[tilespmem:s18], [sflag:$0x4] =	stream.indirect.gather [hbm4b:s4+s9], $0x40, s0, s9, $0xb8;
	[tilespmem:$0x12800] =	vst v63  }
0x175: {  	v33 =	vshrl.u32 v33, $0x3;
	s0 =	simm.s32 @!p0 $0x6  }
0x176: {  	v33 =	vshll.u32 v33, v1;
	_ =	swait.ge @!p0 [sflag:s0], $0x2000  }
0x177: {  	v33 =	vbroadcast v33, $0x0;
	[sflag:s0] =	ssyncset.done @!p0 $0x0  }
0x178: {  	s30 =	simm.s32 $0x8500;
	[sflag:s0] =	ssyncadd.s32 @!p0 $0xFFFFE000  }
0x179: {  	v35 =	vadd.s32 v0, v33;
	v34 =	vld [tilespmem:s30+$0xFFFFFF00];
	_ =	sdelay $0x4  }
0x17a: {  	[tilespmem:v35+s19+$0x0] =	vst.idx.msk $0xffff, v34  }
0x17b: {  	v56 =	vadd.s32 v2, v33;
	v34 =	vld [tilespmem:s30+$0xFFFFFF10];
	_ =	sdelay $0x4  }
0x17c: {  	[tilespmem:v56+s19+$0x0] =	vst.idx.msk $0xffff, v34  }
0x17d: {  	v57 =	vadd.s32 v3, v33;
	v34 =	vld [tilespmem:s30+$0xFFFFFF20];
	_ =	sdelay $0x4  }
0x17e: {  	[tilespmem:v57+s19+$0x0] =	vst.idx.msk $0xffff, v34  }
0x17f: {  	s12 =	simm.s32 $0x1;
	v33 =	vadd.s32 v4, v33;
	v34 =	vld [tilespmem:s30+$0xFFFFFF30]  }
0x180: {  	v58 =	vmov s12  }
0x181: {  	v35 =	vshrl.u32 v58, $0x3  }
0x182: {  	v35 =	vshll.u32 v35, v1  }
0x183: {  	v35 =	vbroadcast v35, $0x0  }
0x184: {  	[tilespmem:v33+s19+$0x0] =	vst.idx.msk $0xffff, v34  }
0x185: {  	v59 =	vadd.s32 v5, v35;
	v33 =	vld [tilespmem:s30+$0xFFFFFF40];
	_ =	sdelay $0x4  }
0x186: {  	[tilespmem:v59+s19+$0x0] =	vst.idx.msk $0xffff, v33  }
0x187: {  	v60 =	vadd.s32 v6, v35;
	v33 =	vld [tilespmem:s30+$0xFFFFFF50];
	_ =	sdelay $0x4  }
0x188: {  	[tilespmem:v60+s19+$0x0] =	vst.idx.msk $0xffff, v33  }
0x189: {  	v61 =	vadd.s32 v7, v35;
	v33 =	vld [tilespmem:s30+$0xFFFFFF60];
	_ =	sdelay $0x4  }
0x18a: {  	[tilespmem:v61+s19+$0x0] =	vst.idx.msk $0xffff, v33  }
0x18b: {  	s2 =	simm.s32 $0x2;
	v62 =	vadd.s32 v8, v35;
	v33 =	vld [tilespmem:s30+$0xFFFFFF70]  }
0x18c: {  	v63 =	vmov s2  }
0x18d: {  	v35 =	vshrl.u32 v63, $0x3  }
0x18e: {  	v35 =	vshll.u32 v35, v1  }
0x18f: {  	v35 =	vbroadcast v35, $0x0  }
0x190: {  	[tilespmem:v62+s19+$0x0] =	vst.idx.msk $0xffff, v33  }
0x191: {  	v36 =	vadd.s32 v9, v35;
	v33 =	vld [tilespmem:s30+$0xFFFFFF80];
	_ =	sdelay $0x4  }
0x192: {  	[tilespmem:v36+s19+$0x0] =	vst.idx.msk $0xffff, v33  }
0x193: {  	v37 =	vadd.s32 v10, v35;
	v33 =	vld [tilespmem:s30+$0xFFFFFF90];
	_ =	sdelay $0x4  }
0x194: {  	[tilespmem:v37+s19+$0x0] =	vst.idx.msk $0xffff, v33  }
0x195: {  	v38 =	vadd.s32 v11, v35;
	v33 =	vld [tilespmem:s30+$0xFFFFFFA0];
	_ =	sdelay $0x4  }
0x196: {  	[tilespmem:v38+s19+$0x0] =	vst.idx.msk $0xffff, v33  }
0x197: {  	s10 =	simm.s32 $0x3;
	v39 =	vadd.s32 v12, v35;
	v33 =	vld [tilespmem:s30+$0xFFFFFFB0]  }
0x198: {  	v40 =	vmov s10  }
0x199: {  	v35 =	vshrl.u32 v40, $0x3  }
0x19a: {  	v35 =	vshll.u32 v35, v1  }
0x19b: {  	v35 =	vbroadcast v35, $0x0  }
0x19c: {  	[tilespmem:v39+s19+$0x0] =	vst.idx.msk $0xffff, v33  }
0x19d: {  	v41 =	vadd.s32 v13, v35;
	v33 =	vld [tilespmem:s30+$0xFFFFFFC0];
	_ =	sdelay $0x4  }
0x19e: {  	[tilespmem:v41+s19+$0x0] =	vst.idx.msk $0xffff, v33  }
0x19f: {  	v42 =	vadd.s32 v14, v35;
	v33 =	vld [tilespmem:s30+$0xFFFFFFD0];
	_ =	sdelay $0x4  }
0x1a0: {  	[tilespmem:v42+s19+$0x0] =	vst.idx.msk $0xffff, v33  }
0x1a1: {  	v43 =	vadd.s32 v15, v35;
	v33 =	vld [tilespmem:s30+$0xFFFFFFE0];
	_ =	sdelay $0x4  }
0x1a2: {  	[tilespmem:v43+s19+$0x0] =	vst.idx.msk $0xffff, v33  }
0x1a3: {  	s12 =	simm.s32 $0x4;
	v44 =	vadd.s32 v16, v35;
	v33 =	vld [tilespmem:s30+$0xFFFFFFF0]  }
0x1a4: {  	v45 =	vmov s12  }
0x1a5: {  	v35 =	vshrl.u32 v45, $0x3  }
0x1a6: {  	v35 =	vshll.u32 v35, v1  }
0x1a7: {  	v35 =	vbroadcast v35, $0x0  }
0x1a8: {  	[tilespmem:v44+s19+$0x0] =	vst.idx.msk $0xffff, v33  }
0x1a9: {  	v46 =	vadd.s32 v17, v35;
	v33 =	vld [tilespmem:s30+$0x0];
	_ =	sdelay $0x4  }
0x1aa: {  	[tilespmem:v46+s19+$0x0] =	vst.idx.msk $0xffff, v33  }
0x1ab: {  	v47 =	vadd.s32 v18, v35;
	v33 =	vld [tilespmem:s30+$0x10];
	_ =	sdelay $0x4  }
0x1ac: {  	[tilespmem:v47+s19+$0x0] =	vst.idx.msk $0xffff, v33  }
0x1ad: {  	v48 =	vadd.s32 v19, v35;
	v33 =	vld [tilespmem:s30+$0x20];
	_ =	sdelay $0x4  }
0x1ae: {  	[tilespmem:v48+s19+$0x0] =	vst.idx.msk $0xffff, v33  }
0x1af: {  	s2 =	simm.s32 $0x5;
	v49 =	vadd.s32 v20, v35;
	v33 =	vld [tilespmem:s30+$0x30]  }
0x1b0: {  	v50 =	vmov s2  }
0x1b1: {  	v35 =	vshrl.u32 v50, $0x3  }
0x1b2: {  	v35 =	vshll.u32 v35, v1  }
0x1b3: {  	v35 =	vbroadcast v35, $0x0  }
0x1b4: {  	[tilespmem:v49+s19+$0x0] =	vst.idx.msk $0xffff, v33  }
0x1b5: {  	v51 =	vadd.s32 v21, v35;
	v33 =	vld [tilespmem:s30+$0x40];
	_ =	sdelay $0x4  }
0x1b6: {  	[tilespmem:v51+s19+$0x0] =	vst.idx.msk $0xffff, v33  }
0x1b7: {  	v52 =	vadd.s32 v22, v35;
	v33 =	vld [tilespmem:s30+$0x50];
	_ =	sdelay $0x4  }
0x1b8: {  	[tilespmem:v52+s19+$0x0] =	vst.idx.msk $0xffff, v33  }
0x1b9: {  	v53 =	vadd.s32 v23, v35;
	v33 =	vld [tilespmem:s30+$0x60];
	_ =	sdelay $0x4  }
0x1ba: {  	[tilespmem:v53+s19+$0x0] =	vst.idx.msk $0xffff, v33  }
0x1bb: {  	s10 =	simm.s32 $0x6;
	v54 =	vadd.s32 v24, v35;
	v33 =	vld [tilespmem:s30+$0x70]  }
0x1bc: {  	v55 =	vmov s10  }
0x1bd: {  	v35 =	vshrl.u32 v55, $0x3  }
0x1be: {  	v35 =	vshll.u32 v35, v1  }
0x1bf: {  	v35 =	vbroadcast v35, $0x0  }
0x1c0: {  	[tilespmem:v54+s19+$0x0] =	vst.idx.msk $0xffff, v33  }
0x1c1: {  	v56 =	vadd.s32 v25, v35;
	v33 =	vld [tilespmem:s30+$0x80];
	_ =	sdelay $0x4  }
0x1c2: {  	[tilespmem:v56+s19+$0x0] =	vst.idx.msk $0xffff, v33  }
0x1c3: {  	v57 =	vadd.s32 v26, v35;
	v33 =	vld [tilespmem:s30+$0x90];
	_ =	sdelay $0x4  }
0x1c4: {  	[tilespmem:v57+s19+$0x0] =	vst.idx.msk $0xffff, v33  }
0x1c5: {  	v58 =	vadd.s32 v27, v35;
	v33 =	vld [tilespmem:s30+$0xA0];
	_ =	sdelay $0x4  }
0x1c6: {  	[tilespmem:v58+s19+$0x0] =	vst.idx.msk $0xffff, v33  }
0x1c7: {  	s12 =	simm.s32 $0x7;
	v59 =	vadd.s32 v28, v35;
	v33 =	vld [tilespmem:s30+$0xB0]  }
0x1c8: {  	v60 =	vmov s12  }
0x1c9: {  	v35 =	vshrl.u32 v60, $0x3  }
0x1ca: {  	v35 =	vshll.u32 v35, v1  }
0x1cb: {  	v35 =	vbroadcast v35, $0x0  }
0x1cc: {  	[tilespmem:v59+s19+$0x0] =	vst.idx.msk $0xffff, v33  }
0x1cd: {  	v61 =	vadd.s32 v29, v35;
	v33 =	vld [tilespmem:s30+$0xC0];
	_ =	sdelay $0x4  }
0x1ce: {  	[tilespmem:v61+s19+$0x0] =	vst.idx.msk $0xffff, v33  }
0x1cf: {  	v62 =	vadd.s32 v30, v35;
	v33 =	vld [tilespmem:s30+$0xD0];
	_ =	sdelay $0x4  }
0x1d0: {  	[tilespmem:v62+s19+$0x0] =	vst.idx.msk $0xffff, v33  }
0x1d1: {  	v63 =	vadd.s32 v31, v35;
	v33 =	vld [tilespmem:s30+$0xE0];
	_ =	sdelay $0x4  }
0x1d2: {  	[tilespmem:v63+s19+$0x0] =	vst.idx.msk $0xffff, v33  }
0x1d3: {  	s31 =	simm.s32 $0xF;
	s2 =	simm.s32 $0x8;
	s0 =	simm.s32 $0x17;
	v34 =	vadd.s32 v32, v35;
	v33 =	vld [tilespmem:s30+$0xF0]  }
.LBB2_7:
0x1d4: {  	p0 =	sne.s32 s0, $0x7F;
	v35 =	vmov s2  }
0x1d5: {  	v35 =	vshrl.u32 v35, $0x3  }
0x1d6: {  	v35 =	vshll.u32 v35, v1  }
0x1d7: {  	v35 =	vbroadcast v35, $0x0  }
0x1d8: {  	s30 =	sadd.s32 $0x200, s30;
	[tilespmem:v34+s19+$0x0] =	vst.idx.msk $0xffff, v33  }
0x1d9: {  	v33 =	vld [tilespmem:s30+$0xFFFFFF00];
	v34 =	vadd.s32 v0, v35;
	_ =	sdelay $0x4  }
0x1da: {  	[tilespmem:v34+s19+$0x0] =	vst.idx.msk $0xffff, v33  }
0x1db: {  	v34 =	vadd.s32 v2, v35;
	v33 =	vld [tilespmem:s30+$0xFFFFFF10];
	_ =	sdelay $0x4  }
0x1dc: {  	[tilespmem:v34+s19+$0x0] =	vst.idx.msk $0xffff, v33  }
0x1dd: {  	v34 =	vadd.s32 v3, v35;
	v33 =	vld [tilespmem:s30+$0xFFFFFF20];
	_ =	sdelay $0x4  }
0x1de: {  	[tilespmem:v34+s19+$0x0] =	vst.idx.msk $0xffff, v33  }
0x1df: {  	s2 =	sadd.s32 $0xFFFFFFFA, s31;
	v34 =	vadd.s32 v4, v35;
	v33 =	vld [tilespmem:s30+$0xFFFFFF30]  }
0x1e0: {  	v35 =	vmov s2  }
0x1e1: {  	v35 =	vshrl.u32 v35, $0x3  }
0x1e2: {  	v35 =	vshll.u32 v35, v1  }
0x1e3: {  	v35 =	vbroadcast v35, $0x0  }
0x1e4: {  	[tilespmem:v34+s19+$0x0] =	vst.idx.msk $0xffff, v33  }
0x1e5: {  	v34 =	vadd.s32 v5, v35;
	v33 =	vld [tilespmem:s30+$0xFFFFFF40];
	_ =	sdelay $0x4  }
0x1e6: {  	[tilespmem:v34+s19+$0x0] =	vst.idx.msk $0xffff, v33  }
0x1e7: {  	v34 =	vadd.s32 v6, v35;
	v33 =	vld [tilespmem:s30+$0xFFFFFF50];
	_ =	sdelay $0x4  }
0x1e8: {  	[tilespmem:v34+s19+$0x0] =	vst.idx.msk $0xffff, v33  }
0x1e9: {  	v34 =	vadd.s32 v7, v35;
	v33 =	vld [tilespmem:s30+$0xFFFFFF60];
	_ =	sdelay $0x4  }
0x1ea: {  	[tilespmem:v34+s19+$0x0] =	vst.idx.msk $0xffff, v33  }
0x1eb: {  	s2 =	sadd.s32 $0xFFFFFFFB, s31;
	v34 =	vadd.s32 v8, v35;
	v33 =	vld [tilespmem:s30+$0xFFFFFF70]  }
0x1ec: {  	v35 =	vmov s2  }
0x1ed: {  	v35 =	vshrl.u32 v35, $0x3  }
0x1ee: {  	v35 =	vshll.u32 v35, v1  }
0x1ef: {  	v35 =	vbroadcast v35, $0x0  }
0x1f0: {  	[tilespmem:v34+s19+$0x0] =	vst.idx.msk $0xffff, v33  }
0x1f1: {  	v34 =	vadd.s32 v9, v35;
	v33 =	vld [tilespmem:s30+$0xFFFFFF80];
	_ =	sdelay $0x4  }
0x1f2: {  	[tilespmem:v34+s19+$0x0] =	vst.idx.msk $0xffff, v33  }
0x1f3: {  	v34 =	vadd.s32 v10, v35;
	v33 =	vld [tilespmem:s30+$0xFFFFFF90];
	_ =	sdelay $0x4  }
0x1f4: {  	[tilespmem:v34+s19+$0x0] =	vst.idx.msk $0xffff, v33  }
0x1f5: {  	v34 =	vadd.s32 v11, v35;
	v33 =	vld [tilespmem:s30+$0xFFFFFFA0];
	_ =	sdelay $0x4  }
0x1f6: {  	[tilespmem:v34+s19+$0x0] =	vst.idx.msk $0xffff, v33  }
0x1f7: {  	s2 =	sadd.s32 $0xFFFFFFFC, s31;
	v34 =	vadd.s32 v12, v35;
	v33 =	vld [tilespmem:s30+$0xFFFFFFB0]  }
0x1f8: {  	v35 =	vmov s2  }
0x1f9: {  	v35 =	vshrl.u32 v35, $0x3  }
0x1fa: {  	v35 =	vshll.u32 v35, v1  }
0x1fb: {  	v35 =	vbroadcast v35, $0x0  }
0x1fc: {  	[tilespmem:v34+s19+$0x0] =	vst.idx.msk $0xffff, v33  }
0x1fd: {  	v34 =	vadd.s32 v13, v35;
	v33 =	vld [tilespmem:s30+$0xFFFFFFC0];
	_ =	sdelay $0x4  }
0x1fe: {  	[tilespmem:v34+s19+$0x0] =	vst.idx.msk $0xffff, v33  }
0x1ff: {  	v34 =	vadd.s32 v14, v35;
	v33 =	vld [tilespmem:s30+$0xFFFFFFD0];
	_ =	sdelay $0x4  }
0x200: {  	[tilespmem:v34+s19+$0x0] =	vst.idx.msk $0xffff, v33  }
0x201: {  	v34 =	vadd.s32 v15, v35;
	v33 =	vld [tilespmem:s30+$0xFFFFFFE0];
	_ =	sdelay $0x4  }
0x202: {  	[tilespmem:v34+s19+$0x0] =	vst.idx.msk $0xffff, v33  }
0x203: {  	s2 =	sadd.s32 $0xFFFFFFFD, s31;
	v34 =	vadd.s32 v16, v35;
	v33 =	vld [tilespmem:s30+$0xFFFFFFF0]  }
0x204: {  	v35 =	vmov s2  }
0x205: {  	v35 =	vshrl.u32 v35, $0x3  }
0x206: {  	v35 =	vshll.u32 v35, v1  }
0x207: {  	v35 =	vbroadcast v35, $0x0  }
0x208: {  	[tilespmem:v34+s19+$0x0] =	vst.idx.msk $0xffff, v33  }
0x209: {  	v34 =	vadd.s32 v17, v35;
	v33 =	vld [tilespmem:s30+$0x0];
	_ =	sdelay $0x4  }
0x20a: {  	[tilespmem:v34+s19+$0x0] =	vst.idx.msk $0xffff, v33  }
0x20b: {  	v34 =	vadd.s32 v18, v35;
	v33 =	vld [tilespmem:s30+$0x10];
	_ =	sdelay $0x4  }
0x20c: {  	[tilespmem:v34+s19+$0x0] =	vst.idx.msk $0xffff, v33  }
0x20d: {  	v34 =	vadd.s32 v19, v35;
	v33 =	vld [tilespmem:s30+$0x20];
	_ =	sdelay $0x4  }
0x20e: {  	[tilespmem:v34+s19+$0x0] =	vst.idx.msk $0xffff, v33  }
0x20f: {  	s2 =	sadd.s32 $0xFFFFFFFE, s31;
	v34 =	vadd.s32 v20, v35;
	v33 =	vld [tilespmem:s30+$0x30]  }
0x210: {  	v35 =	vmov s2  }
0x211: {  	v35 =	vshrl.u32 v35, $0x3  }
0x212: {  	v35 =	vshll.u32 v35, v1  }
0x213: {  	v35 =	vbroadcast v35, $0x0  }
0x214: {  	[tilespmem:v34+s19+$0x0] =	vst.idx.msk $0xffff, v33  }
0x215: {  	v34 =	vadd.s32 v21, v35;
	v33 =	vld [tilespmem:s30+$0x40];
	_ =	sdelay $0x4  }
0x216: {  	[tilespmem:v34+s19+$0x0] =	vst.idx.msk $0xffff, v33  }
0x217: {  	v34 =	vadd.s32 v22, v35;
	v33 =	vld [tilespmem:s30+$0x50];
	_ =	sdelay $0x4  }
0x218: {  	[tilespmem:v34+s19+$0x0] =	vst.idx.msk $0xffff, v33  }
0x219: {  	v34 =	vadd.s32 v23, v35;
	v33 =	vld [tilespmem:s30+$0x60];
	_ =	sdelay $0x4  }
0x21a: {  	[tilespmem:v34+s19+$0x0] =	vst.idx.msk $0xffff, v33  }
0x21b: {  	s2 =	sadd.s32 $0xFFFFFFFF, s31;
	v34 =	vadd.s32 v24, v35;
	v33 =	vld [tilespmem:s30+$0x70]  }
0x21c: {  	v35 =	vmov s2  }
0x21d: {  	v35 =	vshrl.u32 v35, $0x3  }
0x21e: {  	v35 =	vshll.u32 v35, v1  }
0x21f: {  	v35 =	vbroadcast v35, $0x0  }
0x220: {  	[tilespmem:v34+s19+$0x0] =	vst.idx.msk $0xffff, v33  }
0x221: {  	v34 =	vadd.s32 v25, v35;
	v33 =	vld [tilespmem:s30+$0x80];
	_ =	sdelay $0x4  }
0x222: {  	[tilespmem:v34+s19+$0x0] =	vst.idx.msk $0xffff, v33  }
0x223: {  	v34 =	vadd.s32 v26, v35;
	v33 =	vld [tilespmem:s30+$0x90];
	_ =	sdelay $0x4  }
0x224: {  	[tilespmem:v34+s19+$0x0] =	vst.idx.msk $0xffff, v33  }
0x225: {  	v34 =	vadd.s32 v27, v35;
	v33 =	vld [tilespmem:s30+$0xA0];
	_ =	sdelay $0x4  }
0x226: {  	[tilespmem:v34+s19+$0x0] =	vst.idx.msk $0xffff, v33  }
0x227: {  	v34 =	vadd.s32 v28, v35;
	v33 =	vld [tilespmem:s30+$0xB0]  }
0x228: {  	v35 =	vmov s31;
	s31 =	smov.u32 s0  }
0x229: {  	v35 =	vshrl.u32 v35, $0x3  }
0x22a: {  	v35 =	vshll.u32 v35, v1  }
0x22b: {  	v35 =	vbroadcast v35, $0x0  }
0x22c: {  	[tilespmem:v34+s19+$0x0] =	vst.idx.msk $0xffff, v33  }
0x22d: {  	v34 =	vadd.s32 v29, v35;
	v33 =	vld [tilespmem:s30+$0xC0];
	_ =	sdelay $0x4  }
0x22e: {  	[tilespmem:v34+s19+$0x0] =	vst.idx.msk $0xffff, v33  }
0x22f: {  	v34 =	vadd.s32 v30, v35;
	v33 =	vld [tilespmem:s30+$0xD0];
	_ =	sdelay $0x4  }
0x230: {  	[tilespmem:v34+s19+$0x0] =	vst.idx.msk $0xffff, v33  }
0x231: {  	v34 =	vadd.s32 v31, v35;
	v33 =	vld [tilespmem:s30+$0xE0];
	_ =	sdelay $0x1  }
.Ltmp2:
0x232: {  	(pc) =	sbr.rel @p0 .LBB2_7-.Ltmp2, $3  }
0x233: {  	_ =	sdelay $0x1  }
0x234: {  	[tilespmem:v34+s19+$0x0] =	vst.idx.msk $0xffff, v33  }
0x235: {  	s0 =	sadd.s32 $0x8, s0;
	s2 =	sadd.s32 $0xFFFFFFF9, s31;
	v34 =	vadd.s32 v32, v35;
	v33 =	vld [tilespmem:s30+$0xF0]  }
0x236: {  	v35 =	vmov s2  }
0x237: {  	v35 =	vshrl.u32 v35, $0x3  }
0x238: {  	v35 =	vshll.u32 v35, v1  }
0x239: {  	v35 =	vbroadcast v35, $0x0  }
0x23a: {  	s0 =	sadd.s32 $0x200, s30;
	[tilespmem:v34+s19+$0x0] =	vst.idx.msk $0xffff, v33  }
0x23b: {  	v33 =	vld [tilespmem:s0+$0xFFFFFF00];
	v53 =	vadd.s32 v0, v35;
	_ =	sdelay $0x4  }
0x23c: {  	[tilespmem:v53+s19+$0x0] =	vst.idx.msk $0xffff, v33  }
0x23d: {  	v54 =	vadd.s32 v2, v35;
	v33 =	vld [tilespmem:s0+$0xFFFFFF10];
	_ =	sdelay $0x4  }
0x23e: {  	[tilespmem:v54+s19+$0x0] =	vst.idx.msk $0xffff, v33  }
0x23f: {  	v55 =	vadd.s32 v3, v35;
	v33 =	vld [tilespmem:s0+$0xFFFFFF20];
	_ =	sdelay $0x4  }
0x240: {  	[tilespmem:v55+s19+$0x0] =	vst.idx.msk $0xffff, v33  }
0x241: {  	s10 =	sadd.s32 $0xFFFFFFFA, s31;
	v56 =	vadd.s32 v4, v35;
	v33 =	vld [tilespmem:s0+$0xFFFFFF30]  }
0x242: {  	v57 =	vmov s10  }
0x243: {  	v35 =	vshrl.u32 v57, $0x3  }
0x244: {  	v35 =	vshll.u32 v35, v1  }
0x245: {  	v35 =	vbroadcast v35, $0x0  }
0x246: {  	[tilespmem:v56+s19+$0x0] =	vst.idx.msk $0xffff, v33  }
0x247: {  	v58 =	vadd.s32 v5, v35;
	v33 =	vld [tilespmem:s0+$0xFFFFFF40];
	_ =	sdelay $0x4  }
0x248: {  	[tilespmem:v58+s19+$0x0] =	vst.idx.msk $0xffff, v33  }
0x249: {  	v59 =	vadd.s32 v6, v35;
	v33 =	vld [tilespmem:s0+$0xFFFFFF50];
	_ =	sdelay $0x4  }
0x24a: {  	[tilespmem:v59+s19+$0x0] =	vst.idx.msk $0xffff, v33  }
0x24b: {  	v60 =	vadd.s32 v7, v35;
	v33 =	vld [tilespmem:s0+$0xFFFFFF60];
	_ =	sdelay $0x4  }
0x24c: {  	[tilespmem:v60+s19+$0x0] =	vst.idx.msk $0xffff, v33  }
0x24d: {  	s12 =	sadd.s32 $0xFFFFFFFB, s31;
	v61 =	vadd.s32 v8, v35;
	v33 =	vld [tilespmem:s0+$0xFFFFFF70]  }
0x24e: {  	v62 =	vmov s12  }
0x24f: {  	v35 =	vshrl.u32 v62, $0x3  }
0x250: {  	v35 =	vshll.u32 v35, v1  }
0x251: {  	v35 =	vbroadcast v35, $0x0  }
0x252: {  	[tilespmem:v61+s19+$0x0] =	vst.idx.msk $0xffff, v33  }
0x253: {  	v63 =	vadd.s32 v9, v35;
	v33 =	vld [tilespmem:s0+$0xFFFFFF80];
	_ =	sdelay $0x4  }
0x254: {  	[tilespmem:v63+s19+$0x0] =	vst.idx.msk $0xffff, v33  }
0x255: {  	v36 =	vadd.s32 v10, v35;
	v33 =	vld [tilespmem:s0+$0xFFFFFF90];
	_ =	sdelay $0x4  }
0x256: {  	[tilespmem:v36+s19+$0x0] =	vst.idx.msk $0xffff, v33  }
0x257: {  	v37 =	vadd.s32 v11, v35;
	v33 =	vld [tilespmem:s0+$0xFFFFFFA0];
	_ =	sdelay $0x4  }
0x258: {  	[tilespmem:v37+s19+$0x0] =	vst.idx.msk $0xffff, v33  }
0x259: {  	s10 =	sadd.s32 $0xFFFFFFFC, s31;
	v38 =	vadd.s32 v12, v35;
	v33 =	vld [tilespmem:s0+$0xFFFFFFB0]  }
0x25a: {  	v39 =	vmov s10  }
0x25b: {  	v35 =	vshrl.u32 v39, $0x3  }
0x25c: {  	v35 =	vshll.u32 v35, v1  }
0x25d: {  	v35 =	vbroadcast v35, $0x0  }
0x25e: {  	[tilespmem:v38+s19+$0x0] =	vst.idx.msk $0xffff, v33  }
0x25f: {  	v40 =	vadd.s32 v13, v35;
	v33 =	vld [tilespmem:s0+$0xFFFFFFC0];
	_ =	sdelay $0x4  }
0x260: {  	[tilespmem:v40+s19+$0x0] =	vst.idx.msk $0xffff, v33  }
0x261: {  	v41 =	vadd.s32 v14, v35;
	v33 =	vld [tilespmem:s0+$0xFFFFFFD0];
	_ =	sdelay $0x4  }
0x262: {  	[tilespmem:v41+s19+$0x0] =	vst.idx.msk $0xffff, v33  }
0x263: {  	v42 =	vadd.s32 v15, v35;
	v33 =	vld [tilespmem:s0+$0xFFFFFFE0];
	_ =	sdelay $0x4  }
0x264: {  	[tilespmem:v42+s19+$0x0] =	vst.idx.msk $0xffff, v33  }
0x265: {  	s12 =	sadd.s32 $0xFFFFFFFD, s31;
	v43 =	vadd.s32 v16, v35;
	v33 =	vld [tilespmem:s0+$0xFFFFFFF0]  }
0x266: {  	v44 =	vmov s12  }
0x267: {  	v35 =	vshrl.u32 v44, $0x3  }
0x268: {  	v35 =	vshll.u32 v35, v1  }
0x269: {  	v35 =	vbroadcast v35, $0x0  }
0x26a: {  	[tilespmem:v43+s19+$0x0] =	vst.idx.msk $0xffff, v33  }
0x26b: {  	v45 =	vadd.s32 v17, v35;
	v33 =	vld [tilespmem:s0+$0x0];
	_ =	sdelay $0x4  }
0x26c: {  	[tilespmem:v45+s19+$0x0] =	vst.idx.msk $0xffff, v33  }
0x26d: {  	v46 =	vadd.s32 v18, v35;
	v33 =	vld [tilespmem:s0+$0x10];
	_ =	sdelay $0x4  }
0x26e: {  	[tilespmem:v46+s19+$0x0] =	vst.idx.msk $0xffff, v33  }
0x26f: {  	v47 =	vadd.s32 v19, v35;
	v33 =	vld [tilespmem:s0+$0x20];
	_ =	sdelay $0x4  }
0x270: {  	[tilespmem:v47+s19+$0x0] =	vst.idx.msk $0xffff, v33  }
0x271: {  	s10 =	sadd.s32 $0xFFFFFFFE, s31;
	v48 =	vadd.s32 v20, v35;
	v33 =	vld [tilespmem:s0+$0x30]  }
0x272: {  	v49 =	vmov s10  }
0x273: {  	v35 =	vshrl.u32 v49, $0x3  }
0x274: {  	v35 =	vshll.u32 v35, v1  }
0x275: {  	v35 =	vbroadcast v35, $0x0  }
0x276: {  	[tilespmem:v48+s19+$0x0] =	vst.idx.msk $0xffff, v33  }
0x277: {  	v50 =	vadd.s32 v21, v35;
	v33 =	vld [tilespmem:s0+$0x40];
	_ =	sdelay $0x4  }
0x278: {  	[tilespmem:v50+s19+$0x0] =	vst.idx.msk $0xffff, v33  }
0x279: {  	v51 =	vadd.s32 v22, v35;
	v33 =	vld [tilespmem:s0+$0x50];
	_ =	sdelay $0x4  }
0x27a: {  	[tilespmem:v51+s19+$0x0] =	vst.idx.msk $0xffff, v33  }
0x27b: {  	v52 =	vadd.s32 v23, v35;
	v33 =	vld [tilespmem:s0+$0x60];
	_ =	sdelay $0x4  }
0x27c: {  	[tilespmem:v52+s19+$0x0] =	vst.idx.msk $0xffff, v33  }
0x27d: {  	s12 =	sadd.s32 $0xFFFFFFFF, s31;
	v53 =	vadd.s32 v24, v35;
	v33 =	vld [tilespmem:s0+$0x70]  }
0x27e: {  	v54 =	vmov s12  }
0x27f: {  	v35 =	vshrl.u32 v54, $0x3  }
0x280: {  	v35 =	vshll.u32 v35, v1  }
0x281: {  	v35 =	vbroadcast v35, $0x0  }
0x282: {  	[tilespmem:v53+s19+$0x0] =	vst.idx.msk $0xffff, v33  }
0x283: {  	v55 =	vadd.s32 v25, v35;
	v33 =	vld [tilespmem:s0+$0x80];
	_ =	sdelay $0x4  }
0x284: {  	[tilespmem:v55+s19+$0x0] =	vst.idx.msk $0xffff, v33  }
0x285: {  	v56 =	vadd.s32 v26, v35;
	v33 =	vld [tilespmem:s0+$0x90];
	_ =	sdelay $0x4  }
0x286: {  	[tilespmem:v56+s19+$0x0] =	vst.idx.msk $0xffff, v33  }
0x287: {  	v57 =	vadd.s32 v27, v35;
	v33 =	vld [tilespmem:s0+$0xA0];
	_ =	sdelay $0x4  }
0x288: {  	[tilespmem:v57+s19+$0x0] =	vst.idx.msk $0xffff, v33  }
0x289: {  	v58 =	vadd.s32 v28, v35;
	v33 =	vld [tilespmem:s0+$0xB0]  }
0x28a: {  	v59 =	vmov s31  }
0x28b: {  	v35 =	vshrl.u32 v59, $0x3  }
0x28c: {  	v35 =	vshll.u32 v35, v1  }
0x28d: {  	v35 =	vbroadcast v35, $0x0  }
0x28e: {  	[tilespmem:v58+s19+$0x0] =	vst.idx.msk $0xffff, v33  }
0x28f: {  	v60 =	vadd.s32 v29, v35;
	v33 =	vld [tilespmem:s0+$0xC0];
	_ =	sdelay $0x4  }
0x290: {  	[tilespmem:v60+s19+$0x0] =	vst.idx.msk $0xffff, v33  }
0x291: {  	v61 =	vadd.s32 v30, v35;
	v33 =	vld [tilespmem:s0+$0xD0];
	_ =	sdelay $0x4  }
0x292: {  	[tilespmem:v61+s19+$0x0] =	vst.idx.msk $0xffff, v33  }
0x293: {  	v62 =	vadd.s32 v31, v35;
	v33 =	vld [tilespmem:s0+$0xE0];
	_ =	sdelay $0x4  }
0x294: {  	[tilespmem:v62+s19+$0x0] =	vst.idx.msk $0xffff, v33  }
0x295: {  	v63 =	vadd.s32 v32, v35;
	v33 =	vld [tilespmem:s0+$0xF0];
	_ =	sdelay $0x4  }
0x296: {  	s2 =	simm.s32 $0x10600;
	s12 =	sadd.s32 s29, s7;
	[tilespmem:v63+s19+$0x0] =	vst.idx.msk $0xffff, v33  }
0x297: {  	[hbm4b:s12+s3] =	stream.linear.scatter [tilespmem:s2], [sflag:$0x6], $0x80, $0x38;
	[tilespmem:$0x12800] =	vst v63  }
0x298: {  	s10 =	simm.s32 $0x10688;
	s31 =	sadd.s32 $0x10, s12  }
0x299: {  	[hbm4b:s31+s3] =	stream.linear.scatter [tilespmem:s10], [sflag:$0x6], $0x80, $0x38;
	[tilespmem:$0x12800] =	vst v63  }
0x29a: {  	s10 =	simm.s32 $0x10710;
	s31 =	sadd.s32 $0x20, s12  }
0x29b: {  	[hbm4b:s31+s3] =	stream.linear.scatter [tilespmem:s10], [sflag:$0x6], $0x80, $0x38;
	[tilespmem:$0x12800] =	vst v63  }
0x29c: {  	s10 =	simm.s32 $0x10798;
	s31 =	sadd.s32 $0x30, s12  }
0x29d: {  	[hbm4b:s31+s3] =	stream.linear.scatter [tilespmem:s10], [sflag:$0x6], $0x80, $0x38;
	[tilespmem:$0x12800] =	vst v63  }
0x29e: {  	s10 =	simm.s32 $0x10820;
	s31 =	sadd.s32 $0x40, s12  }
0x29f: {  	[hbm4b:s31+s3] =	stream.linear.scatter [tilespmem:s10], [sflag:$0x6], $0x80, $0x38;
	[tilespmem:$0x12800] =	vst v63  }
0x2a0: {  	s30 =	simm.s32 $0x2200;
	s10 =	simm.s32 $0x108A8;
	s31 =	sadd.s32 $0x50, s12  }
0x2a1: {  	[hbm4b:s31+s3] =	stream.linear.scatter [tilespmem:s10], [sflag:$0x6], $0x80, $0x38;
	[tilespmem:$0x12800] =	vst v63  }
0x2a2: {  	s29 =	sadd.s32 $0x1000, s12;
	s10 =	simm.s32 $0x10930;
	s31 =	sadd.s32 $0x60, s12  }
0x2a3: {  	[hbm4b:s31+s3] =	stream.linear.scatter [tilespmem:s10], [sflag:$0x6], $0x80, $0x38;
	[tilespmem:$0x12800] =	vst v63  }
0x2a4: {  	s0 =	simm.s32 $0x440;
	s2 =	simm.s32 $0x109B8;
	s10 =	sadd.s32 $0x70, s12  }
.LBB2_9:
0x2a5: {  	[hbm4b:s10+s3] =	stream.linear.scatter [tilespmem:s2], [sflag:$0x6], $0x80, $0x38;
	[tilespmem:$0x12800] =	vst v63  }
0x2a6: {  	s2 =	smov.u32 s0;
	s0 =	smov.u32 s30  }
0x2a7: {  	s12 =	sadd.s32 $0x1100, s30;
	s0 =	sshra.s32 s0, $0x2;
	s10 =	sadd.s32 $0x10600, s2  }
0x2a8: {  	[hbm4b:s29+s3] =	stream.linear.scatter [tilespmem:s10], [sflag:$0x6], $0x80, $0x38;
	[tilespmem:$0x12800] =	vst v63  }
0x2a9: {  	p0 =	sne.s32 s30, $0x7700;
	s30 =	sadd.s32 $0x10, s29;
	s10 =	sadd.s32 $0x10688, s2  }
0x2aa: {  	[hbm4b:s30+s3] =	stream.linear.scatter [tilespmem:s10], [sflag:$0x6], $0x80, $0x38;
	[tilespmem:$0x12800] =	vst v63  }
0x2ab: {  	s10 =	sadd.s32 $0x10710, s2;
	s30 =	sadd.s32 $0x20, s29  }
0x2ac: {  	[hbm4b:s30+s3] =	stream.linear.scatter [tilespmem:s10], [sflag:$0x6], $0x80, $0x38;
	[tilespmem:$0x12800] =	vst v63  }
0x2ad: {  	s10 =	sadd.s32 $0x10798, s2;
	s30 =	sadd.s32 $0x30, s29  }
0x2ae: {  	[hbm4b:s30+s3] =	stream.linear.scatter [tilespmem:s10], [sflag:$0x6], $0x80, $0x38;
	[tilespmem:$0x12800] =	vst v63  }
0x2af: {  	s10 =	sadd.s32 $0x10820, s2;
	s30 =	sadd.s32 $0x40, s29  }
0x2b0: {  	[hbm4b:s30+s3] =	stream.linear.scatter [tilespmem:s10], [sflag:$0x6], $0x80, $0x38;
	[tilespmem:$0x12800] =	vst v63  }
.Ltmp3:
0x2b1: {  	s10 =	sadd.s32 $0x108A8, s2;
	s30 =	sadd.s32 $0x50, s29;
	(pc) =	sbr.rel @p0 .LBB2_9-.Ltmp3, $4  }
0x2b2: {  	[hbm4b:s30+s3] =	stream.linear.scatter [tilespmem:s10], [sflag:$0x6], $0x80, $0x38;
	[tilespmem:$0x12800] =	vst v63  }
0x2b3: {  	s10 =	sadd.s32 $0x10930, s2;
	s30 =	sadd.s32 $0x60, s29;
	s2 =	sadd.s32 $0x109B8, s2  }
0x2b4: {  	[hbm4b:s30+s3] =	stream.linear.scatter [tilespmem:s10], [sflag:$0x6], $0x80, $0x38;
	[tilespmem:$0x12800] =	vst v63  }
0x2b5: {  	s10 =	sadd.s32 $0x70, s29;
	s29 =	sadd.s32 $0x1000, s29;
	s30 =	smov.u32 s12  }
0x2b6: {  	[hbm4b:s10+s3] =	stream.linear.scatter [tilespmem:s2], [sflag:$0x6], $0x80, $0x38;
	[tilespmem:$0x12800] =	vst v63  }
0x2b7: {  	s12 =	sadd.s32 $0x10600, s0  }
0x2b8: {  	[hbm4b:s29+s3] =	stream.linear.scatter [tilespmem:s12], [sflag:$0x6], $0x80, $0x38;
	[tilespmem:$0x12800] =	vst v63  }
0x2b9: {  	s10 =	sadd.s32 $0x10688, s0;
	s12 =	sadd.s32 $0x10, s29  }
0x2ba: {  	[hbm4b:s12+s3] =	stream.linear.scatter [tilespmem:s10], [sflag:$0x6], $0x80, $0x38;
	[tilespmem:$0x12800] =	vst v63  }
0x2bb: {  	s10 =	sadd.s32 $0x10710, s0;
	s12 =	sadd.s32 $0x20, s29  }
0x2bc: {  	[hbm4b:s12+s3] =	stream.linear.scatter [tilespmem:s10], [sflag:$0x6], $0x80, $0x38;
	[tilespmem:$0x12800] =	vst v63  }
0x2bd: {  	s10 =	sadd.s32 $0x10798, s0;
	s12 =	sadd.s32 $0x30, s29  }
0x2be: {  	[hbm4b:s12+s3] =	stream.linear.scatter [tilespmem:s10], [sflag:$0x6], $0x80, $0x38;
	[tilespmem:$0x12800] =	vst v63  }
0x2bf: {  	s10 =	sadd.s32 $0x10820, s0;
	s12 =	sadd.s32 $0x40, s29  }
0x2c0: {  	[hbm4b:s12+s3] =	stream.linear.scatter [tilespmem:s10], [sflag:$0x6], $0x80, $0x38;
	[tilespmem:$0x12800] =	vst v63  }
0x2c1: {  	s10 =	sadd.s32 $0x108A8, s0;
	s12 =	sadd.s32 $0x50, s29  }
0x2c2: {  	[hbm4b:s12+s3] =	stream.linear.scatter [tilespmem:s10], [sflag:$0x6], $0x80, $0x38;
	[tilespmem:$0x12800] =	vst v63  }
0x2c3: {  	p0 =	seq.s32 s25, $0x31;
	s10 =	sadd.s32 $0x10930, s0;
	s12 =	sadd.s32 $0x60, s29  }
0x2c4: {  	[hbm4b:s12+s3] =	stream.linear.scatter [tilespmem:s10], [sflag:$0x6], $0x80, $0x38;
	[tilespmem:$0x12800] =	vst v63  }
0x2c5: {  	s2 =	sadd.s32 $0x109B8, s0;
	s0 =	sshll.u32 @!p0 s25, $0x9;
	s10 =	sadd.s32 $0x70, s29  }
0x2c6: {  	[hbm4b:s10+s3] =	stream.linear.scatter [tilespmem:s2], [sflag:$0x6], $0x80, $0x38;
	[tilespmem:$0x12800] =	vst v63  }
0x2c7: {  	s29 =	sand.u32 @!p0 $0x3FFFFE00, s0;
	_ =	swait.ge [sflag:s20], $0x2000  }
0x2c8: {  	s0 =	simm.s32 $0x0;
	s12 =	simm.s32 @!p0 $0x6400;
	[sflag:s20] =	ssyncset.done $0x0  }
0x2c9: {  	v33 =	vmov s0;
	s2 =	sadd.s32 @!p0 $0x200, s29;
	s10 =	simm.s32 @!p0 $0x80;
	[sflag:s20] =	ssyncadd.s32 $0xFFFFE000  }
0x2ca: {  	v33 =	vshrl.u32 v33, $0x3;
	[tilespmem:s12], [sflag:$0x1] =	stream.indirect.gather @!p0 [hbm4b:s4+s10], $0x40, s2, s10, $0xb8;
	[tilespmem:$0x12800] =	vst v63  }
0x2cb: {  	v33 =	vshll.u32 v33, v1;
	_ =	swait.ge [sflag:s21], $0x2000  }
0x2cc: {  	v33 =	vbroadcast v33, $0x0;
	[sflag:s21] =	ssyncset.done $0x0  }
0x2cd: {  	s30 =	simm.s32 $0xA500;
	[sflag:s21] =	ssyncadd.s32 $0xFFFFE000  }
0x2ce: {  	v35 =	vadd.s32 v0, v33;
	v34 =	vld [tilespmem:s30+$0xFFFFFF00];
	_ =	sdelay $0x4  }
0x2cf: {  	[tilespmem:v35+s16+$0x0] =	vst.idx.msk $0xffff, v34  }
0x2d0: {  	v56 =	vadd.s32 v2, v33;
	v34 =	vld [tilespmem:s30+$0xFFFFFF10];
	_ =	sdelay $0x4  }
0x2d1: {  	[tilespmem:v56+s16+$0x0] =	vst.idx.msk $0xffff, v34  }
0x2d2: {  	v57 =	vadd.s32 v3, v33;
	v34 =	vld [tilespmem:s30+$0xFFFFFF20];
	_ =	sdelay $0x4  }
0x2d3: {  	[tilespmem:v57+s16+$0x0] =	vst.idx.msk $0xffff, v34  }
0x2d4: {  	v33 =	vadd.s32 v4, v33;
	s12 =	simm.s32 $0x1;
	v34 =	vld [tilespmem:s30+$0xFFFFFF30]  }
0x2d5: {  	v58 =	vmov s12  }
0x2d6: {  	v35 =	vshrl.u32 v58, $0x3  }
0x2d7: {  	v35 =	vshll.u32 v35, v1  }
0x2d8: {  	v35 =	vbroadcast v35, $0x0  }
0x2d9: {  	[tilespmem:v33+s16+$0x0] =	vst.idx.msk $0xffff, v34  }
0x2da: {  	v59 =	vadd.s32 v5, v35;
	v33 =	vld [tilespmem:s30+$0xFFFFFF40];
	_ =	sdelay $0x4  }
0x2db: {  	[tilespmem:v59+s16+$0x0] =	vst.idx.msk $0xffff, v33  }
0x2dc: {  	v60 =	vadd.s32 v6, v35;
	v33 =	vld [tilespmem:s30+$0xFFFFFF50];
	_ =	sdelay $0x4  }
0x2dd: {  	[tilespmem:v60+s16+$0x0] =	vst.idx.msk $0xffff, v33  }
0x2de: {  	v61 =	vadd.s32 v7, v35;
	v33 =	vld [tilespmem:s30+$0xFFFFFF60];
	_ =	sdelay $0x4  }
0x2df: {  	[tilespmem:v61+s16+$0x0] =	vst.idx.msk $0xffff, v33  }
0x2e0: {  	s2 =	simm.s32 $0x2;
	v62 =	vadd.s32 v8, v35;
	v33 =	vld [tilespmem:s30+$0xFFFFFF70]  }
0x2e1: {  	v63 =	vmov s2  }
0x2e2: {  	v35 =	vshrl.u32 v63, $0x3  }
0x2e3: {  	v35 =	vshll.u32 v35, v1  }
0x2e4: {  	v35 =	vbroadcast v35, $0x0  }
0x2e5: {  	[tilespmem:v62+s16+$0x0] =	vst.idx.msk $0xffff, v33  }
0x2e6: {  	v36 =	vadd.s32 v9, v35;
	v33 =	vld [tilespmem:s30+$0xFFFFFF80];
	_ =	sdelay $0x4  }
0x2e7: {  	[tilespmem:v36+s16+$0x0] =	vst.idx.msk $0xffff, v33  }
0x2e8: {  	v37 =	vadd.s32 v10, v35;
	v33 =	vld [tilespmem:s30+$0xFFFFFF90];
	_ =	sdelay $0x4  }
0x2e9: {  	[tilespmem:v37+s16+$0x0] =	vst.idx.msk $0xffff, v33  }
0x2ea: {  	v38 =	vadd.s32 v11, v35;
	v33 =	vld [tilespmem:s30+$0xFFFFFFA0];
	_ =	sdelay $0x4  }
0x2eb: {  	[tilespmem:v38+s16+$0x0] =	vst.idx.msk $0xffff, v33  }
0x2ec: {  	s10 =	simm.s32 $0x3;
	v39 =	vadd.s32 v12, v35;
	v33 =	vld [tilespmem:s30+$0xFFFFFFB0]  }
0x2ed: {  	v40 =	vmov s10  }
0x2ee: {  	v35 =	vshrl.u32 v40, $0x3  }
0x2ef: {  	v35 =	vshll.u32 v35, v1  }
0x2f0: {  	v35 =	vbroadcast v35, $0x0  }
0x2f1: {  	[tilespmem:v39+s16+$0x0] =	vst.idx.msk $0xffff, v33  }
0x2f2: {  	v41 =	vadd.s32 v13, v35;
	v33 =	vld [tilespmem:s30+$0xFFFFFFC0];
	_ =	sdelay $0x4  }
0x2f3: {  	[tilespmem:v41+s16+$0x0] =	vst.idx.msk $0xffff, v33  }
0x2f4: {  	v42 =	vadd.s32 v14, v35;
	v33 =	vld [tilespmem:s30+$0xFFFFFFD0];
	_ =	sdelay $0x4  }
0x2f5: {  	[tilespmem:v42+s16+$0x0] =	vst.idx.msk $0xffff, v33  }
0x2f6: {  	v43 =	vadd.s32 v15, v35;
	v33 =	vld [tilespmem:s30+$0xFFFFFFE0];
	_ =	sdelay $0x4  }
0x2f7: {  	[tilespmem:v43+s16+$0x0] =	vst.idx.msk $0xffff, v33  }
0x2f8: {  	s12 =	simm.s32 $0x4;
	v44 =	vadd.s32 v16, v35;
	v33 =	vld [tilespmem:s30+$0xFFFFFFF0]  }
0x2f9: {  	v45 =	vmov s12  }
0x2fa: {  	v35 =	vshrl.u32 v45, $0x3  }
0x2fb: {  	v35 =	vshll.u32 v35, v1  }
0x2fc: {  	v35 =	vbroadcast v35, $0x0  }
0x2fd: {  	[tilespmem:v44+s16+$0x0] =	vst.idx.msk $0xffff, v33  }
0x2fe: {  	v46 =	vadd.s32 v17, v35;
	v33 =	vld [tilespmem:s30+$0x0];
	_ =	sdelay $0x4  }
0x2ff: {  	[tilespmem:v46+s16+$0x0] =	vst.idx.msk $0xffff, v33  }
0x300: {  	v47 =	vadd.s32 v18, v35;
	v33 =	vld [tilespmem:s30+$0x10];
	_ =	sdelay $0x4  }
0x301: {  	[tilespmem:v47+s16+$0x0] =	vst.idx.msk $0xffff, v33  }
0x302: {  	v48 =	vadd.s32 v19, v35;
	v33 =	vld [tilespmem:s30+$0x20];
	_ =	sdelay $0x4  }
0x303: {  	[tilespmem:v48+s16+$0x0] =	vst.idx.msk $0xffff, v33  }
0x304: {  	s2 =	simm.s32 $0x5;
	v49 =	vadd.s32 v20, v35;
	v33 =	vld [tilespmem:s30+$0x30]  }
0x305: {  	v50 =	vmov s2  }
0x306: {  	v35 =	vshrl.u32 v50, $0x3  }
0x307: {  	v35 =	vshll.u32 v35, v1  }
0x308: {  	v35 =	vbroadcast v35, $0x0  }
0x309: {  	[tilespmem:v49+s16+$0x0] =	vst.idx.msk $0xffff, v33  }
0x30a: {  	v51 =	vadd.s32 v21, v35;
	v33 =	vld [tilespmem:s30+$0x40];
	_ =	sdelay $0x4  }
0x30b: {  	[tilespmem:v51+s16+$0x0] =	vst.idx.msk $0xffff, v33  }
0x30c: {  	v52 =	vadd.s32 v22, v35;
	v33 =	vld [tilespmem:s30+$0x50];
	_ =	sdelay $0x4  }
0x30d: {  	[tilespmem:v52+s16+$0x0] =	vst.idx.msk $0xffff, v33  }
0x30e: {  	v53 =	vadd.s32 v23, v35;
	v33 =	vld [tilespmem:s30+$0x60];
	_ =	sdelay $0x4  }
0x30f: {  	[tilespmem:v53+s16+$0x0] =	vst.idx.msk $0xffff, v33  }
0x310: {  	s10 =	simm.s32 $0x6;
	v54 =	vadd.s32 v24, v35;
	v33 =	vld [tilespmem:s30+$0x70]  }
0x311: {  	v55 =	vmov s10  }
0x312: {  	v35 =	vshrl.u32 v55, $0x3  }
0x313: {  	v35 =	vshll.u32 v35, v1  }
0x314: {  	v35 =	vbroadcast v35, $0x0  }
0x315: {  	[tilespmem:v54+s16+$0x0] =	vst.idx.msk $0xffff, v33  }
0x316: {  	v56 =	vadd.s32 v25, v35;
	v33 =	vld [tilespmem:s30+$0x80];
	_ =	sdelay $0x4  }
0x317: {  	[tilespmem:v56+s16+$0x0] =	vst.idx.msk $0xffff, v33  }
0x318: {  	v57 =	vadd.s32 v26, v35;
	v33 =	vld [tilespmem:s30+$0x90];
	_ =	sdelay $0x4  }
0x319: {  	[tilespmem:v57+s16+$0x0] =	vst.idx.msk $0xffff, v33  }
0x31a: {  	v58 =	vadd.s32 v27, v35;
	v33 =	vld [tilespmem:s30+$0xA0];
	_ =	sdelay $0x4  }
0x31b: {  	[tilespmem:v58+s16+$0x0] =	vst.idx.msk $0xffff, v33  }
0x31c: {  	s12 =	simm.s32 $0x7;
	v59 =	vadd.s32 v28, v35;
	v33 =	vld [tilespmem:s30+$0xB0]  }
0x31d: {  	v60 =	vmov s12  }
0x31e: {  	v35 =	vshrl.u32 v60, $0x3  }
0x31f: {  	v35 =	vshll.u32 v35, v1  }
0x320: {  	v35 =	vbroadcast v35, $0x0  }
0x321: {  	[tilespmem:v59+s16+$0x0] =	vst.idx.msk $0xffff, v33  }
0x322: {  	v61 =	vadd.s32 v29, v35;
	v33 =	vld [tilespmem:s30+$0xC0];
	_ =	sdelay $0x4  }
0x323: {  	[tilespmem:v61+s16+$0x0] =	vst.idx.msk $0xffff, v33  }
0x324: {  	v62 =	vadd.s32 v30, v35;
	v33 =	vld [tilespmem:s30+$0xD0];
	_ =	sdelay $0x4  }
0x325: {  	[tilespmem:v62+s16+$0x0] =	vst.idx.msk $0xffff, v33  }
0x326: {  	v63 =	vadd.s32 v31, v35;
	v33 =	vld [tilespmem:s30+$0xE0];
	_ =	sdelay $0x4  }
0x327: {  	[tilespmem:v63+s16+$0x0] =	vst.idx.msk $0xffff, v33  }
0x328: {  	s31 =	simm.s32 $0xF;
	s0 =	simm.s32 $0x17;
	s2 =	simm.s32 $0x8;
	v34 =	vadd.s32 v32, v35;
	v33 =	vld [tilespmem:s30+$0xF0]  }
.LBB2_11:
0x329: {  	p1 =	sne.s32 s0, $0x7F;
	v35 =	vmov s2  }
0x32a: {  	v35 =	vshrl.u32 v35, $0x3  }
0x32b: {  	v35 =	vshll.u32 v35, v1  }
0x32c: {  	v35 =	vbroadcast v35, $0x0  }
0x32d: {  	s30 =	sadd.s32 $0x200, s30;
	[tilespmem:v34+s16+$0x0] =	vst.idx.msk $0xffff, v33  }
0x32e: {  	v33 =	vld [tilespmem:s30+$0xFFFFFF00];
	v34 =	vadd.s32 v0, v35;
	_ =	sdelay $0x4  }
0x32f: {  	[tilespmem:v34+s16+$0x0] =	vst.idx.msk $0xffff, v33  }
0x330: {  	v34 =	vadd.s32 v2, v35;
	v33 =	vld [tilespmem:s30+$0xFFFFFF10];
	_ =	sdelay $0x4  }
0x331: {  	[tilespmem:v34+s16+$0x0] =	vst.idx.msk $0xffff, v33  }
0x332: {  	v34 =	vadd.s32 v3, v35;
	v33 =	vld [tilespmem:s30+$0xFFFFFF20];
	_ =	sdelay $0x4  }
0x333: {  	[tilespmem:v34+s16+$0x0] =	vst.idx.msk $0xffff, v33  }
0x334: {  	s2 =	sadd.s32 $0xFFFFFFFA, s31;
	v34 =	vadd.s32 v4, v35;
	v33 =	vld [tilespmem:s30+$0xFFFFFF30]  }
0x335: {  	v35 =	vmov s2  }
0x336: {  	v35 =	vshrl.u32 v35, $0x3  }
0x337: {  	v35 =	vshll.u32 v35, v1  }
0x338: {  	v35 =	vbroadcast v35, $0x0  }
0x339: {  	[tilespmem:v34+s16+$0x0] =	vst.idx.msk $0xffff, v33  }
0x33a: {  	v34 =	vadd.s32 v5, v35;
	v33 =	vld [tilespmem:s30+$0xFFFFFF40];
	_ =	sdelay $0x4  }
0x33b: {  	[tilespmem:v34+s16+$0x0] =	vst.idx.msk $0xffff, v33  }
0x33c: {  	v34 =	vadd.s32 v6, v35;
	v33 =	vld [tilespmem:s30+$0xFFFFFF50];
	_ =	sdelay $0x4  }
0x33d: {  	[tilespmem:v34+s16+$0x0] =	vst.idx.msk $0xffff, v33  }
0x33e: {  	v34 =	vadd.s32 v7, v35;
	v33 =	vld [tilespmem:s30+$0xFFFFFF60];
	_ =	sdelay $0x4  }
0x33f: {  	[tilespmem:v34+s16+$0x0] =	vst.idx.msk $0xffff, v33  }
0x340: {  	s2 =	sadd.s32 $0xFFFFFFFB, s31;
	v34 =	vadd.s32 v8, v35;
	v33 =	vld [tilespmem:s30+$0xFFFFFF70]  }
0x341: {  	v35 =	vmov s2  }
0x342: {  	v35 =	vshrl.u32 v35, $0x3  }
0x343: {  	v35 =	vshll.u32 v35, v1  }
0x344: {  	v35 =	vbroadcast v35, $0x0  }
0x345: {  	[tilespmem:v34+s16+$0x0] =	vst.idx.msk $0xffff, v33  }
0x346: {  	v34 =	vadd.s32 v9, v35;
	v33 =	vld [tilespmem:s30+$0xFFFFFF80];
	_ =	sdelay $0x4  }
0x347: {  	[tilespmem:v34+s16+$0x0] =	vst.idx.msk $0xffff, v33  }
0x348: {  	v34 =	vadd.s32 v10, v35;
	v33 =	vld [tilespmem:s30+$0xFFFFFF90];
	_ =	sdelay $0x4  }
0x349: {  	[tilespmem:v34+s16+$0x0] =	vst.idx.msk $0xffff, v33  }
0x34a: {  	v34 =	vadd.s32 v11, v35;
	v33 =	vld [tilespmem:s30+$0xFFFFFFA0];
	_ =	sdelay $0x4  }
0x34b: {  	[tilespmem:v34+s16+$0x0] =	vst.idx.msk $0xffff, v33  }
0x34c: {  	s2 =	sadd.s32 $0xFFFFFFFC, s31;
	v34 =	vadd.s32 v12, v35;
	v33 =	vld [tilespmem:s30+$0xFFFFFFB0]  }
0x34d: {  	v35 =	vmov s2  }
0x34e: {  	v35 =	vshrl.u32 v35, $0x3  }
0x34f: {  	v35 =	vshll.u32 v35, v1  }
0x350: {  	v35 =	vbroadcast v35, $0x0  }
0x351: {  	[tilespmem:v34+s16+$0x0] =	vst.idx.msk $0xffff, v33  }
0x352: {  	v34 =	vadd.s32 v13, v35;
	v33 =	vld [tilespmem:s30+$0xFFFFFFC0];
	_ =	sdelay $0x4  }
0x353: {  	[tilespmem:v34+s16+$0x0] =	vst.idx.msk $0xffff, v33  }
0x354: {  	v34 =	vadd.s32 v14, v35;
	v33 =	vld [tilespmem:s30+$0xFFFFFFD0];
	_ =	sdelay $0x4  }
0x355: {  	[tilespmem:v34+s16+$0x0] =	vst.idx.msk $0xffff, v33  }
0x356: {  	v34 =	vadd.s32 v15, v35;
	v33 =	vld [tilespmem:s30+$0xFFFFFFE0];
	_ =	sdelay $0x4  }
0x357: {  	[tilespmem:v34+s16+$0x0] =	vst.idx.msk $0xffff, v33  }
0x358: {  	s2 =	sadd.s32 $0xFFFFFFFD, s31;
	v34 =	vadd.s32 v16, v35;
	v33 =	vld [tilespmem:s30+$0xFFFFFFF0]  }
0x359: {  	v35 =	vmov s2  }
0x35a: {  	v35 =	vshrl.u32 v35, $0x3  }
0x35b: {  	v35 =	vshll.u32 v35, v1  }
0x35c: {  	v35 =	vbroadcast v35, $0x0  }
0x35d: {  	[tilespmem:v34+s16+$0x0] =	vst.idx.msk $0xffff, v33  }
0x35e: {  	v34 =	vadd.s32 v17, v35;
	v33 =	vld [tilespmem:s30+$0x0];
	_ =	sdelay $0x4  }
0x35f: {  	[tilespmem:v34+s16+$0x0] =	vst.idx.msk $0xffff, v33  }
0x360: {  	v34 =	vadd.s32 v18, v35;
	v33 =	vld [tilespmem:s30+$0x10];
	_ =	sdelay $0x4  }
0x361: {  	[tilespmem:v34+s16+$0x0] =	vst.idx.msk $0xffff, v33  }
0x362: {  	v34 =	vadd.s32 v19, v35;
	v33 =	vld [tilespmem:s30+$0x20];
	_ =	sdelay $0x4  }
0x363: {  	[tilespmem:v34+s16+$0x0] =	vst.idx.msk $0xffff, v33  }
0x364: {  	s2 =	sadd.s32 $0xFFFFFFFE, s31;
	v34 =	vadd.s32 v20, v35;
	v33 =	vld [tilespmem:s30+$0x30]  }
0x365: {  	v35 =	vmov s2  }
0x366: {  	v35 =	vshrl.u32 v35, $0x3  }
0x367: {  	v35 =	vshll.u32 v35, v1  }
0x368: {  	v35 =	vbroadcast v35, $0x0  }
0x369: {  	[tilespmem:v34+s16+$0x0] =	vst.idx.msk $0xffff, v33  }
0x36a: {  	v34 =	vadd.s32 v21, v35;
	v33 =	vld [tilespmem:s30+$0x40];
	_ =	sdelay $0x4  }
0x36b: {  	[tilespmem:v34+s16+$0x0] =	vst.idx.msk $0xffff, v33  }
0x36c: {  	v34 =	vadd.s32 v22, v35;
	v33 =	vld [tilespmem:s30+$0x50];
	_ =	sdelay $0x4  }
0x36d: {  	[tilespmem:v34+s16+$0x0] =	vst.idx.msk $0xffff, v33  }
0x36e: {  	v34 =	vadd.s32 v23, v35;
	v33 =	vld [tilespmem:s30+$0x60];
	_ =	sdelay $0x4  }
0x36f: {  	[tilespmem:v34+s16+$0x0] =	vst.idx.msk $0xffff, v33  }
0x370: {  	s2 =	sadd.s32 $0xFFFFFFFF, s31;
	v34 =	vadd.s32 v24, v35;
	v33 =	vld [tilespmem:s30+$0x70]  }
0x371: {  	v35 =	vmov s2  }
0x372: {  	v35 =	vshrl.u32 v35, $0x3  }
0x373: {  	v35 =	vshll.u32 v35, v1  }
0x374: {  	v35 =	vbroadcast v35, $0x0  }
0x375: {  	[tilespmem:v34+s16+$0x0] =	vst.idx.msk $0xffff, v33  }
0x376: {  	v34 =	vadd.s32 v25, v35;
	v33 =	vld [tilespmem:s30+$0x80];
	_ =	sdelay $0x4  }
0x377: {  	[tilespmem:v34+s16+$0x0] =	vst.idx.msk $0xffff, v33  }
0x378: {  	v34 =	vadd.s32 v26, v35;
	v33 =	vld [tilespmem:s30+$0x90];
	_ =	sdelay $0x4  }
0x379: {  	[tilespmem:v34+s16+$0x0] =	vst.idx.msk $0xffff, v33  }
0x37a: {  	v34 =	vadd.s32 v27, v35;
	v33 =	vld [tilespmem:s30+$0xA0];
	_ =	sdelay $0x4  }
0x37b: {  	[tilespmem:v34+s16+$0x0] =	vst.idx.msk $0xffff, v33  }
0x37c: {  	v34 =	vadd.s32 v28, v35;
	v33 =	vld [tilespmem:s30+$0xB0]  }
0x37d: {  	v35 =	vmov s31;
	s31 =	smov.u32 s0  }
0x37e: {  	v35 =	vshrl.u32 v35, $0x3  }
0x37f: {  	v35 =	vshll.u32 v35, v1  }
0x380: {  	v35 =	vbroadcast v35, $0x0  }
0x381: {  	[tilespmem:v34+s16+$0x0] =	vst.idx.msk $0xffff, v33  }
0x382: {  	v34 =	vadd.s32 v29, v35;
	v33 =	vld [tilespmem:s30+$0xC0];
	_ =	sdelay $0x4  }
0x383: {  	[tilespmem:v34+s16+$0x0] =	vst.idx.msk $0xffff, v33  }
0x384: {  	v34 =	vadd.s32 v30, v35;
	v33 =	vld [tilespmem:s30+$0xD0];
	_ =	sdelay $0x4  }
0x385: {  	[tilespmem:v34+s16+$0x0] =	vst.idx.msk $0xffff, v33  }
0x386: {  	v34 =	vadd.s32 v31, v35;
	v33 =	vld [tilespmem:s30+$0xE0];
	_ =	sdelay $0x1  }
.Ltmp4:
0x387: {  	(pc) =	sbr.rel @p1 .LBB2_11-.Ltmp4, $3  }
0x388: {  	_ =	sdelay $0x1  }
0x389: {  	[tilespmem:v34+s16+$0x0] =	vst.idx.msk $0xffff, v33  }
0x38a: {  	s0 =	sadd.s32 $0x8, s0;
	s2 =	sadd.s32 $0xFFFFFFF9, s31;
	v34 =	vadd.s32 v32, v35;
	v33 =	vld [tilespmem:s30+$0xF0]  }
0x38b: {  	v35 =	vmov s2  }
0x38c: {  	v35 =	vshrl.u32 v35, $0x3  }
0x38d: {  	v35 =	vshll.u32 v35, v1  }
0x38e: {  	v35 =	vbroadcast v35, $0x0  }
0x38f: {  	s0 =	sadd.s32 $0x200, s30;
	[tilespmem:v34+s16+$0x0] =	vst.idx.msk $0xffff, v33  }
0x390: {  	v33 =	vld [tilespmem:s0+$0xFFFFFF00];
	v53 =	vadd.s32 v0, v35;
	_ =	sdelay $0x4  }
0x391: {  	[tilespmem:v53+s16+$0x0] =	vst.idx.msk $0xffff, v33  }
0x392: {  	v54 =	vadd.s32 v2, v35;
	v33 =	vld [tilespmem:s0+$0xFFFFFF10];
	_ =	sdelay $0x4  }
0x393: {  	[tilespmem:v54+s16+$0x0] =	vst.idx.msk $0xffff, v33  }
0x394: {  	v55 =	vadd.s32 v3, v35;
	v33 =	vld [tilespmem:s0+$0xFFFFFF20];
	_ =	sdelay $0x4  }
0x395: {  	[tilespmem:v55+s16+$0x0] =	vst.idx.msk $0xffff, v33  }
0x396: {  	s10 =	sadd.s32 $0xFFFFFFFA, s31;
	v56 =	vadd.s32 v4, v35;
	v33 =	vld [tilespmem:s0+$0xFFFFFF30]  }
0x397: {  	v57 =	vmov s10  }
0x398: {  	v35 =	vshrl.u32 v57, $0x3  }
0x399: {  	v35 =	vshll.u32 v35, v1  }
0x39a: {  	v35 =	vbroadcast v35, $0x0  }
0x39b: {  	[tilespmem:v56+s16+$0x0] =	vst.idx.msk $0xffff, v33  }
0x39c: {  	v58 =	vadd.s32 v5, v35;
	v33 =	vld [tilespmem:s0+$0xFFFFFF40];
	_ =	sdelay $0x4  }
0x39d: {  	[tilespmem:v58+s16+$0x0] =	vst.idx.msk $0xffff, v33  }
0x39e: {  	v59 =	vadd.s32 v6, v35;
	v33 =	vld [tilespmem:s0+$0xFFFFFF50];
	_ =	sdelay $0x4  }
0x39f: {  	[tilespmem:v59+s16+$0x0] =	vst.idx.msk $0xffff, v33  }
0x3a0: {  	v60 =	vadd.s32 v7, v35;
	v33 =	vld [tilespmem:s0+$0xFFFFFF60];
	_ =	sdelay $0x4  }
0x3a1: {  	[tilespmem:v60+s16+$0x0] =	vst.idx.msk $0xffff, v33  }
0x3a2: {  	s12 =	sadd.s32 $0xFFFFFFFB, s31;
	v61 =	vadd.s32 v8, v35;
	v33 =	vld [tilespmem:s0+$0xFFFFFF70]  }
0x3a3: {  	v62 =	vmov s12  }
0x3a4: {  	v35 =	vshrl.u32 v62, $0x3  }
0x3a5: {  	v35 =	vshll.u32 v35, v1  }
0x3a6: {  	v35 =	vbroadcast v35, $0x0  }
0x3a7: {  	[tilespmem:v61+s16+$0x0] =	vst.idx.msk $0xffff, v33  }
0x3a8: {  	v63 =	vadd.s32 v9, v35;
	v33 =	vld [tilespmem:s0+$0xFFFFFF80];
	_ =	sdelay $0x4  }
0x3a9: {  	[tilespmem:v63+s16+$0x0] =	vst.idx.msk $0xffff, v33  }
0x3aa: {  	v36 =	vadd.s32 v10, v35;
	v33 =	vld [tilespmem:s0+$0xFFFFFF90];
	_ =	sdelay $0x4  }
0x3ab: {  	[tilespmem:v36+s16+$0x0] =	vst.idx.msk $0xffff, v33  }
0x3ac: {  	v37 =	vadd.s32 v11, v35;
	v33 =	vld [tilespmem:s0+$0xFFFFFFA0];
	_ =	sdelay $0x4  }
0x3ad: {  	[tilespmem:v37+s16+$0x0] =	vst.idx.msk $0xffff, v33  }
0x3ae: {  	s10 =	sadd.s32 $0xFFFFFFFC, s31;
	v38 =	vadd.s32 v12, v35;
	v33 =	vld [tilespmem:s0+$0xFFFFFFB0]  }
0x3af: {  	v39 =	vmov s10  }
0x3b0: {  	v35 =	vshrl.u32 v39, $0x3  }
0x3b1: {  	v35 =	vshll.u32 v35, v1  }
0x3b2: {  	v35 =	vbroadcast v35, $0x0  }
0x3b3: {  	[tilespmem:v38+s16+$0x0] =	vst.idx.msk $0xffff, v33  }
0x3b4: {  	v40 =	vadd.s32 v13, v35;
	v33 =	vld [tilespmem:s0+$0xFFFFFFC0];
	_ =	sdelay $0x4  }
0x3b5: {  	[tilespmem:v40+s16+$0x0] =	vst.idx.msk $0xffff, v33  }
0x3b6: {  	v41 =	vadd.s32 v14, v35;
	v33 =	vld [tilespmem:s0+$0xFFFFFFD0];
	_ =	sdelay $0x4  }
0x3b7: {  	[tilespmem:v41+s16+$0x0] =	vst.idx.msk $0xffff, v33  }
0x3b8: {  	v42 =	vadd.s32 v15, v35;
	v33 =	vld [tilespmem:s0+$0xFFFFFFE0];
	_ =	sdelay $0x4  }
0x3b9: {  	[tilespmem:v42+s16+$0x0] =	vst.idx.msk $0xffff, v33  }
0x3ba: {  	s12 =	sadd.s32 $0xFFFFFFFD, s31;
	v43 =	vadd.s32 v16, v35;
	v33 =	vld [tilespmem:s0+$0xFFFFFFF0]  }
0x3bb: {  	v44 =	vmov s12  }
0x3bc: {  	v35 =	vshrl.u32 v44, $0x3  }
0x3bd: {  	v35 =	vshll.u32 v35, v1  }
0x3be: {  	v35 =	vbroadcast v35, $0x0  }
0x3bf: {  	[tilespmem:v43+s16+$0x0] =	vst.idx.msk $0xffff, v33  }
0x3c0: {  	v45 =	vadd.s32 v17, v35;
	v33 =	vld [tilespmem:s0+$0x0];
	_ =	sdelay $0x4  }
0x3c1: {  	[tilespmem:v45+s16+$0x0] =	vst.idx.msk $0xffff, v33  }
0x3c2: {  	v46 =	vadd.s32 v18, v35;
	v33 =	vld [tilespmem:s0+$0x10];
	_ =	sdelay $0x4  }
0x3c3: {  	[tilespmem:v46+s16+$0x0] =	vst.idx.msk $0xffff, v33  }
0x3c4: {  	v47 =	vadd.s32 v19, v35;
	v33 =	vld [tilespmem:s0+$0x20];
	_ =	sdelay $0x4  }
0x3c5: {  	[tilespmem:v47+s16+$0x0] =	vst.idx.msk $0xffff, v33  }
0x3c6: {  	s10 =	sadd.s32 $0xFFFFFFFE, s31;
	v48 =	vadd.s32 v20, v35;
	v33 =	vld [tilespmem:s0+$0x30]  }
0x3c7: {  	v49 =	vmov s10  }
0x3c8: {  	v35 =	vshrl.u32 v49, $0x3  }
0x3c9: {  	v35 =	vshll.u32 v35, v1  }
0x3ca: {  	v35 =	vbroadcast v35, $0x0  }
0x3cb: {  	[tilespmem:v48+s16+$0x0] =	vst.idx.msk $0xffff, v33  }
0x3cc: {  	v50 =	vadd.s32 v21, v35;
	v33 =	vld [tilespmem:s0+$0x40];
	_ =	sdelay $0x4  }
0x3cd: {  	[tilespmem:v50+s16+$0x0] =	vst.idx.msk $0xffff, v33  }
0x3ce: {  	v51 =	vadd.s32 v22, v35;
	v33 =	vld [tilespmem:s0+$0x50];
	_ =	sdelay $0x4  }
0x3cf: {  	[tilespmem:v51+s16+$0x0] =	vst.idx.msk $0xffff, v33  }
0x3d0: {  	v52 =	vadd.s32 v23, v35;
	v33 =	vld [tilespmem:s0+$0x60];
	_ =	sdelay $0x4  }
0x3d1: {  	[tilespmem:v52+s16+$0x0] =	vst.idx.msk $0xffff, v33  }
0x3d2: {  	s12 =	sadd.s32 $0xFFFFFFFF, s31;
	v53 =	vadd.s32 v24, v35;
	v33 =	vld [tilespmem:s0+$0x70]  }
0x3d3: {  	v54 =	vmov s12  }
0x3d4: {  	v35 =	vshrl.u32 v54, $0x3  }
0x3d5: {  	v35 =	vshll.u32 v35, v1  }
0x3d6: {  	v35 =	vbroadcast v35, $0x0  }
0x3d7: {  	[tilespmem:v53+s16+$0x0] =	vst.idx.msk $0xffff, v33  }
0x3d8: {  	v55 =	vadd.s32 v25, v35;
	v33 =	vld [tilespmem:s0+$0x80];
	_ =	sdelay $0x4  }
0x3d9: {  	[tilespmem:v55+s16+$0x0] =	vst.idx.msk $0xffff, v33  }
0x3da: {  	v56 =	vadd.s32 v26, v35;
	v33 =	vld [tilespmem:s0+$0x90];
	_ =	sdelay $0x4  }
0x3db: {  	[tilespmem:v56+s16+$0x0] =	vst.idx.msk $0xffff, v33  }
0x3dc: {  	v57 =	vadd.s32 v27, v35;
	v33 =	vld [tilespmem:s0+$0xA0];
	_ =	sdelay $0x4  }
0x3dd: {  	[tilespmem:v57+s16+$0x0] =	vst.idx.msk $0xffff, v33  }
0x3de: {  	v58 =	vadd.s32 v28, v35;
	v33 =	vld [tilespmem:s0+$0xB0]  }
0x3df: {  	v59 =	vmov s31  }
0x3e0: {  	v35 =	vshrl.u32 v59, $0x3  }
0x3e1: {  	v35 =	vshll.u32 v35, v1  }
0x3e2: {  	v35 =	vbroadcast v35, $0x0  }
0x3e3: {  	[tilespmem:v58+s16+$0x0] =	vst.idx.msk $0xffff, v33  }
0x3e4: {  	v60 =	vadd.s32 v29, v35;
	v33 =	vld [tilespmem:s0+$0xC0];
	_ =	sdelay $0x4  }
0x3e5: {  	[tilespmem:v60+s16+$0x0] =	vst.idx.msk $0xffff, v33  }
0x3e6: {  	v61 =	vadd.s32 v30, v35;
	v33 =	vld [tilespmem:s0+$0xD0];
	_ =	sdelay $0x4  }
0x3e7: {  	[tilespmem:v61+s16+$0x0] =	vst.idx.msk $0xffff, v33  }
0x3e8: {  	v62 =	vadd.s32 v31, v35;
	v33 =	vld [tilespmem:s0+$0xE0];
	_ =	sdelay $0x4  }
0x3e9: {  	[tilespmem:v62+s16+$0x0] =	vst.idx.msk $0xffff, v33  }
0x3ea: {  	v63 =	vadd.s32 v32, v35;
	v33 =	vld [tilespmem:s0+$0xF0];
	_ =	sdelay $0x1  }
0x3eb: {  	s26 =	sshll.u32 s26, $0x12  }
0x3ec: {  	s0 =	sor.u32 s6, s26  }
0x3ed: {  	s0 =	sshrl.u32 s0, $0x3  }
0x3ee: {  	s31 =	simm.s32 $0xE400;
	s12 =	sadd.s32 s1, s0;
	[tilespmem:v63+s16+$0x0] =	vst.idx.msk $0xffff, v33  }
0x3ef: {  	[hbm4b:s12+s3] =	stream.linear.scatter [tilespmem:s31], [sflag:$0x5], $0x80, $0x38;
	[tilespmem:$0x12800] =	vst v63  }
0x3f0: {  	s2 =	simm.s32 $0xE488;
	s10 =	sadd.s32 $0x10, s12  }
0x3f1: {  	[hbm4b:s10+s3] =	stream.linear.scatter [tilespmem:s2], [sflag:$0x5], $0x80, $0x38;
	[tilespmem:$0x12800] =	vst v63  }
0x3f2: {  	s26 =	simm.s32 $0xE510;
	s31 =	sadd.s32 $0x20, s12  }
0x3f3: {  	[hbm4b:s31+s3] =	stream.linear.scatter [tilespmem:s26], [sflag:$0x5], $0x80, $0x38;
	[tilespmem:$0x12800] =	vst v63  }
0x3f4: {  	s2 =	simm.s32 $0xE598;
	s10 =	sadd.s32 $0x30, s12  }
0x3f5: {  	[hbm4b:s10+s3] =	stream.linear.scatter [tilespmem:s2], [sflag:$0x5], $0x80, $0x38;
	[tilespmem:$0x12800] =	vst v63  }
0x3f6: {  	s26 =	simm.s32 $0xE620;
	s31 =	sadd.s32 $0x40, s12  }
0x3f7: {  	[hbm4b:s31+s3] =	stream.linear.scatter [tilespmem:s26], [sflag:$0x5], $0x80, $0x38;
	[tilespmem:$0x12800] =	vst v63  }
0x3f8: {  	s30 =	simm.s32 $0x2200;
	s2 =	simm.s32 $0xE6A8;
	s10 =	sadd.s32 $0x50, s12  }
0x3f9: {  	[hbm4b:s10+s3] =	stream.linear.scatter [tilespmem:s2], [sflag:$0x5], $0x80, $0x38;
	[tilespmem:$0x12800] =	vst v63  }
0x3fa: {  	s0 =	simm.s32 $0x440;
	s26 =	simm.s32 $0xE730;
	s31 =	sadd.s32 $0x60, s12  }
0x3fb: {  	[hbm4b:s31+s3] =	stream.linear.scatter [tilespmem:s26], [sflag:$0x5], $0x80, $0x38;
	[tilespmem:$0x12800] =	vst v63  }
0x3fc: {  	s2 =	simm.s32 $0xE7B8;
	s10 =	sadd.s32 $0x70, s12;
	s26 =	sadd.s32 $0x1000, s12  }
.LBB2_13:
0x3fd: {  	[hbm4b:s10+s3] =	stream.linear.scatter [tilespmem:s2], [sflag:$0x5], $0x80, $0x38;
	[tilespmem:$0x12800] =	vst v63  }
0x3fe: {  	s2 =	smov.u32 s0;
	s0 =	smov.u32 s30  }
0x3ff: {  	s12 =	sadd.s32 $0x1100, s30;
	s0 =	sshra.s32 s0, $0x2;
	s10 =	sadd.s32 $0xE400, s2  }
0x400: {  	[hbm4b:s26+s3] =	stream.linear.scatter [tilespmem:s10], [sflag:$0x5], $0x80, $0x38;
	[tilespmem:$0x12800] =	vst v63  }
0x401: {  	p1 =	sne.s32 s30, $0x7700;
	s30 =	sadd.s32 $0x10, s26;
	s10 =	sadd.s32 $0xE488, s2  }
0x402: {  	[hbm4b:s30+s3] =	stream.linear.scatter [tilespmem:s10], [sflag:$0x5], $0x80, $0x38;
	[tilespmem:$0x12800] =	vst v63  }
0x403: {  	s10 =	sadd.s32 $0xE510, s2;
	s30 =	sadd.s32 $0x20, s26  }
0x404: {  	[hbm4b:s30+s3] =	stream.linear.scatter [tilespmem:s10], [sflag:$0x5], $0x80, $0x38;
	[tilespmem:$0x12800] =	vst v63  }
0x405: {  	s10 =	sadd.s32 $0xE598, s2;
	s30 =	sadd.s32 $0x30, s26  }
0x406: {  	[hbm4b:s30+s3] =	stream.linear.scatter [tilespmem:s10], [sflag:$0x5], $0x80, $0x38;
	[tilespmem:$0x12800] =	vst v63  }
0x407: {  	s10 =	sadd.s32 $0xE620, s2;
	s30 =	sadd.s32 $0x40, s26  }
0x408: {  	[hbm4b:s30+s3] =	stream.linear.scatter [tilespmem:s10], [sflag:$0x5], $0x80, $0x38;
	[tilespmem:$0x12800] =	vst v63  }
.Ltmp5:
0x409: {  	s10 =	sadd.s32 $0xE6A8, s2;
	s30 =	sadd.s32 $0x50, s26;
	(pc) =	sbr.rel @p1 .LBB2_13-.Ltmp5, $4  }
0x40a: {  	[hbm4b:s30+s3] =	stream.linear.scatter [tilespmem:s10], [sflag:$0x5], $0x80, $0x38;
	[tilespmem:$0x12800] =	vst v63  }
0x40b: {  	s10 =	sadd.s32 $0xE730, s2;
	s30 =	sadd.s32 $0x60, s26;
	s2 =	sadd.s32 $0xE7B8, s2  }
0x40c: {  	[hbm4b:s30+s3] =	stream.linear.scatter [tilespmem:s10], [sflag:$0x5], $0x80, $0x38;
	[tilespmem:$0x12800] =	vst v63  }
0x40d: {  	s10 =	sadd.s32 $0x70, s26;
	s26 =	sadd.s32 $0x1000, s26;
	s30 =	smov.u32 s12  }
0x40e: {  	[hbm4b:s10+s3] =	stream.linear.scatter [tilespmem:s2], [sflag:$0x5], $0x80, $0x38;
	[tilespmem:$0x12800] =	vst v63  }
0x40f: {  	s31 =	sadd.s32 $0xE400, s0  }
0x410: {  	[hbm4b:s26+s3] =	stream.linear.scatter [tilespmem:s31], [sflag:$0x5], $0x80, $0x38;
	[tilespmem:$0x12800] =	vst v63  }
0x411: {  	s10 =	sadd.s32 $0xE488, s0;
	s12 =	sadd.s32 $0x10, s26  }
0x412: {  	[hbm4b:s12+s3] =	stream.linear.scatter [tilespmem:s10], [sflag:$0x5], $0x80, $0x38;
	[tilespmem:$0x12800] =	vst v63  }
0x413: {  	s30 =	sadd.s32 $0xE510, s0;
	s31 =	sadd.s32 $0x20, s26  }
0x414: {  	[hbm4b:s31+s3] =	stream.linear.scatter [tilespmem:s30], [sflag:$0x5], $0x80, $0x38;
	[tilespmem:$0x12800] =	vst v63  }
0x415: {  	s10 =	sadd.s32 $0xE598, s0;
	s12 =	sadd.s32 $0x30, s26  }
0x416: {  	[hbm4b:s12+s3] =	stream.linear.scatter [tilespmem:s10], [sflag:$0x5], $0x80, $0x38;
	[tilespmem:$0x12800] =	vst v63  }
0x417: {  	s30 =	sadd.s32 $0xE620, s0;
	s31 =	sadd.s32 $0x40, s26  }
0x418: {  	[hbm4b:s31+s3] =	stream.linear.scatter [tilespmem:s30], [sflag:$0x5], $0x80, $0x38;
	[tilespmem:$0x12800] =	vst v63  }
0x419: {  	s10 =	sadd.s32 $0xE6A8, s0;
	s12 =	sadd.s32 $0x50, s26  }
0x41a: {  	[hbm4b:s12+s3] =	stream.linear.scatter [tilespmem:s10], [sflag:$0x5], $0x80, $0x38;
	[tilespmem:$0x12800] =	vst v63  }
0x41b: {  	s30 =	sadd.s32 $0xE730, s0;
	s31 =	sadd.s32 $0x60, s26  }
0x41c: {  	[hbm4b:s31+s3] =	stream.linear.scatter [tilespmem:s30], [sflag:$0x5], $0x80, $0x38;
	[tilespmem:$0x12800] =	vst v63  }
0x41d: {  	s10 =	sadd.s32 $0xE7B8, s0;
	s12 =	sadd.s32 $0x70, s26  }
0x41e: {  	[hbm4b:s12+s3] =	stream.linear.scatter [tilespmem:s10], [sflag:$0x5], $0x80, $0x38;
	[tilespmem:$0x12800] =	vst v63  }
0x41f: {  	_ =	swait.ge [sflag:s22], $0x2000  }
0x420: {  	s2 =	sadd.s32 @!p0 $0x280, s29;
	s26 =	simm.s32 $0x0;
	[sflag:s22] =	ssyncset.done $0x0  }
0x421: {  	v33 =	vmov s26;
	s10 =	simm.s32 @!p0 $0x80;
	s12 =	simm.s32 @!p0 $0x8400;
	[sflag:s22] =	ssyncadd.s32 $0xFFFFE000  }
0x422: {  	v33 =	vshrl.u32 v33, $0x3;
	[tilespmem:s12], [sflag:$0x2] =	stream.indirect.gather @!p0 [hbm4b:s4+s10], $0x40, s2, s10, $0xb8;
	[tilespmem:$0x12800] =	vst v63  }
0x423: {  	v33 =	vshll.u32 v33, v1;
	_ =	swait.ge [sflag:s23], $0x2000  }
0x424: {  	v33 =	vbroadcast v33, $0x0;
	[sflag:s23] =	ssyncset.done $0x0  }
0x425: {  	s26 =	simm.s32 $0xC500;
	[sflag:s23] =	ssyncadd.s32 $0xFFFFE000  }
0x426: {  	v35 =	vadd.s32 v0, v33;
	v34 =	vld [tilespmem:s26+$0xFFFFFF00];
	_ =	sdelay $0x4  }
0x427: {  	[tilespmem:v35+s19+$0x0] =	vst.idx.msk $0xffff, v34  }
0x428: {  	v56 =	vadd.s32 v2, v33;
	v34 =	vld [tilespmem:s26+$0xFFFFFF10];
	_ =	sdelay $0x4  }
0x429: {  	[tilespmem:v56+s19+$0x0] =	vst.idx.msk $0xffff, v34  }
0x42a: {  	v57 =	vadd.s32 v3, v33;
	v34 =	vld [tilespmem:s26+$0xFFFFFF20];
	_ =	sdelay $0x4  }
0x42b: {  	[tilespmem:v57+s19+$0x0] =	vst.idx.msk $0xffff, v34  }
0x42c: {  	s30 =	simm.s32 $0x1;
	v33 =	vadd.s32 v4, v33;
	v34 =	vld [tilespmem:s26+$0xFFFFFF30]  }
0x42d: {  	v58 =	vmov s30  }
0x42e: {  	v35 =	vshrl.u32 v58, $0x3  }
0x42f: {  	v35 =	vshll.u32 v35, v1  }
0x430: {  	v35 =	vbroadcast v35, $0x0  }
0x431: {  	[tilespmem:v33+s19+$0x0] =	vst.idx.msk $0xffff, v34  }
0x432: {  	v59 =	vadd.s32 v5, v35;
	v33 =	vld [tilespmem:s26+$0xFFFFFF40];
	_ =	sdelay $0x4  }
0x433: {  	[tilespmem:v59+s19+$0x0] =	vst.idx.msk $0xffff, v33  }
0x434: {  	v60 =	vadd.s32 v6, v35;
	v33 =	vld [tilespmem:s26+$0xFFFFFF50];
	_ =	sdelay $0x4  }
0x435: {  	[tilespmem:v60+s19+$0x0] =	vst.idx.msk $0xffff, v33  }
0x436: {  	v61 =	vadd.s32 v7, v35;
	v33 =	vld [tilespmem:s26+$0xFFFFFF60];
	_ =	sdelay $0x4  }
0x437: {  	[tilespmem:v61+s19+$0x0] =	vst.idx.msk $0xffff, v33  }
0x438: {  	s31 =	simm.s32 $0x2;
	v62 =	vadd.s32 v8, v35;
	v33 =	vld [tilespmem:s26+$0xFFFFFF70]  }
0x439: {  	v63 =	vmov s31  }
0x43a: {  	v35 =	vshrl.u32 v63, $0x3  }
0x43b: {  	v35 =	vshll.u32 v35, v1  }
0x43c: {  	v35 =	vbroadcast v35, $0x0  }
0x43d: {  	[tilespmem:v62+s19+$0x0] =	vst.idx.msk $0xffff, v33  }
0x43e: {  	v36 =	vadd.s32 v9, v35;
	v33 =	vld [tilespmem:s26+$0xFFFFFF80];
	_ =	sdelay $0x4  }
0x43f: {  	[tilespmem:v36+s19+$0x0] =	vst.idx.msk $0xffff, v33  }
0x440: {  	v37 =	vadd.s32 v10, v35;
	v33 =	vld [tilespmem:s26+$0xFFFFFF90];
	_ =	sdelay $0x4  }
0x441: {  	[tilespmem:v37+s19+$0x0] =	vst.idx.msk $0xffff, v33  }
0x442: {  	v38 =	vadd.s32 v11, v35;
	v33 =	vld [tilespmem:s26+$0xFFFFFFA0];
	_ =	sdelay $0x4  }
0x443: {  	[tilespmem:v38+s19+$0x0] =	vst.idx.msk $0xffff, v33  }
0x444: {  	s2 =	simm.s32 $0x3;
	v39 =	vadd.s32 v12, v35;
	v33 =	vld [tilespmem:s26+$0xFFFFFFB0]  }
0x445: {  	v40 =	vmov s2  }
0x446: {  	v35 =	vshrl.u32 v40, $0x3  }
0x447: {  	v35 =	vshll.u32 v35, v1  }
0x448: {  	v35 =	vbroadcast v35, $0x0  }
0x449: {  	[tilespmem:v39+s19+$0x0] =	vst.idx.msk $0xffff, v33  }
0x44a: {  	v41 =	vadd.s32 v13, v35;
	v33 =	vld [tilespmem:s26+$0xFFFFFFC0];
	_ =	sdelay $0x4  }
0x44b: {  	[tilespmem:v41+s19+$0x0] =	vst.idx.msk $0xffff, v33  }
0x44c: {  	v42 =	vadd.s32 v14, v35;
	v33 =	vld [tilespmem:s26+$0xFFFFFFD0];
	_ =	sdelay $0x4  }
0x44d: {  	[tilespmem:v42+s19+$0x0] =	vst.idx.msk $0xffff, v33  }
0x44e: {  	v43 =	vadd.s32 v15, v35;
	v33 =	vld [tilespmem:s26+$0xFFFFFFE0];
	_ =	sdelay $0x4  }
0x44f: {  	[tilespmem:v43+s19+$0x0] =	vst.idx.msk $0xffff, v33  }
0x450: {  	s10 =	simm.s32 $0x4;
	v44 =	vadd.s32 v16, v35;
	v33 =	vld [tilespmem:s26+$0xFFFFFFF0]  }
0x451: {  	v45 =	vmov s10  }
0x452: {  	v35 =	vshrl.u32 v45, $0x3  }
0x453: {  	v35 =	vshll.u32 v35, v1  }
0x454: {  	v35 =	vbroadcast v35, $0x0  }
0x455: {  	[tilespmem:v44+s19+$0x0] =	vst.idx.msk $0xffff, v33  }
0x456: {  	v46 =	vadd.s32 v17, v35;
	v33 =	vld [tilespmem:s26+$0x0];
	_ =	sdelay $0x4  }
0x457: {  	[tilespmem:v46+s19+$0x0] =	vst.idx.msk $0xffff, v33  }
0x458: {  	v47 =	vadd.s32 v18, v35;
	v33 =	vld [tilespmem:s26+$0x10];
	_ =	sdelay $0x4  }
0x459: {  	[tilespmem:v47+s19+$0x0] =	vst.idx.msk $0xffff, v33  }
0x45a: {  	v48 =	vadd.s32 v19, v35;
	v33 =	vld [tilespmem:s26+$0x20];
	_ =	sdelay $0x4  }
0x45b: {  	[tilespmem:v48+s19+$0x0] =	vst.idx.msk $0xffff, v33  }
0x45c: {  	s12 =	simm.s32 $0x5;
	v49 =	vadd.s32 v20, v35;
	v33 =	vld [tilespmem:s26+$0x30]  }
0x45d: {  	v50 =	vmov s12  }
0x45e: {  	v35 =	vshrl.u32 v50, $0x3  }
0x45f: {  	v35 =	vshll.u32 v35, v1  }
0x460: {  	v35 =	vbroadcast v35, $0x0  }
0x461: {  	[tilespmem:v49+s19+$0x0] =	vst.idx.msk $0xffff, v33  }
0x462: {  	v51 =	vadd.s32 v21, v35;
	v33 =	vld [tilespmem:s26+$0x40];
	_ =	sdelay $0x4  }
0x463: {  	[tilespmem:v51+s19+$0x0] =	vst.idx.msk $0xffff, v33  }
0x464: {  	v52 =	vadd.s32 v22, v35;
	v33 =	vld [tilespmem:s26+$0x50];
	_ =	sdelay $0x4  }
0x465: {  	[tilespmem:v52+s19+$0x0] =	vst.idx.msk $0xffff, v33  }
0x466: {  	v53 =	vadd.s32 v23, v35;
	v33 =	vld [tilespmem:s26+$0x60];
	_ =	sdelay $0x4  }
0x467: {  	[tilespmem:v53+s19+$0x0] =	vst.idx.msk $0xffff, v33  }
0x468: {  	s30 =	simm.s32 $0x6;
	v54 =	vadd.s32 v24, v35;
	v33 =	vld [tilespmem:s26+$0x70]  }
0x469: {  	v55 =	vmov s30  }
0x46a: {  	v35 =	vshrl.u32 v55, $0x3  }
0x46b: {  	v35 =	vshll.u32 v35, v1  }
0x46c: {  	v35 =	vbroadcast v35, $0x0  }
0x46d: {  	[tilespmem:v54+s19+$0x0] =	vst.idx.msk $0xffff, v33  }
0x46e: {  	v56 =	vadd.s32 v25, v35;
	v33 =	vld [tilespmem:s26+$0x80];
	_ =	sdelay $0x4  }
0x46f: {  	[tilespmem:v56+s19+$0x0] =	vst.idx.msk $0xffff, v33  }
0x470: {  	v57 =	vadd.s32 v26, v35;
	v33 =	vld [tilespmem:s26+$0x90];
	_ =	sdelay $0x4  }
0x471: {  	[tilespmem:v57+s19+$0x0] =	vst.idx.msk $0xffff, v33  }
0x472: {  	v58 =	vadd.s32 v27, v35;
	v33 =	vld [tilespmem:s26+$0xA0];
	_ =	sdelay $0x4  }
0x473: {  	[tilespmem:v58+s19+$0x0] =	vst.idx.msk $0xffff, v33  }
0x474: {  	s31 =	simm.s32 $0x7;
	v59 =	vadd.s32 v28, v35;
	v33 =	vld [tilespmem:s26+$0xB0]  }
0x475: {  	v60 =	vmov s31  }
0x476: {  	v35 =	vshrl.u32 v60, $0x3  }
0x477: {  	v35 =	vshll.u32 v35, v1  }
0x478: {  	v35 =	vbroadcast v35, $0x0  }
0x479: {  	[tilespmem:v59+s19+$0x0] =	vst.idx.msk $0xffff, v33  }
0x47a: {  	v61 =	vadd.s32 v29, v35;
	v33 =	vld [tilespmem:s26+$0xC0];
	_ =	sdelay $0x4  }
0x47b: {  	[tilespmem:v61+s19+$0x0] =	vst.idx.msk $0xffff, v33  }
0x47c: {  	v62 =	vadd.s32 v30, v35;
	v33 =	vld [tilespmem:s26+$0xD0];
	_ =	sdelay $0x4  }
0x47d: {  	[tilespmem:v62+s19+$0x0] =	vst.idx.msk $0xffff, v33  }
0x47e: {  	v63 =	vadd.s32 v31, v35;
	v33 =	vld [tilespmem:s26+$0xE0];
	_ =	sdelay $0x4  }
0x47f: {  	[tilespmem:v63+s19+$0x0] =	vst.idx.msk $0xffff, v33  }
0x480: {  	s29 =	simm.s32 $0xF;
	s0 =	simm.s32 $0x17;
	s2 =	simm.s32 $0x8;
	v34 =	vadd.s32 v32, v35;
	v33 =	vld [tilespmem:s26+$0xF0]  }
.LBB2_15:
0x481: {  	p0 =	sne.s32 s0, $0x7F;
	v35 =	vmov s2  }
0x482: {  	v35 =	vshrl.u32 v35, $0x3  }
0x483: {  	v35 =	vshll.u32 v35, v1  }
0x484: {  	v35 =	vbroadcast v35, $0x0  }
0x485: {  	s26 =	sadd.s32 $0x200, s26;
	[tilespmem:v34+s19+$0x0] =	vst.idx.msk $0xffff, v33  }
0x486: {  	v33 =	vld [tilespmem:s26+$0xFFFFFF00];
	v34 =	vadd.s32 v0, v35;
	_ =	sdelay $0x4  }
0x487: {  	[tilespmem:v34+s19+$0x0] =	vst.idx.msk $0xffff, v33  }
0x488: {  	v34 =	vadd.s32 v2, v35;
	v33 =	vld [tilespmem:s26+$0xFFFFFF10];
	_ =	sdelay $0x4  }
0x489: {  	[tilespmem:v34+s19+$0x0] =	vst.idx.msk $0xffff, v33  }
0x48a: {  	v34 =	vadd.s32 v3, v35;
	v33 =	vld [tilespmem:s26+$0xFFFFFF20];
	_ =	sdelay $0x4  }
0x48b: {  	[tilespmem:v34+s19+$0x0] =	vst.idx.msk $0xffff, v33  }
0x48c: {  	s2 =	sadd.s32 $0xFFFFFFFA, s29;
	v34 =	vadd.s32 v4, v35;
	v33 =	vld [tilespmem:s26+$0xFFFFFF30]  }
0x48d: {  	v35 =	vmov s2  }
0x48e: {  	v35 =	vshrl.u32 v35, $0x3  }
0x48f: {  	v35 =	vshll.u32 v35, v1  }
0x490: {  	v35 =	vbroadcast v35, $0x0  }
0x491: {  	[tilespmem:v34+s19+$0x0] =	vst.idx.msk $0xffff, v33  }
0x492: {  	v34 =	vadd.s32 v5, v35;
	v33 =	vld [tilespmem:s26+$0xFFFFFF40];
	_ =	sdelay $0x4  }
0x493: {  	[tilespmem:v34+s19+$0x0] =	vst.idx.msk $0xffff, v33  }
0x494: {  	v34 =	vadd.s32 v6, v35;
	v33 =	vld [tilespmem:s26+$0xFFFFFF50];
	_ =	sdelay $0x4  }
0x495: {  	[tilespmem:v34+s19+$0x0] =	vst.idx.msk $0xffff, v33  }
0x496: {  	v34 =	vadd.s32 v7, v35;
	v33 =	vld [tilespmem:s26+$0xFFFFFF60];
	_ =	sdelay $0x4  }
0x497: {  	[tilespmem:v34+s19+$0x0] =	vst.idx.msk $0xffff, v33  }
0x498: {  	s2 =	sadd.s32 $0xFFFFFFFB, s29;
	v34 =	vadd.s32 v8, v35;
	v33 =	vld [tilespmem:s26+$0xFFFFFF70]  }
0x499: {  	v35 =	vmov s2  }
0x49a: {  	v35 =	vshrl.u32 v35, $0x3  }
0x49b: {  	v35 =	vshll.u32 v35, v1  }
0x49c: {  	v35 =	vbroadcast v35, $0x0  }
0x49d: {  	[tilespmem:v34+s19+$0x0] =	vst.idx.msk $0xffff, v33  }
0x49e: {  	v34 =	vadd.s32 v9, v35;
	v33 =	vld [tilespmem:s26+$0xFFFFFF80];
	_ =	sdelay $0x4  }
0x49f: {  	[tilespmem:v34+s19+$0x0] =	vst.idx.msk $0xffff, v33  }
0x4a0: {  	v34 =	vadd.s32 v10, v35;
	v33 =	vld [tilespmem:s26+$0xFFFFFF90];
	_ =	sdelay $0x4  }
0x4a1: {  	[tilespmem:v34+s19+$0x0] =	vst.idx.msk $0xffff, v33  }
0x4a2: {  	v34 =	vadd.s32 v11, v35;
	v33 =	vld [tilespmem:s26+$0xFFFFFFA0];
	_ =	sdelay $0x4  }
0x4a3: {  	[tilespmem:v34+s19+$0x0] =	vst.idx.msk $0xffff, v33  }
0x4a4: {  	s2 =	sadd.s32 $0xFFFFFFFC, s29;
	v34 =	vadd.s32 v12, v35;
	v33 =	vld [tilespmem:s26+$0xFFFFFFB0]  }
0x4a5: {  	v35 =	vmov s2  }
0x4a6: {  	v35 =	vshrl.u32 v35, $0x3  }
0x4a7: {  	v35 =	vshll.u32 v35, v1  }
0x4a8: {  	v35 =	vbroadcast v35, $0x0  }
0x4a9: {  	[tilespmem:v34+s19+$0x0] =	vst.idx.msk $0xffff, v33  }
0x4aa: {  	v34 =	vadd.s32 v13, v35;
	v33 =	vld [tilespmem:s26+$0xFFFFFFC0];
	_ =	sdelay $0x4  }
0x4ab: {  	[tilespmem:v34+s19+$0x0] =	vst.idx.msk $0xffff, v33  }
0x4ac: {  	v34 =	vadd.s32 v14, v35;
	v33 =	vld [tilespmem:s26+$0xFFFFFFD0];
	_ =	sdelay $0x4  }
0x4ad: {  	[tilespmem:v34+s19+$0x0] =	vst.idx.msk $0xffff, v33  }
0x4ae: {  	v34 =	vadd.s32 v15, v35;
	v33 =	vld [tilespmem:s26+$0xFFFFFFE0];
	_ =	sdelay $0x4  }
0x4af: {  	[tilespmem:v34+s19+$0x0] =	vst.idx.msk $0xffff, v33  }
0x4b0: {  	s2 =	sadd.s32 $0xFFFFFFFD, s29;
	v34 =	vadd.s32 v16, v35;
	v33 =	vld [tilespmem:s26+$0xFFFFFFF0]  }
0x4b1: {  	v35 =	vmov s2  }
0x4b2: {  	v35 =	vshrl.u32 v35, $0x3  }
0x4b3: {  	v35 =	vshll.u32 v35, v1  }
0x4b4: {  	v35 =	vbroadcast v35, $0x0  }
0x4b5: {  	[tilespmem:v34+s19+$0x0] =	vst.idx.msk $0xffff, v33  }
0x4b6: {  	v34 =	vadd.s32 v17, v35;
	v33 =	vld [tilespmem:s26+$0x0];
	_ =	sdelay $0x4  }
0x4b7: {  	[tilespmem:v34+s19+$0x0] =	vst.idx.msk $0xffff, v33  }
0x4b8: {  	v34 =	vadd.s32 v18, v35;
	v33 =	vld [tilespmem:s26+$0x10];
	_ =	sdelay $0x4  }
0x4b9: {  	[tilespmem:v34+s19+$0x0] =	vst.idx.msk $0xffff, v33  }
0x4ba: {  	v34 =	vadd.s32 v19, v35;
	v33 =	vld [tilespmem:s26+$0x20];
	_ =	sdelay $0x4  }
0x4bb: {  	[tilespmem:v34+s19+$0x0] =	vst.idx.msk $0xffff, v33  }
0x4bc: {  	s2 =	sadd.s32 $0xFFFFFFFE, s29;
	v34 =	vadd.s32 v20, v35;
	v33 =	vld [tilespmem:s26+$0x30]  }
0x4bd: {  	v35 =	vmov s2  }
0x4be: {  	v35 =	vshrl.u32 v35, $0x3  }
0x4bf: {  	v35 =	vshll.u32 v35, v1  }
0x4c0: {  	v35 =	vbroadcast v35, $0x0  }
0x4c1: {  	[tilespmem:v34+s19+$0x0] =	vst.idx.msk $0xffff, v33  }
0x4c2: {  	v34 =	vadd.s32 v21, v35;
	v33 =	vld [tilespmem:s26+$0x40];
	_ =	sdelay $0x4  }
0x4c3: {  	[tilespmem:v34+s19+$0x0] =	vst.idx.msk $0xffff, v33  }
0x4c4: {  	v34 =	vadd.s32 v22, v35;
	v33 =	vld [tilespmem:s26+$0x50];
	_ =	sdelay $0x4  }
0x4c5: {  	[tilespmem:v34+s19+$0x0] =	vst.idx.msk $0xffff, v33  }
0x4c6: {  	v34 =	vadd.s32 v23, v35;
	v33 =	vld [tilespmem:s26+$0x60];
	_ =	sdelay $0x4  }
0x4c7: {  	[tilespmem:v34+s19+$0x0] =	vst.idx.msk $0xffff, v33  }
0x4c8: {  	s2 =	sadd.s32 $0xFFFFFFFF, s29;
	v34 =	vadd.s32 v24, v35;
	v33 =	vld [tilespmem:s26+$0x70]  }
0x4c9: {  	v35 =	vmov s2  }
0x4ca: {  	v35 =	vshrl.u32 v35, $0x3  }
0x4cb: {  	v35 =	vshll.u32 v35, v1  }
0x4cc: {  	v35 =	vbroadcast v35, $0x0  }
0x4cd: {  	[tilespmem:v34+s19+$0x0] =	vst.idx.msk $0xffff, v33  }
0x4ce: {  	v34 =	vadd.s32 v25, v35;
	v33 =	vld [tilespmem:s26+$0x80];
	_ =	sdelay $0x4  }
0x4cf: {  	[tilespmem:v34+s19+$0x0] =	vst.idx.msk $0xffff, v33  }
0x4d0: {  	v34 =	vadd.s32 v26, v35;
	v33 =	vld [tilespmem:s26+$0x90];
	_ =	sdelay $0x4  }
0x4d1: {  	[tilespmem:v34+s19+$0x0] =	vst.idx.msk $0xffff, v33  }
0x4d2: {  	v34 =	vadd.s32 v27, v35;
	v33 =	vld [tilespmem:s26+$0xA0];
	_ =	sdelay $0x4  }
0x4d3: {  	[tilespmem:v34+s19+$0x0] =	vst.idx.msk $0xffff, v33  }
0x4d4: {  	v34 =	vadd.s32 v28, v35;
	v33 =	vld [tilespmem:s26+$0xB0]  }
0x4d5: {  	v35 =	vmov s29;
	s29 =	smov.u32 s0  }
0x4d6: {  	v35 =	vshrl.u32 v35, $0x3  }
0x4d7: {  	v35 =	vshll.u32 v35, v1  }
0x4d8: {  	v35 =	vbroadcast v35, $0x0  }
0x4d9: {  	[tilespmem:v34+s19+$0x0] =	vst.idx.msk $0xffff, v33  }
0x4da: {  	v34 =	vadd.s32 v29, v35;
	v33 =	vld [tilespmem:s26+$0xC0];
	_ =	sdelay $0x4  }
0x4db: {  	[tilespmem:v34+s19+$0x0] =	vst.idx.msk $0xffff, v33  }
0x4dc: {  	v34 =	vadd.s32 v30, v35;
	v33 =	vld [tilespmem:s26+$0xD0];
	_ =	sdelay $0x4  }
0x4dd: {  	[tilespmem:v34+s19+$0x0] =	vst.idx.msk $0xffff, v33  }
0x4de: {  	v34 =	vadd.s32 v31, v35;
	v33 =	vld [tilespmem:s26+$0xE0];
	_ =	sdelay $0x1  }
.Ltmp6:
0x4df: {  	(pc) =	sbr.rel @p0 .LBB2_15-.Ltmp6, $3  }
0x4e0: {  	_ =	sdelay $0x1  }
0x4e1: {  	[tilespmem:v34+s19+$0x0] =	vst.idx.msk $0xffff, v33  }
0x4e2: {  	s0 =	sadd.s32 $0x8, s0;
	s2 =	sadd.s32 $0xFFFFFFF9, s29;
	v34 =	vadd.s32 v32, v35;
	v33 =	vld [tilespmem:s26+$0xF0]  }
0x4e3: {  	v35 =	vmov s2  }
0x4e4: {  	v35 =	vshrl.u32 v35, $0x3  }
0x4e5: {  	v35 =	vshll.u32 v35, v1  }
0x4e6: {  	v35 =	vbroadcast v35, $0x0  }
0x4e7: {  	s0 =	sadd.s32 $0x200, s26;
	[tilespmem:v34+s19+$0x0] =	vst.idx.msk $0xffff, v33  }
0x4e8: {  	v33 =	vld [tilespmem:s0+$0xFFFFFF00];
	v53 =	vadd.s32 v0, v35;
	_ =	sdelay $0x4  }
0x4e9: {  	[tilespmem:v53+s19+$0x0] =	vst.idx.msk $0xffff, v33  }
0x4ea: {  	v54 =	vadd.s32 v2, v35;
	v33 =	vld [tilespmem:s0+$0xFFFFFF10];
	_ =	sdelay $0x4  }
0x4eb: {  	[tilespmem:v54+s19+$0x0] =	vst.idx.msk $0xffff, v33  }
0x4ec: {  	v55 =	vadd.s32 v3, v35;
	v33 =	vld [tilespmem:s0+$0xFFFFFF20];
	_ =	sdelay $0x4  }
0x4ed: {  	[tilespmem:v55+s19+$0x0] =	vst.idx.msk $0xffff, v33  }
0x4ee: {  	s26 =	sadd.s32 $0xFFFFFFFA, s29;
	v56 =	vadd.s32 v4, v35;
	v33 =	vld [tilespmem:s0+$0xFFFFFF30]  }
0x4ef: {  	v57 =	vmov s26  }
0x4f0: {  	v35 =	vshrl.u32 v57, $0x3  }
0x4f1: {  	v35 =	vshll.u32 v35, v1  }
0x4f2: {  	v35 =	vbroadcast v35, $0x0  }
0x4f3: {  	[tilespmem:v56+s19+$0x0] =	vst.idx.msk $0xffff, v33  }
0x4f4: {  	v58 =	vadd.s32 v5, v35;
	v33 =	vld [tilespmem:s0+$0xFFFFFF40];
	_ =	sdelay $0x4  }
0x4f5: {  	[tilespmem:v58+s19+$0x0] =	vst.idx.msk $0xffff, v33  }
0x4f6: {  	v59 =	vadd.s32 v6, v35;
	v33 =	vld [tilespmem:s0+$0xFFFFFF50];
	_ =	sdelay $0x4  }
0x4f7: {  	[tilespmem:v59+s19+$0x0] =	vst.idx.msk $0xffff, v33  }
0x4f8: {  	v60 =	vadd.s32 v7, v35;
	v33 =	vld [tilespmem:s0+$0xFFFFFF60];
	_ =	sdelay $0x4  }
0x4f9: {  	[tilespmem:v60+s19+$0x0] =	vst.idx.msk $0xffff, v33  }
0x4fa: {  	s30 =	sadd.s32 $0xFFFFFFFB, s29;
	v61 =	vadd.s32 v8, v35;
	v33 =	vld [tilespmem:s0+$0xFFFFFF70]  }
0x4fb: {  	v62 =	vmov s30  }
0x4fc: {  	v35 =	vshrl.u32 v62, $0x3  }
0x4fd: {  	v35 =	vshll.u32 v35, v1  }
0x4fe: {  	v35 =	vbroadcast v35, $0x0  }
0x4ff: {  	[tilespmem:v61+s19+$0x0] =	vst.idx.msk $0xffff, v33  }
0x500: {  	v63 =	vadd.s32 v9, v35;
	v33 =	vld [tilespmem:s0+$0xFFFFFF80];
	_ =	sdelay $0x4  }
0x501: {  	[tilespmem:v63+s19+$0x0] =	vst.idx.msk $0xffff, v33  }
0x502: {  	v36 =	vadd.s32 v10, v35;
	v33 =	vld [tilespmem:s0+$0xFFFFFF90];
	_ =	sdelay $0x4  }
0x503: {  	[tilespmem:v36+s19+$0x0] =	vst.idx.msk $0xffff, v33  }
0x504: {  	v37 =	vadd.s32 v11, v35;
	v33 =	vld [tilespmem:s0+$0xFFFFFFA0];
	_ =	sdelay $0x4  }
0x505: {  	[tilespmem:v37+s19+$0x0] =	vst.idx.msk $0xffff, v33  }
0x506: {  	s31 =	sadd.s32 $0xFFFFFFFC, s29;
	v38 =	vadd.s32 v12, v35;
	v33 =	vld [tilespmem:s0+$0xFFFFFFB0]  }
0x507: {  	v39 =	vmov s31  }
0x508: {  	v35 =	vshrl.u32 v39, $0x3  }
0x509: {  	v35 =	vshll.u32 v35, v1  }
0x50a: {  	v35 =	vbroadcast v35, $0x0  }
0x50b: {  	[tilespmem:v38+s19+$0x0] =	vst.idx.msk $0xffff, v33  }
0x50c: {  	v40 =	vadd.s32 v13, v35;
	v33 =	vld [tilespmem:s0+$0xFFFFFFC0];
	_ =	sdelay $0x4  }
0x50d: {  	[tilespmem:v40+s19+$0x0] =	vst.idx.msk $0xffff, v33  }
0x50e: {  	v41 =	vadd.s32 v14, v35;
	v33 =	vld [tilespmem:s0+$0xFFFFFFD0];
	_ =	sdelay $0x4  }
0x50f: {  	[tilespmem:v41+s19+$0x0] =	vst.idx.msk $0xffff, v33  }
0x510: {  	v42 =	vadd.s32 v15, v35;
	v33 =	vld [tilespmem:s0+$0xFFFFFFE0];
	_ =	sdelay $0x4  }
0x511: {  	[tilespmem:v42+s19+$0x0] =	vst.idx.msk $0xffff, v33  }
0x512: {  	s10 =	sadd.s32 $0xFFFFFFFD, s29;
	v43 =	vadd.s32 v16, v35;
	v33 =	vld [tilespmem:s0+$0xFFFFFFF0]  }
0x513: {  	v44 =	vmov s10  }
0x514: {  	v35 =	vshrl.u32 v44, $0x3  }
0x515: {  	v35 =	vshll.u32 v35, v1  }
0x516: {  	v35 =	vbroadcast v35, $0x0  }
0x517: {  	[tilespmem:v43+s19+$0x0] =	vst.idx.msk $0xffff, v33  }
0x518: {  	v45 =	vadd.s32 v17, v35;
	v33 =	vld [tilespmem:s0+$0x0];
	_ =	sdelay $0x4  }
0x519: {  	[tilespmem:v45+s19+$0x0] =	vst.idx.msk $0xffff, v33  }
0x51a: {  	v46 =	vadd.s32 v18, v35;
	v33 =	vld [tilespmem:s0+$0x10];
	_ =	sdelay $0x4  }
0x51b: {  	[tilespmem:v46+s19+$0x0] =	vst.idx.msk $0xffff, v33  }
0x51c: {  	v47 =	vadd.s32 v19, v35;
	v33 =	vld [tilespmem:s0+$0x20];
	_ =	sdelay $0x4  }
0x51d: {  	[tilespmem:v47+s19+$0x0] =	vst.idx.msk $0xffff, v33  }
0x51e: {  	s12 =	sadd.s32 $0xFFFFFFFE, s29;
	v48 =	vadd.s32 v20, v35;
	v33 =	vld [tilespmem:s0+$0x30]  }
0x51f: {  	v49 =	vmov s12  }
0x520: {  	v35 =	vshrl.u32 v49, $0x3  }
0x521: {  	v35 =	vshll.u32 v35, v1  }
0x522: {  	v35 =	vbroadcast v35, $0x0  }
0x523: {  	[tilespmem:v48+s19+$0x0] =	vst.idx.msk $0xffff, v33  }
0x524: {  	v50 =	vadd.s32 v21, v35;
	v33 =	vld [tilespmem:s0+$0x40];
	_ =	sdelay $0x4  }
0x525: {  	[tilespmem:v50+s19+$0x0] =	vst.idx.msk $0xffff, v33  }
0x526: {  	v51 =	vadd.s32 v22, v35;
	v33 =	vld [tilespmem:s0+$0x50];
	_ =	sdelay $0x4  }
0x527: {  	[tilespmem:v51+s19+$0x0] =	vst.idx.msk $0xffff, v33  }
0x528: {  	v52 =	vadd.s32 v23, v35;
	v33 =	vld [tilespmem:s0+$0x60];
	_ =	sdelay $0x4  }
0x529: {  	[tilespmem:v52+s19+$0x0] =	vst.idx.msk $0xffff, v33  }
0x52a: {  	s26 =	sadd.s32 $0xFFFFFFFF, s29;
	v53 =	vadd.s32 v24, v35;
	v33 =	vld [tilespmem:s0+$0x70]  }
0x52b: {  	v54 =	vmov s26  }
0x52c: {  	v35 =	vshrl.u32 v54, $0x3  }
0x52d: {  	v35 =	vshll.u32 v35, v1  }
0x52e: {  	v35 =	vbroadcast v35, $0x0  }
0x52f: {  	[tilespmem:v53+s19+$0x0] =	vst.idx.msk $0xffff, v33  }
0x530: {  	v55 =	vadd.s32 v25, v35;
	v33 =	vld [tilespmem:s0+$0x80];
	_ =	sdelay $0x4  }
0x531: {  	[tilespmem:v55+s19+$0x0] =	vst.idx.msk $0xffff, v33  }
0x532: {  	v56 =	vadd.s32 v26, v35;
	v33 =	vld [tilespmem:s0+$0x90];
	_ =	sdelay $0x4  }
0x533: {  	[tilespmem:v56+s19+$0x0] =	vst.idx.msk $0xffff, v33  }
0x534: {  	v57 =	vadd.s32 v27, v35;
	v33 =	vld [tilespmem:s0+$0xA0];
	_ =	sdelay $0x4  }
0x535: {  	[tilespmem:v57+s19+$0x0] =	vst.idx.msk $0xffff, v33  }
0x536: {  	v58 =	vadd.s32 v28, v35;
	v33 =	vld [tilespmem:s0+$0xB0]  }
0x537: {  	v59 =	vmov s29  }
0x538: {  	v35 =	vshrl.u32 v59, $0x3  }
0x539: {  	v35 =	vshll.u32 v35, v1  }
0x53a: {  	v35 =	vbroadcast v35, $0x0  }
0x53b: {  	[tilespmem:v58+s19+$0x0] =	vst.idx.msk $0xffff, v33  }
0x53c: {  	v60 =	vadd.s32 v29, v35;
	v33 =	vld [tilespmem:s0+$0xC0];
	_ =	sdelay $0x4  }
0x53d: {  	[tilespmem:v60+s19+$0x0] =	vst.idx.msk $0xffff, v33  }
0x53e: {  	v61 =	vadd.s32 v30, v35;
	v33 =	vld [tilespmem:s0+$0xD0];
	_ =	sdelay $0x4  }
0x53f: {  	[tilespmem:v61+s19+$0x0] =	vst.idx.msk $0xffff, v33  }
0x540: {  	v62 =	vadd.s32 v31, v35;
	v33 =	vld [tilespmem:s0+$0xE0];
	_ =	sdelay $0x4  }
0x541: {  	[tilespmem:v62+s19+$0x0] =	vst.idx.msk $0xffff, v33  }
0x542: {  	v63 =	vadd.s32 v32, v35;
	v33 =	vld [tilespmem:s0+$0xF0];
	_ =	sdelay $0x1  }
0x543: {  	s30 =	sshll.u32 s28, $0x12  }
0x544: {  	s0 =	sor.u32 s6, s30  }
0x545: {  	s0 =	sshrl.u32 s0, $0x3  }
0x546: {  	s31 =	simm.s32 $0x10600;
	s12 =	sadd.s32 s1, s0;
	[tilespmem:v63+s19+$0x0] =	vst.idx.msk $0xffff, v33  }
0x547: {  	[hbm4b:s12+s3] =	stream.linear.scatter [tilespmem:s31], [sflag:$0x6], $0x80, $0x38;
	[tilespmem:$0x12800] =	vst v63  }
0x548: {  	s2 =	simm.s32 $0x10688;
	s10 =	sadd.s32 $0x10, s12  }
0x549: {  	[hbm4b:s10+s3] =	stream.linear.scatter [tilespmem:s2], [sflag:$0x6], $0x80, $0x38;
	[tilespmem:$0x12800] =	vst v63  }
0x54a: {  	s28 =	simm.s32 $0x2200;
	s26 =	simm.s32 $0x10710;
	s29 =	sadd.s32 $0x20, s12  }
0x54b: {  	[hbm4b:s29+s3] =	stream.linear.scatter [tilespmem:s26], [sflag:$0x6], $0x80, $0x38;
	[tilespmem:$0x12800] =	vst v63  }
0x54c: {  	s30 =	simm.s32 $0x10798;
	s0 =	simm.s32 $0x440;
	s31 =	sadd.s32 $0x30, s12  }
0x54d: {  	[hbm4b:s31+s3] =	stream.linear.scatter [tilespmem:s30], [sflag:$0x6], $0x80, $0x38;
	[tilespmem:$0x12800] =	vst v63  }
0x54e: {  	s2 =	simm.s32 $0x10820;
	s10 =	sadd.s32 $0x40, s12;
	s26 =	simm.s32 $0x108A8  }
0x54f: {  	[hbm4b:s10+s3] =	stream.linear.scatter [tilespmem:s2], [sflag:$0x6], $0x80, $0x38;
	[tilespmem:$0x12800] =	vst v63  }
0x550: {  	s29 =	sadd.s32 $0x50, s12;
	s30 =	simm.s32 $0x10930;
	s31 =	sadd.s32 $0x60, s12  }
0x551: {  	[hbm4b:s29+s3] =	stream.linear.scatter [tilespmem:s26], [sflag:$0x6], $0x80, $0x38;
	[tilespmem:$0x12800] =	vst v63  }
0x552: {  	s2 =	simm.s32 $0x109B8;
	s10 =	sadd.s32 $0x70, s12;
	s26 =	sadd.s32 $0x1000, s12  }
0x553: {  	[hbm4b:s31+s3] =	stream.linear.scatter [tilespmem:s30], [sflag:$0x6], $0x80, $0x38;
	[tilespmem:$0x12800] =	vst v63  }
.LBB2_17:
0x554: {  	[hbm4b:s10+s3] =	stream.linear.scatter [tilespmem:s2], [sflag:$0x6], $0x80, $0x38;
	[tilespmem:$0x12800] =	vst v63  }
0x555: {  	s2 =	smov.u32 s0;
	s0 =	smov.u32 s28  }
0x556: {  	s12 =	sadd.s32 $0x1100, s28;
	s0 =	sshra.s32 s0, $0x2;
	s10 =	sadd.s32 $0x10600, s2  }
0x557: {  	[hbm4b:s26+s3] =	stream.linear.scatter [tilespmem:s10], [sflag:$0x6], $0x80, $0x38;
	[tilespmem:$0x12800] =	vst v63  }
0x558: {  	p0 =	sne.s32 s28, $0x7700;
	s28 =	sadd.s32 $0x10, s26;
	s10 =	sadd.s32 $0x10688, s2  }
0x559: {  	[hbm4b:s28+s3] =	stream.linear.scatter [tilespmem:s10], [sflag:$0x6], $0x80, $0x38;
	[tilespmem:$0x12800] =	vst v63  }
0x55a: {  	s10 =	sadd.s32 $0x10710, s2;
	s28 =	sadd.s32 $0x20, s26  }
0x55b: {  	[hbm4b:s28+s3] =	stream.linear.scatter [tilespmem:s10], [sflag:$0x6], $0x80, $0x38;
	[tilespmem:$0x12800] =	vst v63  }
0x55c: {  	s10 =	sadd.s32 $0x10798, s2;
	s28 =	sadd.s32 $0x30, s26  }
0x55d: {  	[hbm4b:s28+s3] =	stream.linear.scatter [tilespmem:s10], [sflag:$0x6], $0x80, $0x38;
	[tilespmem:$0x12800] =	vst v63  }
0x55e: {  	s10 =	sadd.s32 $0x10820, s2;
	s28 =	sadd.s32 $0x40, s26  }
0x55f: {  	[hbm4b:s28+s3] =	stream.linear.scatter [tilespmem:s10], [sflag:$0x6], $0x80, $0x38;
	[tilespmem:$0x12800] =	vst v63  }
.Ltmp7:
0x560: {  	s10 =	sadd.s32 $0x108A8, s2;
	s28 =	sadd.s32 $0x50, s26;
	(pc) =	sbr.rel @p0 .LBB2_17-.Ltmp7, $4  }
0x561: {  	[hbm4b:s28+s3] =	stream.linear.scatter [tilespmem:s10], [sflag:$0x6], $0x80, $0x38;
	[tilespmem:$0x12800] =	vst v63  }
0x562: {  	s10 =	sadd.s32 $0x10930, s2;
	s28 =	sadd.s32 $0x60, s26;
	s2 =	sadd.s32 $0x109B8, s2  }
0x563: {  	[hbm4b:s28+s3] =	stream.linear.scatter [tilespmem:s10], [sflag:$0x6], $0x80, $0x38;
	[tilespmem:$0x12800] =	vst v63  }
0x564: {  	s10 =	sadd.s32 $0x70, s26;
	s26 =	sadd.s32 $0x1000, s26;
	s28 =	smov.u32 s12  }
0x565: {  	[hbm4b:s10+s3] =	stream.linear.scatter [tilespmem:s2], [sflag:$0x6], $0x80, $0x38;
	[tilespmem:$0x12800] =	vst v63  }
0x566: {  	s29 =	sadd.s32 $0x10600, s0  }
0x567: {  	[hbm4b:s26+s3] =	stream.linear.scatter [tilespmem:s29], [sflag:$0x6], $0x80, $0x38;
	[tilespmem:$0x12800] =	vst v63  }
0x568: {  	s30 =	sadd.s32 $0x10688, s0;
	s31 =	sadd.s32 $0x10, s26  }
0x569: {  	[hbm4b:s31+s3] =	stream.linear.scatter [tilespmem:s30], [sflag:$0x6], $0x80, $0x38;
	[tilespmem:$0x12800] =	vst v63  }
0x56a: {  	s10 =	sadd.s32 $0x10710, s0;
	s12 =	sadd.s32 $0x20, s26  }
0x56b: {  	[hbm4b:s12+s3] =	stream.linear.scatter [tilespmem:s10], [sflag:$0x6], $0x80, $0x38;
	[tilespmem:$0x12800] =	vst v63  }
0x56c: {  	s28 =	sadd.s32 $0x10798, s0;
	s29 =	sadd.s32 $0x30, s26  }
0x56d: {  	[hbm4b:s29+s3] =	stream.linear.scatter [tilespmem:s28], [sflag:$0x6], $0x80, $0x38;
	[tilespmem:$0x12800] =	vst v63  }
0x56e: {  	s25 =	sadd.s32 $0x1, s25;
	s30 =	sadd.s32 $0x10820, s0;
	s31 =	sadd.s32 $0x40, s26  }
0x56f: {  	[hbm4b:s31+s3] =	stream.linear.scatter [tilespmem:s30], [sflag:$0x6], $0x80, $0x38;
	[tilespmem:$0x12800] =	vst v63  }
0x570: {  	p0 =	sne.s32 s25, $0x32;
	s10 =	sadd.s32 $0x108A8, s0;
	s12 =	sadd.s32 $0x50, s26  }
0x571: {  	[hbm4b:s12+s3] =	stream.linear.scatter [tilespmem:s10], [sflag:$0x6], $0x80, $0x38;
	[tilespmem:$0x12800] =	vst v63  }
.Ltmp8:
0x572: {  	_ = 	snop;
	(pc) =	sbr.rel @p0 .LBB2_2-.Ltmp8, $4  }
0x573: {  	s28 =	sadd.s32 $0x10930, s0;
	s29 =	sadd.s32 $0x60, s26  }
0x574: {  	[hbm4b:s29+s3] =	stream.linear.scatter [tilespmem:s28], [sflag:$0x6], $0x80, $0x38;
	[tilespmem:$0x12800] =	vst v63  }
0x575: {  	s30 =	sadd.s32 $0x109B8, s0;
	s31 =	sadd.s32 $0x70, s26  }
0x576: {  	[hbm4b:s31+s3] =	stream.linear.scatter [tilespmem:s30], [sflag:$0x6], $0x80, $0x38;
	[tilespmem:$0x12800] =	vst v63  }
0x577: {  	s24 =	sadd.s32 $0x1, s24  }
0x578: {  	_ =	swait.ge [sflag:s21], $0x2000;
	p0 =	sne.s32 s24, s8  }
.Ltmp9:
0x579: {  	[sflag:s21] =	ssyncset.done $0x0;
	(pc) =	sbr.rel @p0 .LBB2_1-.Ltmp9, $4  }
0x57a: {  	[sflag:s21] =	ssyncadd.s32 $0xFFFFE000  }
0x57b: {  	_ =	swait.ge [sflag:s23], $0x2000  }
0x57c: {  	[sflag:s23] =	ssyncset.done $0x0  }
0x57d: {  	[sflag:s23] =	ssyncadd.s32 $0xFFFFE000  }
0x57e: {  	_ =	sfence.sel $0x180000  }
0x57f: {  	[bflag:$0x0] =	sbarrier.arrive $0xFFFF  }
0x580: {  	_ =	strace $0x90000047  }
0x581: {  	s0 =	stileid.u32;
	[bflag:$0x2] =	sbarrier.arrive $0xFFFF  }
0x582: {  	p0 =	sne.s32 s0, $0x0;
	s0 =	rddreg [dreg:$0x2]  }
0x583: {  	s0 =	sadd.s32 @!p0 $0x100000, s0  }
0x584: {  	[sflag:s0] =	ssyncadd.tile.s32 @!p0 $0x1;
	_ =	shalt  }
.Lfunc_end2:
_tile_overlayer_lowered:
.L_overlay_start_2:
0x585: {  	(tag) =	ssettag $0x2  }
0x586: {  	s0 =	rddreg [dreg:$0x0];
	s2 =	stileid.u32  }
0x587: {  	s1 =	rddreg [dreg:$0x1];
	p0 =	sne.s32 s2, $0x0  }
0x588: {  	s3 =	rddreg [dreg:$0x2];
	[bflag:$0x3] =	sbarrier.arrive $0xFFFF;
	s2 =	simm.s32 @!p0 $0x1C07  }
0x589: {  	[timem:s3], [sflag:s2] =	dma.local @!p0 [hbm:s0], s1  }
0x58a: {  	s0 =	simm.s32 @!p0 $0x7  }
0x58b: {  	_ =	swait.ge @!p0 [sflag:s0], s1  }
0x58c: {  	s1 =	ssub.s32 @!p0 $0x0, s1;
	[sflag:s0] =	ssyncset.done @!p0 $0x0  }
0x58d: {  	[sflag:s0] =	ssyncadd.s32 @!p0 s1  }
0x58e: {  	[bflag:$0x3] =	sbarrier.arrive $0xFFFF  }
0x58f: {  	_ =	shalt  }

</sc_bundles>
